<compile_context>
chip_gen: v7x
topology: tpu7x:2x2x1
jax: 0.10.2.dev20260603
libtpu: 0.0.44.dev20260713+nightly
codegen_flags: <defaults>
</compile_context>

<pallas_src>
import functools

import jax
import jax.numpy as jnp
from jax import lax
from jax.experimental import pallas as pl
from jax.experimental.pallas import tpu as pltpu
from jax.experimental.pallas import tpu_sc as plsc

N = 10000
E = 320000
D = 128
DE = 16
DH = D // 2

NCORES = 2
NSUB = 16
CHUNK = 128
RPT = 80
ROWS = NCORES * NSUB * RPT
E_PAD = ROWS * CHUNK
RPS = ROWS // NSUB
N_PAD = 10240
NPS = N_PAD // NSUB
ZROWS = 128
EAUGC = 32

_HI = lax.Precision.HIGHEST

_mesh = plsc.VectorSubcoreMesh(
    core_axis_name="c", subcore_axis_name="s",
    num_cores=NCORES, num_subcores=NSUB)


def _zero_fill(zbuf, rows, cols):
    segs = cols // 16

    def _row(i, _):
        def _seg(j, _):
            zbuf[i, pl.ds(j * 16, 16)] = jnp.zeros((16,), jnp.float32)
            return 0
        return lax.fori_loop(0, segs, _seg, 0)

    lax.fori_loop(0, rows, _row, 0)


GCH = 5
LAG = 1


@functools.partial(
    pl.kernel,
    out_type=jax.ShapeDtypeStruct((N_PAD, D), jnp.float32),
    mesh=_mesh,
    scratch_types=(
        [pltpu.VMEM((RPS, CHUNK), jnp.int32)] * 2 +
        [pltpu.VMEM((GCH, CHUNK, DH), jnp.float32)] +
        [pltpu.VMEM_SHARED((N_PAD, DH), jnp.float32)] +
        [pltpu.SemaphoreType.DMA((GCH,))] * 2
    ),
    compiler_params=pltpu.CompilerParams(use_tc_tiling_on_sc=False),
)
def _spmm(xa_hbm, xb_hbm, src_hbm, dst_hbm, out_hbm, src_loc, dst_loc, rows,
          agg_sh, gsem, ssem):
    c = lax.axis_index("c")
    s = lax.axis_index("s")
    lo = s * RPS

    pltpu.sync_copy(src_hbm.at[pl.ds(lo, RPS)], src_loc)
    pltpu.sync_copy(dst_hbm.at[pl.ds(lo, RPS)], dst_loc)

    _zero_fill(rows.at[0], ZROWS, DH)

    def zcopy(k, _):
        pltpu.sync_copy(rows.at[0],
                        agg_sh.at[pl.ds(s * NPS + k * ZROWS, ZROWS)])
        return 0

    lax.fori_loop(0, NPS // ZROWS, zcopy, 0)
    plsc.subcore_barrier()

    def edge_loop(x_hbm):
        def prol(i, _):
            pltpu.async_copy(x_hbm.at[src_loc.at[i]], rows.at[i],
                             gsem.at[i])
            return 0

        lax.fori_loop(0, GCH, prol, 0)

        def body(i, _):
            b = lax.rem(i, GCH)
            pltpu.make_async_copy(x_hbm.at[src_loc.at[i]], rows.at[b],
                                  gsem.at[b]).wait()
            pltpu.async_copy(rows.at[b], agg_sh.at[dst_loc.at[i]],
                             ssem.at[b], add=True)

            @pl.when(i >= LAG)
            def _():
                j = i - LAG
                bj = lax.rem(j, GCH)
                pltpu.make_async_copy(rows.at[bj], agg_sh.at[dst_loc.at[j]],
                                      ssem.at[bj]).wait()

                @pl.when(j + GCH < RPS)
                def _():
                    pltpu.async_copy(x_hbm.at[src_loc.at[j + GCH]],
                                     rows.at[bj], gsem.at[bj])
            return 0

        lax.fori_loop(0, RPS, body, 0)

        def drain(t, _):
            j = RPS - LAG + t
            bj = lax.rem(j, GCH)
            pltpu.make_async_copy(rows.at[bj], agg_sh.at[dst_loc.at[j]],
                                  ssem.at[bj]).wait()
            return 0

        lax.fori_loop(0, LAG, drain, 0)

    @pl.when(c == 0)
    def _():
        edge_loop(xa_hbm)

    @pl.when(c == 1)
    def _():
        edge_loop(xb_hbm)

    plsc.subcore_barrier()
    pltpu.sync_copy(agg_sh.at[pl.ds(s * NPS, NPS)],
                    out_hbm.at[pl.ds(s * NPS, NPS), pl.ds(c * DH, DH)])


@functools.partial(
    pl.kernel,
    out_type=jax.ShapeDtypeStruct((NCORES, N_PAD, EAUGC), jnp.float32),
    mesh=_mesh,
    scratch_types=(
        [pltpu.VMEM((RPT, CHUNK), jnp.int32)] +
        [pltpu.VMEM((GCH, CHUNK, EAUGC), jnp.float32)] +
        [pltpu.VMEM_SHARED((N_PAD, EAUGC), jnp.float32)] +
        [pltpu.SemaphoreType.DMA((GCH,))] * 2
    ),
    compiler_params=pltpu.CompilerParams(use_tc_tiling_on_sc=False),
)
def _epre(eaug_hbm, dst_hbm, out_hbm, dst_loc, slab, eagg_sh, gsem, ssem):
    c = lax.axis_index("c")
    s = lax.axis_index("s")
    lo = (c * NSUB + s) * RPT

    pltpu.sync_copy(dst_hbm.at[pl.ds(lo, RPT)], dst_loc)

    _zero_fill(slab.at[0], CHUNK, EAUGC)

    def zcopy(k, _):
        pltpu.sync_copy(slab.at[0],
                        eagg_sh.at[pl.ds(s * NPS + k * ZROWS, ZROWS)])
        return 0

    lax.fori_loop(0, NPS // ZROWS, zcopy, 0)
    plsc.subcore_barrier()

    def eslab(i):
        return eaug_hbm.at[pl.ds((lo + i) * CHUNK, CHUNK)]

    def prol(i, _):
        pltpu.async_copy(eslab(i), slab.at[i], gsem.at[i])
        return 0

    lax.fori_loop(0, GCH, prol, 0)

    def body(i, _):
        b = lax.rem(i, GCH)
        pltpu.make_async_copy(eslab(i), slab.at[b], gsem.at[b]).wait()
        pltpu.async_copy(slab.at[b], eagg_sh.at[dst_loc.at[i]],
                         ssem.at[b], add=True)

        @pl.when(i >= LAG)
        def _():
            j = i - LAG
            bj = lax.rem(j, GCH)
            pltpu.make_async_copy(slab.at[bj], eagg_sh.at[dst_loc.at[j]],
                                  ssem.at[bj]).wait()

            @pl.when(j + GCH < RPT)
            def _():
                pltpu.async_copy(eslab(j + GCH), slab.at[bj], gsem.at[bj])
        return 0

    lax.fori_loop(0, RPT, body, 0)

    def drain(t, _):
        j = RPT - LAG + t
        bj = lax.rem(j, GCH)
        pltpu.make_async_copy(slab.at[bj], eagg_sh.at[dst_loc.at[j]],
                              ssem.at[bj]).wait()
        return 0

    lax.fori_loop(0, LAG, drain, 0)
    plsc.subcore_barrier()
    pltpu.sync_copy(eagg_sh.at[pl.ds(s * NPS, NPS)],
                    out_hbm.at[c, pl.ds(s * NPS, NPS)])


def _p_body(eagg2_ref, p_ref):
    eagg = eagg2_ref[0, :N] + eagg2_ref[1, :N]
    dinv = 1.0 / jnp.maximum(eagg[:, DE:DE + 1], 1.0)
    es = eagg[:, :DE] * dinv
    p_ref[...] = jnp.concatenate(
        [es, dinv, jnp.zeros((N, D - DE - 1), jnp.float32)], axis=1)


def _layer_math(agg_ref, p_ref, x, We_ref, W_ref, gm_ref, bt_ref):
    dinv = p_ref[:, DE:DE + 1]
    ew = jnp.dot(p_ref[:, :DE], We_ref[...],
                 preferred_element_type=jnp.float32, precision=_HI)
    pre = agg_ref[:N] * dinv + ew
    z = jnp.dot(pre, W_ref[...],
                preferred_element_type=jnp.float32, precision=_HI)
    mu = jnp.mean(z, axis=0, keepdims=True)
    zc = z - mu
    var = jnp.mean(zc * zc, axis=0, keepdims=True)
    zn = zc * lax.rsqrt(var + 1e-5) * gm_ref[...] + bt_ref[...]
    return jnp.maximum(zn, 0.0) + x


def _layer_body(agg_ref, p_ref, x_ref, We_ref, W_ref, gm_ref, bt_ref,
                o_ref, oa_ref, ob_ref):
    res = _layer_math(agg_ref, p_ref, x_ref[...], We_ref, W_ref, gm_ref,
                      bt_ref)
    o_ref[...] = res
    oa_ref[...] = res[:, :DH]
    ob_ref[...] = res[:, DH:]


def _final_body(agg_ref, p_ref, x_ref, We_ref, W_ref, gm_ref, bt_ref,
                M0_ref, mb0_ref, M1_ref, mb1_ref, M2_ref, mb2_ref, y_ref):
    xn = _layer_math(agg_ref, p_ref, x_ref[...], We_ref, W_ref, gm_ref,
                     bt_ref)
    hg = jnp.mean(xn, axis=0, keepdims=True)
    y = jnp.maximum(jnp.dot(hg, M0_ref[...],
                            preferred_element_type=jnp.float32,
                            precision=_HI) + mb0_ref[...], 0.0)
    y = jnp.maximum(jnp.dot(y, M1_ref[...],
                            preferred_element_type=jnp.float32,
                            precision=_HI) + mb1_ref[...], 0.0)
    y_ref[...] = jnp.dot(y, M2_ref[...],
                         preferred_element_type=jnp.float32,
                         precision=_HI) + mb2_ref[...]


_p_call = pl.pallas_call(
    _p_body, out_shape=jax.ShapeDtypeStruct((N, D), jnp.float32))

_layer_call = pl.pallas_call(
    _layer_body, out_shape=[jax.ShapeDtypeStruct((N, D), jnp.float32),
                            jax.ShapeDtypeStruct((N, DH), jnp.float32),
                            jax.ShapeDtypeStruct((N, DH), jnp.float32)])


def kernel(h, edge_index, e, W0, We0, gm0, bt0, W1, We1, gm1, bt1,
           W2, We2, gm2, bt2, W3, We3, gm3, bt3, M0, mb0, M1, mb1, M2, mb2):
    pad = E_PAD - E
    src2d = jnp.concatenate(
        [edge_index[0], jnp.zeros((pad,), jnp.int32)]).reshape(ROWS, CHUNK)
    dst2d = jnp.concatenate(
        [edge_index[1], jnp.full((pad,), N, jnp.int32)]).reshape(ROWS, CHUNK)
    eaug = jnp.concatenate(
        [e, jnp.ones((E, 1), jnp.float32),
         jnp.zeros((E, EAUGC - DE - 1), jnp.float32)], axis=1)
    eaug = jnp.concatenate([eaug, jnp.zeros((pad, EAUGC), jnp.float32)])

    eagg2 = _epre(eaug, dst2d)
    p = _p_call(eagg2)

    layer_params = ((W0, We0, gm0, bt0), (W1, We1, gm1, bt1),
                    (W2, We2, gm2, bt2), (W3, We3, gm3, bt3))

    x = h
    xa, xb = h[:, :DH], h[:, DH:]
    for l in range(3):
        W, We, gm, bt = layer_params[l]
        agg = _spmm(xa, xb, src2d, dst2d)
        x, xa, xb = _layer_call(agg, p, x, We, W,
                                gm.reshape(1, D), bt.reshape(1, D))

    W, We, gm, bt = layer_params[3]
    agg = _spmm(xa, xb, src2d, dst2d)
    y = pl.pallas_call(
        _final_body,
        out_shape=jax.ShapeDtypeStruct((1, M2.shape[1]), jnp.float32),
    )(agg, p, x, We, W, gm.reshape(1, D), bt.reshape(1, D),
      M0, mb0.reshape(1, -1), M1, mb1.reshape(1, -1), M2, mb2.reshape(1, -1))
    return y

# --- scband reference (transcript-rebuilt; emitter-appended) ---
"""Pipeline reference for scband-gnet-68341519614852 (READ-ONLY COPY).

The authoritative reference and input builder live on the scoring server;
editing this copy changes nothing except your own understanding.
"""

import jax, jax.numpy as jnp
import numpy as np

N = 10000
E = 320000
D = 128
DE = 16
NC = 10


def setup_inputs(seed: int = 0):
    key = jax.random.key(seed)
    ks = jax.random.split(key, 32)
    inp = {}
    inp['h'] = jax.random.normal(ks[0], (N, D), dtype=jnp.float32)
    inp['edge_index'] = jax.random.randint(ks[1], (2, E), 0, N, dtype=jnp.int32)
    inp['e'] = jax.random.normal(ks[2], (E, DE), dtype=jnp.float32)
    i = 3
    for l in range(4):
        inp['W%d' % l] = jax.random.normal(ks[i], (D, D), dtype=jnp.float32) * (1.0 / np.sqrt(D)); i += 1
        inp['We%d' % l] = jax.random.normal(ks[i], (DE, D), dtype=jnp.float32) * (1.0 / np.sqrt(DE)); i += 1
        inp['gm%d' % l] = jnp.ones((D,), dtype=jnp.float32)
        inp['bt%d' % l] = jnp.zeros((D,), dtype=jnp.float32)
    dims = [D, D // 2, D // 4, NC]
    for l in range(3):
        inp['M%d' % l] = jax.random.normal(ks[i], (dims[l], dims[l + 1]), dtype=jnp.float32) * (1.0 / np.sqrt(dims[l])); i += 1
        inp['mb%d' % l] = jnp.zeros((dims[l + 1],), dtype=jnp.float32)
    return inp


def reference(h, edge_index, e, W0, We0, gm0, bt0, W1, We1, gm1, bt1, W2, We2, gm2, bt2, W3, We3, gm3, bt3, M0, mb0, M1, mb1, M2, mb2):
    src = edge_index[0]
    dst = edge_index[1]
    deg = jnp.zeros((N,), dtype=jnp.float32).at[dst].add(1.0)
    deg = jnp.maximum(deg, 1.0)

    def conv(x, W, We, gm, bt):
        m = x[src] + e @ We
        agg = jnp.zeros((N, D), dtype=jnp.float32).at[dst].add(m)
        agg = agg / deg[:, None]
        z = agg @ W
        mu = jnp.mean(z, axis=0)
        var = jnp.var(z, axis=0)
        z = (z - mu) / jnp.sqrt(var + 1e-5) * gm + bt
        return jax.nn.relu(z) + x

    x = h
    for (W, We_, gm, bt) in ((W0, We0, gm0, bt0), (W1, We1, gm1, bt1), (W2, We2, gm2, bt2), (W3, We3, gm3, bt3)):
        x = conv(x, W, We_, gm, bt)
    hg = jnp.mean(x, axis=0)[None, :]
    y = jax.nn.relu(hg @ M0 + mb0)
    y = jax.nn.relu(y @ M1 + mb1)
    y = y @ M2 + mb2
    return y

if __name__ == "__main__":
    import jax
    _d = setup_inputs()
    print(jax.jit(kernel)(*tuple(_d.values())))

</pallas_src>

<mosaic_0001>
#map = affine_map<(d0, d1) -> (0, 0)>
module attributes {stable_mosaic.version = 14 : i64} {
  func.func @_spmm(%arg0: i32, %arg1: i32, %arg2: memref<10000x64xf32, #tpu.memory_space<hbm>>, %arg3: memref<10000x64xf32, #tpu.memory_space<hbm>>, %arg4: memref<2560x128xi32, #tpu.memory_space<hbm>>, %arg5: memref<2560x128xi32, #tpu.memory_space<hbm>>, %arg6: memref<10240x128xf32, #tpu.memory_space<hbm>>, %arg7: memref<160x128xi32, #tpu.memory_space<vmem>>, %arg8: memref<160x128xi32, #tpu.memory_space<vmem>>, %arg9: memref<5x128x64xf32, #tpu.memory_space<vmem>>, %arg10: memref<10240x64xf32, #tpu.memory_space<vmem_shared>>, %arg11: memref<5x!tpu.dma_semaphore, #tpu.memory_space<semaphore_mem>>, %arg12: memref<5x!tpu.dma_semaphore, #tpu.memory_space<semaphore_mem>>) attributes {dimension_semantics = [#tpu.dimension_semantics<core_parallel>, #tpu.dimension_semantics<subcore_parallel>], iteration_bounds = array<i64: 2, 16>, scalar_prefetch = 0 : i64, scratch_operands = 6 : i64, tpu.core_type = #tpu.core_type<sc_vector_subcore>, window_params = [{transform_indices = #map}, {transform_indices = #map}, {transform_indices = #map}, {transform_indices = #map}, {transform_indices = #map}]} {
    %mul3A = arith.constant 160 : i32
    %mul3A_0 = arith.muli %arg1, %mul3A : i32
    "tpu.region"() ({
      %run_scoped3A = tpu.sem_alloc : memref<!tpu.dma_semaphore, #tpu.memory_space<semaphore_mem>>
      %dma_start3A = arith.constant 0 : i32
      %dma_start3A_29 = tpu.memref_slice %arg4[%mul3A_0, %dma_start3A] : memref<2560x128xi32, #tpu.memory_space<hbm>> -> memref<160x128xi32, #tpu.memory_space<hbm>>
      %dma_start3A_30 = arith.constant 0 : i32
      %dma_start3A_31 = tpu.memref_slice %arg4[%mul3A_0, %dma_start3A_30] : memref<2560x128xi32, #tpu.memory_space<hbm>> -> memref<160x128xi32, #tpu.memory_space<hbm>>
      tpu.enqueue_dma source(%dma_start3A_31 : memref<160x128xi32, #tpu.memory_space<hbm>>) target(%arg7 : memref<160x128xi32, #tpu.memory_space<vmem>>) target_semaphore(%run_scoped3A : memref<!tpu.dma_semaphore, #tpu.memory_space<semaphore_mem>>)
      %dma_wait3A = arith.constant 0 : i32
      %dma_wait3A_32 = tpu.memref_slice %arg4[%mul3A_0, %dma_wait3A] : memref<2560x128xi32, #tpu.memory_space<hbm>> -> memref<160x128xi32, #tpu.memory_space<hbm>>
      %dma_wait3A_33 = arith.constant 0 : i32
      %dma_wait3A_34 = tpu.memref_slice %arg4[%mul3A_0, %dma_wait3A_33] : memref<2560x128xi32, #tpu.memory_space<hbm>> -> memref<160x128xi32, #tpu.memory_space<hbm>>
      tpu.wait_dma2 semaphore(%run_scoped3A : memref<!tpu.dma_semaphore, #tpu.memory_space<semaphore_mem>>) src(%dma_wait3A_34 : memref<160x128xi32, #tpu.memory_space<hbm>>) dst(%arg7 : memref<160x128xi32, #tpu.memory_space<vmem>>)
      tpu.yield
    }) : () -> ()
    "tpu.region"() ({
      %run_scoped3A = tpu.sem_alloc : memref<!tpu.dma_semaphore, #tpu.memory_space<semaphore_mem>>
      %dma_start3A = arith.constant 0 : i32
      %dma_start3A_29 = tpu.memref_slice %arg5[%mul3A_0, %dma_start3A] : memref<2560x128xi32, #tpu.memory_space<hbm>> -> memref<160x128xi32, #tpu.memory_space<hbm>>
      %dma_start3A_30 = arith.constant 0 : i32
      %dma_start3A_31 = tpu.memref_slice %arg5[%mul3A_0, %dma_start3A_30] : memref<2560x128xi32, #tpu.memory_space<hbm>> -> memref<160x128xi32, #tpu.memory_space<hbm>>
      tpu.enqueue_dma source(%dma_start3A_31 : memref<160x128xi32, #tpu.memory_space<hbm>>) target(%arg8 : memref<160x128xi32, #tpu.memory_space<vmem>>) target_semaphore(%run_scoped3A : memref<!tpu.dma_semaphore, #tpu.memory_space<semaphore_mem>>)
      %dma_wait3A = arith.constant 0 : i32
      %dma_wait3A_32 = tpu.memref_slice %arg5[%mul3A_0, %dma_wait3A] : memref<2560x128xi32, #tpu.memory_space<hbm>> -> memref<160x128xi32, #tpu.memory_space<hbm>>
      %dma_wait3A_33 = arith.constant 0 : i32
      %dma_wait3A_34 = tpu.memref_slice %arg5[%mul3A_0, %dma_wait3A_33] : memref<2560x128xi32, #tpu.memory_space<hbm>> -> memref<160x128xi32, #tpu.memory_space<hbm>>
      tpu.wait_dma2 semaphore(%run_scoped3A : memref<!tpu.dma_semaphore, #tpu.memory_space<semaphore_mem>>) src(%dma_wait3A_34 : memref<160x128xi32, #tpu.memory_space<hbm>>) dst(%arg8 : memref<160x128xi32, #tpu.memory_space<vmem>>)
      tpu.yield
    }) : () -> ()
    %scan3A = arith.constant 0 : i32
    %scan3A_1 = arith.constant 0 : i32
    %scan3A_2 = arith.constant 0 : i32
    %scan3A_3 = arith.constant 128 : i32
    %scan3A_4 = arith.addi %scan3A_2, %scan3A_3 : i32
    %scan3A_5 = arith.constant 1 : i32
    %scan3A_6 = scf.for %scan3A_29 = %scan3A_2 to %scan3A_4 step %scan3A_5 iter_args(%scan3A_30 = %scan3A_1) -> (i32)  : i32 {
      %scan3A_31 = arith.constant 0 : i32
      %scan3A_32 = arith.constant 0 : i32
      %scan3A_33 = arith.constant 4 : i32
      %scan3A_34 = arith.addi %scan3A_32, %scan3A_33 : i32
      %scan3A_35 = arith.constant 1 : i32
      %scan3A_36 = scf.for %scan3A_38 = %scan3A_32 to %scan3A_34 step %scan3A_35 iter_args(%scan3A_39 = %scan3A_31) -> (i32)  : i32 {
        %broadcast_in_dim3A = arith.constant 0.000000e+00 : f32
        %broadcast_in_dim3A_40 = vector.broadcast %broadcast_in_dim3A : f32 to vector<16xf32>
        %mul3A_41 = arith.constant 16 : i32
        %mul3A_42 = arith.muli %scan3A_38, %mul3A_41 : i32
        %swap3A = arith.constant 0 : i32
        %swap3A_43 = arith.constant 0 : i32
        %swap3A_44 = tpu.memref_slice %arg9[%scan3A, %swap3A, %swap3A_43] : memref<5x128x64xf32, #tpu.memory_space<vmem>> -> memref<1x128x64xf32, #tpu.memory_space<vmem>>
        %swap3A_45 = tpu.memref_squeeze %swap3A_44 : memref<1x128x64xf32, #tpu.memory_space<vmem>> -> memref<128x64xf32, #tpu.memory_space<vmem>>
        %swap3A_46 = arith.index_cast %scan3A_29 : i32 to index
        %swap3A_47 = arith.index_cast %mul3A_42 : i32 to index
        %swap3A_48 = tpu.vector_load %swap3A_45[%swap3A_46, %swap3A_47] {strides = array<i32>} : memref<128x64xf32, #tpu.memory_space<vmem>>, vector<1x16xf32>,
        %swap3A_49 = vector.shape_cast %swap3A_48 : vector<1x16xf32> to vector<16xf32>
        %swap3A_50 = vector.shape_cast %broadcast_in_dim3A_40 : vector<16xf32> to vector<1x16xf32>
        tpu.vector_store %swap3A_45[%swap3A_46, %swap3A_47], %swap3A_50 {strides = array<i32>} : memref<128x64xf32, #tpu.memory_space<vmem>>, vector<1x16xf32>,
        %scan3A_51 = arith.constant 0 : i32
        scf.yield %scan3A_51 : i32
      }
      %scan3A_37 = arith.constant 4 : i32
      scf.yield %scan3A_36 : i32
    }
    %scan3A_7 = arith.constant 128 : i32
    %scan3A_8 = arith.constant 0 : i32
    %scan3A_9 = arith.constant 0 : i32
    %scan3A_10 = arith.constant 5 : i32
    %scan3A_11 = arith.addi %scan3A_9, %scan3A_10 : i32
    %scan3A_12 = arith.constant 1 : i32
    %scan3A_13 = scf.for %scan3A_29 = %scan3A_9 to %scan3A_11 step %scan3A_12 iter_args(%scan3A_30 = %scan3A_8) -> (i32)  : i32 {
      %mul3A_31 = arith.constant 640 : i32
      %mul3A_32 = arith.muli %arg1, %mul3A_31 : i32
      %mul3A_33 = arith.constant 128 : i32
      %mul3A_34 = arith.muli %scan3A_29, %mul3A_33 : i32
      %add3A = arith.addi %mul3A_32, %mul3A_34 : i32
      %run_scoped3A = arith.constant 0 : i32
      "tpu.region"() ({
        %run_scoped3A_36 = tpu.sem_alloc : memref<!tpu.dma_semaphore, #tpu.memory_space<semaphore_mem>>
        %dma_start3A = arith.constant 0 : i32
        %dma_start3A_37 = arith.constant 0 : i32
        %dma_start3A_38 = tpu.memref_slice %arg9[%run_scoped3A, %dma_start3A, %dma_start3A_37] : memref<5x128x64xf32, #tpu.memory_space<vmem>> -> memref<1x128x64xf32, #tpu.memory_space<vmem>>
        %dma_start3A_39 = tpu.memref_squeeze %dma_start3A_38 : memref<1x128x64xf32, #tpu.memory_space<vmem>> -> memref<128x64xf32, #tpu.memory_space<vmem>>
        %dma_start3A_40 = arith.constant 0 : i32
        %dma_start3A_41 = tpu.memref_slice %arg10[%add3A, %dma_start3A_40] : memref<10240x64xf32, #tpu.memory_space<vmem_shared>> -> memref<128x64xf32, #tpu.memory_space<vmem_shared>>
        %dma_start3A_42 = arith.constant 0 : i32
        %dma_start3A_43 = tpu.memref_slice %arg10[%add3A, %dma_start3A_42] : memref<10240x64xf32, #tpu.memory_space<vmem_shared>> -> memref<128x64xf32, #tpu.memory_space<vmem_shared>>
        %dma_start3A_44 = arith.constant 0 : i32
        %dma_start3A_45 = arith.constant 0 : i32
        %dma_start3A_46 = tpu.memref_slice %arg9[%run_scoped3A, %dma_start3A_44, %dma_start3A_45] : memref<5x128x64xf32, #tpu.memory_space<vmem>> -> memref<1x128x64xf32, #tpu.memory_space<vmem>>
        %dma_start3A_47 = tpu.memref_squeeze %dma_start3A_46 : memref<1x128x64xf32, #tpu.memory_space<vmem>> -> memref<128x64xf32, #tpu.memory_space<vmem>>
        tpu.enqueue_dma source(%dma_start3A_47 : memref<128x64xf32, #tpu.memory_space<vmem>>) target(%dma_start3A_43 : memref<128x64xf32, #tpu.memory_space<vmem_shared>>) target_semaphore(%run_scoped3A_36 : memref<!tpu.dma_semaphore, #tpu.memory_space<semaphore_mem>>)
        %dma_wait3A = arith.constant 0 : i32
        %dma_wait3A_48 = arith.constant 0 : i32
        %dma_wait3A_49 = tpu.memref_slice %arg9[%run_scoped3A, %dma_wait3A, %dma_wait3A_48] : memref<5x128x64xf32, #tpu.memory_space<vmem>> -> memref<1x128x64xf32, #tpu.memory_space<vmem>>
        %dma_wait3A_50 = tpu.memref_squeeze %dma_wait3A_49 : memref<1x128x64xf32, #tpu.memory_space<vmem>> -> memref<128x64xf32, #tpu.memory_space<vmem>>
        %dma_wait3A_51 = arith.constant 0 : i32
        %dma_wait3A_52 = tpu.memref_slice %arg10[%add3A, %dma_wait3A_51] : memref<10240x64xf32, #tpu.memory_space<vmem_shared>> -> memref<128x64xf32, #tpu.memory_space<vmem_shared>>
        %dma_wait3A_53 = arith.constant 0 : i32
        %dma_wait3A_54 = tpu.memref_slice %arg10[%add3A, %dma_wait3A_53] : memref<10240x64xf32, #tpu.memory_space<vmem_shared>> -> memref<128x64xf32, #tpu.memory_space<vmem_shared>>
        %dma_wait3A_55 = arith.constant 0 : i32
        %dma_wait3A_56 = arith.constant 0 : i32
        %dma_wait3A_57 = tpu.memref_slice %arg9[%run_scoped3A, %dma_wait3A_55, %dma_wait3A_56] : memref<5x128x64xf32, #tpu.memory_space<vmem>> -> memref<1x128x64xf32, #tpu.memory_space<vmem>>
        %dma_wait3A_58 = tpu.memref_squeeze %dma_wait3A_57 : memref<1x128x64xf32, #tpu.memory_space<vmem>> -> memref<128x64xf32, #tpu.memory_space<vmem>>
        tpu.wait_dma2 semaphore(%run_scoped3A_36 : memref<!tpu.dma_semaphore, #tpu.memory_space<semaphore_mem>>) src(%dma_wait3A_58 : memref<128x64xf32, #tpu.memory_space<vmem>>) dst(%dma_wait3A_54 : memref<128x64xf32, #tpu.memory_space<vmem_shared>>)
        tpu.yield
      }) : () -> ()
      %scan3A_35 = arith.constant 0 : i32
      scf.yield %scan3A_35 : i32
    }
    %scan3A_14 = arith.constant 5 : i32
    %barrier3A = arith.constant 0 : index
    tpu.barrier barrier_id(%barrier3A)
    %eq3A = arith.constant 0 : i32
    %eq3A_15 = arith.cmpi eq, %arg0, %eq3A : i32
    %convert_element_type3A = arith.extui %eq3A_15 : i1 to i32
    %cond3A = arith.constant 0 : i32
    %cond3A_16 = arith.cmpi ne, %convert_element_type3A, %cond3A : i32
    scf.if %cond3A_16 {
      %scan3A_29 = arith.constant 0 : i32
      %scan3A_30 = arith.constant 0 : i32
      %scan3A_31 = arith.constant 5 : i32
      %scan3A_32 = arith.addi %scan3A_30, %scan3A_31 : i32
      %scan3A_33 = arith.constant 1 : i32
      %scan3A_34 = scf.for %scan3A_60 = %scan3A_30 to %scan3A_32 step %scan3A_33 iter_args(%scan3A_61 = %scan3A_29) -> (i32)  : i32 {
        %dma_start3A = arith.constant 0 : i32
        %dma_start3A_62 = arith.constant 0 : i32
        %dma_start3A_63 = tpu.memref_slice %arg9[%scan3A_60, %dma_start3A, %dma_start3A_62] : memref<5x128x64xf32, #tpu.memory_space<vmem>> -> memref<1x128x64xf32, #tpu.memory_space<vmem>>
        %dma_start3A_64 = tpu.memref_squeeze %dma_start3A_63 : memref<1x128x64xf32, #tpu.memory_space<vmem>> -> memref<128x64xf32, #tpu.memory_space<vmem>>
        %dma_start3A_65 = arith.constant 0 : i32
        %dma_start3A_66 = tpu.memref_slice %arg7[%scan3A_60, %dma_start3A_65] : memref<160x128xi32, #tpu.memory_space<vmem>> -> memref<1x128xi32, #tpu.memory_space<vmem>>
        %dma_start3A_67 = tpu.memref_squeeze %dma_start3A_66 : memref<1x128xi32, #tpu.memory_space<vmem>> -> memref<128xi32, #tpu.memory_space<vmem>>
        %dma_start3A_68 = arith.constant 0 : i32
        %dma_start3A_69 = arith.constant 0 : i32
        %dma_start3A_70 = tpu.memref_slice %arg2[%dma_start3A_68, %dma_start3A_69] : memref<10000x64xf32, #tpu.memory_space<hbm>> -> memref<10000x64xf32, #tpu.memory_space<hbm>>
        %dma_start3A_71 = tpu.memref_slice %arg11[%scan3A_60] : memref<5x!tpu.dma_semaphore, #tpu.memory_space<semaphore_mem>> -> memref<1x!tpu.dma_semaphore, #tpu.memory_space<semaphore_mem>>
        %dma_start3A_72 = tpu.memref_squeeze %dma_start3A_71 : memref<1x!tpu.dma_semaphore, #tpu.memory_space<semaphore_mem>> -> memref<!tpu.dma_semaphore, #tpu.memory_space<semaphore_mem>>
        tpu.enqueue_indirect_dma source(%dma_start3A_70 : memref<10000x64xf32, #tpu.memory_space<hbm>>) target(%dma_start3A_64 : memref<128x64xf32, #tpu.memory_space<vmem>>) offsets(%dma_start3A_67 : memref<128xi32, #tpu.memory_space<vmem>>) semaphore(%dma_start3A_72 : memref<!tpu.dma_semaphore, #tpu.memory_space<semaphore_mem>>)
        %scan3A_73 = arith.constant 0 : i32
        scf.yield %scan3A_73 : i32
      }
      %scan3A_35 = arith.constant 5 : i32
      %scan3A_36 = arith.constant 0 : i32
      %scan3A_37 = arith.constant 0 : i32
      %scan3A_38 = arith.constant 160 : i32
      %scan3A_39 = arith.addi %scan3A_37, %scan3A_38 : i32
      %scan3A_40 = arith.constant 1 : i32
      %scan3A_41 = scf.for %scan3A_60 = %scan3A_37 to %scan3A_39 step %scan3A_40 iter_args(%scan3A_61 = %scan3A_36) -> (i32)  : i32 {
        %rem3A_62 = arith.constant 5 : i32
        %rem3A_63 = arith.remsi %scan3A_60, %rem3A_62 : i32
        %dma_wait3A_64 = arith.constant 0 : i32
        %dma_wait3A_65 = arith.constant 0 : i32
        %dma_wait3A_66 = tpu.memref_slice %arg9[%rem3A_63, %dma_wait3A_64, %dma_wait3A_65] : memref<5x128x64xf32, #tpu.memory_space<vmem>> -> memref<1x128x64xf32, #tpu.memory_space<vmem>>
        %dma_wait3A_67 = tpu.memref_squeeze %dma_wait3A_66 : memref<1x128x64xf32, #tpu.memory_space<vmem>> -> memref<128x64xf32, #tpu.memory_space<vmem>>
        %dma_wait3A_68 = arith.constant 0 : i32
        %dma_wait3A_69 = tpu.memref_slice %arg7[%scan3A_60, %dma_wait3A_68] : memref<160x128xi32, #tpu.memory_space<vmem>> -> memref<1x128xi32, #tpu.memory_space<vmem>>
        %dma_wait3A_70 = tpu.memref_squeeze %dma_wait3A_69 : memref<1x128xi32, #tpu.memory_space<vmem>> -> memref<128xi32, #tpu.memory_space<vmem>>
        %dma_wait3A_71 = arith.constant 0 : i32
        %dma_wait3A_72 = arith.constant 0 : i32
        %dma_wait3A_73 = tpu.memref_slice %arg2[%dma_wait3A_71, %dma_wait3A_72] : memref<10000x64xf32, #tpu.memory_space<hbm>> -> memref<10000x64xf32, #tpu.memory_space<hbm>>
        %dma_wait3A_74 = tpu.memref_slice %arg11[%rem3A_63] : memref<5x!tpu.dma_semaphore, #tpu.memory_space<semaphore_mem>> -> memref<1x!tpu.dma_semaphore, #tpu.memory_space<semaphore_mem>>
        %dma_wait3A_75 = tpu.memref_squeeze %dma_wait3A_74 : memref<1x!tpu.dma_semaphore, #tpu.memory_space<semaphore_mem>> -> memref<!tpu.dma_semaphore, #tpu.memory_space<semaphore_mem>>
        tpu.wait_indirect_dma semaphore(%dma_wait3A_75 : memref<!tpu.dma_semaphore, #tpu.memory_space<semaphore_mem>>) src(%dma_wait3A_73 : memref<10000x64xf32, #tpu.memory_space<hbm>>) dst(%dma_wait3A_67 : memref<128x64xf32, #tpu.memory_space<vmem>>)
        %dma_start3A = arith.constant 0 : i32
        %dma_start3A_76 = arith.constant 0 : i32
        %dma_start3A_77 = tpu.memref_slice %arg9[%rem3A_63, %dma_start3A, %dma_start3A_76] : memref<5x128x64xf32, #tpu.memory_space<vmem>> -> memref<1x128x64xf32, #tpu.memory_space<vmem>>
        %dma_start3A_78 = tpu.memref_squeeze %dma_start3A_77 : memref<1x128x64xf32, #tpu.memory_space<vmem>> -> memref<128x64xf32, #tpu.memory_space<vmem>>
        %dma_start3A_79 = arith.constant 0 : i32
        %dma_start3A_80 = tpu.memref_slice %arg8[%scan3A_60, %dma_start3A_79] : memref<160x128xi32, #tpu.memory_space<vmem>> -> memref<1x128xi32, #tpu.memory_space<vmem>>
        %dma_start3A_81 = tpu.memref_squeeze %dma_start3A_80 : memref<1x128xi32, #tpu.memory_space<vmem>> -> memref<128xi32, #tpu.memory_space<vmem>>
        %dma_start3A_82 = arith.constant 0 : i32
        %dma_start3A_83 = arith.constant 0 : i32
        %dma_start3A_84 = tpu.memref_slice %arg10[%dma_start3A_82, %dma_start3A_83] : memref<10240x64xf32, #tpu.memory_space<vmem_shared>> -> memref<10240x64xf32, #tpu.memory_space<vmem_shared>>
        %dma_start3A_85 = tpu.memref_slice %arg12[%rem3A_63] : memref<5x!tpu.dma_semaphore, #tpu.memory_space<semaphore_mem>> -> memref<1x!tpu.dma_semaphore, #tpu.memory_space<semaphore_mem>>
        %dma_start3A_86 = tpu.memref_squeeze %dma_start3A_85 : memref<1x!tpu.dma_semaphore, #tpu.memory_space<semaphore_mem>> -> memref<!tpu.dma_semaphore, #tpu.memory_space<semaphore_mem>>
        tpu.enqueue_indirect_dma source(%dma_start3A_78 : memref<128x64xf32, #tpu.memory_space<vmem>>) target(%dma_start3A_84 : memref<10240x64xf32, #tpu.memory_space<vmem_shared>>) offsets(%dma_start3A_81 : memref<128xi32, #tpu.memory_space<vmem>>) semaphore(%dma_start3A_86 : memref<!tpu.dma_semaphore, #tpu.memory_space<semaphore_mem>>) {add = true}
        %ge3A = arith.constant 1 : i32
        %ge3A_87 = arith.cmpi sge, %scan3A_60, %ge3A : i32
        %convert_element_type3A_88 = arith.extui %ge3A_87 : i1 to i32
        %cond3A_89 = arith.constant 0 : i32
        %cond3A_90 = arith.cmpi ne, %convert_element_type3A_88, %cond3A_89 : i32
        scf.if %cond3A_90 {
          %sub3A = arith.constant 1 : i32
          %sub3A_92 = arith.subi %scan3A_60, %sub3A : i32
          %rem3A_93 = arith.constant 5 : i32
          %rem3A_94 = arith.remsi %sub3A_92, %rem3A_93 : i32
          %dma_wait3A_95 = arith.constant 0 : i32
          %dma_wait3A_96 = arith.constant 0 : i32
          %dma_wait3A_97 = tpu.memref_slice %arg9[%rem3A_94, %dma_wait3A_95, %dma_wait3A_96] : memref<5x128x64xf32, #tpu.memory_space<vmem>> -> memref<1x128x64xf32, #tpu.memory_space<vmem>>
          %dma_wait3A_98 = tpu.memref_squeeze %dma_wait3A_97 : memref<1x128x64xf32, #tpu.memory_space<vmem>> -> memref<128x64xf32, #tpu.memory_space<vmem>>
          %dma_wait3A_99 = arith.constant 0 : i32
          %dma_wait3A_100 = tpu.memref_slice %arg8[%sub3A_92, %dma_wait3A_99] : memref<160x128xi32, #tpu.memory_space<vmem>> -> memref<1x128xi32, #tpu.memory_space<vmem>>
          %dma_wait3A_101 = tpu.memref_squeeze %dma_wait3A_100 : memref<1x128xi32, #tpu.memory_space<vmem>> -> memref<128xi32, #tpu.memory_space<vmem>>
          %dma_wait3A_102 = arith.constant 0 : i32
          %dma_wait3A_103 = arith.constant 0 : i32
          %dma_wait3A_104 = tpu.memref_slice %arg10[%dma_wait3A_102, %dma_wait3A_103] : memref<10240x64xf32, #tpu.memory_space<vmem_shared>> -> memref<10240x64xf32, #tpu.memory_space<vmem_shared>>
          %dma_wait3A_105 = tpu.memref_slice %arg12[%rem3A_94] : memref<5x!tpu.dma_semaphore, #tpu.memory_space<semaphore_mem>> -> memref<1x!tpu.dma_semaphore, #tpu.memory_space<semaphore_mem>>
          %dma_wait3A_106 = tpu.memref_squeeze %dma_wait3A_105 : memref<1x!tpu.dma_semaphore, #tpu.memory_space<semaphore_mem>> -> memref<!tpu.dma_semaphore, #tpu.memory_space<semaphore_mem>>
          tpu.wait_indirect_dma semaphore(%dma_wait3A_106 : memref<!tpu.dma_semaphore, #tpu.memory_space<semaphore_mem>>) src(%dma_wait3A_98 : memref<128x64xf32, #tpu.memory_space<vmem>>) dst(%dma_wait3A_104 : memref<10240x64xf32, #tpu.memory_space<vmem_shared>>)
          %add3A_107 = arith.constant 5 : i32
          %add3A_108 = arith.addi %sub3A_92, %add3A_107 : i32
          %lt3A = arith.constant 160 : i32
          %lt3A_109 = arith.cmpi slt, %add3A_108, %lt3A : i32
          %convert_element_type3A_110 = arith.extui %lt3A_109 : i1 to i32
          %cond3A_111 = arith.constant 0 : i32
          %cond3A_112 = arith.cmpi ne, %convert_element_type3A_110, %cond3A_111 : i32
          scf.if %cond3A_112 {
            %add3A_113 = arith.constant 5 : i32
            %add3A_114 = arith.addi %sub3A_92, %add3A_113 : i32
            %dma_start3A_115 = arith.constant 0 : i32
            %dma_start3A_116 = arith.constant 0 : i32
            %dma_start3A_117 = tpu.memref_slice %arg9[%rem3A_94, %dma_start3A_115, %dma_start3A_116] : memref<5x128x64xf32, #tpu.memory_space<vmem>> -> memref<1x128x64xf32, #tpu.memory_space<vmem>>
            %dma_start3A_118 = tpu.memref_squeeze %dma_start3A_117 : memref<1x128x64xf32, #tpu.memory_space<vmem>> -> memref<128x64xf32, #tpu.memory_space<vmem>>
            %dma_start3A_119 = arith.constant 0 : i32
            %dma_start3A_120 = tpu.memref_slice %arg7[%add3A_114, %dma_start3A_119] : memref<160x128xi32, #tpu.memory_space<vmem>> -> memref<1x128xi32, #tpu.memory_space<vmem>>
            %dma_start3A_121 = tpu.memref_squeeze %dma_start3A_120 : memref<1x128xi32, #tpu.memory_space<vmem>> -> memref<128xi32, #tpu.memory_space<vmem>>
            %dma_start3A_122 = arith.constant 0 : i32
            %dma_start3A_123 = arith.constant 0 : i32
            %dma_start3A_124 = tpu.memref_slice %arg2[%dma_start3A_122, %dma_start3A_123] : memref<10000x64xf32, #tpu.memory_space<hbm>> -> memref<10000x64xf32, #tpu.memory_space<hbm>>
            %dma_start3A_125 = tpu.memref_slice %arg11[%rem3A_94] : memref<5x!tpu.dma_semaphore, #tpu.memory_space<semaphore_mem>> -> memref<1x!tpu.dma_semaphore, #tpu.memory_space<semaphore_mem>>
            %dma_start3A_126 = tpu.memref_squeeze %dma_start3A_125 : memref<1x!tpu.dma_semaphore, #tpu.memory_space<semaphore_mem>> -> memref<!tpu.dma_semaphore, #tpu.memory_space<semaphore_mem>>
            tpu.enqueue_indirect_dma source(%dma_start3A_124 : memref<10000x64xf32, #tpu.memory_space<hbm>>) target(%dma_start3A_118 : memref<128x64xf32, #tpu.memory_space<vmem>>) offsets(%dma_start3A_121 : memref<128xi32, #tpu.memory_space<vmem>>) semaphore(%dma_start3A_126 : memref<!tpu.dma_semaphore, #tpu.memory_space<semaphore_mem>>)
          } else {
          }
        } else {
        }
        %scan3A_91 = arith.constant 0 : i32
        scf.yield %scan3A_91 : i32
      }
      %scan3A_42 = arith.constant 160 : i32
      %scan3A_43 = arith.constant 0 : i32
      %scan3A_44 = arith.constant 0 : i32
      %add3A = arith.constant 159 : i32
      %add3A_45 = arith.addi %add3A, %scan3A_44 : i32
      %rem3A = arith.constant 5 : i32
      %rem3A_46 = arith.remsi %add3A_45, %rem3A : i32
      %dma_wait3A = arith.constant 0 : i32
      %dma_wait3A_47 = arith.constant 0 : i32
      %dma_wait3A_48 = tpu.memref_slice %arg9[%rem3A_46, %dma_wait3A, %dma_wait3A_47] : memref<5x128x64xf32, #tpu.memory_space<vmem>> -> memref<1x128x64xf32, #tpu.memory_space<vmem>>
      %dma_wait3A_49 = tpu.memref_squeeze %dma_wait3A_48 : memref<1x128x64xf32, #tpu.memory_space<vmem>> -> memref<128x64xf32, #tpu.memory_space<vmem>>
      %dma_wait3A_50 = arith.constant 0 : i32
      %dma_wait3A_51 = tpu.memref_slice %arg8[%add3A_45, %dma_wait3A_50] : memref<160x128xi32, #tpu.memory_space<vmem>> -> memref<1x128xi32, #tpu.memory_space<vmem>>
      %dma_wait3A_52 = tpu.memref_squeeze %dma_wait3A_51 : memref<1x128xi32, #tpu.memory_space<vmem>> -> memref<128xi32, #tpu.memory_space<vmem>>
      %dma_wait3A_53 = arith.constant 0 : i32
      %dma_wait3A_54 = arith.constant 0 : i32
      %dma_wait3A_55 = tpu.memref_slice %arg10[%dma_wait3A_53, %dma_wait3A_54] : memref<10240x64xf32, #tpu.memory_space<vmem_shared>> -> memref<10240x64xf32, #tpu.memory_space<vmem_shared>>
      %dma_wait3A_56 = tpu.memref_slice %arg12[%rem3A_46] : memref<5x!tpu.dma_semaphore, #tpu.memory_space<semaphore_mem>> -> memref<1x!tpu.dma_semaphore, #tpu.memory_space<semaphore_mem>>
      %dma_wait3A_57 = tpu.memref_squeeze %dma_wait3A_56 : memref<1x!tpu.dma_semaphore, #tpu.memory_space<semaphore_mem>> -> memref<!tpu.dma_semaphore, #tpu.memory_space<semaphore_mem>>
      tpu.wait_indirect_dma semaphore(%dma_wait3A_57 : memref<!tpu.dma_semaphore, #tpu.memory_space<semaphore_mem>>) src(%dma_wait3A_49 : memref<128x64xf32, #tpu.memory_space<vmem>>) dst(%dma_wait3A_55 : memref<10240x64xf32, #tpu.memory_space<vmem_shared>>)
      %scan3A_58 = arith.constant 0 : i32
      %scan3A_59 = arith.constant 1 : i32
    } else {
    }
    %eq3A_17 = arith.constant 1 : i32
    %eq3A_18 = arith.cmpi eq, %arg0, %eq3A_17 : i32
    %convert_element_type3A_19 = arith.extui %eq3A_18 : i1 to i32
    %cond3A_20 = arith.constant 0 : i32
    %cond3A_21 = arith.cmpi ne, %convert_element_type3A_19, %cond3A_20 : i32
    scf.if %cond3A_21 {
      %scan3A_29 = arith.constant 0 : i32
      %scan3A_30 = arith.constant 0 : i32
      %scan3A_31 = arith.constant 5 : i32
      %scan3A_32 = arith.addi %scan3A_30, %scan3A_31 : i32
      %scan3A_33 = arith.constant 1 : i32
      %scan3A_34 = scf.for %scan3A_60 = %scan3A_30 to %scan3A_32 step %scan3A_33 iter_args(%scan3A_61 = %scan3A_29) -> (i32)  : i32 {
        %dma_start3A = arith.constant 0 : i32
        %dma_start3A_62 = arith.constant 0 : i32
        %dma_start3A_63 = tpu.memref_slice %arg9[%scan3A_60, %dma_start3A, %dma_start3A_62] : memref<5x128x64xf32, #tpu.memory_space<vmem>> -> memref<1x128x64xf32, #tpu.memory_space<vmem>>
        %dma_start3A_64 = tpu.memref_squeeze %dma_start3A_63 : memref<1x128x64xf32, #tpu.memory_space<vmem>> -> memref<128x64xf32, #tpu.memory_space<vmem>>
        %dma_start3A_65 = arith.constant 0 : i32
        %dma_start3A_66 = tpu.memref_slice %arg7[%scan3A_60, %dma_start3A_65] : memref<160x128xi32, #tpu.memory_space<vmem>> -> memref<1x128xi32, #tpu.memory_space<vmem>>
        %dma_start3A_67 = tpu.memref_squeeze %dma_start3A_66 : memref<1x128xi32, #tpu.memory_space<vmem>> -> memref<128xi32, #tpu.memory_space<vmem>>
        %dma_start3A_68 = arith.constant 0 : i32
        %dma_start3A_69 = arith.constant 0 : i32
        %dma_start3A_70 = tpu.memref_slice %arg3[%dma_start3A_68, %dma_start3A_69] : memref<10000x64xf32, #tpu.memory_space<hbm>> -> memref<10000x64xf32, #tpu.memory_space<hbm>>
        %dma_start3A_71 = tpu.memref_slice %arg11[%scan3A_60] : memref<5x!tpu.dma_semaphore, #tpu.memory_space<semaphore_mem>> -> memref<1x!tpu.dma_semaphore, #tpu.memory_space<semaphore_mem>>
        %dma_start3A_72 = tpu.memref_squeeze %dma_start3A_71 : memref<1x!tpu.dma_semaphore, #tpu.memory_space<semaphore_mem>> -> memref<!tpu.dma_semaphore, #tpu.memory_space<semaphore_mem>>
        tpu.enqueue_indirect_dma source(%dma_start3A_70 : memref<10000x64xf32, #tpu.memory_space<hbm>>) target(%dma_start3A_64 : memref<128x64xf32, #tpu.memory_space<vmem>>) offsets(%dma_start3A_67 : memref<128xi32, #tpu.memory_space<vmem>>) semaphore(%dma_start3A_72 : memref<!tpu.dma_semaphore, #tpu.memory_space<semaphore_mem>>)
        %scan3A_73 = arith.constant 0 : i32
        scf.yield %scan3A_73 : i32
      }
      %scan3A_35 = arith.constant 5 : i32
      %scan3A_36 = arith.constant 0 : i32
      %scan3A_37 = arith.constant 0 : i32
      %scan3A_38 = arith.constant 160 : i32
      %scan3A_39 = arith.addi %scan3A_37, %scan3A_38 : i32
      %scan3A_40 = arith.constant 1 : i32
      %scan3A_41 = scf.for %scan3A_60 = %scan3A_37 to %scan3A_39 step %scan3A_40 iter_args(%scan3A_61 = %scan3A_36) -> (i32)  : i32 {
        %rem3A_62 = arith.constant 5 : i32
        %rem3A_63 = arith.remsi %scan3A_60, %rem3A_62 : i32
        %dma_wait3A_64 = arith.constant 0 : i32
        %dma_wait3A_65 = arith.constant 0 : i32
        %dma_wait3A_66 = tpu.memref_slice %arg9[%rem3A_63, %dma_wait3A_64, %dma_wait3A_65] : memref<5x128x64xf32, #tpu.memory_space<vmem>> -> memref<1x128x64xf32, #tpu.memory_space<vmem>>
        %dma_wait3A_67 = tpu.memref_squeeze %dma_wait3A_66 : memref<1x128x64xf32, #tpu.memory_space<vmem>> -> memref<128x64xf32, #tpu.memory_space<vmem>>
        %dma_wait3A_68 = arith.constant 0 : i32
        %dma_wait3A_69 = tpu.memref_slice %arg7[%scan3A_60, %dma_wait3A_68] : memref<160x128xi32, #tpu.memory_space<vmem>> -> memref<1x128xi32, #tpu.memory_space<vmem>>
        %dma_wait3A_70 = tpu.memref_squeeze %dma_wait3A_69 : memref<1x128xi32, #tpu.memory_space<vmem>> -> memref<128xi32, #tpu.memory_space<vmem>>
        %dma_wait3A_71 = arith.constant 0 : i32
        %dma_wait3A_72 = arith.constant 0 : i32
        %dma_wait3A_73 = tpu.memref_slice %arg3[%dma_wait3A_71, %dma_wait3A_72] : memref<10000x64xf32, #tpu.memory_space<hbm>> -> memref<10000x64xf32, #tpu.memory_space<hbm>>
        %dma_wait3A_74 = tpu.memref_slice %arg11[%rem3A_63] : memref<5x!tpu.dma_semaphore, #tpu.memory_space<semaphore_mem>> -> memref<1x!tpu.dma_semaphore, #tpu.memory_space<semaphore_mem>>
        %dma_wait3A_75 = tpu.memref_squeeze %dma_wait3A_74 : memref<1x!tpu.dma_semaphore, #tpu.memory_space<semaphore_mem>> -> memref<!tpu.dma_semaphore, #tpu.memory_space<semaphore_mem>>
        tpu.wait_indirect_dma semaphore(%dma_wait3A_75 : memref<!tpu.dma_semaphore, #tpu.memory_space<semaphore_mem>>) src(%dma_wait3A_73 : memref<10000x64xf32, #tpu.memory_space<hbm>>) dst(%dma_wait3A_67 : memref<128x64xf32, #tpu.memory_space<vmem>>)
        %dma_start3A = arith.constant 0 : i32
        %dma_start3A_76 = arith.constant 0 : i32
        %dma_start3A_77 = tpu.memref_slice %arg9[%rem3A_63, %dma_start3A, %dma_start3A_76] : memref<5x128x64xf32, #tpu.memory_space<vmem>> -> memref<1x128x64xf32, #tpu.memory_space<vmem>>
        %dma_start3A_78 = tpu.memref_squeeze %dma_start3A_77 : memref<1x128x64xf32, #tpu.memory_space<vmem>> -> memref<128x64xf32, #tpu.memory_space<vmem>>
        %dma_start3A_79 = arith.constant 0 : i32
        %dma_start3A_80 = tpu.memref_slice %arg8[%scan3A_60, %dma_start3A_79] : memref<160x128xi32, #tpu.memory_space<vmem>> -> memref<1x128xi32, #tpu.memory_space<vmem>>
        %dma_start3A_81 = tpu.memref_squeeze %dma_start3A_80 : memref<1x128xi32, #tpu.memory_space<vmem>> -> memref<128xi32, #tpu.memory_space<vmem>>
        %dma_start3A_82 = arith.constant 0 : i32
        %dma_start3A_83 = arith.constant 0 : i32
        %dma_start3A_84 = tpu.memref_slice %arg10[%dma_start3A_82, %dma_start3A_83] : memref<10240x64xf32, #tpu.memory_space<vmem_shared>> -> memref<10240x64xf32, #tpu.memory_space<vmem_shared>>
        %dma_start3A_85 = tpu.memref_slice %arg12[%rem3A_63] : memref<5x!tpu.dma_semaphore, #tpu.memory_space<semaphore_mem>> -> memref<1x!tpu.dma_semaphore, #tpu.memory_space<semaphore_mem>>
        %dma_start3A_86 = tpu.memref_squeeze %dma_start3A_85 : memref<1x!tpu.dma_semaphore, #tpu.memory_space<semaphore_mem>> -> memref<!tpu.dma_semaphore, #tpu.memory_space<semaphore_mem>>
        tpu.enqueue_indirect_dma source(%dma_start3A_78 : memref<128x64xf32, #tpu.memory_space<vmem>>) target(%dma_start3A_84 : memref<10240x64xf32, #tpu.memory_space<vmem_shared>>) offsets(%dma_start3A_81 : memref<128xi32, #tpu.memory_space<vmem>>) semaphore(%dma_start3A_86 : memref<!tpu.dma_semaphore, #tpu.memory_space<semaphore_mem>>) {add = true}
        %ge3A = arith.constant 1 : i32
        %ge3A_87 = arith.cmpi sge, %scan3A_60, %ge3A : i32
        %convert_element_type3A_88 = arith.extui %ge3A_87 : i1 to i32
        %cond3A_89 = arith.constant 0 : i32
        %cond3A_90 = arith.cmpi ne, %convert_element_type3A_88, %cond3A_89 : i32
        scf.if %cond3A_90 {
          %sub3A = arith.constant 1 : i32
          %sub3A_92 = arith.subi %scan3A_60, %sub3A : i32
          %rem3A_93 = arith.constant 5 : i32
          %rem3A_94 = arith.remsi %sub3A_92, %rem3A_93 : i32
          %dma_wait3A_95 = arith.constant 0 : i32
          %dma_wait3A_96 = arith.constant 0 : i32
          %dma_wait3A_97 = tpu.memref_slice %arg9[%rem3A_94, %dma_wait3A_95, %dma_wait3A_96] : memref<5x128x64xf32, #tpu.memory_space<vmem>> -> memref<1x128x64xf32, #tpu.memory_space<vmem>>
          %dma_wait3A_98 = tpu.memref_squeeze %dma_wait3A_97 : memref<1x128x64xf32, #tpu.memory_space<vmem>> -> memref<128x64xf32, #tpu.memory_space<vmem>>
          %dma_wait3A_99 = arith.constant 0 : i32
          %dma_wait3A_100 = tpu.memref_slice %arg8[%sub3A_92, %dma_wait3A_99] : memref<160x128xi32, #tpu.memory_space<vmem>> -> memref<1x128xi32, #tpu.memory_space<vmem>>
          %dma_wait3A_101 = tpu.memref_squeeze %dma_wait3A_100 : memref<1x128xi32, #tpu.memory_space<vmem>> -> memref<128xi32, #tpu.memory_space<vmem>>
          %dma_wait3A_102 = arith.constant 0 : i32
          %dma_wait3A_103 = arith.constant 0 : i32
          %dma_wait3A_104 = tpu.memref_slice %arg10[%dma_wait3A_102, %dma_wait3A_103] : memref<10240x64xf32, #tpu.memory_space<vmem_shared>> -> memref<10240x64xf32, #tpu.memory_space<vmem_shared>>
          %dma_wait3A_105 = tpu.memref_slice %arg12[%rem3A_94] : memref<5x!tpu.dma_semaphore, #tpu.memory_space<semaphore_mem>> -> memref<1x!tpu.dma_semaphore, #tpu.memory_space<semaphore_mem>>
          %dma_wait3A_106 = tpu.memref_squeeze %dma_wait3A_105 : memref<1x!tpu.dma_semaphore, #tpu.memory_space<semaphore_mem>> -> memref<!tpu.dma_semaphore, #tpu.memory_space<semaphore_mem>>
          tpu.wait_indirect_dma semaphore(%dma_wait3A_106 : memref<!tpu.dma_semaphore, #tpu.memory_space<semaphore_mem>>) src(%dma_wait3A_98 : memref<128x64xf32, #tpu.memory_space<vmem>>) dst(%dma_wait3A_104 : memref<10240x64xf32, #tpu.memory_space<vmem_shared>>)
          %add3A_107 = arith.constant 5 : i32
          %add3A_108 = arith.addi %sub3A_92, %add3A_107 : i32
          %lt3A = arith.constant 160 : i32
          %lt3A_109 = arith.cmpi slt, %add3A_108, %lt3A : i32
          %convert_element_type3A_110 = arith.extui %lt3A_109 : i1 to i32
          %cond3A_111 = arith.constant 0 : i32
          %cond3A_112 = arith.cmpi ne, %convert_element_type3A_110, %cond3A_111 : i32
          scf.if %cond3A_112 {
            %add3A_113 = arith.constant 5 : i32
            %add3A_114 = arith.addi %sub3A_92, %add3A_113 : i32
            %dma_start3A_115 = arith.constant 0 : i32
            %dma_start3A_116 = arith.constant 0 : i32
            %dma_start3A_117 = tpu.memref_slice %arg9[%rem3A_94, %dma_start3A_115, %dma_start3A_116] : memref<5x128x64xf32, #tpu.memory_space<vmem>> -> memref<1x128x64xf32, #tpu.memory_space<vmem>>
            %dma_start3A_118 = tpu.memref_squeeze %dma_start3A_117 : memref<1x128x64xf32, #tpu.memory_space<vmem>> -> memref<128x64xf32, #tpu.memory_space<vmem>>
            %dma_start3A_119 = arith.constant 0 : i32
            %dma_start3A_120 = tpu.memref_slice %arg7[%add3A_114, %dma_start3A_119] : memref<160x128xi32, #tpu.memory_space<vmem>> -> memref<1x128xi32, #tpu.memory_space<vmem>>
            %dma_start3A_121 = tpu.memref_squeeze %dma_start3A_120 : memref<1x128xi32, #tpu.memory_space<vmem>> -> memref<128xi32, #tpu.memory_space<vmem>>
            %dma_start3A_122 = arith.constant 0 : i32
            %dma_start3A_123 = arith.constant 0 : i32
            %dma_start3A_124 = tpu.memref_slice %arg3[%dma_start3A_122, %dma_start3A_123] : memref<10000x64xf32, #tpu.memory_space<hbm>> -> memref<10000x64xf32, #tpu.memory_space<hbm>>
            %dma_start3A_125 = tpu.memref_slice %arg11[%rem3A_94] : memref<5x!tpu.dma_semaphore, #tpu.memory_space<semaphore_mem>> -> memref<1x!tpu.dma_semaphore, #tpu.memory_space<semaphore_mem>>
            %dma_start3A_126 = tpu.memref_squeeze %dma_start3A_125 : memref<1x!tpu.dma_semaphore, #tpu.memory_space<semaphore_mem>> -> memref<!tpu.dma_semaphore, #tpu.memory_space<semaphore_mem>>
            tpu.enqueue_indirect_dma source(%dma_start3A_124 : memref<10000x64xf32, #tpu.memory_space<hbm>>) target(%dma_start3A_118 : memref<128x64xf32, #tpu.memory_space<vmem>>) offsets(%dma_start3A_121 : memref<128xi32, #tpu.memory_space<vmem>>) semaphore(%dma_start3A_126 : memref<!tpu.dma_semaphore, #tpu.memory_space<semaphore_mem>>)
          } else {
          }
        } else {
        }
        %scan3A_91 = arith.constant 0 : i32
        scf.yield %scan3A_91 : i32
      }
      %scan3A_42 = arith.constant 160 : i32
      %scan3A_43 = arith.constant 0 : i32
      %scan3A_44 = arith.constant 0 : i32
      %add3A = arith.constant 159 : i32
      %add3A_45 = arith.addi %add3A, %scan3A_44 : i32
      %rem3A = arith.constant 5 : i32
      %rem3A_46 = arith.remsi %add3A_45, %rem3A : i32
      %dma_wait3A = arith.constant 0 : i32
      %dma_wait3A_47 = arith.constant 0 : i32
      %dma_wait3A_48 = tpu.memref_slice %arg9[%rem3A_46, %dma_wait3A, %dma_wait3A_47] : memref<5x128x64xf32, #tpu.memory_space<vmem>> -> memref<1x128x64xf32, #tpu.memory_space<vmem>>
      %dma_wait3A_49 = tpu.memref_squeeze %dma_wait3A_48 : memref<1x128x64xf32, #tpu.memory_space<vmem>> -> memref<128x64xf32, #tpu.memory_space<vmem>>
      %dma_wait3A_50 = arith.constant 0 : i32
      %dma_wait3A_51 = tpu.memref_slice %arg8[%add3A_45, %dma_wait3A_50] : memref<160x128xi32, #tpu.memory_space<vmem>> -> memref<1x128xi32, #tpu.memory_space<vmem>>
      %dma_wait3A_52 = tpu.memref_squeeze %dma_wait3A_51 : memref<1x128xi32, #tpu.memory_space<vmem>> -> memref<128xi32, #tpu.memory_space<vmem>>
      %dma_wait3A_53 = arith.constant 0 : i32
      %dma_wait3A_54 = arith.constant 0 : i32
      %dma_wait3A_55 = tpu.memref_slice %arg10[%dma_wait3A_53, %dma_wait3A_54] : memref<10240x64xf32, #tpu.memory_space<vmem_shared>> -> memref<10240x64xf32, #tpu.memory_space<vmem_shared>>
      %dma_wait3A_56 = tpu.memref_slice %arg12[%rem3A_46] : memref<5x!tpu.dma_semaphore, #tpu.memory_space<semaphore_mem>> -> memref<1x!tpu.dma_semaphore, #tpu.memory_space<semaphore_mem>>
      %dma_wait3A_57 = tpu.memref_squeeze %dma_wait3A_56 : memref<1x!tpu.dma_semaphore, #tpu.memory_space<semaphore_mem>> -> memref<!tpu.dma_semaphore, #tpu.memory_space<semaphore_mem>>
      tpu.wait_indirect_dma semaphore(%dma_wait3A_57 : memref<!tpu.dma_semaphore, #tpu.memory_space<semaphore_mem>>) src(%dma_wait3A_49 : memref<128x64xf32, #tpu.memory_space<vmem>>) dst(%dma_wait3A_55 : memref<10240x64xf32, #tpu.memory_space<vmem_shared>>)
      %scan3A_58 = arith.constant 0 : i32
      %scan3A_59 = arith.constant 1 : i32
    } else {
    }
    %barrier3A_22 = arith.constant 0 : index
    tpu.barrier barrier_id(%barrier3A_22)
    %mul3A_23 = arith.constant 640 : i32
    %mul3A_24 = arith.muli %arg1, %mul3A_23 : i32
    %mul3A_25 = arith.constant 640 : i32
    %mul3A_26 = arith.muli %arg1, %mul3A_25 : i32
    %mul3A_27 = arith.constant 64 : i32
    %mul3A_28 = arith.muli %arg0, %mul3A_27 : i32
    "tpu.region"() ({
      %run_scoped3A = tpu.sem_alloc : memref<!tpu.dma_semaphore, #tpu.memory_space<semaphore_mem>>
      %dma_start3A = tpu.memref_slice %arg6[%mul3A_26, %mul3A_28] : memref<10240x128xf32, #tpu.memory_space<hbm>> -> memref<640x64xf32, #tpu.memory_space<hbm>>
      %dma_start3A_29 = arith.constant 0 : i32
      %dma_start3A_30 = tpu.memref_slice %arg10[%mul3A_24, %dma_start3A_29] : memref<10240x64xf32, #tpu.memory_space<vmem_shared>> -> memref<640x64xf32, #tpu.memory_space<vmem_shared>>
      tpu.enqueue_dma source(%dma_start3A_30 : memref<640x64xf32, #tpu.memory_space<vmem_shared>>) target(%dma_start3A : memref<640x64xf32, #tpu.memory_space<hbm>>) target_semaphore(%run_scoped3A : memref<!tpu.dma_semaphore, #tpu.memory_space<semaphore_mem>>)
      %dma_wait3A = tpu.memref_slice %arg6[%mul3A_26, %mul3A_28] : memref<10240x128xf32, #tpu.memory_space<hbm>> -> memref<640x64xf32, #tpu.memory_space<hbm>>
      %dma_wait3A_31 = arith.constant 0 : i32
      %dma_wait3A_32 = tpu.memref_slice %arg10[%mul3A_24, %dma_wait3A_31] : memref<10240x64xf32, #tpu.memory_space<vmem_shared>> -> memref<640x64xf32, #tpu.memory_space<vmem_shared>>
      tpu.wait_dma2 semaphore(%run_scoped3A : memref<!tpu.dma_semaphore, #tpu.memory_space<semaphore_mem>>) src(%dma_wait3A_32 : memref<640x64xf32, #tpu.memory_space<vmem_shared>>) dst(%dma_wait3A : memref<640x64xf32, #tpu.memory_space<hbm>>)
      tpu.yield
    }) : () -> ()
    return
  }
}

#map = affine_map<(d0, d1) -> (0, 0)>
module attributes {stable_mosaic.version = 14 : i64} {
  func.func @_spmm(%arg0: i32, %arg1: i32, %arg2: memref<10000x64xf32, #tpu.memory_space<hbm>>, %arg3: memref<10000x64xf32, #tpu.memory_space<hbm>>, %arg4: memref<2560x128xi32, #tpu.memory_space<hbm>>, %arg5: memref<2560x128xi32, #tpu.memory_space<hbm>>, %arg6: memref<10240x128xf32, #tpu.memory_space<hbm>>, %arg7: memref<160x128xi32, #tpu.memory_space<vmem>>, %arg8: memref<160x128xi32, #tpu.memory_space<vmem>>, %arg9: memref<5x128x64xf32, #tpu.memory_space<vmem>>, %arg10: memref<10240x64xf32, #tpu.memory_space<vmem_shared>>, %arg11: memref<5x!tpu.dma_semaphore, #tpu.memory_space<semaphore_mem>>, %arg12: memref<5x!tpu.dma_semaphore, #tpu.memory_space<semaphore_mem>>) attributes {dimension_semantics = [#tpu.dimension_semantics<core_parallel>, #tpu.dimension_semantics<subcore_parallel>], iteration_bounds = array<i64: 2, 16>, scalar_prefetch = 0 : i64, scratch_operands = 6 : i64, tpu.core_type = #tpu.core_type<sc_vector_subcore>, window_params = [{transform_indices = #map}, {transform_indices = #map}, {transform_indices = #map}, {transform_indices = #map}, {transform_indices = #map}]} {
    %mul3A = arith.constant 160 : i32
    %mul3A_0 = arith.muli %arg1, %mul3A : i32
    "tpu.region"() ({
      %run_scoped3A = tpu.sem_alloc : memref<!tpu.dma_semaphore, #tpu.memory_space<semaphore_mem>>
      %dma_start3A = arith.constant 0 : i32
      %dma_start3A_29 = tpu.memref_slice %arg4[%mul3A_0, %dma_start3A] : memref<2560x128xi32, #tpu.memory_space<hbm>> -> memref<160x128xi32, #tpu.memory_space<hbm>>
      %dma_start3A_30 = arith.constant 0 : i32
      %dma_start3A_31 = tpu.memref_slice %arg4[%mul3A_0, %dma_start3A_30] : memref<2560x128xi32, #tpu.memory_space<hbm>> -> memref<160x128xi32, #tpu.memory_space<hbm>>
      tpu.enqueue_dma source(%dma_start3A_31 : memref<160x128xi32, #tpu.memory_space<hbm>>) target(%arg7 : memref<160x128xi32, #tpu.memory_space<vmem>>) target_semaphore(%run_scoped3A : memref<!tpu.dma_semaphore, #tpu.memory_space<semaphore_mem>>)
      %dma_wait3A = arith.constant 0 : i32
      %dma_wait3A_32 = tpu.memref_slice %arg4[%mul3A_0, %dma_wait3A] : memref<2560x128xi32, #tpu.memory_space<hbm>> -> memref<160x128xi32, #tpu.memory_space<hbm>>
      %dma_wait3A_33 = arith.constant 0 : i32
      %dma_wait3A_34 = tpu.memref_slice %arg4[%mul3A_0, %dma_wait3A_33] : memref<2560x128xi32, #tpu.memory_space<hbm>> -> memref<160x128xi32, #tpu.memory_space<hbm>>
      tpu.wait_dma2 semaphore(%run_scoped3A : memref<!tpu.dma_semaphore, #tpu.memory_space<semaphore_mem>>) src(%dma_wait3A_34 : memref<160x128xi32, #tpu.memory_space<hbm>>) dst(%arg7 : memref<160x128xi32, #tpu.memory_space<vmem>>)
      tpu.yield
    }) : () -> ()
    "tpu.region"() ({
      %run_scoped3A = tpu.sem_alloc : memref<!tpu.dma_semaphore, #tpu.memory_space<semaphore_mem>>
      %dma_start3A = arith.constant 0 : i32
      %dma_start3A_29 = tpu.memref_slice %arg5[%mul3A_0, %dma_start3A] : memref<2560x128xi32, #tpu.memory_space<hbm>> -> memref<160x128xi32, #tpu.memory_space<hbm>>
      %dma_start3A_30 = arith.constant 0 : i32
      %dma_start3A_31 = tpu.memref_slice %arg5[%mul3A_0, %dma_start3A_30] : memref<2560x128xi32, #tpu.memory_space<hbm>> -> memref<160x128xi32, #tpu.memory_space<hbm>>
      tpu.enqueue_dma source(%dma_start3A_31 : memref<160x128xi32, #tpu.memory_space<hbm>>) target(%arg8 : memref<160x128xi32, #tpu.memory_space<vmem>>) target_semaphore(%run_scoped3A : memref<!tpu.dma_semaphore, #tpu.memory_space<semaphore_mem>>)
      %dma_wait3A = arith.constant 0 : i32
      %dma_wait3A_32 = tpu.memref_slice %arg5[%mul3A_0, %dma_wait3A] : memref<2560x128xi32, #tpu.memory_space<hbm>> -> memref<160x128xi32, #tpu.memory_space<hbm>>
      %dma_wait3A_33 = arith.constant 0 : i32
      %dma_wait3A_34 = tpu.memref_slice %arg5[%mul3A_0, %dma_wait3A_33] : memref<2560x128xi32, #tpu.memory_space<hbm>> -> memref<160x128xi32, #tpu.memory_space<hbm>>
      tpu.wait_dma2 semaphore(%run_scoped3A : memref<!tpu.dma_semaphore, #tpu.memory_space<semaphore_mem>>) src(%dma_wait3A_34 : memref<160x128xi32, #tpu.memory_space<hbm>>) dst(%arg8 : memref<160x128xi32, #tpu.memory_space<vmem>>)
      tpu.yield
    }) : () -> ()
    %scan3A = arith.constant 0 : i32
    %scan3A_1 = arith.constant 0 : i32
    %scan3A_2 = arith.constant 0 : i32
    %scan3A_3 = arith.constant 128 : i32
    %scan3A_4 = arith.addi %scan3A_2, %scan3A_3 : i32
    %scan3A_5 = arith.constant 1 : i32
    %scan3A_6 = scf.for %scan3A_29 = %scan3A_2 to %scan3A_4 step %scan3A_5 iter_args(%scan3A_30 = %scan3A_1) -> (i32)  : i32 {
      %scan3A_31 = arith.constant 0 : i32
      %scan3A_32 = arith.constant 0 : i32
      %scan3A_33 = arith.constant 4 : i32
      %scan3A_34 = arith.addi %scan3A_32, %scan3A_33 : i32
      %scan3A_35 = arith.constant 1 : i32
      %scan3A_36 = scf.for %scan3A_38 = %scan3A_32 to %scan3A_34 step %scan3A_35 iter_args(%scan3A_39 = %scan3A_31) -> (i32)  : i32 {
        %broadcast_in_dim3A = arith.constant 0.000000e+00 : f32
        %broadcast_in_dim3A_40 = vector.broadcast %broadcast_in_dim3A : f32 to vector<16xf32>
        %mul3A_41 = arith.constant 16 : i32
        %mul3A_42 = arith.muli %scan3A_38, %mul3A_41 : i32
        %swap3A = arith.constant 0 : i32
        %swap3A_43 = arith.constant 0 : i32
        %swap3A_44 = tpu.memref_slice %arg9[%scan3A, %swap3A, %swap3A_43] : memref<5x128x64xf32, #tpu.memory_space<vmem>> -> memref<1x128x64xf32, #tpu.memory_space<vmem>>
        %swap3A_45 = tpu.memref_squeeze %swap3A_44 : memref<1x128x64xf32, #tpu.memory_space<vmem>> -> memref<128x64xf32, #tpu.memory_space<vmem>>
        %swap3A_46 = arith.index_cast %scan3A_29 : i32 to index
        %swap3A_47 = arith.index_cast %mul3A_42 : i32 to index
        %swap3A_48 = tpu.vector_load %swap3A_45[%swap3A_46, %swap3A_47] {strides = array<i32>} : memref<128x64xf32, #tpu.memory_space<vmem>>, vector<1x16xf32>,
        %swap3A_49 = vector.shape_cast %swap3A_48 : vector<1x16xf32> to vector<16xf32>
        %swap3A_50 = vector.shape_cast %broadcast_in_dim3A_40 : vector<16xf32> to vector<1x16xf32>
        tpu.vector_store %swap3A_45[%swap3A_46, %swap3A_47], %swap3A_50 {strides = array<i32>} : memref<128x64xf32, #tpu.memory_space<vmem>>, vector<1x16xf32>,
        %scan3A_51 = arith.constant 0 : i32
        scf.yield %scan3A_51 : i32
      }
      %scan3A_37 = arith.constant 4 : i32
      scf.yield %scan3A_36 : i32
    }
    %scan3A_7 = arith.constant 128 : i32
    %scan3A_8 = arith.constant 0 : i32
    %scan3A_9 = arith.constant 0 : i32
    %scan3A_10 = arith.constant 5 : i32
    %scan3A_11 = arith.addi %scan3A_9, %scan3A_10 : i32
    %scan3A_12 = arith.constant 1 : i32
    %scan3A_13 = scf.for %scan3A_29 = %scan3A_9 to %scan3A_11 step %scan3A_12 iter_args(%scan3A_30 = %scan3A_8) -> (i32)  : i32 {
      %mul3A_31 = arith.constant 640 : i32
      %mul3A_32 = arith.muli %arg1, %mul3A_31 : i32
      %mul3A_33 = arith.constant 128 : i32
      %mul3A_34 = arith.muli %scan3A_29, %mul3A_33 : i32
      %add3A = arith.addi %mul3A_32, %mul3A_34 : i32
      %run_scoped3A = arith.constant 0 : i32
      "tpu.region"() ({
        %run_scoped3A_36 = tpu.sem_alloc : memref<!tpu.dma_semaphore, #tpu.memory_space<semaphore_mem>>
        %dma_start3A = arith.constant 0 : i32
        %dma_start3A_37 = arith.constant 0 : i32
        %dma_start3A_38 = tpu.memref_slice %arg9[%run_scoped3A, %dma_start3A, %dma_start3A_37] : memref<5x128x64xf32, #tpu.memory_space<vmem>> -> memref<1x128x64xf32, #tpu.memory_space<vmem>>
        %dma_start3A_39 = tpu.memref_squeeze %dma_start3A_38 : memref<1x128x64xf32, #tpu.memory_space<vmem>> -> memref<128x64xf32, #tpu.memory_space<vmem>>
        %dma_start3A_40 = arith.constant 0 : i32
        %dma_start3A_41 = tpu.memref_slice %arg10[%add3A, %dma_start3A_40] : memref<10240x64xf32, #tpu.memory_space<vmem_shared>> -> memref<128x64xf32, #tpu.memory_space<vmem_shared>>
        %dma_start3A_42 = arith.constant 0 : i32
        %dma_start3A_43 = tpu.memref_slice %arg10[%add3A, %dma_start3A_42] : memref<10240x64xf32, #tpu.memory_space<vmem_shared>> -> memref<128x64xf32, #tpu.memory_space<vmem_shared>>
        %dma_start3A_44 = arith.constant 0 : i32
        %dma_start3A_45 = arith.constant 0 : i32
        %dma_start3A_46 = tpu.memref_slice %arg9[%run_scoped3A, %dma_start3A_44, %dma_start3A_45] : memref<5x128x64xf32, #tpu.memory_space<vmem>> -> memref<1x128x64xf32, #tpu.memory_space<vmem>>
        %dma_start3A_47 = tpu.memref_squeeze %dma_start3A_46 : memref<1x128x64xf32, #tpu.memory_space<vmem>> -> memref<128x64xf32, #tpu.memory_space<vmem>>
        tpu.enqueue_dma source(%dma_start3A_47 : memref<128x64xf32, #tpu.memory_space<vmem>>) target(%dma_start3A_43 : memref<128x64xf32, #tpu.memory_space<vmem_shared>>) target_semaphore(%run_scoped3A_36 : memref<!tpu.dma_semaphore, #tpu.memory_space<semaphore_mem>>)
        %dma_wait3A = arith.constant 0 : i32
        %dma_wait3A_48 = arith.constant 0 : i32
        %dma_wait3A_49 = tpu.memref_slice %arg9[%run_scoped3A, %dma_wait3A, %dma_wait3A_48] : memref<5x128x64xf32, #tpu.memory_space<vmem>> -> memref<1x128x64xf32, #tpu.memory_space<vmem>>
        %dma_wait3A_50 = tpu.memref_squeeze %dma_wait3A_49 : memref<1x128x64xf32, #tpu.memory_space<vmem>> -> memref<128x64xf32, #tpu.memory_space<vmem>>
        %dma_wait3A_51 = arith.constant 0 : i32
        %dma_wait3A_52 = tpu.memref_slice %arg10[%add3A, %dma_wait3A_51] : memref<10240x64xf32, #tpu.memory_space<vmem_shared>> -> memref<128x64xf32, #tpu.memory_space<vmem_shared>>
        %dma_wait3A_53 = arith.constant 0 : i32
        %dma_wait3A_54 = tpu.memref_slice %arg10[%add3A, %dma_wait3A_53] : memref<10240x64xf32, #tpu.memory_space<vmem_shared>> -> memref<128x64xf32, #tpu.memory_space<vmem_shared>>
        %dma_wait3A_55 = arith.constant 0 : i32
        %dma_wait3A_56 = arith.constant 0 : i32
        %dma_wait3A_57 = tpu.memref_slice %arg9[%run_scoped3A, %dma_wait3A_55, %dma_wait3A_56] : memref<5x128x64xf32, #tpu.memory_space<vmem>> -> memref<1x128x64xf32, #tpu.memory_space<vmem>>
        %dma_wait3A_58 = tpu.memref_squeeze %dma_wait3A_57 : memref<1x128x64xf32, #tpu.memory_space<vmem>> -> memref<128x64xf32, #tpu.memory_space<vmem>>
        tpu.wait_dma2 semaphore(%run_scoped3A_36 : memref<!tpu.dma_semaphore, #tpu.memory_space<semaphore_mem>>) src(%dma_wait3A_58 : memref<128x64xf32, #tpu.memory_space<vmem>>) dst(%dma_wait3A_54 : memref<128x64xf32, #tpu.memory_space<vmem_shared>>)
        tpu.yield
      }) : () -> ()
      %scan3A_35 = arith.constant 0 : i32
      scf.yield %scan3A_35 : i32
    }
    %scan3A_14 = arith.constant 5 : i32
    %barrier3A = arith.constant 0 : index
    tpu.barrier barrier_id(%barrier3A)
    %eq3A = arith.constant 0 : i32
    %eq3A_15 = arith.cmpi eq, %arg0, %eq3A : i32
    %convert_element_type3A = arith.extui %eq3A_15 : i1 to i32
    %cond3A = arith.constant 0 : i32
    %cond3A_16 = arith.cmpi ne, %convert_element_type3A, %cond3A : i32
    scf.if %cond3A_16 {
      %scan3A_29 = arith.constant 0 : i32
      %scan3A_30 = arith.constant 0 : i32
      %scan3A_31 = arith.constant 5 : i32
      %scan3A_32 = arith.addi %scan3A_30, %scan3A_31 : i32
      %scan3A_33 = arith.constant 1 : i32
      %scan3A_34 = scf.for %scan3A_60 = %scan3A_30 to %scan3A_32 step %scan3A_33 iter_args(%scan3A_61 = %scan3A_29) -> (i32)  : i32 {
        %dma_start3A = arith.constant 0 : i32
        %dma_start3A_62 = arith.constant 0 : i32
        %dma_start3A_63 = tpu.memref_slice %arg9[%scan3A_60, %dma_start3A, %dma_start3A_62] : memref<5x128x64xf32, #tpu.memory_space<vmem>> -> memref<1x128x64xf32, #tpu.memory_space<vmem>>
        %dma_start3A_64 = tpu.memref_squeeze %dma_start3A_63 : memref<1x128x64xf32, #tpu.memory_space<vmem>> -> memref<128x64xf32, #tpu.memory_space<vmem>>
        %dma_start3A_65 = arith.constant 0 : i32
        %dma_start3A_66 = tpu.memref_slice %arg7[%scan3A_60, %dma_start3A_65] : memref<160x128xi32, #tpu.memory_space<vmem>> -> memref<1x128xi32, #tpu.memory_space<vmem>>
        %dma_start3A_67 = tpu.memref_squeeze %dma_start3A_66 : memref<1x128xi32, #tpu.memory_space<vmem>> -> memref<128xi32, #tpu.memory_space<vmem>>
        %dma_start3A_68 = arith.constant 0 : i32
        %dma_start3A_69 = arith.constant 0 : i32
        %dma_start3A_70 = tpu.memref_slice %arg2[%dma_start3A_68, %dma_start3A_69] : memref<10000x64xf32, #tpu.memory_space<hbm>> -> memref<10000x64xf32, #tpu.memory_space<hbm>>
        %dma_start3A_71 = tpu.memref_slice %arg11[%scan3A_60] : memref<5x!tpu.dma_semaphore, #tpu.memory_space<semaphore_mem>> -> memref<1x!tpu.dma_semaphore, #tpu.memory_space<semaphore_mem>>
        %dma_start3A_72 = tpu.memref_squeeze %dma_start3A_71 : memref<1x!tpu.dma_semaphore, #tpu.memory_space<semaphore_mem>> -> memref<!tpu.dma_semaphore, #tpu.memory_space<semaphore_mem>>
        tpu.enqueue_indirect_dma source(%dma_start3A_70 : memref<10000x64xf32, #tpu.memory_space<hbm>>) target(%dma_start3A_64 : memref<128x64xf32, #tpu.memory_space<vmem>>) offsets(%dma_start3A_67 : memref<128xi32, #tpu.memory_space<vmem>>) semaphore(%dma_start3A_72 : memref<!tpu.dma_semaphore, #tpu.memory_space<semaphore_mem>>)
        %scan3A_73 = arith.constant 0 : i32
        scf.yield %scan3A_73 : i32
      }
      %scan3A_35 = arith.constant 5 : i32
      %scan3A_36 = arith.constant 0 : i32
      %scan3A_37 = arith.constant 0 : i32
      %scan3A_38 = arith.constant 160 : i32
      %scan3A_39 = arith.addi %scan3A_37, %scan3A_38 : i32
      %scan3A_40 = arith.constant 1 : i32
      %scan3A_41 = scf.for %scan3A_60 = %scan3A_37 to %scan3A_39 step %scan3A_40 iter_args(%scan3A_61 = %scan3A_36) -> (i32)  : i32 {
        %rem3A_62 = arith.constant 5 : i32
        %rem3A_63 = arith.remsi %scan3A_60, %rem3A_62 : i32
        %dma_wait3A_64 = arith.constant 0 : i32
        %dma_wait3A_65 = arith.constant 0 : i32
        %dma_wait3A_66 = tpu.memref_slice %arg9[%rem3A_63, %dma_wait3A_64, %dma_wait3A_65] : memref<5x128x64xf32, #tpu.memory_space<vmem>> -> memref<1x128x64xf32, #tpu.memory_space<vmem>>
        %dma_wait3A_67 = tpu.memref_squeeze %dma_wait3A_66 : memref<1x128x64xf32, #tpu.memory_space<vmem>> -> memref<128x64xf32, #tpu.memory_space<vmem>>
        %dma_wait3A_68 = arith.constant 0 : i32
        %dma_wait3A_69 = tpu.memref_slice %arg7[%scan3A_60, %dma_wait3A_68] : memref<160x128xi32, #tpu.memory_space<vmem>> -> memref<1x128xi32, #tpu.memory_space<vmem>>
        %dma_wait3A_70 = tpu.memref_squeeze %dma_wait3A_69 : memref<1x128xi32, #tpu.memory_space<vmem>> -> memref<128xi32, #tpu.memory_space<vmem>>
        %dma_wait3A_71 = arith.constant 0 : i32
        %dma_wait3A_72 = arith.constant 0 : i32
        %dma_wait3A_73 = tpu.memref_slice %arg2[%dma_wait3A_71, %dma_wait3A_72] : memref<10000x64xf32, #tpu.memory_space<hbm>> -> memref<10000x64xf32, #tpu.memory_space<hbm>>
        %dma_wait3A_74 = tpu.memref_slice %arg11[%rem3A_63] : memref<5x!tpu.dma_semaphore, #tpu.memory_space<semaphore_mem>> -> memref<1x!tpu.dma_semaphore, #tpu.memory_space<semaphore_mem>>
        %dma_wait3A_75 = tpu.memref_squeeze %dma_wait3A_74 : memref<1x!tpu.dma_semaphore, #tpu.memory_space<semaphore_mem>> -> memref<!tpu.dma_semaphore, #tpu.memory_space<semaphore_mem>>
        tpu.wait_indirect_dma semaphore(%dma_wait3A_75 : memref<!tpu.dma_semaphore, #tpu.memory_space<semaphore_mem>>) src(%dma_wait3A_73 : memref<10000x64xf32, #tpu.memory_space<hbm>>) dst(%dma_wait3A_67 : memref<128x64xf32, #tpu.memory_space<vmem>>)
        %dma_start3A = arith.constant 0 : i32
        %dma_start3A_76 = arith.constant 0 : i32
        %dma_start3A_77 = tpu.memref_slice %arg9[%rem3A_63, %dma_start3A, %dma_start3A_76] : memref<5x128x64xf32, #tpu.memory_space<vmem>> -> memref<1x128x64xf32, #tpu.memory_space<vmem>>
        %dma_start3A_78 = tpu.memref_squeeze %dma_start3A_77 : memref<1x128x64xf32, #tpu.memory_space<vmem>> -> memref<128x64xf32, #tpu.memory_space<vmem>>
        %dma_start3A_79 = arith.constant 0 : i32
        %dma_start3A_80 = tpu.memref_slice %arg8[%scan3A_60, %dma_start3A_79] : memref<160x128xi32, #tpu.memory_space<vmem>> -> memref<1x128xi32, #tpu.memory_space<vmem>>
        %dma_start3A_81 = tpu.memref_squeeze %dma_start3A_80 : memref<1x128xi32, #tpu.memory_space<vmem>> -> memref<128xi32, #tpu.memory_space<vmem>>
        %dma_start3A_82 = arith.constant 0 : i32
        %dma_start3A_83 = arith.constant 0 : i32
        %dma_start3A_84 = tpu.memref_slice %arg10[%dma_start3A_82, %dma_start3A_83] : memref<10240x64xf32, #tpu.memory_space<vmem_shared>> -> memref<10240x64xf32, #tpu.memory_space<vmem_shared>>
        %dma_start3A_85 = tpu.memref_slice %arg12[%rem3A_63] : memref<5x!tpu.dma_semaphore, #tpu.memory_space<semaphore_mem>> -> memref<1x!tpu.dma_semaphore, #tpu.memory_space<semaphore_mem>>
        %dma_start3A_86 = tpu.memref_squeeze %dma_start3A_85 : memref<1x!tpu.dma_semaphore, #tpu.memory_space<semaphore_mem>> -> memref<!tpu.dma_semaphore, #tpu.memory_space<semaphore_mem>>
        tpu.enqueue_indirect_dma source(%dma_start3A_78 : memref<128x64xf32, #tpu.memory_space<vmem>>) target(%dma_start3A_84 : memref<10240x64xf32, #tpu.memory_space<vmem_shared>>) offsets(%dma_start3A_81 : memref<128xi32, #tpu.memory_space<vmem>>) semaphore(%dma_start3A_86 : memref<!tpu.dma_semaphore, #tpu.memory_space<semaphore_mem>>) {add = true}
        %ge3A = arith.constant 1 : i32
        %ge3A_87 = arith.cmpi sge, %scan3A_60, %ge3A : i32
        %convert_element_type3A_88 = arith.extui %ge3A_87 : i1 to i32
        %cond3A_89 = arith.constant 0 : i32
        %cond3A_90 = arith.cmpi ne, %convert_element_type3A_88, %cond3A_89 : i32
        scf.if %cond3A_90 {
          %sub3A = arith.constant 1 : i32
          %sub3A_92 = arith.subi %scan3A_60, %sub3A : i32
          %rem3A_93 = arith.constant 5 : i32
          %rem3A_94 = arith.remsi %sub3A_92, %rem3A_93 : i32
          %dma_wait3A_95 = arith.constant 0 : i32
          %dma_wait3A_96 = arith.constant 0 : i32
          %dma_wait3A_97 = tpu.memref_slice %arg9[%rem3A_94, %dma_wait3A_95, %dma_wait3A_96] : memref<5x128x64xf32, #tpu.memory_space<vmem>> -> memref<1x128x64xf32, #tpu.memory_space<vmem>>
          %dma_wait3A_98 = tpu.memref_squeeze %dma_wait3A_97 : memref<1x128x64xf32, #tpu.memory_space<vmem>> -> memref<128x64xf32, #tpu.memory_space<vmem>>
          %dma_wait3A_99 = arith.constant 0 : i32
          %dma_wait3A_100 = tpu.memref_slice %arg8[%sub3A_92, %dma_wait3A_99] : memref<160x128xi32, #tpu.memory_space<vmem>> -> memref<1x128xi32, #tpu.memory_space<vmem>>
          %dma_wait3A_101 = tpu.memref_squeeze %dma_wait3A_100 : memref<1x128xi32, #tpu.memory_space<vmem>> -> memref<128xi32, #tpu.memory_space<vmem>>
          %dma_wait3A_102 = arith.constant 0 : i32
          %dma_wait3A_103 = arith.constant 0 : i32
          %dma_wait3A_104 = tpu.memref_slice %arg10[%dma_wait3A_102, %dma_wait3A_103] : memref<10240x64xf32, #tpu.memory_space<vmem_shared>> -> memref<10240x64xf32, #tpu.memory_space<vmem_shared>>
          %dma_wait3A_105 = tpu.memref_slice %arg12[%rem3A_94] : memref<5x!tpu.dma_semaphore, #tpu.memory_space<semaphore_mem>> -> memref<1x!tpu.dma_semaphore, #tpu.memory_space<semaphore_mem>>
          %dma_wait3A_106 = tpu.memref_squeeze %dma_wait3A_105 : memref<1x!tpu.dma_semaphore, #tpu.memory_space<semaphore_mem>> -> memref<!tpu.dma_semaphore, #tpu.memory_space<semaphore_mem>>
          tpu.wait_indirect_dma semaphore(%dma_wait3A_106 : memref<!tpu.dma_semaphore, #tpu.memory_space<semaphore_mem>>) src(%dma_wait3A_98 : memref<128x64xf32, #tpu.memory_space<vmem>>) dst(%dma_wait3A_104 : memref<10240x64xf32, #tpu.memory_space<vmem_shared>>)
          %add3A_107 = arith.constant 5 : i32
          %add3A_108 = arith.addi %sub3A_92, %add3A_107 : i32
          %lt3A = arith.constant 160 : i32
          %lt3A_109 = arith.cmpi slt, %add3A_108, %lt3A : i32
          %convert_element_type3A_110 = arith.extui %lt3A_109 : i1 to i32
          %cond3A_111 = arith.constant 0 : i32
          %cond3A_112 = arith.cmpi ne, %convert_element_type3A_110, %cond3A_111 : i32
          scf.if %cond3A_112 {
            %add3A_113 = arith.constant 5 : i32
            %add3A_114 = arith.addi %sub3A_92, %add3A_113 : i32
            %dma_start3A_115 = arith.constant 0 : i32
            %dma_start3A_116 = arith.constant 0 : i32
            %dma_start3A_117 = tpu.memref_slice %arg9[%rem3A_94, %dma_start3A_115, %dma_start3A_116] : memref<5x128x64xf32, #tpu.memory_space<vmem>> -> memref<1x128x64xf32, #tpu.memory_space<vmem>>
            %dma_start3A_118 = tpu.memref_squeeze %dma_start3A_117 : memref<1x128x64xf32, #tpu.memory_space<vmem>> -> memref<128x64xf32, #tpu.memory_space<vmem>>
            %dma_start3A_119 = arith.constant 0 : i32
            %dma_start3A_120 = tpu.memref_slice %arg7[%add3A_114, %dma_start3A_119] : memref<160x128xi32, #tpu.memory_space<vmem>> -> memref<1x128xi32, #tpu.memory_space<vmem>>
            %dma_start3A_121 = tpu.memref_squeeze %dma_start3A_120 : memref<1x128xi32, #tpu.memory_space<vmem>> -> memref<128xi32, #tpu.memory_space<vmem>>
            %dma_start3A_122 = arith.constant 0 : i32
            %dma_start3A_123 = arith.constant 0 : i32
            %dma_start3A_124 = tpu.memref_slice %arg2[%dma_start3A_122, %dma_start3A_123] : memref<10000x64xf32, #tpu.memory_space<hbm>> -> memref<10000x64xf32, #tpu.memory_space<hbm>>
            %dma_start3A_125 = tpu.memref_slice %arg11[%rem3A_94] : memref<5x!tpu.dma_semaphore, #tpu.memory_space<semaphore_mem>> -> memref<1x!tpu.dma_semaphore, #tpu.memory_space<semaphore_mem>>
            %dma_start3A_126 = tpu.memref_squeeze %dma_start3A_125 : memref<1x!tpu.dma_semaphore, #tpu.memory_space<semaphore_mem>> -> memref<!tpu.dma_semaphore, #tpu.memory_space<semaphore_mem>>
            tpu.enqueue_indirect_dma source(%dma_start3A_124 : memref<10000x64xf32, #tpu.memory_space<hbm>>) target(%dma_start3A_118 : memref<128x64xf32, #tpu.memory_space<vmem>>) offsets(%dma_start3A_121 : memref<128xi32, #tpu.memory_space<vmem>>) semaphore(%dma_start3A_126 : memref<!tpu.dma_semaphore, #tpu.memory_space<semaphore_mem>>)
          } else {
          }
        } else {
        }
        %scan3A_91 = arith.constant 0 : i32
        scf.yield %scan3A_91 : i32
      }
      %scan3A_42 = arith.constant 160 : i32
      %scan3A_43 = arith.constant 0 : i32
      %scan3A_44 = arith.constant 0 : i32
      %add3A = arith.constant 159 : i32
      %add3A_45 = arith.addi %add3A, %scan3A_44 : i32
      %rem3A = arith.constant 5 : i32
      %rem3A_46 = arith.remsi %add3A_45, %rem3A : i32
      %dma_wait3A = arith.constant 0 : i32
      %dma_wait3A_47 = arith.constant 0 : i32
      %dma_wait3A_48 = tpu.memref_slice %arg9[%rem3A_46, %dma_wait3A, %dma_wait3A_47] : memref<5x128x64xf32, #tpu.memory_space<vmem>> -> memref<1x128x64xf32, #tpu.memory_space<vmem>>
      %dma_wait3A_49 = tpu.memref_squeeze %dma_wait3A_48 : memref<1x128x64xf32, #tpu.memory_space<vmem>> -> memref<128x64xf32, #tpu.memory_space<vmem>>
      %dma_wait3A_50 = arith.constant 0 : i32
      %dma_wait3A_51 = tpu.memref_slice %arg8[%add3A_45, %dma_wait3A_50] : memref<160x128xi32, #tpu.memory_space<vmem>> -> memref<1x128xi32, #tpu.memory_space<vmem>>
      %dma_wait3A_52 = tpu.memref_squeeze %dma_wait3A_51 : memref<1x128xi32, #tpu.memory_space<vmem>> -> memref<128xi32, #tpu.memory_space<vmem>>
      %dma_wait3A_53 = arith.constant 0 : i32
      %dma_wait3A_54 = arith.constant 0 : i32
      %dma_wait3A_55 = tpu.memref_slice %arg10[%dma_wait3A_53, %dma_wait3A_54] : memref<10240x64xf32, #tpu.memory_space<vmem_shared>> -> memref<10240x64xf32, #tpu.memory_space<vmem_shared>>
      %dma_wait3A_56 = tpu.memref_slice %arg12[%rem3A_46] : memref<5x!tpu.dma_semaphore, #tpu.memory_space<semaphore_mem>> -> memref<1x!tpu.dma_semaphore, #tpu.memory_space<semaphore_mem>>
      %dma_wait3A_57 = tpu.memref_squeeze %dma_wait3A_56 : memref<1x!tpu.dma_semaphore, #tpu.memory_space<semaphore_mem>> -> memref<!tpu.dma_semaphore, #tpu.memory_space<semaphore_mem>>
      tpu.wait_indirect_dma semaphore(%dma_wait3A_57 : memref<!tpu.dma_semaphore, #tpu.memory_space<semaphore_mem>>) src(%dma_wait3A_49 : memref<128x64xf32, #tpu.memory_space<vmem>>) dst(%dma_wait3A_55 : memref<10240x64xf32, #tpu.memory_space<vmem_shared>>)
      %scan3A_58 = arith.constant 0 : i32
      %scan3A_59 = arith.constant 1 : i32
    } else {
    }
    %eq3A_17 = arith.constant 1 : i32
    %eq3A_18 = arith.cmpi eq, %arg0, %eq3A_17 : i32
    %convert_element_type3A_19 = arith.extui %eq3A_18 : i1 to i32
    %cond3A_20 = arith.constant 0 : i32
    %cond3A_21 = arith.cmpi ne, %convert_element_type3A_19, %cond3A_20 : i32
    scf.if %cond3A_21 {
      %scan3A_29 = arith.constant 0 : i32
      %scan3A_30 = arith.constant 0 : i32
      %scan3A_31 = arith.constant 5 : i32
      %scan3A_32 = arith.addi %scan3A_30, %scan3A_31 : i32
      %scan3A_33 = arith.constant 1 : i32
      %scan3A_34 = scf.for %scan3A_60 = %scan3A_30 to %scan3A_32 step %scan3A_33 iter_args(%scan3A_61 = %scan3A_29) -> (i32)  : i32 {
        %dma_start3A = arith.constant 0 : i32
        %dma_start3A_62 = arith.constant 0 : i32
        %dma_start3A_63 = tpu.memref_slice %arg9[%scan3A_60, %dma_start3A, %dma_start3A_62] : memref<5x128x64xf32, #tpu.memory_space<vmem>> -> memref<1x128x64xf32, #tpu.memory_space<vmem>>
        %dma_start3A_64 = tpu.memref_squeeze %dma_start3A_63 : memref<1x128x64xf32, #tpu.memory_space<vmem>> -> memref<128x64xf32, #tpu.memory_space<vmem>>
        %dma_start3A_65 = arith.constant 0 : i32
        %dma_start3A_66 = tpu.memref_slice %arg7[%scan3A_60, %dma_start3A_65] : memref<160x128xi32, #tpu.memory_space<vmem>> -> memref<1x128xi32, #tpu.memory_space<vmem>>
        %dma_start3A_67 = tpu.memref_squeeze %dma_start3A_66 : memref<1x128xi32, #tpu.memory_space<vmem>> -> memref<128xi32, #tpu.memory_space<vmem>>
        %dma_start3A_68 = arith.constant 0 : i32
        %dma_start3A_69 = arith.constant 0 : i32
        %dma_start3A_70 = tpu.memref_slice %arg3[%dma_start3A_68, %dma_start3A_69] : memref<10000x64xf32, #tpu.memory_space<hbm>> -> memref<10000x64xf32, #tpu.memory_space<hbm>>
        %dma_start3A_71 = tpu.memref_slice %arg11[%scan3A_60] : memref<5x!tpu.dma_semaphore, #tpu.memory_space<semaphore_mem>> -> memref<1x!tpu.dma_semaphore, #tpu.memory_space<semaphore_mem>>
        %dma_start3A_72 = tpu.memref_squeeze %dma_start3A_71 : memref<1x!tpu.dma_semaphore, #tpu.memory_space<semaphore_mem>> -> memref<!tpu.dma_semaphore, #tpu.memory_space<semaphore_mem>>
        tpu.enqueue_indirect_dma source(%dma_start3A_70 : memref<10000x64xf32, #tpu.memory_space<hbm>>) target(%dma_start3A_64 : memref<128x64xf32, #tpu.memory_space<vmem>>) offsets(%dma_start3A_67 : memref<128xi32, #tpu.memory_space<vmem>>) semaphore(%dma_start3A_72 : memref<!tpu.dma_semaphore, #tpu.memory_space<semaphore_mem>>)
        %scan3A_73 = arith.constant 0 : i32
        scf.yield %scan3A_73 : i32
      }
      %scan3A_35 = arith.constant 5 : i32
      %scan3A_36 = arith.constant 0 : i32
      %scan3A_37 = arith.constant 0 : i32
      %scan3A_38 = arith.constant 160 : i32
      %scan3A_39 = arith.addi %scan3A_37, %scan3A_38 : i32
      %scan3A_40 = arith.constant 1 : i32
      %scan3A_41 = scf.for %scan3A_60 = %scan3A_37 to %scan3A_39 step %scan3A_40 iter_args(%scan3A_61 = %scan3A_36) -> (i32)  : i32 {
        %rem3A_62 = arith.constant 5 : i32
        %rem3A_63 = arith.remsi %scan3A_60, %rem3A_62 : i32
        %dma_wait3A_64 = arith.constant 0 : i32
        %dma_wait3A_65 = arith.constant 0 : i32
        %dma_wait3A_66 = tpu.memref_slice %arg9[%rem3A_63, %dma_wait3A_64, %dma_wait3A_65] : memref<5x128x64xf32, #tpu.memory_space<vmem>> -> memref<1x128x64xf32, #tpu.memory_space<vmem>>
        %dma_wait3A_67 = tpu.memref_squeeze %dma_wait3A_66 : memref<1x128x64xf32, #tpu.memory_space<vmem>> -> memref<128x64xf32, #tpu.memory_space<vmem>>
        %dma_wait3A_68 = arith.constant 0 : i32
        %dma_wait3A_69 = tpu.memref_slice %arg7[%scan3A_60, %dma_wait3A_68] : memref<160x128xi32, #tpu.memory_space<vmem>> -> memref<1x128xi32, #tpu.memory_space<vmem>>
        %dma_wait3A_70 = tpu.memref_squeeze %dma_wait3A_69 : memref<1x128xi32, #tpu.memory_space<vmem>> -> memref<128xi32, #tpu.memory_space<vmem>>
        %dma_wait3A_71 = arith.constant 0 : i32
        %dma_wait3A_72 = arith.constant 0 : i32
        %dma_wait3A_73 = tpu.memref_slice %arg3[%dma_wait3A_71, %dma_wait3A_72] : memref<10000x64xf32, #tpu.memory_space<hbm>> -> memref<10000x64xf32, #tpu.memory_space<hbm>>
        %dma_wait3A_74 = tpu.memref_slice %arg11[%rem3A_63] : memref<5x!tpu.dma_semaphore, #tpu.memory_space<semaphore_mem>> -> memref<1x!tpu.dma_semaphore, #tpu.memory_space<semaphore_mem>>
        %dma_wait3A_75 = tpu.memref_squeeze %dma_wait3A_74 : memref<1x!tpu.dma_semaphore, #tpu.memory_space<semaphore_mem>> -> memref<!tpu.dma_semaphore, #tpu.memory_space<semaphore_mem>>
        tpu.wait_indirect_dma semaphore(%dma_wait3A_75 : memref<!tpu.dma_semaphore, #tpu.memory_space<semaphore_mem>>) src(%dma_wait3A_73 : memref<10000x64xf32, #tpu.memory_space<hbm>>) dst(%dma_wait3A_67 : memref<128x64xf32, #tpu.memory_space<vmem>>)
        %dma_start3A = arith.constant 0 : i32
        %dma_start3A_76 = arith.constant 0 : i32
        %dma_start3A_77 = tpu.memref_slice %arg9[%rem3A_63, %dma_start3A, %dma_start3A_76] : memref<5x128x64xf32, #tpu.memory_space<vmem>> -> memref<1x128x64xf32, #tpu.memory_space<vmem>>
        %dma_start3A_78 = tpu.memref_squeeze %dma_start3A_77 : memref<1x128x64xf32, #tpu.memory_space<vmem>> -> memref<128x64xf32, #tpu.memory_space<vmem>>
        %dma_start3A_79 = arith.constant 0 : i32
        %dma_start3A_80 = tpu.memref_slice %arg8[%scan3A_60, %dma_start3A_79] : memref<160x128xi32, #tpu.memory_space<vmem>> -> memref<1x128xi32, #tpu.memory_space<vmem>>
        %dma_start3A_81 = tpu.memref_squeeze %dma_start3A_80 : memref<1x128xi32, #tpu.memory_space<vmem>> -> memref<128xi32, #tpu.memory_space<vmem>>
        %dma_start3A_82 = arith.constant 0 : i32
        %dma_start3A_83 = arith.constant 0 : i32
        %dma_start3A_84 = tpu.memref_slice %arg10[%dma_start3A_82, %dma_start3A_83] : memref<10240x64xf32, #tpu.memory_space<vmem_shared>> -> memref<10240x64xf32, #tpu.memory_space<vmem_shared>>
        %dma_start3A_85 = tpu.memref_slice %arg12[%rem3A_63] : memref<5x!tpu.dma_semaphore, #tpu.memory_space<semaphore_mem>> -> memref<1x!tpu.dma_semaphore, #tpu.memory_space<semaphore_mem>>
        %dma_start3A_86 = tpu.memref_squeeze %dma_start3A_85 : memref<1x!tpu.dma_semaphore, #tpu.memory_space<semaphore_mem>> -> memref<!tpu.dma_semaphore, #tpu.memory_space<semaphore_mem>>
        tpu.enqueue_indirect_dma source(%dma_start3A_78 : memref<128x64xf32, #tpu.memory_space<vmem>>) target(%dma_start3A_84 : memref<10240x64xf32, #tpu.memory_space<vmem_shared>>) offsets(%dma_start3A_81 : memref<128xi32, #tpu.memory_space<vmem>>) semaphore(%dma_start3A_86 : memref<!tpu.dma_semaphore, #tpu.memory_space<semaphore_mem>>) {add = true}
        %ge3A = arith.constant 1 : i32
        %ge3A_87 = arith.cmpi sge, %scan3A_60, %ge3A : i32
        %convert_element_type3A_88 = arith.extui %ge3A_87 : i1 to i32
        %cond3A_89 = arith.constant 0 : i32
        %cond3A_90 = arith.cmpi ne, %convert_element_type3A_88, %cond3A_89 : i32
        scf.if %cond3A_90 {
          %sub3A = arith.constant 1 : i32
          %sub3A_92 = arith.subi %scan3A_60, %sub3A : i32
          %rem3A_93 = arith.constant 5 : i32
          %rem3A_94 = arith.remsi %sub3A_92, %rem3A_93 : i32
          %dma_wait3A_95 = arith.constant 0 : i32
          %dma_wait3A_96 = arith.constant 0 : i32
          %dma_wait3A_97 = tpu.memref_slice %arg9[%rem3A_94, %dma_wait3A_95, %dma_wait3A_96] : memref<5x128x64xf32, #tpu.memory_space<vmem>> -> memref<1x128x64xf32, #tpu.memory_space<vmem>>
          %dma_wait3A_98 = tpu.memref_squeeze %dma_wait3A_97 : memref<1x128x64xf32, #tpu.memory_space<vmem>> -> memref<128x64xf32, #tpu.memory_space<vmem>>
          %dma_wait3A_99 = arith.constant 0 : i32
          %dma_wait3A_100 = tpu.memref_slice %arg8[%sub3A_92, %dma_wait3A_99] : memref<160x128xi32, #tpu.memory_space<vmem>> -> memref<1x128xi32, #tpu.memory_space<vmem>>
          %dma_wait3A_101 = tpu.memref_squeeze %dma_wait3A_100 : memref<1x128xi32, #tpu.memory_space<vmem>> -> memref<128xi32, #tpu.memory_space<vmem>>
          %dma_wait3A_102 = arith.constant 0 : i32
          %dma_wait3A_103 = arith.constant 0 : i32
          %dma_wait3A_104 = tpu.memref_slice %arg10[%dma_wait3A_102, %dma_wait3A_103] : memref<10240x64xf32, #tpu.memory_space<vmem_shared>> -> memref<10240x64xf32, #tpu.memory_space<vmem_shared>>
          %dma_wait3A_105 = tpu.memref_slice %arg12[%rem3A_94] : memref<5x!tpu.dma_semaphore, #tpu.memory_space<semaphore_mem>> -> memref<1x!tpu.dma_semaphore, #tpu.memory_space<semaphore_mem>>
          %dma_wait3A_106 = tpu.memref_squeeze %dma_wait3A_105 : memref<1x!tpu.dma_semaphore, #tpu.memory_space<semaphore_mem>> -> memref<!tpu.dma_semaphore, #tpu.memory_space<semaphore_mem>>
          tpu.wait_indirect_dma semaphore(%dma_wait3A_106 : memref<!tpu.dma_semaphore, #tpu.memory_space<semaphore_mem>>) src(%dma_wait3A_98 : memref<128x64xf32, #tpu.memory_space<vmem>>) dst(%dma_wait3A_104 : memref<10240x64xf32, #tpu.memory_space<vmem_shared>>)
          %add3A_107 = arith.constant 5 : i32
          %add3A_108 = arith.addi %sub3A_92, %add3A_107 : i32
          %lt3A = arith.constant 160 : i32
          %lt3A_109 = arith.cmpi slt, %add3A_108, %lt3A : i32
          %convert_element_type3A_110 = arith.extui %lt3A_109 : i1 to i32
          %cond3A_111 = arith.constant 0 : i32
          %cond3A_112 = arith.cmpi ne, %convert_element_type3A_110, %cond3A_111 : i32
          scf.if %cond3A_112 {
            %add3A_113 = arith.constant 5 : i32
            %add3A_114 = arith.addi %sub3A_92, %add3A_113 : i32
            %dma_start3A_115 = arith.constant 0 : i32
            %dma_start3A_116 = arith.constant 0 : i32
            %dma_start3A_117 = tpu.memref_slice %arg9[%rem3A_94, %dma_start3A_115, %dma_start3A_116] : memref<5x128x64xf32, #tpu.memory_space<vmem>> -> memref<1x128x64xf32, #tpu.memory_space<vmem>>
            %dma_start3A_118 = tpu.memref_squeeze %dma_start3A_117 : memref<1x128x64xf32, #tpu.memory_space<vmem>> -> memref<128x64xf32, #tpu.memory_space<vmem>>
            %dma_start3A_119 = arith.constant 0 : i32
            %dma_start3A_120 = tpu.memref_slice %arg7[%add3A_114, %dma_start3A_119] : memref<160x128xi32, #tpu.memory_space<vmem>> -> memref<1x128xi32, #tpu.memory_space<vmem>>
            %dma_start3A_121 = tpu.memref_squeeze %dma_start3A_120 : memref<1x128xi32, #tpu.memory_space<vmem>> -> memref<128xi32, #tpu.memory_space<vmem>>
            %dma_start3A_122 = arith.constant 0 : i32
            %dma_start3A_123 = arith.constant 0 : i32
            %dma_start3A_124 = tpu.memref_slice %arg3[%dma_start3A_122, %dma_start3A_123] : memref<10000x64xf32, #tpu.memory_space<hbm>> -> memref<10000x64xf32, #tpu.memory_space<hbm>>
            %dma_start3A_125 = tpu.memref_slice %arg11[%rem3A_94] : memref<5x!tpu.dma_semaphore, #tpu.memory_space<semaphore_mem>> -> memref<1x!tpu.dma_semaphore, #tpu.memory_space<semaphore_mem>>
            %dma_start3A_126 = tpu.memref_squeeze %dma_start3A_125 : memref<1x!tpu.dma_semaphore, #tpu.memory_space<semaphore_mem>> -> memref<!tpu.dma_semaphore, #tpu.memory_space<semaphore_mem>>
            tpu.enqueue_indirect_dma source(%dma_start3A_124 : memref<10000x64xf32, #tpu.memory_space<hbm>>) target(%dma_start3A_118 : memref<128x64xf32, #tpu.memory_space<vmem>>) offsets(%dma_start3A_121 : memref<128xi32, #tpu.memory_space<vmem>>) semaphore(%dma_start3A_126 : memref<!tpu.dma_semaphore, #tpu.memory_space<semaphore_mem>>)
          } else {
          }
        } else {
        }
        %scan3A_91 = arith.constant 0 : i32
        scf.yield %scan3A_91 : i32
      }
      %scan3A_42 = arith.constant 160 : i32
      %scan3A_43 = arith.constant 0 : i32
      %scan3A_44 = arith.constant 0 : i32
      %add3A = arith.constant 159 : i32
      %add3A_45 = arith.addi %add3A, %scan3A_44 : i32
      %rem3A = arith.constant 5 : i32
      %rem3A_46 = arith.remsi %add3A_45, %rem3A : i32
      %dma_wait3A = arith.constant 0 : i32
      %dma_wait3A_47 = arith.constant 0 : i32
      %dma_wait3A_48 = tpu.memref_slice %arg9[%rem3A_46, %dma_wait3A, %dma_wait3A_47] : memref<5x128x64xf32, #tpu.memory_space<vmem>> -> memref<1x128x64xf32, #tpu.memory_space<vmem>>
      %dma_wait3A_49 = tpu.memref_squeeze %dma_wait3A_48 : memref<1x128x64xf32, #tpu.memory_space<vmem>> -> memref<128x64xf32, #tpu.memory_space<vmem>>
      %dma_wait3A_50 = arith.constant 0 : i32
      %dma_wait3A_51 = tpu.memref_slice %arg8[%add3A_45, %dma_wait3A_50] : memref<160x128xi32, #tpu.memory_space<vmem>> -> memref<1x128xi32, #tpu.memory_space<vmem>>
      %dma_wait3A_52 = tpu.memref_squeeze %dma_wait3A_51 : memref<1x128xi32, #tpu.memory_space<vmem>> -> memref<128xi32, #tpu.memory_space<vmem>>
      %dma_wait3A_53 = arith.constant 0 : i32
      %dma_wait3A_54 = arith.constant 0 : i32
      %dma_wait3A_55 = tpu.memref_slice %arg10[%dma_wait3A_53, %dma_wait3A_54] : memref<10240x64xf32, #tpu.memory_space<vmem_shared>> -> memref<10240x64xf32, #tpu.memory_space<vmem_shared>>
      %dma_wait3A_56 = tpu.memref_slice %arg12[%rem3A_46] : memref<5x!tpu.dma_semaphore, #tpu.memory_space<semaphore_mem>> -> memref<1x!tpu.dma_semaphore, #tpu.memory_space<semaphore_mem>>
      %dma_wait3A_57 = tpu.memref_squeeze %dma_wait3A_56 : memref<1x!tpu.dma_semaphore, #tpu.memory_space<semaphore_mem>> -> memref<!tpu.dma_semaphore, #tpu.memory_space<semaphore_mem>>
      tpu.wait_indirect_dma semaphore(%dma_wait3A_57 : memref<!tpu.dma_semaphore, #tpu.memory_space<semaphore_mem>>) src(%dma_wait3A_49 : memref<128x64xf32, #tpu.memory_space<vmem>>) dst(%dma_wait3A_55 : memref<10240x64xf32, #tpu.memory_space<vmem_shared>>)
      %scan3A_58 = arith.constant 0 : i32
      %scan3A_59 = arith.constant 1 : i32
    } else {
    }
    %barrier3A_22 = arith.constant 0 : index
    tpu.barrier barrier_id(%barrier3A_22)
    %mul3A_23 = arith.constant 640 : i32
    %mul3A_24 = arith.muli %arg1, %mul3A_23 : i32
    %mul3A_25 = arith.constant 640 : i32
    %mul3A_26 = arith.muli %arg1, %mul3A_25 : i32
    %mul3A_27 = arith.constant 64 : i32
    %mul3A_28 = arith.muli %arg0, %mul3A_27 : i32
    "tpu.region"() ({
      %run_scoped3A = tpu.sem_alloc : memref<!tpu.dma_semaphore, #tpu.memory_space<semaphore_mem>>
      %dma_start3A = tpu.memref_slice %arg6[%mul3A_26, %mul3A_28] : memref<10240x128xf32, #tpu.memory_space<hbm>> -> memref<640x64xf32, #tpu.memory_space<hbm>>
      %dma_start3A_29 = arith.constant 0 : i32
      %dma_start3A_30 = tpu.memref_slice %arg10[%mul3A_24, %dma_start3A_29] : memref<10240x64xf32, #tpu.memory_space<vmem_shared>> -> memref<640x64xf32, #tpu.memory_space<vmem_shared>>
      tpu.enqueue_dma source(%dma_start3A_30 : memref<640x64xf32, #tpu.memory_space<vmem_shared>>) target(%dma_start3A : memref<640x64xf32, #tpu.memory_space<hbm>>) target_semaphore(%run_scoped3A : memref<!tpu.dma_semaphore, #tpu.memory_space<semaphore_mem>>)
      %dma_wait3A = tpu.memref_slice %arg6[%mul3A_26, %mul3A_28] : memref<10240x128xf32, #tpu.memory_space<hbm>> -> memref<640x64xf32, #tpu.memory_space<hbm>>
      %dma_wait3A_31 = arith.constant 0 : i32
      %dma_wait3A_32 = tpu.memref_slice %arg10[%mul3A_24, %dma_wait3A_31] : memref<10240x64xf32, #tpu.memory_space<vmem_shared>> -> memref<640x64xf32, #tpu.memory_space<vmem_shared>>
      tpu.wait_dma2 semaphore(%run_scoped3A : memref<!tpu.dma_semaphore, #tpu.memory_space<semaphore_mem>>) src(%dma_wait3A_32 : memref<640x64xf32, #tpu.memory_space<vmem_shared>>) dst(%dma_wait3A : memref<640x64xf32, #tpu.memory_space<hbm>>)
      tpu.yield
    }) : () -> ()
    return
  }
}

#map = affine_map<(d0, d1) -> (0, 0)>
#map1 = affine_map<(d0, d1) -> (0, 0, 0)>
module attributes {stable_mosaic.version = 14 : i64} {
  func.func @_epre(%arg0: i32, %arg1: i32, %arg2: memref<327680x32xf32, #tpu.memory_space<hbm>>, %arg3: memref<2560x128xi32, #tpu.memory_space<hbm>>, %arg4: memref<2x10240x32xf32, #tpu.memory_space<hbm>>, %arg5: memref<80x128xi32, #tpu.memory_space<vmem>>, %arg6: memref<5x128x32xf32, #tpu.memory_space<vmem>>, %arg7: memref<10240x32xf32, #tpu.memory_space<vmem_shared>>, %arg8: memref<5x!tpu.dma_semaphore, #tpu.memory_space<semaphore_mem>>, %arg9: memref<5x!tpu.dma_semaphore, #tpu.memory_space<semaphore_mem>>) attributes {dimension_semantics = [#tpu.dimension_semantics<core_parallel>, #tpu.dimension_semantics<subcore_parallel>], iteration_bounds = array<i64: 2, 16>, scalar_prefetch = 0 : i64, scratch_operands = 5 : i64, tpu.core_type = #tpu.core_type<sc_vector_subcore>, window_params = [{transform_indices = #map}, {transform_indices = #map}, {transform_indices = #map1}]} {
    %mul3A = arith.constant 16 : i32
    %mul3A_0 = arith.muli %arg0, %mul3A : i32
    %add3A = arith.addi %mul3A_0, %arg1 : i32
    %mul3A_1 = arith.constant 80 : i32
    %mul3A_2 = arith.muli %add3A, %mul3A_1 : i32
    "tpu.region"() ({
      %run_scoped3A = tpu.sem_alloc : memref<!tpu.dma_semaphore, #tpu.memory_space<semaphore_mem>>
      %dma_start3A = arith.constant 0 : i32
      %dma_start3A_54 = tpu.memref_slice %arg3[%mul3A_2, %dma_start3A] : memref<2560x128xi32, #tpu.memory_space<hbm>> -> memref<80x128xi32, #tpu.memory_space<hbm>>
      %dma_start3A_55 = arith.constant 0 : i32
      %dma_start3A_56 = tpu.memref_slice %arg3[%mul3A_2, %dma_start3A_55] : memref<2560x128xi32, #tpu.memory_space<hbm>> -> memref<80x128xi32, #tpu.memory_space<hbm>>
      tpu.enqueue_dma source(%dma_start3A_56 : memref<80x128xi32, #tpu.memory_space<hbm>>) target(%arg5 : memref<80x128xi32, #tpu.memory_space<vmem>>) target_semaphore(%run_scoped3A : memref<!tpu.dma_semaphore, #tpu.memory_space<semaphore_mem>>)
      %dma_wait3A_57 = arith.constant 0 : i32
      %dma_wait3A_58 = tpu.memref_slice %arg3[%mul3A_2, %dma_wait3A_57] : memref<2560x128xi32, #tpu.memory_space<hbm>> -> memref<80x128xi32, #tpu.memory_space<hbm>>
      %dma_wait3A_59 = arith.constant 0 : i32
      %dma_wait3A_60 = tpu.memref_slice %arg3[%mul3A_2, %dma_wait3A_59] : memref<2560x128xi32, #tpu.memory_space<hbm>> -> memref<80x128xi32, #tpu.memory_space<hbm>>
      tpu.wait_dma2 semaphore(%run_scoped3A : memref<!tpu.dma_semaphore, #tpu.memory_space<semaphore_mem>>) src(%dma_wait3A_60 : memref<80x128xi32, #tpu.memory_space<hbm>>) dst(%arg5 : memref<80x128xi32, #tpu.memory_space<vmem>>)
      tpu.yield
    }) : () -> ()
    %scan3A = arith.constant 0 : i32
    %scan3A_3 = arith.constant 0 : i32
    %scan3A_4 = arith.constant 0 : i32
    %scan3A_5 = arith.constant 128 : i32
    %scan3A_6 = arith.addi %scan3A_4, %scan3A_5 : i32
    %scan3A_7 = arith.constant 1 : i32
    %scan3A_8 = scf.for %scan3A_54 = %scan3A_4 to %scan3A_6 step %scan3A_7 iter_args(%scan3A_55 = %scan3A_3) -> (i32)  : i32 {
      %scan3A_56 = arith.constant 0 : i32
      %scan3A_57 = arith.constant 0 : i32
      %scan3A_58 = arith.constant 2 : i32
      %scan3A_59 = arith.addi %scan3A_57, %scan3A_58 : i32
      %scan3A_60 = arith.constant 1 : i32
      %scan3A_61 = scf.for %scan3A_63 = %scan3A_57 to %scan3A_59 step %scan3A_60 iter_args(%scan3A_64 = %scan3A_56) -> (i32)  : i32 {
        %broadcast_in_dim3A = arith.constant 0.000000e+00 : f32
        %broadcast_in_dim3A_65 = vector.broadcast %broadcast_in_dim3A : f32 to vector<16xf32>
        %mul3A_66 = arith.constant 16 : i32
        %mul3A_67 = arith.muli %scan3A_63, %mul3A_66 : i32
        %swap3A = arith.constant 0 : i32
        %swap3A_68 = arith.constant 0 : i32
        %swap3A_69 = tpu.memref_slice %arg6[%scan3A, %swap3A, %swap3A_68] : memref<5x128x32xf32, #tpu.memory_space<vmem>> -> memref<1x128x32xf32, #tpu.memory_space<vmem>>
        %swap3A_70 = tpu.memref_squeeze %swap3A_69 : memref<1x128x32xf32, #tpu.memory_space<vmem>> -> memref<128x32xf32, #tpu.memory_space<vmem>>
        %swap3A_71 = arith.index_cast %scan3A_54 : i32 to index
        %swap3A_72 = arith.index_cast %mul3A_67 : i32 to index
        %swap3A_73 = tpu.vector_load %swap3A_70[%swap3A_71, %swap3A_72] {strides = array<i32>} : memref<128x32xf32, #tpu.memory_space<vmem>>, vector<1x16xf32>,
        %swap3A_74 = vector.shape_cast %swap3A_73 : vector<1x16xf32> to vector<16xf32>
        %swap3A_75 = vector.shape_cast %broadcast_in_dim3A_65 : vector<16xf32> to vector<1x16xf32>
        tpu.vector_store %swap3A_70[%swap3A_71, %swap3A_72], %swap3A_75 {strides = array<i32>} : memref<128x32xf32, #tpu.memory_space<vmem>>, vector<1x16xf32>,
        %scan3A_76 = arith.constant 0 : i32
        scf.yield %scan3A_76 : i32
      }
      %scan3A_62 = arith.constant 2 : i32
      scf.yield %scan3A_61 : i32
    }
    %scan3A_9 = arith.constant 128 : i32
    %scan3A_10 = arith.constant 0 : i32
    %scan3A_11 = arith.constant 0 : i32
    %scan3A_12 = arith.constant 5 : i32
    %scan3A_13 = arith.addi %scan3A_11, %scan3A_12 : i32
    %scan3A_14 = arith.constant 1 : i32
    %scan3A_15 = scf.for %scan3A_54 = %scan3A_11 to %scan3A_13 step %scan3A_14 iter_args(%scan3A_55 = %scan3A_10) -> (i32)  : i32 {
      %mul3A_56 = arith.constant 640 : i32
      %mul3A_57 = arith.muli %arg1, %mul3A_56 : i32
      %mul3A_58 = arith.constant 128 : i32
      %mul3A_59 = arith.muli %scan3A_54, %mul3A_58 : i32
      %add3A_60 = arith.addi %mul3A_57, %mul3A_59 : i32
      %run_scoped3A = arith.constant 0 : i32
      "tpu.region"() ({
        %run_scoped3A_62 = tpu.sem_alloc : memref<!tpu.dma_semaphore, #tpu.memory_space<semaphore_mem>>
        %dma_start3A = arith.constant 0 : i32
        %dma_start3A_63 = arith.constant 0 : i32
        %dma_start3A_64 = tpu.memref_slice %arg6[%run_scoped3A, %dma_start3A, %dma_start3A_63] : memref<5x128x32xf32, #tpu.memory_space<vmem>> -> memref<1x128x32xf32, #tpu.memory_space<vmem>>
        %dma_start3A_65 = tpu.memref_squeeze %dma_start3A_64 : memref<1x128x32xf32, #tpu.memory_space<vmem>> -> memref<128x32xf32, #tpu.memory_space<vmem>>
        %dma_start3A_66 = arith.constant 0 : i32
        %dma_start3A_67 = tpu.memref_slice %arg7[%add3A_60, %dma_start3A_66] : memref<10240x32xf32, #tpu.memory_space<vmem_shared>> -> memref<128x32xf32, #tpu.memory_space<vmem_shared>>
        %dma_start3A_68 = arith.constant 0 : i32
        %dma_start3A_69 = tpu.memref_slice %arg7[%add3A_60, %dma_start3A_68] : memref<10240x32xf32, #tpu.memory_space<vmem_shared>> -> memref<128x32xf32, #tpu.memory_space<vmem_shared>>
        %dma_start3A_70 = arith.constant 0 : i32
        %dma_start3A_71 = arith.constant 0 : i32
        %dma_start3A_72 = tpu.memref_slice %arg6[%run_scoped3A, %dma_start3A_70, %dma_start3A_71] : memref<5x128x32xf32, #tpu.memory_space<vmem>> -> memref<1x128x32xf32, #tpu.memory_space<vmem>>
        %dma_start3A_73 = tpu.memref_squeeze %dma_start3A_72 : memref<1x128x32xf32, #tpu.memory_space<vmem>> -> memref<128x32xf32, #tpu.memory_space<vmem>>
        tpu.enqueue_dma source(%dma_start3A_73 : memref<128x32xf32, #tpu.memory_space<vmem>>) target(%dma_start3A_69 : memref<128x32xf32, #tpu.memory_space<vmem_shared>>) target_semaphore(%run_scoped3A_62 : memref<!tpu.dma_semaphore, #tpu.memory_space<semaphore_mem>>)
        %dma_wait3A_74 = arith.constant 0 : i32
        %dma_wait3A_75 = arith.constant 0 : i32
        %dma_wait3A_76 = tpu.memref_slice %arg6[%run_scoped3A, %dma_wait3A_74, %dma_wait3A_75] : memref<5x128x32xf32, #tpu.memory_space<vmem>> -> memref<1x128x32xf32, #tpu.memory_space<vmem>>
        %dma_wait3A_77 = tpu.memref_squeeze %dma_wait3A_76 : memref<1x128x32xf32, #tpu.memory_space<vmem>> -> memref<128x32xf32, #tpu.memory_space<vmem>>
        %dma_wait3A_78 = arith.constant 0 : i32
        %dma_wait3A_79 = tpu.memref_slice %arg7[%add3A_60, %dma_wait3A_78] : memref<10240x32xf32, #tpu.memory_space<vmem_shared>> -> memref<128x32xf32, #tpu.memory_space<vmem_shared>>
        %dma_wait3A_80 = arith.constant 0 : i32
        %dma_wait3A_81 = tpu.memref_slice %arg7[%add3A_60, %dma_wait3A_80] : memref<10240x32xf32, #tpu.memory_space<vmem_shared>> -> memref<128x32xf32, #tpu.memory_space<vmem_shared>>
        %dma_wait3A_82 = arith.constant 0 : i32
        %dma_wait3A_83 = arith.constant 0 : i32
        %dma_wait3A_84 = tpu.memref_slice %arg6[%run_scoped3A, %dma_wait3A_82, %dma_wait3A_83] : memref<5x128x32xf32, #tpu.memory_space<vmem>> -> memref<1x128x32xf32, #tpu.memory_space<vmem>>
        %dma_wait3A_85 = tpu.memref_squeeze %dma_wait3A_84 : memref<1x128x32xf32, #tpu.memory_space<vmem>> -> memref<128x32xf32, #tpu.memory_space<vmem>>
        tpu.wait_dma2 semaphore(%run_scoped3A_62 : memref<!tpu.dma_semaphore, #tpu.memory_space<semaphore_mem>>) src(%dma_wait3A_85 : memref<128x32xf32, #tpu.memory_space<vmem>>) dst(%dma_wait3A_81 : memref<128x32xf32, #tpu.memory_space<vmem_shared>>)
        tpu.yield
      }) : () -> ()
      %scan3A_61 = arith.constant 0 : i32
      scf.yield %scan3A_61 : i32
    }
    %scan3A_16 = arith.constant 5 : i32
    %barrier3A = arith.constant 0 : index
    tpu.barrier barrier_id(%barrier3A)
    %scan3A_17 = arith.constant 0 : i32
    %scan3A_18 = arith.constant 0 : i32
    %scan3A_19 = arith.constant 5 : i32
    %scan3A_20 = arith.addi %scan3A_18, %scan3A_19 : i32
    %scan3A_21 = arith.constant 1 : i32
    %scan3A_22 = scf.for %scan3A_54 = %scan3A_18 to %scan3A_20 step %scan3A_21 iter_args(%scan3A_55 = %scan3A_17) -> (i32)  : i32 {
      %add3A_56 = arith.addi %mul3A_2, %scan3A_54 : i32
      %mul3A_57 = arith.constant 128 : i32
      %mul3A_58 = arith.muli %add3A_56, %mul3A_57 : i32
      %dma_start3A = arith.constant 0 : i32
      %dma_start3A_59 = arith.constant 0 : i32
      %dma_start3A_60 = tpu.memref_slice %arg6[%scan3A_54, %dma_start3A, %dma_start3A_59] : memref<5x128x32xf32, #tpu.memory_space<vmem>> -> memref<1x128x32xf32, #tpu.memory_space<vmem>>
      %dma_start3A_61 = tpu.memref_squeeze %dma_start3A_60 : memref<1x128x32xf32, #tpu.memory_space<vmem>> -> memref<128x32xf32, #tpu.memory_space<vmem>>
      %dma_start3A_62 = arith.constant 0 : i32
      %dma_start3A_63 = tpu.memref_slice %arg2[%mul3A_58, %dma_start3A_62] : memref<327680x32xf32, #tpu.memory_space<hbm>> -> memref<128x32xf32, #tpu.memory_space<hbm>>
      %dma_start3A_64 = tpu.memref_slice %arg8[%scan3A_54] : memref<5x!tpu.dma_semaphore, #tpu.memory_space<semaphore_mem>> -> memref<1x!tpu.dma_semaphore, #tpu.memory_space<semaphore_mem>>
      %dma_start3A_65 = tpu.memref_squeeze %dma_start3A_64 : memref<1x!tpu.dma_semaphore, #tpu.memory_space<semaphore_mem>> -> memref<!tpu.dma_semaphore, #tpu.memory_space<semaphore_mem>>
      %dma_start3A_66 = arith.constant 0 : i32
      %dma_start3A_67 = arith.constant 0 : i32
      %dma_start3A_68 = tpu.memref_slice %arg6[%scan3A_54, %dma_start3A_66, %dma_start3A_67] : memref<5x128x32xf32, #tpu.memory_space<vmem>> -> memref<1x128x32xf32, #tpu.memory_space<vmem>>
      %dma_start3A_69 = tpu.memref_squeeze %dma_start3A_68 : memref<1x128x32xf32, #tpu.memory_space<vmem>> -> memref<128x32xf32, #tpu.memory_space<vmem>>
      %dma_start3A_70 = arith.constant 0 : i32
      %dma_start3A_71 = tpu.memref_slice %arg2[%mul3A_58, %dma_start3A_70] : memref<327680x32xf32, #tpu.memory_space<hbm>> -> memref<128x32xf32, #tpu.memory_space<hbm>>
      tpu.enqueue_dma source(%dma_start3A_71 : memref<128x32xf32, #tpu.memory_space<hbm>>) target(%dma_start3A_69 : memref<128x32xf32, #tpu.memory_space<vmem>>) target_semaphore(%dma_start3A_65 : memref<!tpu.dma_semaphore, #tpu.memory_space<semaphore_mem>>)
      %scan3A_72 = arith.constant 0 : i32
      scf.yield %scan3A_72 : i32
    }
    %scan3A_23 = arith.constant 5 : i32
    %scan3A_24 = arith.constant 0 : i32
    %scan3A_25 = arith.constant 0 : i32
    %scan3A_26 = arith.constant 80 : i32
    %scan3A_27 = arith.addi %scan3A_25, %scan3A_26 : i32
    %scan3A_28 = arith.constant 1 : i32
    %scan3A_29 = scf.for %scan3A_54 = %scan3A_25 to %scan3A_27 step %scan3A_28 iter_args(%scan3A_55 = %scan3A_24) -> (i32)  : i32 {
      %rem3A_56 = arith.constant 5 : i32
      %rem3A_57 = arith.remsi %scan3A_54, %rem3A_56 : i32
      %add3A_58 = arith.addi %mul3A_2, %scan3A_54 : i32
      %mul3A_59 = arith.constant 128 : i32
      %mul3A_60 = arith.muli %add3A_58, %mul3A_59 : i32
      %dma_wait3A_61 = arith.constant 0 : i32
      %dma_wait3A_62 = arith.constant 0 : i32
      %dma_wait3A_63 = tpu.memref_slice %arg6[%rem3A_57, %dma_wait3A_61, %dma_wait3A_62] : memref<5x128x32xf32, #tpu.memory_space<vmem>> -> memref<1x128x32xf32, #tpu.memory_space<vmem>>
      %dma_wait3A_64 = tpu.memref_squeeze %dma_wait3A_63 : memref<1x128x32xf32, #tpu.memory_space<vmem>> -> memref<128x32xf32, #tpu.memory_space<vmem>>
      %dma_wait3A_65 = arith.constant 0 : i32
      %dma_wait3A_66 = tpu.memref_slice %arg2[%mul3A_60, %dma_wait3A_65] : memref<327680x32xf32, #tpu.memory_space<hbm>> -> memref<128x32xf32, #tpu.memory_space<hbm>>
      %dma_wait3A_67 = tpu.memref_slice %arg8[%rem3A_57] : memref<5x!tpu.dma_semaphore, #tpu.memory_space<semaphore_mem>> -> memref<1x!tpu.dma_semaphore, #tpu.memory_space<semaphore_mem>>
      %dma_wait3A_68 = tpu.memref_squeeze %dma_wait3A_67 : memref<1x!tpu.dma_semaphore, #tpu.memory_space<semaphore_mem>> -> memref<!tpu.dma_semaphore, #tpu.memory_space<semaphore_mem>>
      %dma_wait3A_69 = arith.constant 0 : i32
      %dma_wait3A_70 = arith.constant 0 : i32
      %dma_wait3A_71 = tpu.memref_slice %arg6[%rem3A_57, %dma_wait3A_69, %dma_wait3A_70] : memref<5x128x32xf32, #tpu.memory_space<vmem>> -> memref<1x128x32xf32, #tpu.memory_space<vmem>>
      %dma_wait3A_72 = tpu.memref_squeeze %dma_wait3A_71 : memref<1x128x32xf32, #tpu.memory_space<vmem>> -> memref<128x32xf32, #tpu.memory_space<vmem>>
      %dma_wait3A_73 = arith.constant 0 : i32
      %dma_wait3A_74 = tpu.memref_slice %arg2[%mul3A_60, %dma_wait3A_73] : memref<327680x32xf32, #tpu.memory_space<hbm>> -> memref<128x32xf32, #tpu.memory_space<hbm>>
      tpu.wait_dma2 semaphore(%dma_wait3A_68 : memref<!tpu.dma_semaphore, #tpu.memory_space<semaphore_mem>>) src(%dma_wait3A_74 : memref<128x32xf32, #tpu.memory_space<hbm>>) dst(%dma_wait3A_72 : memref<128x32xf32, #tpu.memory_space<vmem>>)
      %dma_start3A = arith.constant 0 : i32
      %dma_start3A_75 = arith.constant 0 : i32
      %dma_start3A_76 = tpu.memref_slice %arg6[%rem3A_57, %dma_start3A, %dma_start3A_75] : memref<5x128x32xf32, #tpu.memory_space<vmem>> -> memref<1x128x32xf32, #tpu.memory_space<vmem>>
      %dma_start3A_77 = tpu.memref_squeeze %dma_start3A_76 : memref<1x128x32xf32, #tpu.memory_space<vmem>> -> memref<128x32xf32, #tpu.memory_space<vmem>>
      %dma_start3A_78 = arith.constant 0 : i32
      %dma_start3A_79 = tpu.memref_slice %arg5[%scan3A_54, %dma_start3A_78] : memref<80x128xi32, #tpu.memory_space<vmem>> -> memref<1x128xi32, #tpu.memory_space<vmem>>
      %dma_start3A_80 = tpu.memref_squeeze %dma_start3A_79 : memref<1x128xi32, #tpu.memory_space<vmem>> -> memref<128xi32, #tpu.memory_space<vmem>>
      %dma_start3A_81 = arith.constant 0 : i32
      %dma_start3A_82 = arith.constant 0 : i32
      %dma_start3A_83 = tpu.memref_slice %arg7[%dma_start3A_81, %dma_start3A_82] : memref<10240x32xf32, #tpu.memory_space<vmem_shared>> -> memref<10240x32xf32, #tpu.memory_space<vmem_shared>>
      %dma_start3A_84 = tpu.memref_slice %arg9[%rem3A_57] : memref<5x!tpu.dma_semaphore, #tpu.memory_space<semaphore_mem>> -> memref<1x!tpu.dma_semaphore, #tpu.memory_space<semaphore_mem>>
      %dma_start3A_85 = tpu.memref_squeeze %dma_start3A_84 : memref<1x!tpu.dma_semaphore, #tpu.memory_space<semaphore_mem>> -> memref<!tpu.dma_semaphore, #tpu.memory_space<semaphore_mem>>
      tpu.enqueue_indirect_dma source(%dma_start3A_77 : memref<128x32xf32, #tpu.memory_space<vmem>>) target(%dma_start3A_83 : memref<10240x32xf32, #tpu.memory_space<vmem_shared>>) offsets(%dma_start3A_80 : memref<128xi32, #tpu.memory_space<vmem>>) semaphore(%dma_start3A_85 : memref<!tpu.dma_semaphore, #tpu.memory_space<semaphore_mem>>) {add = true}
      %ge3A = arith.constant 1 : i32
      %ge3A_86 = arith.cmpi sge, %scan3A_54, %ge3A : i32
      %convert_element_type3A = arith.extui %ge3A_86 : i1 to i32
      %cond3A = arith.constant 0 : i32
      %cond3A_87 = arith.cmpi ne, %convert_element_type3A, %cond3A : i32
      scf.if %cond3A_87 {
        %sub3A = arith.constant 1 : i32
        %sub3A_89 = arith.subi %scan3A_54, %sub3A : i32
        %rem3A_90 = arith.constant 5 : i32
        %rem3A_91 = arith.remsi %sub3A_89, %rem3A_90 : i32
        %dma_wait3A_92 = arith.constant 0 : i32
        %dma_wait3A_93 = arith.constant 0 : i32
        %dma_wait3A_94 = tpu.memref_slice %arg6[%rem3A_91, %dma_wait3A_92, %dma_wait3A_93] : memref<5x128x32xf32, #tpu.memory_space<vmem>> -> memref<1x128x32xf32, #tpu.memory_space<vmem>>
        %dma_wait3A_95 = tpu.memref_squeeze %dma_wait3A_94 : memref<1x128x32xf32, #tpu.memory_space<vmem>> -> memref<128x32xf32, #tpu.memory_space<vmem>>
        %dma_wait3A_96 = arith.constant 0 : i32
        %dma_wait3A_97 = tpu.memref_slice %arg5[%sub3A_89, %dma_wait3A_96] : memref<80x128xi32, #tpu.memory_space<vmem>> -> memref<1x128xi32, #tpu.memory_space<vmem>>
        %dma_wait3A_98 = tpu.memref_squeeze %dma_wait3A_97 : memref<1x128xi32, #tpu.memory_space<vmem>> -> memref<128xi32, #tpu.memory_space<vmem>>
        %dma_wait3A_99 = arith.constant 0 : i32
        %dma_wait3A_100 = arith.constant 0 : i32
        %dma_wait3A_101 = tpu.memref_slice %arg7[%dma_wait3A_99, %dma_wait3A_100] : memref<10240x32xf32, #tpu.memory_space<vmem_shared>> -> memref<10240x32xf32, #tpu.memory_space<vmem_shared>>
        %dma_wait3A_102 = tpu.memref_slice %arg9[%rem3A_91] : memref<5x!tpu.dma_semaphore, #tpu.memory_space<semaphore_mem>> -> memref<1x!tpu.dma_semaphore, #tpu.memory_space<semaphore_mem>>
        %dma_wait3A_103 = tpu.memref_squeeze %dma_wait3A_102 : memref<1x!tpu.dma_semaphore, #tpu.memory_space<semaphore_mem>> -> memref<!tpu.dma_semaphore, #tpu.memory_space<semaphore_mem>>
        tpu.wait_indirect_dma semaphore(%dma_wait3A_103 : memref<!tpu.dma_semaphore, #tpu.memory_space<semaphore_mem>>) src(%dma_wait3A_95 : memref<128x32xf32, #tpu.memory_space<vmem>>) dst(%dma_wait3A_101 : memref<10240x32xf32, #tpu.memory_space<vmem_shared>>)
        %add3A_104 = arith.constant 5 : i32
        %add3A_105 = arith.addi %sub3A_89, %add3A_104 : i32
        %lt3A = arith.constant 80 : i32
        %lt3A_106 = arith.cmpi slt, %add3A_105, %lt3A : i32
        %convert_element_type3A_107 = arith.extui %lt3A_106 : i1 to i32
        %cond3A_108 = arith.constant 0 : i32
        %cond3A_109 = arith.cmpi ne, %convert_element_type3A_107, %cond3A_108 : i32
        scf.if %cond3A_109 {
          %add3A_110 = arith.constant 5 : i32
          %add3A_111 = arith.addi %sub3A_89, %add3A_110 : i32
          %add3A_112 = arith.addi %mul3A_2, %add3A_111 : i32
          %mul3A_113 = arith.constant 128 : i32
          %mul3A_114 = arith.muli %add3A_112, %mul3A_113 : i32
          %dma_start3A_115 = arith.constant 0 : i32
          %dma_start3A_116 = arith.constant 0 : i32
          %dma_start3A_117 = tpu.memref_slice %arg6[%rem3A_91, %dma_start3A_115, %dma_start3A_116] : memref<5x128x32xf32, #tpu.memory_space<vmem>> -> memref<1x128x32xf32, #tpu.memory_space<vmem>>
          %dma_start3A_118 = tpu.memref_squeeze %dma_start3A_117 : memref<1x128x32xf32, #tpu.memory_space<vmem>> -> memref<128x32xf32, #tpu.memory_space<vmem>>
          %dma_start3A_119 = arith.constant 0 : i32
          %dma_start3A_120 = tpu.memref_slice %arg2[%mul3A_114, %dma_start3A_119] : memref<327680x32xf32, #tpu.memory_space<hbm>> -> memref<128x32xf32, #tpu.memory_space<hbm>>
          %dma_start3A_121 = tpu.memref_slice %arg8[%rem3A_91] : memref<5x!tpu.dma_semaphore, #tpu.memory_space<semaphore_mem>> -> memref<1x!tpu.dma_semaphore, #tpu.memory_space<semaphore_mem>>
          %dma_start3A_122 = tpu.memref_squeeze %dma_start3A_121 : memref<1x!tpu.dma_semaphore, #tpu.memory_space<semaphore_mem>> -> memref<!tpu.dma_semaphore, #tpu.memory_space<semaphore_mem>>
          %dma_start3A_123 = arith.constant 0 : i32
          %dma_start3A_124 = arith.constant 0 : i32
          %dma_start3A_125 = tpu.memref_slice %arg6[%rem3A_91, %dma_start3A_123, %dma_start3A_124] : memref<5x128x32xf32, #tpu.memory_space<vmem>> -> memref<1x128x32xf32, #tpu.memory_space<vmem>>
          %dma_start3A_126 = tpu.memref_squeeze %dma_start3A_125 : memref<1x128x32xf32, #tpu.memory_space<vmem>> -> memref<128x32xf32, #tpu.memory_space<vmem>>
          %dma_start3A_127 = arith.constant 0 : i32
          %dma_start3A_128 = tpu.memref_slice %arg2[%mul3A_114, %dma_start3A_127] : memref<327680x32xf32, #tpu.memory_space<hbm>> -> memref<128x32xf32, #tpu.memory_space<hbm>>
          tpu.enqueue_dma source(%dma_start3A_128 : memref<128x32xf32, #tpu.memory_space<hbm>>) target(%dma_start3A_126 : memref<128x32xf32, #tpu.memory_space<vmem>>) target_semaphore(%dma_start3A_122 : memref<!tpu.dma_semaphore, #tpu.memory_space<semaphore_mem>>)
        } else {
        }
      } else {
      }
      %scan3A_88 = arith.constant 0 : i32
      scf.yield %scan3A_88 : i32
    }
    %scan3A_30 = arith.constant 80 : i32
    %scan3A_31 = arith.constant 0 : i32
    %scan3A_32 = arith.constant 0 : i32
    %add3A_33 = arith.constant 79 : i32
    %add3A_34 = arith.addi %add3A_33, %scan3A_32 : i32
    %rem3A = arith.constant 5 : i32
    %rem3A_35 = arith.remsi %add3A_34, %rem3A : i32
    %dma_wait3A = arith.constant 0 : i32
    %dma_wait3A_36 = arith.constant 0 : i32
    %dma_wait3A_37 = tpu.memref_slice %arg6[%rem3A_35, %dma_wait3A, %dma_wait3A_36] : memref<5x128x32xf32, #tpu.memory_space<vmem>> -> memref<1x128x32xf32, #tpu.memory_space<vmem>>
    %dma_wait3A_38 = tpu.memref_squeeze %dma_wait3A_37 : memref<1x128x32xf32, #tpu.memory_space<vmem>> -> memref<128x32xf32, #tpu.memory_space<vmem>>
    %dma_wait3A_39 = arith.constant 0 : i32
    %dma_wait3A_40 = tpu.memref_slice %arg5[%add3A_34, %dma_wait3A_39] : memref<80x128xi32, #tpu.memory_space<vmem>> -> memref<1x128xi32, #tpu.memory_space<vmem>>
    %dma_wait3A_41 = tpu.memref_squeeze %dma_wait3A_40 : memref<1x128xi32, #tpu.memory_space<vmem>> -> memref<128xi32, #tpu.memory_space<vmem>>
    %dma_wait3A_42 = arith.constant 0 : i32
    %dma_wait3A_43 = arith.constant 0 : i32
    %dma_wait3A_44 = tpu.memref_slice %arg7[%dma_wait3A_42, %dma_wait3A_43] : memref<10240x32xf32, #tpu.memory_space<vmem_shared>> -> memref<10240x32xf32, #tpu.memory_space<vmem_shared>>
    %dma_wait3A_45 = tpu.memref_slice %arg9[%rem3A_35] : memref<5x!tpu.dma_semaphore, #tpu.memory_space<semaphore_mem>> -> memref<1x!tpu.dma_semaphore, #tpu.memory_space<semaphore_mem>>
    %dma_wait3A_46 = tpu.memref_squeeze %dma_wait3A_45 : memref<1x!tpu.dma_semaphore, #tpu.memory_space<semaphore_mem>> -> memref<!tpu.dma_semaphore, #tpu.memory_space<semaphore_mem>>
    tpu.wait_indirect_dma semaphore(%dma_wait3A_46 : memref<!tpu.dma_semaphore, #tpu.memory_space<semaphore_mem>>) src(%dma_wait3A_38 : memref<128x32xf32, #tpu.memory_space<vmem>>) dst(%dma_wait3A_44 : memref<10240x32xf32, #tpu.memory_space<vmem_shared>>)
    %scan3A_47 = arith.constant 0 : i32
    %scan3A_48 = arith.constant 1 : i32
    %barrier3A_49 = arith.constant 0 : index
    tpu.barrier barrier_id(%barrier3A_49)
    %mul3A_50 = arith.constant 640 : i32
    %mul3A_51 = arith.muli %arg1, %mul3A_50 : i32
    %mul3A_52 = arith.constant 640 : i32
    %mul3A_53 = arith.muli %arg1, %mul3A_52 : i32
    "tpu.region"() ({
      %run_scoped3A = tpu.sem_alloc : memref<!tpu.dma_semaphore, #tpu.memory_space<semaphore_mem>>
      %dma_start3A = arith.constant 0 : i32
      %dma_start3A_54 = tpu.memref_slice %arg4[%arg0, %mul3A_53, %dma_start3A] : memref<2x10240x32xf32, #tpu.memory_space<hbm>> -> memref<1x640x32xf32, #tpu.memory_space<hbm>>
      %dma_start3A_55 = tpu.memref_squeeze %dma_start3A_54 : memref<1x640x32xf32, #tpu.memory_space<hbm>> -> memref<640x32xf32, #tpu.memory_space<hbm>>
      %dma_start3A_56 = arith.constant 0 : i32
      %dma_start3A_57 = tpu.memref_slice %arg7[%mul3A_51, %dma_start3A_56] : memref<10240x32xf32, #tpu.memory_space<vmem_shared>> -> memref<640x32xf32, #tpu.memory_space<vmem_shared>>
      tpu.enqueue_dma source(%dma_start3A_57 : memref<640x32xf32, #tpu.memory_space<vmem_shared>>) target(%dma_start3A_55 : memref<640x32xf32, #tpu.memory_space<hbm>>) target_semaphore(%run_scoped3A : memref<!tpu.dma_semaphore, #tpu.memory_space<semaphore_mem>>)
      %dma_wait3A_58 = arith.constant 0 : i32
      %dma_wait3A_59 = tpu.memref_slice %arg4[%arg0, %mul3A_53, %dma_wait3A_58] : memref<2x10240x32xf32, #tpu.memory_space<hbm>> -> memref<1x640x32xf32, #tpu.memory_space<hbm>>
      %dma_wait3A_60 = tpu.memref_squeeze %dma_wait3A_59 : memref<1x640x32xf32, #tpu.memory_space<hbm>> -> memref<640x32xf32, #tpu.memory_space<hbm>>
      %dma_wait3A_61 = arith.constant 0 : i32
      %dma_wait3A_62 = tpu.memref_slice %arg7[%mul3A_51, %dma_wait3A_61] : memref<10240x32xf32, #tpu.memory_space<vmem_shared>> -> memref<640x32xf32, #tpu.memory_space<vmem_shared>>
      tpu.wait_dma2 semaphore(%run_scoped3A : memref<!tpu.dma_semaphore, #tpu.memory_space<semaphore_mem>>) src(%dma_wait3A_62 : memref<640x32xf32, #tpu.memory_space<vmem_shared>>) dst(%dma_wait3A_60 : memref<640x32xf32, #tpu.memory_space<hbm>>)
      tpu.yield
    }) : () -> ()
    return
  }
}

#map = affine_map<(d0, d1) -> (0, 0)>
module attributes {stable_mosaic.version = 14 : i64} {
  func.func @_spmm(%arg0: i32, %arg1: i32, %arg2: memref<10000x64xf32, #tpu.memory_space<hbm>>, %arg3: memref<10000x64xf32, #tpu.memory_space<hbm>>, %arg4: memref<2560x128xi32, #tpu.memory_space<hbm>>, %arg5: memref<2560x128xi32, #tpu.memory_space<hbm>>, %arg6: memref<10240x128xf32, #tpu.memory_space<hbm>>, %arg7: memref<160x128xi32, #tpu.memory_space<vmem>>, %arg8: memref<160x128xi32, #tpu.memory_space<vmem>>, %arg9: memref<5x128x64xf32, #tpu.memory_space<vmem>>, %arg10: memref<10240x64xf32, #tpu.memory_space<vmem_shared>>, %arg11: memref<5x!tpu.dma_semaphore, #tpu.memory_space<semaphore_mem>>, %arg12: memref<5x!tpu.dma_semaphore, #tpu.memory_space<semaphore_mem>>) attributes {dimension_semantics = [#tpu.dimension_semantics<core_parallel>, #tpu.dimension_semantics<subcore_parallel>], iteration_bounds = array<i64: 2, 16>, scalar_prefetch = 0 : i64, scratch_operands = 6 : i64, tpu.core_type = #tpu.core_type<sc_vector_subcore>, window_params = [{transform_indices = #map}, {transform_indices = #map}, {transform_indices = #map}, {transform_indices = #map}, {transform_indices = #map}]} {
    %mul3A = arith.constant 160 : i32
    %mul3A_0 = arith.muli %arg1, %mul3A : i32
    "tpu.region"() ({
      %run_scoped3A = tpu.sem_alloc : memref<!tpu.dma_semaphore, #tpu.memory_space<semaphore_mem>>
      %dma_start3A = arith.constant 0 : i32
      %dma_start3A_29 = tpu.memref_slice %arg4[%mul3A_0, %dma_start3A] : memref<2560x128xi32, #tpu.memory_space<hbm>> -> memref<160x128xi32, #tpu.memory_space<hbm>>
      %dma_start3A_30 = arith.constant 0 : i32
      %dma_start3A_31 = tpu.memref_slice %arg4[%mul3A_0, %dma_start3A_30] : memref<2560x128xi32, #tpu.memory_space<hbm>> -> memref<160x128xi32, #tpu.memory_space<hbm>>
      tpu.enqueue_dma source(%dma_start3A_31 : memref<160x128xi32, #tpu.memory_space<hbm>>) target(%arg7 : memref<160x128xi32, #tpu.memory_space<vmem>>) target_semaphore(%run_scoped3A : memref<!tpu.dma_semaphore, #tpu.memory_space<semaphore_mem>>)
      %dma_wait3A = arith.constant 0 : i32
      %dma_wait3A_32 = tpu.memref_slice %arg4[%mul3A_0, %dma_wait3A] : memref<2560x128xi32, #tpu.memory_space<hbm>> -> memref<160x128xi32, #tpu.memory_space<hbm>>
      %dma_wait3A_33 = arith.constant 0 : i32
      %dma_wait3A_34 = tpu.memref_slice %arg4[%mul3A_0, %dma_wait3A_33] : memref<2560x128xi32, #tpu.memory_space<hbm>> -> memref<160x128xi32, #tpu.memory_space<hbm>>
      tpu.wait_dma2 semaphore(%run_scoped3A : memref<!tpu.dma_semaphore, #tpu.memory_space<semaphore_mem>>) src(%dma_wait3A_34 : memref<160x128xi32, #tpu.memory_space<hbm>>) dst(%arg7 : memref<160x128xi32, #tpu.memory_space<vmem>>)
      tpu.yield
    }) : () -> ()
    "tpu.region"() ({
      %run_scoped3A = tpu.sem_alloc : memref<!tpu.dma_semaphore, #tpu.memory_space<semaphore_mem>>
      %dma_start3A = arith.constant 0 : i32
      %dma_start3A_29 = tpu.memref_slice %arg5[%mul3A_0, %dma_start3A] : memref<2560x128xi32, #tpu.memory_space<hbm>> -> memref<160x128xi32, #tpu.memory_space<hbm>>
      %dma_start3A_30 = arith.constant 0 : i32
      %dma_start3A_31 = tpu.memref_slice %arg5[%mul3A_0, %dma_start3A_30] : memref<2560x128xi32, #tpu.memory_space<hbm>> -> memref<160x128xi32, #tpu.memory_space<hbm>>
      tpu.enqueue_dma source(%dma_start3A_31 : memref<160x128xi32, #tpu.memory_space<hbm>>) target(%arg8 : memref<160x128xi32, #tpu.memory_space<vmem>>) target_semaphore(%run_scoped3A : memref<!tpu.dma_semaphore, #tpu.memory_space<semaphore_mem>>)
      %dma_wait3A = arith.constant 0 : i32
      %dma_wait3A_32 = tpu.memref_slice %arg5[%mul3A_0, %dma_wait3A] : memref<2560x128xi32, #tpu.memory_space<hbm>> -> memref<160x128xi32, #tpu.memory_space<hbm>>
      %dma_wait3A_33 = arith.constant 0 : i32
      %dma_wait3A_34 = tpu.memref_slice %arg5[%mul3A_0, %dma_wait3A_33] : memref<2560x128xi32, #tpu.memory_space<hbm>> -> memref<160x128xi32, #tpu.memory_space<hbm>>
      tpu.wait_dma2 semaphore(%run_scoped3A : memref<!tpu.dma_semaphore, #tpu.memory_space<semaphore_mem>>) src(%dma_wait3A_34 : memref<160x128xi32, #tpu.memory_space<hbm>>) dst(%arg8 : memref<160x128xi32, #tpu.memory_space<vmem>>)
      tpu.yield
    }) : () -> ()
    %scan3A = arith.constant 0 : i32
    %scan3A_1 = arith.constant 0 : i32
    %scan3A_2 = arith.constant 0 : i32
    %scan3A_3 = arith.constant 128 : i32
    %scan3A_4 = arith.addi %scan3A_2, %scan3A_3 : i32
    %scan3A_5 = arith.constant 1 : i32
    %scan3A_6 = scf.for %scan3A_29 = %scan3A_2 to %scan3A_4 step %scan3A_5 iter_args(%scan3A_30 = %scan3A_1) -> (i32)  : i32 {
      %scan3A_31 = arith.constant 0 : i32
      %scan3A_32 = arith.constant 0 : i32
      %scan3A_33 = arith.constant 4 : i32
      %scan3A_34 = arith.addi %scan3A_32, %scan3A_33 : i32
      %scan3A_35 = arith.constant 1 : i32
      %scan3A_36 = scf.for %scan3A_38 = %scan3A_32 to %scan3A_34 step %scan3A_35 iter_args(%scan3A_39 = %scan3A_31) -> (i32)  : i32 {
        %broadcast_in_dim3A = arith.constant 0.000000e+00 : f32
        %broadcast_in_dim3A_40 = vector.broadcast %broadcast_in_dim3A : f32 to vector<16xf32>
        %mul3A_41 = arith.constant 16 : i32
        %mul3A_42 = arith.muli %scan3A_38, %mul3A_41 : i32
        %swap3A = arith.constant 0 : i32
        %swap3A_43 = arith.constant 0 : i32
        %swap3A_44 = tpu.memref_slice %arg9[%scan3A, %swap3A, %swap3A_43] : memref<5x128x64xf32, #tpu.memory_space<vmem>> -> memref<1x128x64xf32, #tpu.memory_space<vmem>>
        %swap3A_45 = tpu.memref_squeeze %swap3A_44 : memref<1x128x64xf32, #tpu.memory_space<vmem>> -> memref<128x64xf32, #tpu.memory_space<vmem>>
        %swap3A_46 = arith.index_cast %scan3A_29 : i32 to index
        %swap3A_47 = arith.index_cast %mul3A_42 : i32 to index
        %swap3A_48 = tpu.vector_load %swap3A_45[%swap3A_46, %swap3A_47] {strides = array<i32>} : memref<128x64xf32, #tpu.memory_space<vmem>>, vector<1x16xf32>,
        %swap3A_49 = vector.shape_cast %swap3A_48 : vector<1x16xf32> to vector<16xf32>
        %swap3A_50 = vector.shape_cast %broadcast_in_dim3A_40 : vector<16xf32> to vector<1x16xf32>
        tpu.vector_store %swap3A_45[%swap3A_46, %swap3A_47], %swap3A_50 {strides = array<i32>} : memref<128x64xf32, #tpu.memory_space<vmem>>, vector<1x16xf32>,
        %scan3A_51 = arith.constant 0 : i32
        scf.yield %scan3A_51 : i32
      }
      %scan3A_37 = arith.constant 4 : i32
      scf.yield %scan3A_36 : i32
    }
    %scan3A_7 = arith.constant 128 : i32
    %scan3A_8 = arith.constant 0 : i32
    %scan3A_9 = arith.constant 0 : i32
    %scan3A_10 = arith.constant 5 : i32
    %scan3A_11 = arith.addi %scan3A_9, %scan3A_10 : i32
    %scan3A_12 = arith.constant 1 : i32
    %scan3A_13 = scf.for %scan3A_29 = %scan3A_9 to %scan3A_11 step %scan3A_12 iter_args(%scan3A_30 = %scan3A_8) -> (i32)  : i32 {
      %mul3A_31 = arith.constant 640 : i32
      %mul3A_32 = arith.muli %arg1, %mul3A_31 : i32
      %mul3A_33 = arith.constant 128 : i32
      %mul3A_34 = arith.muli %scan3A_29, %mul3A_33 : i32
      %add3A = arith.addi %mul3A_32, %mul3A_34 : i32
      %run_scoped3A = arith.constant 0 : i32
      "tpu.region"() ({
        %run_scoped3A_36 = tpu.sem_alloc : memref<!tpu.dma_semaphore, #tpu.memory_space<semaphore_mem>>
        %dma_start3A = arith.constant 0 : i32
        %dma_start3A_37 = arith.constant 0 : i32
        %dma_start3A_38 = tpu.memref_slice %arg9[%run_scoped3A, %dma_start3A, %dma_start3A_37] : memref<5x128x64xf32, #tpu.memory_space<vmem>> -> memref<1x128x64xf32, #tpu.memory_space<vmem>>
        %dma_start3A_39 = tpu.memref_squeeze %dma_start3A_38 : memref<1x128x64xf32, #tpu.memory_space<vmem>> -> memref<128x64xf32, #tpu.memory_space<vmem>>
        %dma_start3A_40 = arith.constant 0 : i32
        %dma_start3A_41 = tpu.memref_slice %arg10[%add3A, %dma_start3A_40] : memref<10240x64xf32, #tpu.memory_space<vmem_shared>> -> memref<128x64xf32, #tpu.memory_space<vmem_shared>>
        %dma_start3A_42 = arith.constant 0 : i32
        %dma_start3A_43 = tpu.memref_slice %arg10[%add3A, %dma_start3A_42] : memref<10240x64xf32, #tpu.memory_space<vmem_shared>> -> memref<128x64xf32, #tpu.memory_space<vmem_shared>>
        %dma_start3A_44 = arith.constant 0 : i32
        %dma_start3A_45 = arith.constant 0 : i32
        %dma_start3A_46 = tpu.memref_slice %arg9[%run_scoped3A, %dma_start3A_44, %dma_start3A_45] : memref<5x128x64xf32, #tpu.memory_space<vmem>> -> memref<1x128x64xf32, #tpu.memory_space<vmem>>
        %dma_start3A_47 = tpu.memref_squeeze %dma_start3A_46 : memref<1x128x64xf32, #tpu.memory_space<vmem>> -> memref<128x64xf32, #tpu.memory_space<vmem>>
        tpu.enqueue_dma source(%dma_start3A_47 : memref<128x64xf32, #tpu.memory_space<vmem>>) target(%dma_start3A_43 : memref<128x64xf32, #tpu.memory_space<vmem_shared>>) target_semaphore(%run_scoped3A_36 : memref<!tpu.dma_semaphore, #tpu.memory_space<semaphore_mem>>)
        %dma_wait3A = arith.constant 0 : i32
        %dma_wait3A_48 = arith.constant 0 : i32
        %dma_wait3A_49 = tpu.memref_slice %arg9[%run_scoped3A, %dma_wait3A, %dma_wait3A_48] : memref<5x128x64xf32, #tpu.memory_space<vmem>> -> memref<1x128x64xf32, #tpu.memory_space<vmem>>
        %dma_wait3A_50 = tpu.memref_squeeze %dma_wait3A_49 : memref<1x128x64xf32, #tpu.memory_space<vmem>> -> memref<128x64xf32, #tpu.memory_space<vmem>>
        %dma_wait3A_51 = arith.constant 0 : i32
        %dma_wait3A_52 = tpu.memref_slice %arg10[%add3A, %dma_wait3A_51] : memref<10240x64xf32, #tpu.memory_space<vmem_shared>> -> memref<128x64xf32, #tpu.memory_space<vmem_shared>>
        %dma_wait3A_53 = arith.constant 0 : i32
        %dma_wait3A_54 = tpu.memref_slice %arg10[%add3A, %dma_wait3A_53] : memref<10240x64xf32, #tpu.memory_space<vmem_shared>> -> memref<128x64xf32, #tpu.memory_space<vmem_shared>>
        %dma_wait3A_55 = arith.constant 0 : i32
        %dma_wait3A_56 = arith.constant 0 : i32
        %dma_wait3A_57 = tpu.memref_slice %arg9[%run_scoped3A, %dma_wait3A_55, %dma_wait3A_56] : memref<5x128x64xf32, #tpu.memory_space<vmem>> -> memref<1x128x64xf32, #tpu.memory_space<vmem>>
        %dma_wait3A_58 = tpu.memref_squeeze %dma_wait3A_57 : memref<1x128x64xf32, #tpu.memory_space<vmem>> -> memref<128x64xf32, #tpu.memory_space<vmem>>
        tpu.wait_dma2 semaphore(%run_scoped3A_36 : memref<!tpu.dma_semaphore, #tpu.memory_space<semaphore_mem>>) src(%dma_wait3A_58 : memref<128x64xf32, #tpu.memory_space<vmem>>) dst(%dma_wait3A_54 : memref<128x64xf32, #tpu.memory_space<vmem_shared>>)
        tpu.yield
      }) : () -> ()
      %scan3A_35 = arith.constant 0 : i32
      scf.yield %scan3A_35 : i32
    }
    %scan3A_14 = arith.constant 5 : i32
    %barrier3A = arith.constant 0 : index
    tpu.barrier barrier_id(%barrier3A)
    %eq3A = arith.constant 0 : i32
    %eq3A_15 = arith.cmpi eq, %arg0, %eq3A : i32
    %convert_element_type3A = arith.extui %eq3A_15 : i1 to i32
    %cond3A = arith.constant 0 : i32
    %cond3A_16 = arith.cmpi ne, %convert_element_type3A, %cond3A : i32
    scf.if %cond3A_16 {
      %scan3A_29 = arith.constant 0 : i32
      %scan3A_30 = arith.constant 0 : i32
      %scan3A_31 = arith.constant 5 : i32
      %scan3A_32 = arith.addi %scan3A_30, %scan3A_31 : i32
      %scan3A_33 = arith.constant 1 : i32
      %scan3A_34 = scf.for %scan3A_60 = %scan3A_30 to %scan3A_32 step %scan3A_33 iter_args(%scan3A_61 = %scan3A_29) -> (i32)  : i32 {
        %dma_start3A = arith.constant 0 : i32
        %dma_start3A_62 = arith.constant 0 : i32
        %dma_start3A_63 = tpu.memref_slice %arg9[%scan3A_60, %dma_start3A, %dma_start3A_62] : memref<5x128x64xf32, #tpu.memory_space<vmem>> -> memref<1x128x64xf32, #tpu.memory_space<vmem>>
        %dma_start3A_64 = tpu.memref_squeeze %dma_start3A_63 : memref<1x128x64xf32, #tpu.memory_space<vmem>> -> memref<128x64xf32, #tpu.memory_space<vmem>>
        %dma_start3A_65 = arith.constant 0 : i32
        %dma_start3A_66 = tpu.memref_slice %arg7[%scan3A_60, %dma_start3A_65] : memref<160x128xi32, #tpu.memory_space<vmem>> -> memref<1x128xi32, #tpu.memory_space<vmem>>
        %dma_start3A_67 = tpu.memref_squeeze %dma_start3A_66 : memref<1x128xi32, #tpu.memory_space<vmem>> -> memref<128xi32, #tpu.memory_space<vmem>>
        %dma_start3A_68 = arith.constant 0 : i32
        %dma_start3A_69 = arith.constant 0 : i32
        %dma_start3A_70 = tpu.memref_slice %arg2[%dma_start3A_68, %dma_start3A_69] : memref<10000x64xf32, #tpu.memory_space<hbm>> -> memref<10000x64xf32, #tpu.memory_space<hbm>>
        %dma_start3A_71 = tpu.memref_slice %arg11[%scan3A_60] : memref<5x!tpu.dma_semaphore, #tpu.memory_space<semaphore_mem>> -> memref<1x!tpu.dma_semaphore, #tpu.memory_space<semaphore_mem>>
        %dma_start3A_72 = tpu.memref_squeeze %dma_start3A_71 : memref<1x!tpu.dma_semaphore, #tpu.memory_space<semaphore_mem>> -> memref<!tpu.dma_semaphore, #tpu.memory_space<semaphore_mem>>
        tpu.enqueue_indirect_dma source(%dma_start3A_70 : memref<10000x64xf32, #tpu.memory_space<hbm>>) target(%dma_start3A_64 : memref<128x64xf32, #tpu.memory_space<vmem>>) offsets(%dma_start3A_67 : memref<128xi32, #tpu.memory_space<vmem>>) semaphore(%dma_start3A_72 : memref<!tpu.dma_semaphore, #tpu.memory_space<semaphore_mem>>)
        %scan3A_73 = arith.constant 0 : i32
        scf.yield %scan3A_73 : i32
      }
      %scan3A_35 = arith.constant 5 : i32
      %scan3A_36 = arith.constant 0 : i32
      %scan3A_37 = arith.constant 0 : i32
      %scan3A_38 = arith.constant 160 : i32
      %scan3A_39 = arith.addi %scan3A_37, %scan3A_38 : i32
      %scan3A_40 = arith.constant 1 : i32
      %scan3A_41 = scf.for %scan3A_60 = %scan3A_37 to %scan3A_39 step %scan3A_40 iter_args(%scan3A_61 = %scan3A_36) -> (i32)  : i32 {
        %rem3A_62 = arith.constant 5 : i32
        %rem3A_63 = arith.remsi %scan3A_60, %rem3A_62 : i32
        %dma_wait3A_64 = arith.constant 0 : i32
        %dma_wait3A_65 = arith.constant 0 : i32
        %dma_wait3A_66 = tpu.memref_slice %arg9[%rem3A_63, %dma_wait3A_64, %dma_wait3A_65] : memref<5x128x64xf32, #tpu.memory_space<vmem>> -> memref<1x128x64xf32, #tpu.memory_space<vmem>>
        %dma_wait3A_67 = tpu.memref_squeeze %dma_wait3A_66 : memref<1x128x64xf32, #tpu.memory_space<vmem>> -> memref<128x64xf32, #tpu.memory_space<vmem>>
        %dma_wait3A_68 = arith.constant 0 : i32
        %dma_wait3A_69 = tpu.memref_slice %arg7[%scan3A_60, %dma_wait3A_68] : memref<160x128xi32, #tpu.memory_space<vmem>> -> memref<1x128xi32, #tpu.memory_space<vmem>>
        %dma_wait3A_70 = tpu.memref_squeeze %dma_wait3A_69 : memref<1x128xi32, #tpu.memory_space<vmem>> -> memref<128xi32, #tpu.memory_space<vmem>>
        %dma_wait3A_71 = arith.constant 0 : i32
        %dma_wait3A_72 = arith.constant 0 : i32
        %dma_wait3A_73 = tpu.memref_slice %arg2[%dma_wait3A_71, %dma_wait3A_72] : memref<10000x64xf32, #tpu.memory_space<hbm>> -> memref<10000x64xf32, #tpu.memory_space<hbm>>
        %dma_wait3A_74 = tpu.memref_slice %arg11[%rem3A_63] : memref<5x!tpu.dma_semaphore, #tpu.memory_space<semaphore_mem>> -> memref<1x!tpu.dma_semaphore, #tpu.memory_space<semaphore_mem>>
        %dma_wait3A_75 = tpu.memref_squeeze %dma_wait3A_74 : memref<1x!tpu.dma_semaphore, #tpu.memory_space<semaphore_mem>> -> memref<!tpu.dma_semaphore, #tpu.memory_space<semaphore_mem>>
        tpu.wait_indirect_dma semaphore(%dma_wait3A_75 : memref<!tpu.dma_semaphore, #tpu.memory_space<semaphore_mem>>) src(%dma_wait3A_73 : memref<10000x64xf32, #tpu.memory_space<hbm>>) dst(%dma_wait3A_67 : memref<128x64xf32, #tpu.memory_space<vmem>>)
        %dma_start3A = arith.constant 0 : i32
        %dma_start3A_76 = arith.constant 0 : i32
        %dma_start3A_77 = tpu.memref_slice %arg9[%rem3A_63, %dma_start3A, %dma_start3A_76] : memref<5x128x64xf32, #tpu.memory_space<vmem>> -> memref<1x128x64xf32, #tpu.memory_space<vmem>>
        %dma_start3A_78 = tpu.memref_squeeze %dma_start3A_77 : memref<1x128x64xf32, #tpu.memory_space<vmem>> -> memref<128x64xf32, #tpu.memory_space<vmem>>
        %dma_start3A_79 = arith.constant 0 : i32
        %dma_start3A_80 = tpu.memref_slice %arg8[%scan3A_60, %dma_start3A_79] : memref<160x128xi32, #tpu.memory_space<vmem>> -> memref<1x128xi32, #tpu.memory_space<vmem>>
        %dma_start3A_81 = tpu.memref_squeeze %dma_start3A_80 : memref<1x128xi32, #tpu.memory_space<vmem>> -> memref<128xi32, #tpu.memory_space<vmem>>
        %dma_start3A_82 = arith.constant 0 : i32
        %dma_start3A_83 = arith.constant 0 : i32
        %dma_start3A_84 = tpu.memref_slice %arg10[%dma_start3A_82, %dma_start3A_83] : memref<10240x64xf32, #tpu.memory_space<vmem_shared>> -> memref<10240x64xf32, #tpu.memory_space<vmem_shared>>
        %dma_start3A_85 = tpu.memref_slice %arg12[%rem3A_63] : memref<5x!tpu.dma_semaphore, #tpu.memory_space<semaphore_mem>> -> memref<1x!tpu.dma_semaphore, #tpu.memory_space<semaphore_mem>>
        %dma_start3A_86 = tpu.memref_squeeze %dma_start3A_85 : memref<1x!tpu.dma_semaphore, #tpu.memory_space<semaphore_mem>> -> memref<!tpu.dma_semaphore, #tpu.memory_space<semaphore_mem>>
        tpu.enqueue_indirect_dma source(%dma_start3A_78 : memref<128x64xf32, #tpu.memory_space<vmem>>) target(%dma_start3A_84 : memref<10240x64xf32, #tpu.memory_space<vmem_shared>>) offsets(%dma_start3A_81 : memref<128xi32, #tpu.memory_space<vmem>>) semaphore(%dma_start3A_86 : memref<!tpu.dma_semaphore, #tpu.memory_space<semaphore_mem>>) {add = true}
        %ge3A = arith.constant 1 : i32
        %ge3A_87 = arith.cmpi sge, %scan3A_60, %ge3A : i32
        %convert_element_type3A_88 = arith.extui %ge3A_87 : i1 to i32
        %cond3A_89 = arith.constant 0 : i32
        %cond3A_90 = arith.cmpi ne, %convert_element_type3A_88, %cond3A_89 : i32
        scf.if %cond3A_90 {
          %sub3A = arith.constant 1 : i32
          %sub3A_92 = arith.subi %scan3A_60, %sub3A : i32
          %rem3A_93 = arith.constant 5 : i32
          %rem3A_94 = arith.remsi %sub3A_92, %rem3A_93 : i32
          %dma_wait3A_95 = arith.constant 0 : i32
          %dma_wait3A_96 = arith.constant 0 : i32
          %dma_wait3A_97 = tpu.memref_slice %arg9[%rem3A_94, %dma_wait3A_95, %dma_wait3A_96] : memref<5x128x64xf32, #tpu.memory_space<vmem>> -> memref<1x128x64xf32, #tpu.memory_space<vmem>>
          %dma_wait3A_98 = tpu.memref_squeeze %dma_wait3A_97 : memref<1x128x64xf32, #tpu.memory_space<vmem>> -> memref<128x64xf32, #tpu.memory_space<vmem>>
          %dma_wait3A_99 = arith.constant 0 : i32
          %dma_wait3A_100 = tpu.memref_slice %arg8[%sub3A_92, %dma_wait3A_99] : memref<160x128xi32, #tpu.memory_space<vmem>> -> memref<1x128xi32, #tpu.memory_space<vmem>>
          %dma_wait3A_101 = tpu.memref_squeeze %dma_wait3A_100 : memref<1x128xi32, #tpu.memory_space<vmem>> -> memref<128xi32, #tpu.memory_space<vmem>>
          %dma_wait3A_102 = arith.constant 0 : i32
          %dma_wait3A_103 = arith.constant 0 : i32
          %dma_wait3A_104 = tpu.memref_slice %arg10[%dma_wait3A_102, %dma_wait3A_103] : memref<10240x64xf32, #tpu.memory_space<vmem_shared>> -> memref<10240x64xf32, #tpu.memory_space<vmem_shared>>
          %dma_wait3A_105 = tpu.memref_slice %arg12[%rem3A_94] : memref<5x!tpu.dma_semaphore, #tpu.memory_space<semaphore_mem>> -> memref<1x!tpu.dma_semaphore, #tpu.memory_space<semaphore_mem>>
          %dma_wait3A_106 = tpu.memref_squeeze %dma_wait3A_105 : memref<1x!tpu.dma_semaphore, #tpu.memory_space<semaphore_mem>> -> memref<!tpu.dma_semaphore, #tpu.memory_space<semaphore_mem>>
          tpu.wait_indirect_dma semaphore(%dma_wait3A_106 : memref<!tpu.dma_semaphore, #tpu.memory_space<semaphore_mem>>) src(%dma_wait3A_98 : memref<128x64xf32, #tpu.memory_space<vmem>>) dst(%dma_wait3A_104 : memref<10240x64xf32, #tpu.memory_space<vmem_shared>>)
          %add3A_107 = arith.constant 5 : i32
          %add3A_108 = arith.addi %sub3A_92, %add3A_107 : i32
          %lt3A = arith.constant 160 : i32
          %lt3A_109 = arith.cmpi slt, %add3A_108, %lt3A : i32
          %convert_element_type3A_110 = arith.extui %lt3A_109 : i1 to i32
          %cond3A_111 = arith.constant 0 : i32
          %cond3A_112 = arith.cmpi ne, %convert_element_type3A_110, %cond3A_111 : i32
          scf.if %cond3A_112 {
            %add3A_113 = arith.constant 5 : i32
            %add3A_114 = arith.addi %sub3A_92, %add3A_113 : i32
            %dma_start3A_115 = arith.constant 0 : i32
            %dma_start3A_116 = arith.constant 0 : i32
            %dma_start3A_117 = tpu.memref_slice %arg9[%rem3A_94, %dma_start3A_115, %dma_start3A_116] : memref<5x128x64xf32, #tpu.memory_space<vmem>> -> memref<1x128x64xf32, #tpu.memory_space<vmem>>
            %dma_start3A_118 = tpu.memref_squeeze %dma_start3A_117 : memref<1x128x64xf32, #tpu.memory_space<vmem>> -> memref<128x64xf32, #tpu.memory_space<vmem>>
            %dma_start3A_119 = arith.constant 0 : i32
            %dma_start3A_120 = tpu.memref_slice %arg7[%add3A_114, %dma_start3A_119] : memref<160x128xi32, #tpu.memory_space<vmem>> -> memref<1x128xi32, #tpu.memory_space<vmem>>
            %dma_start3A_121 = tpu.memref_squeeze %dma_start3A_120 : memref<1x128xi32, #tpu.memory_space<vmem>> -> memref<128xi32, #tpu.memory_space<vmem>>
            %dma_start3A_122 = arith.constant 0 : i32
            %dma_start3A_123 = arith.constant 0 : i32
            %dma_start3A_124 = tpu.memref_slice %arg2[%dma_start3A_122, %dma_start3A_123] : memref<10000x64xf32, #tpu.memory_space<hbm>> -> memref<10000x64xf32, #tpu.memory_space<hbm>>
            %dma_start3A_125 = tpu.memref_slice %arg11[%rem3A_94] : memref<5x!tpu.dma_semaphore, #tpu.memory_space<semaphore_mem>> -> memref<1x!tpu.dma_semaphore, #tpu.memory_space<semaphore_mem>>
            %dma_start3A_126 = tpu.memref_squeeze %dma_start3A_125 : memref<1x!tpu.dma_semaphore, #tpu.memory_space<semaphore_mem>> -> memref<!tpu.dma_semaphore, #tpu.memory_space<semaphore_mem>>
            tpu.enqueue_indirect_dma source(%dma_start3A_124 : memref<10000x64xf32, #tpu.memory_space<hbm>>) target(%dma_start3A_118 : memref<128x64xf32, #tpu.memory_space<vmem>>) offsets(%dma_start3A_121 : memref<128xi32, #tpu.memory_space<vmem>>) semaphore(%dma_start3A_126 : memref<!tpu.dma_semaphore, #tpu.memory_space<semaphore_mem>>)
          } else {
          }
        } else {
        }
        %scan3A_91 = arith.constant 0 : i32
        scf.yield %scan3A_91 : i32
      }
      %scan3A_42 = arith.constant 160 : i32
      %scan3A_43 = arith.constant 0 : i32
      %scan3A_44 = arith.constant 0 : i32
      %add3A = arith.constant 159 : i32
      %add3A_45 = arith.addi %add3A, %scan3A_44 : i32
      %rem3A = arith.constant 5 : i32
      %rem3A_46 = arith.remsi %add3A_45, %rem3A : i32
      %dma_wait3A = arith.constant 0 : i32
      %dma_wait3A_47 = arith.constant 0 : i32
      %dma_wait3A_48 = tpu.memref_slice %arg9[%rem3A_46, %dma_wait3A, %dma_wait3A_47] : memref<5x128x64xf32, #tpu.memory_space<vmem>> -> memref<1x128x64xf32, #tpu.memory_space<vmem>>
      %dma_wait3A_49 = tpu.memref_squeeze %dma_wait3A_48 : memref<1x128x64xf32, #tpu.memory_space<vmem>> -> memref<128x64xf32, #tpu.memory_space<vmem>>
      %dma_wait3A_50 = arith.constant 0 : i32
      %dma_wait3A_51 = tpu.memref_slice %arg8[%add3A_45, %dma_wait3A_50] : memref<160x128xi32, #tpu.memory_space<vmem>> -> memref<1x128xi32, #tpu.memory_space<vmem>>
      %dma_wait3A_52 = tpu.memref_squeeze %dma_wait3A_51 : memref<1x128xi32, #tpu.memory_space<vmem>> -> memref<128xi32, #tpu.memory_space<vmem>>
      %dma_wait3A_53 = arith.constant 0 : i32
      %dma_wait3A_54 = arith.constant 0 : i32
      %dma_wait3A_55 = tpu.memref_slice %arg10[%dma_wait3A_53, %dma_wait3A_54] : memref<10240x64xf32, #tpu.memory_space<vmem_shared>> -> memref<10240x64xf32, #tpu.memory_space<vmem_shared>>
      %dma_wait3A_56 = tpu.memref_slice %arg12[%rem3A_46] : memref<5x!tpu.dma_semaphore, #tpu.memory_space<semaphore_mem>> -> memref<1x!tpu.dma_semaphore, #tpu.memory_space<semaphore_mem>>
      %dma_wait3A_57 = tpu.memref_squeeze %dma_wait3A_56 : memref<1x!tpu.dma_semaphore, #tpu.memory_space<semaphore_mem>> -> memref<!tpu.dma_semaphore, #tpu.memory_space<semaphore_mem>>
      tpu.wait_indirect_dma semaphore(%dma_wait3A_57 : memref<!tpu.dma_semaphore, #tpu.memory_space<semaphore_mem>>) src(%dma_wait3A_49 : memref<128x64xf32, #tpu.memory_space<vmem>>) dst(%dma_wait3A_55 : memref<10240x64xf32, #tpu.memory_space<vmem_shared>>)
      %scan3A_58 = arith.constant 0 : i32
      %scan3A_59 = arith.constant 1 : i32
    } else {
    }
    %eq3A_17 = arith.constant 1 : i32
    %eq3A_18 = arith.cmpi eq, %arg0, %eq3A_17 : i32
    %convert_element_type3A_19 = arith.extui %eq3A_18 : i1 to i32
    %cond3A_20 = arith.constant 0 : i32
    %cond3A_21 = arith.cmpi ne, %convert_element_type3A_19, %cond3A_20 : i32
    scf.if %cond3A_21 {
      %scan3A_29 = arith.constant 0 : i32
      %scan3A_30 = arith.constant 0 : i32
      %scan3A_31 = arith.constant 5 : i32
      %scan3A_32 = arith.addi %scan3A_30, %scan3A_31 : i32
      %scan3A_33 = arith.constant 1 : i32
      %scan3A_34 = scf.for %scan3A_60 = %scan3A_30 to %scan3A_32 step %scan3A_33 iter_args(%scan3A_61 = %scan3A_29) -> (i32)  : i32 {
        %dma_start3A = arith.constant 0 : i32
        %dma_start3A_62 = arith.constant 0 : i32
        %dma_start3A_63 = tpu.memref_slice %arg9[%scan3A_60, %dma_start3A, %dma_start3A_62] : memref<5x128x64xf32, #tpu.memory_space<vmem>> -> memref<1x128x64xf32, #tpu.memory_space<vmem>>
        %dma_start3A_64 = tpu.memref_squeeze %dma_start3A_63 : memref<1x128x64xf32, #tpu.memory_space<vmem>> -> memref<128x64xf32, #tpu.memory_space<vmem>>
        %dma_start3A_65 = arith.constant 0 : i32
        %dma_start3A_66 = tpu.memref_slice %arg7[%scan3A_60, %dma_start3A_65] : memref<160x128xi32, #tpu.memory_space<vmem>> -> memref<1x128xi32, #tpu.memory_space<vmem>>
        %dma_start3A_67 = tpu.memref_squeeze %dma_start3A_66 : memref<1x128xi32, #tpu.memory_space<vmem>> -> memref<128xi32, #tpu.memory_space<vmem>>
        %dma_start3A_68 = arith.constant 0 : i32
        %dma_start3A_69 = arith.constant 0 : i32
        %dma_start3A_70 = tpu.memref_slice %arg3[%dma_start3A_68, %dma_start3A_69] : memref<10000x64xf32, #tpu.memory_space<hbm>> -> memref<10000x64xf32, #tpu.memory_space<hbm>>
        %dma_start3A_71 = tpu.memref_slice %arg11[%scan3A_60] : memref<5x!tpu.dma_semaphore, #tpu.memory_space<semaphore_mem>> -> memref<1x!tpu.dma_semaphore, #tpu.memory_space<semaphore_mem>>
        %dma_start3A_72 = tpu.memref_squeeze %dma_start3A_71 : memref<1x!tpu.dma_semaphore, #tpu.memory_space<semaphore_mem>> -> memref<!tpu.dma_semaphore, #tpu.memory_space<semaphore_mem>>
        tpu.enqueue_indirect_dma source(%dma_start3A_70 : memref<10000x64xf32, #tpu.memory_space<hbm>>) target(%dma_start3A_64 : memref<128x64xf32, #tpu.memory_space<vmem>>) offsets(%dma_start3A_67 : memref<128xi32, #tpu.memory_space<vmem>>) semaphore(%dma_start3A_72 : memref<!tpu.dma_semaphore, #tpu.memory_space<semaphore_mem>>)
        %scan3A_73 = arith.constant 0 : i32
        scf.yield %scan3A_73 : i32
      }
      %scan3A_35 = arith.constant 5 : i32
      %scan3A_36 = arith.constant 0 : i32
      %scan3A_37 = arith.constant 0 : i32
      %scan3A_38 = arith.constant 160 : i32
      %scan3A_39 = arith.addi %scan3A_37, %scan3A_38 : i32
      %scan3A_40 = arith.constant 1 : i32
      %scan3A_41 = scf.for %scan3A_60 = %scan3A_37 to %scan3A_39 step %scan3A_40 iter_args(%scan3A_61 = %scan3A_36) -> (i32)  : i32 {
        %rem3A_62 = arith.constant 5 : i32
        %rem3A_63 = arith.remsi %scan3A_60, %rem3A_62 : i32
        %dma_wait3A_64 = arith.constant 0 : i32
        %dma_wait3A_65 = arith.constant 0 : i32
        %dma_wait3A_66 = tpu.memref_slice %arg9[%rem3A_63, %dma_wait3A_64, %dma_wait3A_65] : memref<5x128x64xf32, #tpu.memory_space<vmem>> -> memref<1x128x64xf32, #tpu.memory_space<vmem>>
        %dma_wait3A_67 = tpu.memref_squeeze %dma_wait3A_66 : memref<1x128x64xf32, #tpu.memory_space<vmem>> -> memref<128x64xf32, #tpu.memory_space<vmem>>
        %dma_wait3A_68 = arith.constant 0 : i32
        %dma_wait3A_69 = tpu.memref_slice %arg7[%scan3A_60, %dma_wait3A_68] : memref<160x128xi32, #tpu.memory_space<vmem>> -> memref<1x128xi32, #tpu.memory_space<vmem>>
        %dma_wait3A_70 = tpu.memref_squeeze %dma_wait3A_69 : memref<1x128xi32, #tpu.memory_space<vmem>> -> memref<128xi32, #tpu.memory_space<vmem>>
        %dma_wait3A_71 = arith.constant 0 : i32
        %dma_wait3A_72 = arith.constant 0 : i32
        %dma_wait3A_73 = tpu.memref_slice %arg3[%dma_wait3A_71, %dma_wait3A_72] : memref<10000x64xf32, #tpu.memory_space<hbm>> -> memref<10000x64xf32, #tpu.memory_space<hbm>>
        %dma_wait3A_74 = tpu.memref_slice %arg11[%rem3A_63] : memref<5x!tpu.dma_semaphore, #tpu.memory_space<semaphore_mem>> -> memref<1x!tpu.dma_semaphore, #tpu.memory_space<semaphore_mem>>
        %dma_wait3A_75 = tpu.memref_squeeze %dma_wait3A_74 : memref<1x!tpu.dma_semaphore, #tpu.memory_space<semaphore_mem>> -> memref<!tpu.dma_semaphore, #tpu.memory_space<semaphore_mem>>
        tpu.wait_indirect_dma semaphore(%dma_wait3A_75 : memref<!tpu.dma_semaphore, #tpu.memory_space<semaphore_mem>>) src(%dma_wait3A_73 : memref<10000x64xf32, #tpu.memory_space<hbm>>) dst(%dma_wait3A_67 : memref<128x64xf32, #tpu.memory_space<vmem>>)
        %dma_start3A = arith.constant 0 : i32
        %dma_start3A_76 = arith.constant 0 : i32
        %dma_start3A_77 = tpu.memref_slice %arg9[%rem3A_63, %dma_start3A, %dma_start3A_76] : memref<5x128x64xf32, #tpu.memory_space<vmem>> -> memref<1x128x64xf32, #tpu.memory_space<vmem>>
        %dma_start3A_78 = tpu.memref_squeeze %dma_start3A_77 : memref<1x128x64xf32, #tpu.memory_space<vmem>> -> memref<128x64xf32, #tpu.memory_space<vmem>>
        %dma_start3A_79 = arith.constant 0 : i32
        %dma_start3A_80 = tpu.memref_slice %arg8[%scan3A_60, %dma_start3A_79] : memref<160x128xi32, #tpu.memory_space<vmem>> -> memref<1x128xi32, #tpu.memory_space<vmem>>
        %dma_start3A_81 = tpu.memref_squeeze %dma_start3A_80 : memref<1x128xi32, #tpu.memory_space<vmem>> -> memref<128xi32, #tpu.memory_space<vmem>>
        %dma_start3A_82 = arith.constant 0 : i32
        %dma_start3A_83 = arith.constant 0 : i32
        %dma_start3A_84 = tpu.memref_slice %arg10[%dma_start3A_82, %dma_start3A_83] : memref<10240x64xf32, #tpu.memory_space<vmem_shared>> -> memref<10240x64xf32, #tpu.memory_space<vmem_shared>>
        %dma_start3A_85 = tpu.memref_slice %arg12[%rem3A_63] : memref<5x!tpu.dma_semaphore, #tpu.memory_space<semaphore_mem>> -> memref<1x!tpu.dma_semaphore, #tpu.memory_space<semaphore_mem>>
        %dma_start3A_86 = tpu.memref_squeeze %dma_start3A_85 : memref<1x!tpu.dma_semaphore, #tpu.memory_space<semaphore_mem>> -> memref<!tpu.dma_semaphore, #tpu.memory_space<semaphore_mem>>
        tpu.enqueue_indirect_dma source(%dma_start3A_78 : memref<128x64xf32, #tpu.memory_space<vmem>>) target(%dma_start3A_84 : memref<10240x64xf32, #tpu.memory_space<vmem_shared>>) offsets(%dma_start3A_81 : memref<128xi32, #tpu.memory_space<vmem>>) semaphore(%dma_start3A_86 : memref<!tpu.dma_semaphore, #tpu.memory_space<semaphore_mem>>) {add = true}
        %ge3A = arith.constant 1 : i32
        %ge3A_87 = arith.cmpi sge, %scan3A_60, %ge3A : i32
        %convert_element_type3A_88 = arith.extui %ge3A_87 : i1 to i32
        %cond3A_89 = arith.constant 0 : i32
        %cond3A_90 = arith.cmpi ne, %convert_element_type3A_88, %cond3A_89 : i32
        scf.if %cond3A_90 {
          %sub3A = arith.constant 1 : i32
          %sub3A_92 = arith.subi %scan3A_60, %sub3A : i32
          %rem3A_93 = arith.constant 5 : i32
          %rem3A_94 = arith.remsi %sub3A_92, %rem3A_93 : i32
          %dma_wait3A_95 = arith.constant 0 : i32
          %dma_wait3A_96 = arith.constant 0 : i32
          %dma_wait3A_97 = tpu.memref_slice %arg9[%rem3A_94, %dma_wait3A_95, %dma_wait3A_96] : memref<5x128x64xf32, #tpu.memory_space<vmem>> -> memref<1x128x64xf32, #tpu.memory_space<vmem>>
          %dma_wait3A_98 = tpu.memref_squeeze %dma_wait3A_97 : memref<1x128x64xf32, #tpu.memory_space<vmem>> -> memref<128x64xf32, #tpu.memory_space<vmem>>
          %dma_wait3A_99 = arith.constant 0 : i32
          %dma_wait3A_100 = tpu.memref_slice %arg8[%sub3A_92, %dma_wait3A_99] : memref<160x128xi32, #tpu.memory_space<vmem>> -> memref<1x128xi32, #tpu.memory_space<vmem>>
          %dma_wait3A_101 = tpu.memref_squeeze %dma_wait3A_100 : memref<1x128xi32, #tpu.memory_space<vmem>> -> memref<128xi32, #tpu.memory_space<vmem>>
          %dma_wait3A_102 = arith.constant 0 : i32
          %dma_wait3A_103 = arith.constant 0 : i32
          %dma_wait3A_104 = tpu.memref_slice %arg10[%dma_wait3A_102, %dma_wait3A_103] : memref<10240x64xf32, #tpu.memory_space<vmem_shared>> -> memref<10240x64xf32, #tpu.memory_space<vmem_shared>>
          %dma_wait3A_105 = tpu.memref_slice %arg12[%rem3A_94] : memref<5x!tpu.dma_semaphore, #tpu.memory_space<semaphore_mem>> -> memref<1x!tpu.dma_semaphore, #tpu.memory_space<semaphore_mem>>
          %dma_wait3A_106 = tpu.memref_squeeze %dma_wait3A_105 : memref<1x!tpu.dma_semaphore, #tpu.memory_space<semaphore_mem>> -> memref<!tpu.dma_semaphore, #tpu.memory_space<semaphore_mem>>
          tpu.wait_indirect_dma semaphore(%dma_wait3A_106 : memref<!tpu.dma_semaphore, #tpu.memory_space<semaphore_mem>>) src(%dma_wait3A_98 : memref<128x64xf32, #tpu.memory_space<vmem>>) dst(%dma_wait3A_104 : memref<10240x64xf32, #tpu.memory_space<vmem_shared>>)
          %add3A_107 = arith.constant 5 : i32
          %add3A_108 = arith.addi %sub3A_92, %add3A_107 : i32
          %lt3A = arith.constant 160 : i32
          %lt3A_109 = arith.cmpi slt, %add3A_108, %lt3A : i32
          %convert_element_type3A_110 = arith.extui %lt3A_109 : i1 to i32
          %cond3A_111 = arith.constant 0 : i32
          %cond3A_112 = arith.cmpi ne, %convert_element_type3A_110, %cond3A_111 : i32
          scf.if %cond3A_112 {
            %add3A_113 = arith.constant 5 : i32
            %add3A_114 = arith.addi %sub3A_92, %add3A_113 : i32
            %dma_start3A_115 = arith.constant 0 : i32
            %dma_start3A_116 = arith.constant 0 : i32
            %dma_start3A_117 = tpu.memref_slice %arg9[%rem3A_94, %dma_start3A_115, %dma_start3A_116] : memref<5x128x64xf32, #tpu.memory_space<vmem>> -> memref<1x128x64xf32, #tpu.memory_space<vmem>>
            %dma_start3A_118 = tpu.memref_squeeze %dma_start3A_117 : memref<1x128x64xf32, #tpu.memory_space<vmem>> -> memref<128x64xf32, #tpu.memory_space<vmem>>
            %dma_start3A_119 = arith.constant 0 : i32
            %dma_start3A_120 = tpu.memref_slice %arg7[%add3A_114, %dma_start3A_119] : memref<160x128xi32, #tpu.memory_space<vmem>> -> memref<1x128xi32, #tpu.memory_space<vmem>>
            %dma_start3A_121 = tpu.memref_squeeze %dma_start3A_120 : memref<1x128xi32, #tpu.memory_space<vmem>> -> memref<128xi32, #tpu.memory_space<vmem>>
            %dma_start3A_122 = arith.constant 0 : i32
            %dma_start3A_123 = arith.constant 0 : i32
            %dma_start3A_124 = tpu.memref_slice %arg3[%dma_start3A_122, %dma_start3A_123] : memref<10000x64xf32, #tpu.memory_space<hbm>> -> memref<10000x64xf32, #tpu.memory_space<hbm>>
            %dma_start3A_125 = tpu.memref_slice %arg11[%rem3A_94] : memref<5x!tpu.dma_semaphore, #tpu.memory_space<semaphore_mem>> -> memref<1x!tpu.dma_semaphore, #tpu.memory_space<semaphore_mem>>
            %dma_start3A_126 = tpu.memref_squeeze %dma_start3A_125 : memref<1x!tpu.dma_semaphore, #tpu.memory_space<semaphore_mem>> -> memref<!tpu.dma_semaphore, #tpu.memory_space<semaphore_mem>>
            tpu.enqueue_indirect_dma source(%dma_start3A_124 : memref<10000x64xf32, #tpu.memory_space<hbm>>) target(%dma_start3A_118 : memref<128x64xf32, #tpu.memory_space<vmem>>) offsets(%dma_start3A_121 : memref<128xi32, #tpu.memory_space<vmem>>) semaphore(%dma_start3A_126 : memref<!tpu.dma_semaphore, #tpu.memory_space<semaphore_mem>>)
          } else {
          }
        } else {
        }
        %scan3A_91 = arith.constant 0 : i32
        scf.yield %scan3A_91 : i32
      }
      %scan3A_42 = arith.constant 160 : i32
      %scan3A_43 = arith.constant 0 : i32
      %scan3A_44 = arith.constant 0 : i32
      %add3A = arith.constant 159 : i32
      %add3A_45 = arith.addi %add3A, %scan3A_44 : i32
      %rem3A = arith.constant 5 : i32
      %rem3A_46 = arith.remsi %add3A_45, %rem3A : i32
      %dma_wait3A = arith.constant 0 : i32
      %dma_wait3A_47 = arith.constant 0 : i32
      %dma_wait3A_48 = tpu.memref_slice %arg9[%rem3A_46, %dma_wait3A, %dma_wait3A_47] : memref<5x128x64xf32, #tpu.memory_space<vmem>> -> memref<1x128x64xf32, #tpu.memory_space<vmem>>
      %dma_wait3A_49 = tpu.memref_squeeze %dma_wait3A_48 : memref<1x128x64xf32, #tpu.memory_space<vmem>> -> memref<128x64xf32, #tpu.memory_space<vmem>>
      %dma_wait3A_50 = arith.constant 0 : i32
      %dma_wait3A_51 = tpu.memref_slice %arg8[%add3A_45, %dma_wait3A_50] : memref<160x128xi32, #tpu.memory_space<vmem>> -> memref<1x128xi32, #tpu.memory_space<vmem>>
      %dma_wait3A_52 = tpu.memref_squeeze %dma_wait3A_51 : memref<1x128xi32, #tpu.memory_space<vmem>> -> memref<128xi32, #tpu.memory_space<vmem>>
      %dma_wait3A_53 = arith.constant 0 : i32
      %dma_wait3A_54 = arith.constant 0 : i32
      %dma_wait3A_55 = tpu.memref_slice %arg10[%dma_wait3A_53, %dma_wait3A_54] : memref<10240x64xf32, #tpu.memory_space<vmem_shared>> -> memref<10240x64xf32, #tpu.memory_space<vmem_shared>>
      %dma_wait3A_56 = tpu.memref_slice %arg12[%rem3A_46] : memref<5x!tpu.dma_semaphore, #tpu.memory_space<semaphore_mem>> -> memref<1x!tpu.dma_semaphore, #tpu.memory_space<semaphore_mem>>
      %dma_wait3A_57 = tpu.memref_squeeze %dma_wait3A_56 : memref<1x!tpu.dma_semaphore, #tpu.memory_space<semaphore_mem>> -> memref<!tpu.dma_semaphore, #tpu.memory_space<semaphore_mem>>
      tpu.wait_indirect_dma semaphore(%dma_wait3A_57 : memref<!tpu.dma_semaphore, #tpu.memory_space<semaphore_mem>>) src(%dma_wait3A_49 : memref<128x64xf32, #tpu.memory_space<vmem>>) dst(%dma_wait3A_55 : memref<10240x64xf32, #tpu.memory_space<vmem_shared>>)
      %scan3A_58 = arith.constant 0 : i32
      %scan3A_59 = arith.constant 1 : i32
    } else {
    }
    %barrier3A_22 = arith.constant 0 : index
    tpu.barrier barrier_id(%barrier3A_22)
    %mul3A_23 = arith.constant 640 : i32
    %mul3A_24 = arith.muli %arg1, %mul3A_23 : i32
    %mul3A_25 = arith.constant 640 : i32
    %mul3A_26 = arith.muli %arg1, %mul3A_25 : i32
    %mul3A_27 = arith.constant 64 : i32
    %mul3A_28 = arith.muli %arg0, %mul3A_27 : i32
    "tpu.region"() ({
      %run_scoped3A = tpu.sem_alloc : memref<!tpu.dma_semaphore, #tpu.memory_space<semaphore_mem>>
      %dma_start3A = tpu.memref_slice %arg6[%mul3A_26, %mul3A_28] : memref<10240x128xf32, #tpu.memory_space<hbm>> -> memref<640x64xf32, #tpu.memory_space<hbm>>
      %dma_start3A_29 = arith.constant 0 : i32
      %dma_start3A_30 = tpu.memref_slice %arg10[%mul3A_24, %dma_start3A_29] : memref<10240x64xf32, #tpu.memory_space<vmem_shared>> -> memref<640x64xf32, #tpu.memory_space<vmem_shared>>
      tpu.enqueue_dma source(%dma_start3A_30 : memref<640x64xf32, #tpu.memory_space<vmem_shared>>) target(%dma_start3A : memref<640x64xf32, #tpu.memory_space<hbm>>) target_semaphore(%run_scoped3A : memref<!tpu.dma_semaphore, #tpu.memory_space<semaphore_mem>>)
      %dma_wait3A = tpu.memref_slice %arg6[%mul3A_26, %mul3A_28] : memref<10240x128xf32, #tpu.memory_space<hbm>> -> memref<640x64xf32, #tpu.memory_space<hbm>>
      %dma_wait3A_31 = arith.constant 0 : i32
      %dma_wait3A_32 = tpu.memref_slice %arg10[%mul3A_24, %dma_wait3A_31] : memref<10240x64xf32, #tpu.memory_space<vmem_shared>> -> memref<640x64xf32, #tpu.memory_space<vmem_shared>>
      tpu.wait_dma2 semaphore(%run_scoped3A : memref<!tpu.dma_semaphore, #tpu.memory_space<semaphore_mem>>) src(%dma_wait3A_32 : memref<640x64xf32, #tpu.memory_space<vmem_shared>>) dst(%dma_wait3A : memref<640x64xf32, #tpu.memory_space<hbm>>)
      tpu.yield
    }) : () -> ()
    return
  }
}

#map = affine_map<(d0, d1) -> (0, 0)>
module attributes {stable_mosaic.version = 14 : i64} {
  func.func @_spmm(%arg0: i32, %arg1: i32, %arg2: memref<10000x64xf32, #tpu.memory_space<hbm>>, %arg3: memref<10000x64xf32, #tpu.memory_space<hbm>>, %arg4: memref<2560x128xi32, #tpu.memory_space<hbm>>, %arg5: memref<2560x128xi32, #tpu.memory_space<hbm>>, %arg6: memref<10240x128xf32, #tpu.memory_space<hbm>>, %arg7: memref<160x128xi32, #tpu.memory_space<vmem>>, %arg8: memref<160x128xi32, #tpu.memory_space<vmem>>, %arg9: memref<5x128x64xf32, #tpu.memory_space<vmem>>, %arg10: memref<10240x64xf32, #tpu.memory_space<vmem_shared>>, %arg11: memref<5x!tpu.dma_semaphore, #tpu.memory_space<semaphore_mem>>, %arg12: memref<5x!tpu.dma_semaphore, #tpu.memory_space<semaphore_mem>>) attributes {dimension_semantics = [#tpu.dimension_semantics<core_parallel>, #tpu.dimension_semantics<subcore_parallel>], iteration_bounds = array<i64: 2, 16>, scalar_prefetch = 0 : i64, scratch_operands = 6 : i64, tpu.core_type = #tpu.core_type<sc_vector_subcore>, window_params = [{transform_indices = #map}, {transform_indices = #map}, {transform_indices = #map}, {transform_indices = #map}, {transform_indices = #map}]} {
    %mul3A = arith.constant 160 : i32
    %mul3A_0 = arith.muli %arg1, %mul3A : i32
    "tpu.region"() ({
      %run_scoped3A = tpu.sem_alloc : memref<!tpu.dma_semaphore, #tpu.memory_space<semaphore_mem>>
      %dma_start3A = arith.constant 0 : i32
      %dma_start3A_29 = tpu.memref_slice %arg4[%mul3A_0, %dma_start3A] : memref<2560x128xi32, #tpu.memory_space<hbm>> -> memref<160x128xi32, #tpu.memory_space<hbm>>
      %dma_start3A_30 = arith.constant 0 : i32
      %dma_start3A_31 = tpu.memref_slice %arg4[%mul3A_0, %dma_start3A_30] : memref<2560x128xi32, #tpu.memory_space<hbm>> -> memref<160x128xi32, #tpu.memory_space<hbm>>
      tpu.enqueue_dma source(%dma_start3A_31 : memref<160x128xi32, #tpu.memory_space<hbm>>) target(%arg7 : memref<160x128xi32, #tpu.memory_space<vmem>>) target_semaphore(%run_scoped3A : memref<!tpu.dma_semaphore, #tpu.memory_space<semaphore_mem>>)
      %dma_wait3A = arith.constant 0 : i32
      %dma_wait3A_32 = tpu.memref_slice %arg4[%mul3A_0, %dma_wait3A] : memref<2560x128xi32, #tpu.memory_space<hbm>> -> memref<160x128xi32, #tpu.memory_space<hbm>>
      %dma_wait3A_33 = arith.constant 0 : i32
      %dma_wait3A_34 = tpu.memref_slice %arg4[%mul3A_0, %dma_wait3A_33] : memref<2560x128xi32, #tpu.memory_space<hbm>> -> memref<160x128xi32, #tpu.memory_space<hbm>>
      tpu.wait_dma2 semaphore(%run_scoped3A : memref<!tpu.dma_semaphore, #tpu.memory_space<semaphore_mem>>) src(%dma_wait3A_34 : memref<160x128xi32, #tpu.memory_space<hbm>>) dst(%arg7 : memref<160x128xi32, #tpu.memory_space<vmem>>)
      tpu.yield
    }) : () -> ()
    "tpu.region"() ({
      %run_scoped3A = tpu.sem_alloc : memref<!tpu.dma_semaphore, #tpu.memory_space<semaphore_mem>>
      %dma_start3A = arith.constant 0 : i32
      %dma_start3A_29 = tpu.memref_slice %arg5[%mul3A_0, %dma_start3A] : memref<2560x128xi32, #tpu.memory_space<hbm>> -> memref<160x128xi32, #tpu.memory_space<hbm>>
      %dma_start3A_30 = arith.constant 0 : i32
      %dma_start3A_31 = tpu.memref_slice %arg5[%mul3A_0, %dma_start3A_30] : memref<2560x128xi32, #tpu.memory_space<hbm>> -> memref<160x128xi32, #tpu.memory_space<hbm>>
      tpu.enqueue_dma source(%dma_start3A_31 : memref<160x128xi32, #tpu.memory_space<hbm>>) target(%arg8 : memref<160x128xi32, #tpu.memory_space<vmem>>) target_semaphore(%run_scoped3A : memref<!tpu.dma_semaphore, #tpu.memory_space<semaphore_mem>>)
      %dma_wait3A = arith.constant 0 : i32
      %dma_wait3A_32 = tpu.memref_slice %arg5[%mul3A_0, %dma_wait3A] : memref<2560x128xi32, #tpu.memory_space<hbm>> -> memref<160x128xi32, #tpu.memory_space<hbm>>
      %dma_wait3A_33 = arith.constant 0 : i32
      %dma_wait3A_34 = tpu.memref_slice %arg5[%mul3A_0, %dma_wait3A_33] : memref<2560x128xi32, #tpu.memory_space<hbm>> -> memref<160x128xi32, #tpu.memory_space<hbm>>
      tpu.wait_dma2 semaphore(%run_scoped3A : memref<!tpu.dma_semaphore, #tpu.memory_space<semaphore_mem>>) src(%dma_wait3A_34 : memref<160x128xi32, #tpu.memory_space<hbm>>) dst(%arg8 : memref<160x128xi32, #tpu.memory_space<vmem>>)
      tpu.yield
    }) : () -> ()
    %scan3A = arith.constant 0 : i32
    %scan3A_1 = arith.constant 0 : i32
    %scan3A_2 = arith.constant 0 : i32
    %scan3A_3 = arith.constant 128 : i32
    %scan3A_4 = arith.addi %scan3A_2, %scan3A_3 : i32
    %scan3A_5 = arith.constant 1 : i32
    %scan3A_6 = scf.for %scan3A_29 = %scan3A_2 to %scan3A_4 step %scan3A_5 iter_args(%scan3A_30 = %scan3A_1) -> (i32)  : i32 {
      %scan3A_31 = arith.constant 0 : i32
      %scan3A_32 = arith.constant 0 : i32
      %scan3A_33 = arith.constant 4 : i32
      %scan3A_34 = arith.addi %scan3A_32, %scan3A_33 : i32
      %scan3A_35 = arith.constant 1 : i32
      %scan3A_36 = scf.for %scan3A_38 = %scan3A_32 to %scan3A_34 step %scan3A_35 iter_args(%scan3A_39 = %scan3A_31) -> (i32)  : i32 {
        %broadcast_in_dim3A = arith.constant 0.000000e+00 : f32
        %broadcast_in_dim3A_40 = vector.broadcast %broadcast_in_dim3A : f32 to vector<16xf32>
        %mul3A_41 = arith.constant 16 : i32
        %mul3A_42 = arith.muli %scan3A_38, %mul3A_41 : i32
        %swap3A = arith.constant 0 : i32
        %swap3A_43 = arith.constant 0 : i32
        %swap3A_44 = tpu.memref_slice %arg9[%scan3A, %swap3A, %swap3A_43] : memref<5x128x64xf32, #tpu.memory_space<vmem>> -> memref<1x128x64xf32, #tpu.memory_space<vmem>>
        %swap3A_45 = tpu.memref_squeeze %swap3A_44 : memref<1x128x64xf32, #tpu.memory_space<vmem>> -> memref<128x64xf32, #tpu.memory_space<vmem>>
        %swap3A_46 = arith.index_cast %scan3A_29 : i32 to index
        %swap3A_47 = arith.index_cast %mul3A_42 : i32 to index
        %swap3A_48 = tpu.vector_load %swap3A_45[%swap3A_46, %swap3A_47] {strides = array<i32>} : memref<128x64xf32, #tpu.memory_space<vmem>>, vector<1x16xf32>,
        %swap3A_49 = vector.shape_cast %swap3A_48 : vector<1x16xf32> to vector<16xf32>
        %swap3A_50 = vector.shape_cast %broadcast_in_dim3A_40 : vector<16xf32> to vector<1x16xf32>
        tpu.vector_store %swap3A_45[%swap3A_46, %swap3A_47], %swap3A_50 {strides = array<i32>} : memref<128x64xf32, #tpu.memory_space<vmem>>, vector<1x16xf32>,
        %scan3A_51 = arith.constant 0 : i32
        scf.yield %scan3A_51 : i32
      }
      %scan3A_37 = arith.constant 4 : i32
      scf.yield %scan3A_36 : i32
    }
    %scan3A_7 = arith.constant 128 : i32
    %scan3A_8 = arith.constant 0 : i32
    %scan3A_9 = arith.constant 0 : i32
    %scan3A_10 = arith.constant 5 : i32
    %scan3A_11 = arith.addi %scan3A_9, %scan3A_10 : i32
    %scan3A_12 = arith.constant 1 : i32
    %scan3A_13 = scf.for %scan3A_29 = %scan3A_9 to %scan3A_11 step %scan3A_12 iter_args(%scan3A_30 = %scan3A_8) -> (i32)  : i32 {
      %mul3A_31 = arith.constant 640 : i32
      %mul3A_32 = arith.muli %arg1, %mul3A_31 : i32
      %mul3A_33 = arith.constant 128 : i32
      %mul3A_34 = arith.muli %scan3A_29, %mul3A_33 : i32
      %add3A = arith.addi %mul3A_32, %mul3A_34 : i32
      %run_scoped3A = arith.constant 0 : i32
      "tpu.region"() ({
        %run_scoped3A_36 = tpu.sem_alloc : memref<!tpu.dma_semaphore, #tpu.memory_space<semaphore_mem>>
        %dma_start3A = arith.constant 0 : i32
        %dma_start3A_37 = arith.constant 0 : i32
        %dma_start3A_38 = tpu.memref_slice %arg9[%run_scoped3A, %dma_start3A, %dma_start3A_37] : memref<5x128x64xf32, #tpu.memory_space<vmem>> -> memref<1x128x64xf32, #tpu.memory_space<vmem>>
        %dma_start3A_39 = tpu.memref_squeeze %dma_start3A_38 : memref<1x128x64xf32, #tpu.memory_space<vmem>> -> memref<128x64xf32, #tpu.memory_space<vmem>>
        %dma_start3A_40 = arith.constant 0 : i32
        %dma_start3A_41 = tpu.memref_slice %arg10[%add3A, %dma_start3A_40] : memref<10240x64xf32, #tpu.memory_space<vmem_shared>> -> memref<128x64xf32, #tpu.memory_space<vmem_shared>>
        %dma_start3A_42 = arith.constant 0 : i32
        %dma_start3A_43 = tpu.memref_slice %arg10[%add3A, %dma_start3A_42] : memref<10240x64xf32, #tpu.memory_space<vmem_shared>> -> memref<128x64xf32, #tpu.memory_space<vmem_shared>>
        %dma_start3A_44 = arith.constant 0 : i32
        %dma_start3A_45 = arith.constant 0 : i32
        %dma_start3A_46 = tpu.memref_slice %arg9[%run_scoped3A, %dma_start3A_44, %dma_start3A_45] : memref<5x128x64xf32, #tpu.memory_space<vmem>> -> memref<1x128x64xf32, #tpu.memory_space<vmem>>
        %dma_start3A_47 = tpu.memref_squeeze %dma_start3A_46 : memref<1x128x64xf32, #tpu.memory_space<vmem>> -> memref<128x64xf32, #tpu.memory_space<vmem>>
        tpu.enqueue_dma source(%dma_start3A_47 : memref<128x64xf32, #tpu.memory_space<vmem>>) target(%dma_start3A_43 : memref<128x64xf32, #tpu.memory_space<vmem_shared>>) target_semaphore(%run_scoped3A_36 : memref<!tpu.dma_semaphore, #tpu.memory_space<semaphore_mem>>)
        %dma_wait3A = arith.constant 0 : i32
        %dma_wait3A_48 = arith.constant 0 : i32
        %dma_wait3A_49 = tpu.memref_slice %arg9[%run_scoped3A, %dma_wait3A, %dma_wait3A_48] : memref<5x128x64xf32, #tpu.memory_space<vmem>> -> memref<1x128x64xf32, #tpu.memory_space<vmem>>
        %dma_wait3A_50 = tpu.memref_squeeze %dma_wait3A_49 : memref<1x128x64xf32, #tpu.memory_space<vmem>> -> memref<128x64xf32, #tpu.memory_space<vmem>>
        %dma_wait3A_51 = arith.constant 0 : i32
        %dma_wait3A_52 = tpu.memref_slice %arg10[%add3A, %dma_wait3A_51] : memref<10240x64xf32, #tpu.memory_space<vmem_shared>> -> memref<128x64xf32, #tpu.memory_space<vmem_shared>>
        %dma_wait3A_53 = arith.constant 0 : i32
        %dma_wait3A_54 = tpu.memref_slice %arg10[%add3A, %dma_wait3A_53] : memref<10240x64xf32, #tpu.memory_space<vmem_shared>> -> memref<128x64xf32, #tpu.memory_space<vmem_shared>>
        %dma_wait3A_55 = arith.constant 0 : i32
        %dma_wait3A_56 = arith.constant 0 : i32
        %dma_wait3A_57 = tpu.memref_slice %arg9[%run_scoped3A, %dma_wait3A_55, %dma_wait3A_56] : memref<5x128x64xf32, #tpu.memory_space<vmem>> -> memref<1x128x64xf32, #tpu.memory_space<vmem>>
        %dma_wait3A_58 = tpu.memref_squeeze %dma_wait3A_57 : memref<1x128x64xf32, #tpu.memory_space<vmem>> -> memref<128x64xf32, #tpu.memory_space<vmem>>
        tpu.wait_dma2 semaphore(%run_scoped3A_36 : memref<!tpu.dma_semaphore, #tpu.memory_space<semaphore_mem>>) src(%dma_wait3A_58 : memref<128x64xf32, #tpu.memory_space<vmem>>) dst(%dma_wait3A_54 : memref<128x64xf32, #tpu.memory_space<vmem_shared>>)
        tpu.yield
      }) : () -> ()
      %scan3A_35 = arith.constant 0 : i32
      scf.yield %scan3A_35 : i32
    }
    %scan3A_14 = arith.constant 5 : i32
    %barrier3A = arith.constant 0 : index
    tpu.barrier barrier_id(%barrier3A)
    %eq3A = arith.constant 0 : i32
    %eq3A_15 = arith.cmpi eq, %arg0, %eq3A : i32
    %convert_element_type3A = arith.extui %eq3A_15 : i1 to i32
    %cond3A = arith.constant 0 : i32
    %cond3A_16 = arith.cmpi ne, %convert_element_type3A, %cond3A : i32
    scf.if %cond3A_16 {
      %scan3A_29 = arith.constant 0 : i32
      %scan3A_30 = arith.constant 0 : i32
      %scan3A_31 = arith.constant 5 : i32
      %scan3A_32 = arith.addi %scan3A_30, %scan3A_31 : i32
      %scan3A_33 = arith.constant 1 : i32
      %scan3A_34 = scf.for %scan3A_60 = %scan3A_30 to %scan3A_32 step %scan3A_33 iter_args(%scan3A_61 = %scan3A_29) -> (i32)  : i32 {
        %dma_start3A = arith.constant 0 : i32
        %dma_start3A_62 = arith.constant 0 : i32
        %dma_start3A_63 = tpu.memref_slice %arg9[%scan3A_60, %dma_start3A, %dma_start3A_62] : memref<5x128x64xf32, #tpu.memory_space<vmem>> -> memref<1x128x64xf32, #tpu.memory_space<vmem>>
        %dma_start3A_64 = tpu.memref_squeeze %dma_start3A_63 : memref<1x128x64xf32, #tpu.memory_space<vmem>> -> memref<128x64xf32, #tpu.memory_space<vmem>>
        %dma_start3A_65 = arith.constant 0 : i32
        %dma_start3A_66 = tpu.memref_slice %arg7[%scan3A_60, %dma_start3A_65] : memref<160x128xi32, #tpu.memory_space<vmem>> -> memref<1x128xi32, #tpu.memory_space<vmem>>
        %dma_start3A_67 = tpu.memref_squeeze %dma_start3A_66 : memref<1x128xi32, #tpu.memory_space<vmem>> -> memref<128xi32, #tpu.memory_space<vmem>>
        %dma_start3A_68 = arith.constant 0 : i32
        %dma_start3A_69 = arith.constant 0 : i32
        %dma_start3A_70 = tpu.memref_slice %arg2[%dma_start3A_68, %dma_start3A_69] : memref<10000x64xf32, #tpu.memory_space<hbm>> -> memref<10000x64xf32, #tpu.memory_space<hbm>>
        %dma_start3A_71 = tpu.memref_slice %arg11[%scan3A_60] : memref<5x!tpu.dma_semaphore, #tpu.memory_space<semaphore_mem>> -> memref<1x!tpu.dma_semaphore, #tpu.memory_space<semaphore_mem>>
        %dma_start3A_72 = tpu.memref_squeeze %dma_start3A_71 : memref<1x!tpu.dma_semaphore, #tpu.memory_space<semaphore_mem>> -> memref<!tpu.dma_semaphore, #tpu.memory_space<semaphore_mem>>
        tpu.enqueue_indirect_dma source(%dma_start3A_70 : memref<10000x64xf32, #tpu.memory_space<hbm>>) target(%dma_start3A_64 : memref<128x64xf32, #tpu.memory_space<vmem>>) offsets(%dma_start3A_67 : memref<128xi32, #tpu.memory_space<vmem>>) semaphore(%dma_start3A_72 : memref<!tpu.dma_semaphore, #tpu.memory_space<semaphore_mem>>)
        %scan3A_73 = arith.constant 0 : i32
        scf.yield %scan3A_73 : i32
      }
      %scan3A_35 = arith.constant 5 : i32
      %scan3A_36 = arith.constant 0 : i32
      %scan3A_37 = arith.constant 0 : i32
      %scan3A_38 = arith.constant 160 : i32
      %scan3A_39 = arith.addi %scan3A_37, %scan3A_38 : i32
      %scan3A_40 = arith.constant 1 : i32
      %scan3A_41 = scf.for %scan3A_60 = %scan3A_37 to %scan3A_39 step %scan3A_40 iter_args(%scan3A_61 = %scan3A_36) -> (i32)  : i32 {
        %rem3A_62 = arith.constant 5 : i32
        %rem3A_63 = arith.remsi %scan3A_60, %rem3A_62 : i32
        %dma_wait3A_64 = arith.constant 0 : i32
        %dma_wait3A_65 = arith.constant 0 : i32
        %dma_wait3A_66 = tpu.memref_slice %arg9[%rem3A_63, %dma_wait3A_64, %dma_wait3A_65] : memref<5x128x64xf32, #tpu.memory_space<vmem>> -> memref<1x128x64xf32, #tpu.memory_space<vmem>>
        %dma_wait3A_67 = tpu.memref_squeeze %dma_wait3A_66 : memref<1x128x64xf32, #tpu.memory_space<vmem>> -> memref<128x64xf32, #tpu.memory_space<vmem>>
        %dma_wait3A_68 = arith.constant 0 : i32
        %dma_wait3A_69 = tpu.memref_slice %arg7[%scan3A_60, %dma_wait3A_68] : memref<160x128xi32, #tpu.memory_space<vmem>> -> memref<1x128xi32, #tpu.memory_space<vmem>>
        %dma_wait3A_70 = tpu.memref_squeeze %dma_wait3A_69 : memref<1x128xi32, #tpu.memory_space<vmem>> -> memref<128xi32, #tpu.memory_space<vmem>>
        %dma_wait3A_71 = arith.constant 0 : i32
        %dma_wait3A_72 = arith.constant 0 : i32
        %dma_wait3A_73 = tpu.memref_slice %arg2[%dma_wait3A_71, %dma_wait3A_72] : memref<10000x64xf32, #tpu.memory_space<hbm>> -> memref<10000x64xf32, #tpu.memory_space<hbm>>
        %dma_wait3A_74 = tpu.memref_slice %arg11[%rem3A_63] : memref<5x!tpu.dma_semaphore, #tpu.memory_space<semaphore_mem>> -> memref<1x!tpu.dma_semaphore, #tpu.memory_space<semaphore_mem>>
        %dma_wait3A_75 = tpu.memref_squeeze %dma_wait3A_74 : memref<1x!tpu.dma_semaphore, #tpu.memory_space<semaphore_mem>> -> memref<!tpu.dma_semaphore, #tpu.memory_space<semaphore_mem>>
        tpu.wait_indirect_dma semaphore(%dma_wait3A_75 : memref<!tpu.dma_semaphore, #tpu.memory_space<semaphore_mem>>) src(%dma_wait3A_73 : memref<10000x64xf32, #tpu.memory_space<hbm>>) dst(%dma_wait3A_67 : memref<128x64xf32, #tpu.memory_space<vmem>>)
        %dma_start3A = arith.constant 0 : i32
        %dma_start3A_76 = arith.constant 0 : i32
        %dma_start3A_77 = tpu.memref_slice %arg9[%rem3A_63, %dma_start3A, %dma_start3A_76] : memref<5x128x64xf32, #tpu.memory_space<vmem>> -> memref<1x128x64xf32, #tpu.memory_space<vmem>>
        %dma_start3A_78 = tpu.memref_squeeze %dma_start3A_77 : memref<1x128x64xf32, #tpu.memory_space<vmem>> -> memref<128x64xf32, #tpu.memory_space<vmem>>
        %dma_start3A_79 = arith.constant 0 : i32
        %dma_start3A_80 = tpu.memref_slice %arg8[%scan3A_60, %dma_start3A_79] : memref<160x128xi32, #tpu.memory_space<vmem>> -> memref<1x128xi32, #tpu.memory_space<vmem>>
        %dma_start3A_81 = tpu.memref_squeeze %dma_start3A_80 : memref<1x128xi32, #tpu.memory_space<vmem>> -> memref<128xi32, #tpu.memory_space<vmem>>
        %dma_start3A_82 = arith.constant 0 : i32
        %dma_start3A_83 = arith.constant 0 : i32
        %dma_start3A_84 = tpu.memref_slice %arg10[%dma_start3A_82, %dma_start3A_83] : memref<10240x64xf32, #tpu.memory_space<vmem_shared>> -> memref<10240x64xf32, #tpu.memory_space<vmem_shared>>
        %dma_start3A_85 = tpu.memref_slice %arg12[%rem3A_63] : memref<5x!tpu.dma_semaphore, #tpu.memory_space<semaphore_mem>> -> memref<1x!tpu.dma_semaphore, #tpu.memory_space<semaphore_mem>>
        %dma_start3A_86 = tpu.memref_squeeze %dma_start3A_85 : memref<1x!tpu.dma_semaphore, #tpu.memory_space<semaphore_mem>> -> memref<!tpu.dma_semaphore, #tpu.memory_space<semaphore_mem>>
        tpu.enqueue_indirect_dma source(%dma_start3A_78 : memref<128x64xf32, #tpu.memory_space<vmem>>) target(%dma_start3A_84 : memref<10240x64xf32, #tpu.memory_space<vmem_shared>>) offsets(%dma_start3A_81 : memref<128xi32, #tpu.memory_space<vmem>>) semaphore(%dma_start3A_86 : memref<!tpu.dma_semaphore, #tpu.memory_space<semaphore_mem>>) {add = true}
        %ge3A = arith.constant 1 : i32
        %ge3A_87 = arith.cmpi sge, %scan3A_60, %ge3A : i32
        %convert_element_type3A_88 = arith.extui %ge3A_87 : i1 to i32
        %cond3A_89 = arith.constant 0 : i32
        %cond3A_90 = arith.cmpi ne, %convert_element_type3A_88, %cond3A_89 : i32
        scf.if %cond3A_90 {
          %sub3A = arith.constant 1 : i32
          %sub3A_92 = arith.subi %scan3A_60, %sub3A : i32
          %rem3A_93 = arith.constant 5 : i32
          %rem3A_94 = arith.remsi %sub3A_92, %rem3A_93 : i32
          %dma_wait3A_95 = arith.constant 0 : i32
          %dma_wait3A_96 = arith.constant 0 : i32
          %dma_wait3A_97 = tpu.memref_slice %arg9[%rem3A_94, %dma_wait3A_95, %dma_wait3A_96] : memref<5x128x64xf32, #tpu.memory_space<vmem>> -> memref<1x128x64xf32, #tpu.memory_space<vmem>>
          %dma_wait3A_98 = tpu.memref_squeeze %dma_wait3A_97 : memref<1x128x64xf32, #tpu.memory_space<vmem>> -> memref<128x64xf32, #tpu.memory_space<vmem>>
          %dma_wait3A_99 = arith.constant 0 : i32
          %dma_wait3A_100 = tpu.memref_slice %arg8[%sub3A_92, %dma_wait3A_99] : memref<160x128xi32, #tpu.memory_space<vmem>> -> memref<1x128xi32, #tpu.memory_space<vmem>>
          %dma_wait3A_101 = tpu.memref_squeeze %dma_wait3A_100 : memref<1x128xi32, #tpu.memory_space<vmem>> -> memref<128xi32, #tpu.memory_space<vmem>>
          %dma_wait3A_102 = arith.constant 0 : i32
          %dma_wait3A_103 = arith.constant 0 : i32
          %dma_wait3A_104 = tpu.memref_slice %arg10[%dma_wait3A_102, %dma_wait3A_103] : memref<10240x64xf32, #tpu.memory_space<vmem_shared>> -> memref<10240x64xf32, #tpu.memory_space<vmem_shared>>
          %dma_wait3A_105 = tpu.memref_slice %arg12[%rem3A_94] : memref<5x!tpu.dma_semaphore, #tpu.memory_space<semaphore_mem>> -> memref<1x!tpu.dma_semaphore, #tpu.memory_space<semaphore_mem>>
          %dma_wait3A_106 = tpu.memref_squeeze %dma_wait3A_105 : memref<1x!tpu.dma_semaphore, #tpu.memory_space<semaphore_mem>> -> memref<!tpu.dma_semaphore, #tpu.memory_space<semaphore_mem>>
          tpu.wait_indirect_dma semaphore(%dma_wait3A_106 : memref<!tpu.dma_semaphore, #tpu.memory_space<semaphore_mem>>) src(%dma_wait3A_98 : memref<128x64xf32, #tpu.memory_space<vmem>>) dst(%dma_wait3A_104 : memref<10240x64xf32, #tpu.memory_space<vmem_shared>>)
          %add3A_107 = arith.constant 5 : i32
          %add3A_108 = arith.addi %sub3A_92, %add3A_107 : i32
          %lt3A = arith.constant 160 : i32
          %lt3A_109 = arith.cmpi slt, %add3A_108, %lt3A : i32
          %convert_element_type3A_110 = arith.extui %lt3A_109 : i1 to i32
          %cond3A_111 = arith.constant 0 : i32
          %cond3A_112 = arith.cmpi ne, %convert_element_type3A_110, %cond3A_111 : i32
          scf.if %cond3A_112 {
            %add3A_113 = arith.constant 5 : i32
            %add3A_114 = arith.addi %sub3A_92, %add3A_113 : i32
            %dma_start3A_115 = arith.constant 0 : i32
            %dma_start3A_116 = arith.constant 0 : i32
            %dma_start3A_117 = tpu.memref_slice %arg9[%rem3A_94, %dma_start3A_115, %dma_start3A_116] : memref<5x128x64xf32, #tpu.memory_space<vmem>> -> memref<1x128x64xf32, #tpu.memory_space<vmem>>
            %dma_start3A_118 = tpu.memref_squeeze %dma_start3A_117 : memref<1x128x64xf32, #tpu.memory_space<vmem>> -> memref<128x64xf32, #tpu.memory_space<vmem>>
            %dma_start3A_119 = arith.constant 0 : i32
            %dma_start3A_120 = tpu.memref_slice %arg7[%add3A_114, %dma_start3A_119] : memref<160x128xi32, #tpu.memory_space<vmem>> -> memref<1x128xi32, #tpu.memory_space<vmem>>
            %dma_start3A_121 = tpu.memref_squeeze %dma_start3A_120 : memref<1x128xi32, #tpu.memory_space<vmem>> -> memref<128xi32, #tpu.memory_space<vmem>>
            %dma_start3A_122 = arith.constant 0 : i32
            %dma_start3A_123 = arith.constant 0 : i32
            %dma_start3A_124 = tpu.memref_slice %arg2[%dma_start3A_122, %dma_start3A_123] : memref<10000x64xf32, #tpu.memory_space<hbm>> -> memref<10000x64xf32, #tpu.memory_space<hbm>>
            %dma_start3A_125 = tpu.memref_slice %arg11[%rem3A_94] : memref<5x!tpu.dma_semaphore, #tpu.memory_space<semaphore_mem>> -> memref<1x!tpu.dma_semaphore, #tpu.memory_space<semaphore_mem>>
            %dma_start3A_126 = tpu.memref_squeeze %dma_start3A_125 : memref<1x!tpu.dma_semaphore, #tpu.memory_space<semaphore_mem>> -> memref<!tpu.dma_semaphore, #tpu.memory_space<semaphore_mem>>
            tpu.enqueue_indirect_dma source(%dma_start3A_124 : memref<10000x64xf32, #tpu.memory_space<hbm>>) target(%dma_start3A_118 : memref<128x64xf32, #tpu.memory_space<vmem>>) offsets(%dma_start3A_121 : memref<128xi32, #tpu.memory_space<vmem>>) semaphore(%dma_start3A_126 : memref<!tpu.dma_semaphore, #tpu.memory_space<semaphore_mem>>)
          } else {
          }
        } else {
        }
        %scan3A_91 = arith.constant 0 : i32
        scf.yield %scan3A_91 : i32
      }
      %scan3A_42 = arith.constant 160 : i32
      %scan3A_43 = arith.constant 0 : i32
      %scan3A_44 = arith.constant 0 : i32
      %add3A = arith.constant 159 : i32
      %add3A_45 = arith.addi %add3A, %scan3A_44 : i32
      %rem3A = arith.constant 5 : i32
      %rem3A_46 = arith.remsi %add3A_45, %rem3A : i32
      %dma_wait3A = arith.constant 0 : i32
      %dma_wait3A_47 = arith.constant 0 : i32
      %dma_wait3A_48 = tpu.memref_slice %arg9[%rem3A_46, %dma_wait3A, %dma_wait3A_47] : memref<5x128x64xf32, #tpu.memory_space<vmem>> -> memref<1x128x64xf32, #tpu.memory_space<vmem>>
      %dma_wait3A_49 = tpu.memref_squeeze %dma_wait3A_48 : memref<1x128x64xf32, #tpu.memory_space<vmem>> -> memref<128x64xf32, #tpu.memory_space<vmem>>
      %dma_wait3A_50 = arith.constant 0 : i32
      %dma_wait3A_51 = tpu.memref_slice %arg8[%add3A_45, %dma_wait3A_50] : memref<160x128xi32, #tpu.memory_space<vmem>> -> memref<1x128xi32, #tpu.memory_space<vmem>>
      %dma_wait3A_52 = tpu.memref_squeeze %dma_wait3A_51 : memref<1x128xi32, #tpu.memory_space<vmem>> -> memref<128xi32, #tpu.memory_space<vmem>>
      %dma_wait3A_53 = arith.constant 0 : i32
      %dma_wait3A_54 = arith.constant 0 : i32
      %dma_wait3A_55 = tpu.memref_slice %arg10[%dma_wait3A_53, %dma_wait3A_54] : memref<10240x64xf32, #tpu.memory_space<vmem_shared>> -> memref<10240x64xf32, #tpu.memory_space<vmem_shared>>
      %dma_wait3A_56 = tpu.memref_slice %arg12[%rem3A_46] : memref<5x!tpu.dma_semaphore, #tpu.memory_space<semaphore_mem>> -> memref<1x!tpu.dma_semaphore, #tpu.memory_space<semaphore_mem>>
      %dma_wait3A_57 = tpu.memref_squeeze %dma_wait3A_56 : memref<1x!tpu.dma_semaphore, #tpu.memory_space<semaphore_mem>> -> memref<!tpu.dma_semaphore, #tpu.memory_space<semaphore_mem>>
      tpu.wait_indirect_dma semaphore(%dma_wait3A_57 : memref<!tpu.dma_semaphore, #tpu.memory_space<semaphore_mem>>) src(%dma_wait3A_49 : memref<128x64xf32, #tpu.memory_space<vmem>>) dst(%dma_wait3A_55 : memref<10240x64xf32, #tpu.memory_space<vmem_shared>>)
      %scan3A_58 = arith.constant 0 : i32
      %scan3A_59 = arith.constant 1 : i32
    } else {
    }
    %eq3A_17 = arith.constant 1 : i32
    %eq3A_18 = arith.cmpi eq, %arg0, %eq3A_17 : i32
    %convert_element_type3A_19 = arith.extui %eq3A_18 : i1 to i32
    %cond3A_20 = arith.constant 0 : i32
    %cond3A_21 = arith.cmpi ne, %convert_element_type3A_19, %cond3A_20 : i32
    scf.if %cond3A_21 {
      %scan3A_29 = arith.constant 0 : i32
      %scan3A_30 = arith.constant 0 : i32
      %scan3A_31 = arith.constant 5 : i32
      %scan3A_32 = arith.addi %scan3A_30, %scan3A_31 : i32
      %scan3A_33 = arith.constant 1 : i32
      %scan3A_34 = scf.for %scan3A_60 = %scan3A_30 to %scan3A_32 step %scan3A_33 iter_args(%scan3A_61 = %scan3A_29) -> (i32)  : i32 {
        %dma_start3A = arith.constant 0 : i32
        %dma_start3A_62 = arith.constant 0 : i32
        %dma_start3A_63 = tpu.memref_slice %arg9[%scan3A_60, %dma_start3A, %dma_start3A_62] : memref<5x128x64xf32, #tpu.memory_space<vmem>> -> memref<1x128x64xf32, #tpu.memory_space<vmem>>
        %dma_start3A_64 = tpu.memref_squeeze %dma_start3A_63 : memref<1x128x64xf32, #tpu.memory_space<vmem>> -> memref<128x64xf32, #tpu.memory_space<vmem>>
        %dma_start3A_65 = arith.constant 0 : i32
        %dma_start3A_66 = tpu.memref_slice %arg7[%scan3A_60, %dma_start3A_65] : memref<160x128xi32, #tpu.memory_space<vmem>> -> memref<1x128xi32, #tpu.memory_space<vmem>>
        %dma_start3A_67 = tpu.memref_squeeze %dma_start3A_66 : memref<1x128xi32, #tpu.memory_space<vmem>> -> memref<128xi32, #tpu.memory_space<vmem>>
        %dma_start3A_68 = arith.constant 0 : i32
        %dma_start3A_69 = arith.constant 0 : i32
        %dma_start3A_70 = tpu.memref_slice %arg3[%dma_start3A_68, %dma_start3A_69] : memref<10000x64xf32, #tpu.memory_space<hbm>> -> memref<10000x64xf32, #tpu.memory_space<hbm>>
        %dma_start3A_71 = tpu.memref_slice %arg11[%scan3A_60] : memref<5x!tpu.dma_semaphore, #tpu.memory_space<semaphore_mem>> -> memref<1x!tpu.dma_semaphore, #tpu.memory_space<semaphore_mem>>
        %dma_start3A_72 = tpu.memref_squeeze %dma_start3A_71 : memref<1x!tpu.dma_semaphore, #tpu.memory_space<semaphore_mem>> -> memref<!tpu.dma_semaphore, #tpu.memory_space<semaphore_mem>>
        tpu.enqueue_indirect_dma source(%dma_start3A_70 : memref<10000x64xf32, #tpu.memory_space<hbm>>) target(%dma_start3A_64 : memref<128x64xf32, #tpu.memory_space<vmem>>) offsets(%dma_start3A_67 : memref<128xi32, #tpu.memory_space<vmem>>) semaphore(%dma_start3A_72 : memref<!tpu.dma_semaphore, #tpu.memory_space<semaphore_mem>>)
        %scan3A_73 = arith.constant 0 : i32
        scf.yield %scan3A_73 : i32
      }
      %scan3A_35 = arith.constant 5 : i32
      %scan3A_36 = arith.constant 0 : i32
      %scan3A_37 = arith.constant 0 : i32
      %scan3A_38 = arith.constant 160 : i32
      %scan3A_39 = arith.addi %scan3A_37, %scan3A_38 : i32
      %scan3A_40 = arith.constant 1 : i32
      %scan3A_41 = scf.for %scan3A_60 = %scan3A_37 to %scan3A_39 step %scan3A_40 iter_args(%scan3A_61 = %scan3A_36) -> (i32)  : i32 {
        %rem3A_62 = arith.constant 5 : i32
        %rem3A_63 = arith.remsi %scan3A_60, %rem3A_62 : i32
        %dma_wait3A_64 = arith.constant 0 : i32
        %dma_wait3A_65 = arith.constant 0 : i32
        %dma_wait3A_66 = tpu.memref_slice %arg9[%rem3A_63, %dma_wait3A_64, %dma_wait3A_65] : memref<5x128x64xf32, #tpu.memory_space<vmem>> -> memref<1x128x64xf32, #tpu.memory_space<vmem>>
        %dma_wait3A_67 = tpu.memref_squeeze %dma_wait3A_66 : memref<1x128x64xf32, #tpu.memory_space<vmem>> -> memref<128x64xf32, #tpu.memory_space<vmem>>
        %dma_wait3A_68 = arith.constant 0 : i32
        %dma_wait3A_69 = tpu.memref_slice %arg7[%scan3A_60, %dma_wait3A_68] : memref<160x128xi32, #tpu.memory_space<vmem>> -> memref<1x128xi32, #tpu.memory_space<vmem>>
        %dma_wait3A_70 = tpu.memref_squeeze %dma_wait3A_69 : memref<1x128xi32, #tpu.memory_space<vmem>> -> memref<128xi32, #tpu.memory_space<vmem>>
        %dma_wait3A_71 = arith.constant 0 : i32
        %dma_wait3A_72 = arith.constant 0 : i32
        %dma_wait3A_73 = tpu.memref_slice %arg3[%dma_wait3A_71, %dma_wait3A_72] : memref<10000x64xf32, #tpu.memory_space<hbm>> -> memref<10000x64xf32, #tpu.memory_space<hbm>>
        %dma_wait3A_74 = tpu.memref_slice %arg11[%rem3A_63] : memref<5x!tpu.dma_semaphore, #tpu.memory_space<semaphore_mem>> -> memref<1x!tpu.dma_semaphore, #tpu.memory_space<semaphore_mem>>
        %dma_wait3A_75 = tpu.memref_squeeze %dma_wait3A_74 : memref<1x!tpu.dma_semaphore, #tpu.memory_space<semaphore_mem>> -> memref<!tpu.dma_semaphore, #tpu.memory_space<semaphore_mem>>
        tpu.wait_indirect_dma semaphore(%dma_wait3A_75 : memref<!tpu.dma_semaphore, #tpu.memory_space<semaphore_mem>>) src(%dma_wait3A_73 : memref<10000x64xf32, #tpu.memory_space<hbm>>) dst(%dma_wait3A_67 : memref<128x64xf32, #tpu.memory_space<vmem>>)
        %dma_start3A = arith.constant 0 : i32
        %dma_start3A_76 = arith.constant 0 : i32
        %dma_start3A_77 = tpu.memref_slice %arg9[%rem3A_63, %dma_start3A, %dma_start3A_76] : memref<5x128x64xf32, #tpu.memory_space<vmem>> -> memref<1x128x64xf32, #tpu.memory_space<vmem>>
        %dma_start3A_78 = tpu.memref_squeeze %dma_start3A_77 : memref<1x128x64xf32, #tpu.memory_space<vmem>> -> memref<128x64xf32, #tpu.memory_space<vmem>>
        %dma_start3A_79 = arith.constant 0 : i32
        %dma_start3A_80 = tpu.memref_slice %arg8[%scan3A_60, %dma_start3A_79] : memref<160x128xi32, #tpu.memory_space<vmem>> -> memref<1x128xi32, #tpu.memory_space<vmem>>
        %dma_start3A_81 = tpu.memref_squeeze %dma_start3A_80 : memref<1x128xi32, #tpu.memory_space<vmem>> -> memref<128xi32, #tpu.memory_space<vmem>>
        %dma_start3A_82 = arith.constant 0 : i32
        %dma_start3A_83 = arith.constant 0 : i32
        %dma_start3A_84 = tpu.memref_slice %arg10[%dma_start3A_82, %dma_start3A_83] : memref<10240x64xf32, #tpu.memory_space<vmem_shared>> -> memref<10240x64xf32, #tpu.memory_space<vmem_shared>>
        %dma_start3A_85 = tpu.memref_slice %arg12[%rem3A_63] : memref<5x!tpu.dma_semaphore, #tpu.memory_space<semaphore_mem>> -> memref<1x!tpu.dma_semaphore, #tpu.memory_space<semaphore_mem>>
        %dma_start3A_86 = tpu.memref_squeeze %dma_start3A_85 : memref<1x!tpu.dma_semaphore, #tpu.memory_space<semaphore_mem>> -> memref<!tpu.dma_semaphore, #tpu.memory_space<semaphore_mem>>
        tpu.enqueue_indirect_dma source(%dma_start3A_78 : memref<128x64xf32, #tpu.memory_space<vmem>>) target(%dma_start3A_84 : memref<10240x64xf32, #tpu.memory_space<vmem_shared>>) offsets(%dma_start3A_81 : memref<128xi32, #tpu.memory_space<vmem>>) semaphore(%dma_start3A_86 : memref<!tpu.dma_semaphore, #tpu.memory_space<semaphore_mem>>) {add = true}
        %ge3A = arith.constant 1 : i32
        %ge3A_87 = arith.cmpi sge, %scan3A_60, %ge3A : i32
        %convert_element_type3A_88 = arith.extui %ge3A_87 : i1 to i32
        %cond3A_89 = arith.constant 0 : i32
        %cond3A_90 = arith.cmpi ne, %convert_element_type3A_88, %cond3A_89 : i32
        scf.if %cond3A_90 {
          %sub3A = arith.constant 1 : i32
          %sub3A_92 = arith.subi %scan3A_60, %sub3A : i32
          %rem3A_93 = arith.constant 5 : i32
          %rem3A_94 = arith.remsi %sub3A_92, %rem3A_93 : i32
          %dma_wait3A_95 = arith.constant 0 : i32
          %dma_wait3A_96 = arith.constant 0 : i32
          %dma_wait3A_97 = tpu.memref_slice %arg9[%rem3A_94, %dma_wait3A_95, %dma_wait3A_96] : memref<5x128x64xf32, #tpu.memory_space<vmem>> -> memref<1x128x64xf32, #tpu.memory_space<vmem>>
          %dma_wait3A_98 = tpu.memref_squeeze %dma_wait3A_97 : memref<1x128x64xf32, #tpu.memory_space<vmem>> -> memref<128x64xf32, #tpu.memory_space<vmem>>
          %dma_wait3A_99 = arith.constant 0 : i32
          %dma_wait3A_100 = tpu.memref_slice %arg8[%sub3A_92, %dma_wait3A_99] : memref<160x128xi32, #tpu.memory_space<vmem>> -> memref<1x128xi32, #tpu.memory_space<vmem>>
          %dma_wait3A_101 = tpu.memref_squeeze %dma_wait3A_100 : memref<1x128xi32, #tpu.memory_space<vmem>> -> memref<128xi32, #tpu.memory_space<vmem>>
          %dma_wait3A_102 = arith.constant 0 : i32
          %dma_wait3A_103 = arith.constant 0 : i32
          %dma_wait3A_104 = tpu.memref_slice %arg10[%dma_wait3A_102, %dma_wait3A_103] : memref<10240x64xf32, #tpu.memory_space<vmem_shared>> -> memref<10240x64xf32, #tpu.memory_space<vmem_shared>>
          %dma_wait3A_105 = tpu.memref_slice %arg12[%rem3A_94] : memref<5x!tpu.dma_semaphore, #tpu.memory_space<semaphore_mem>> -> memref<1x!tpu.dma_semaphore, #tpu.memory_space<semaphore_mem>>
          %dma_wait3A_106 = tpu.memref_squeeze %dma_wait3A_105 : memref<1x!tpu.dma_semaphore, #tpu.memory_space<semaphore_mem>> -> memref<!tpu.dma_semaphore, #tpu.memory_space<semaphore_mem>>
          tpu.wait_indirect_dma semaphore(%dma_wait3A_106 : memref<!tpu.dma_semaphore, #tpu.memory_space<semaphore_mem>>) src(%dma_wait3A_98 : memref<128x64xf32, #tpu.memory_space<vmem>>) dst(%dma_wait3A_104 : memref<10240x64xf32, #tpu.memory_space<vmem_shared>>)
          %add3A_107 = arith.constant 5 : i32
          %add3A_108 = arith.addi %sub3A_92, %add3A_107 : i32
          %lt3A = arith.constant 160 : i32
          %lt3A_109 = arith.cmpi slt, %add3A_108, %lt3A : i32
          %convert_element_type3A_110 = arith.extui %lt3A_109 : i1 to i32
          %cond3A_111 = arith.constant 0 : i32
          %cond3A_112 = arith.cmpi ne, %convert_element_type3A_110, %cond3A_111 : i32
          scf.if %cond3A_112 {
            %add3A_113 = arith.constant 5 : i32
            %add3A_114 = arith.addi %sub3A_92, %add3A_113 : i32
            %dma_start3A_115 = arith.constant 0 : i32
            %dma_start3A_116 = arith.constant 0 : i32
            %dma_start3A_117 = tpu.memref_slice %arg9[%rem3A_94, %dma_start3A_115, %dma_start3A_116] : memref<5x128x64xf32, #tpu.memory_space<vmem>> -> memref<1x128x64xf32, #tpu.memory_space<vmem>>
            %dma_start3A_118 = tpu.memref_squeeze %dma_start3A_117 : memref<1x128x64xf32, #tpu.memory_space<vmem>> -> memref<128x64xf32, #tpu.memory_space<vmem>>
            %dma_start3A_119 = arith.constant 0 : i32
            %dma_start3A_120 = tpu.memref_slice %arg7[%add3A_114, %dma_start3A_119] : memref<160x128xi32, #tpu.memory_space<vmem>> -> memref<1x128xi32, #tpu.memory_space<vmem>>
            %dma_start3A_121 = tpu.memref_squeeze %dma_start3A_120 : memref<1x128xi32, #tpu.memory_space<vmem>> -> memref<128xi32, #tpu.memory_space<vmem>>
            %dma_start3A_122 = arith.constant 0 : i32
            %dma_start3A_123 = arith.constant 0 : i32
            %dma_start3A_124 = tpu.memref_slice %arg3[%dma_start3A_122, %dma_start3A_123] : memref<10000x64xf32, #tpu.memory_space<hbm>> -> memref<10000x64xf32, #tpu.memory_space<hbm>>
            %dma_start3A_125 = tpu.memref_slice %arg11[%rem3A_94] : memref<5x!tpu.dma_semaphore, #tpu.memory_space<semaphore_mem>> -> memref<1x!tpu.dma_semaphore, #tpu.memory_space<semaphore_mem>>
            %dma_start3A_126 = tpu.memref_squeeze %dma_start3A_125 : memref<1x!tpu.dma_semaphore, #tpu.memory_space<semaphore_mem>> -> memref<!tpu.dma_semaphore, #tpu.memory_space<semaphore_mem>>
            tpu.enqueue_indirect_dma source(%dma_start3A_124 : memref<10000x64xf32, #tpu.memory_space<hbm>>) target(%dma_start3A_118 : memref<128x64xf32, #tpu.memory_space<vmem>>) offsets(%dma_start3A_121 : memref<128xi32, #tpu.memory_space<vmem>>) semaphore(%dma_start3A_126 : memref<!tpu.dma_semaphore, #tpu.memory_space<semaphore_mem>>)
          } else {
          }
        } else {
        }
        %scan3A_91 = arith.constant 0 : i32
        scf.yield %scan3A_91 : i32
      }
      %scan3A_42 = arith.constant 160 : i32
      %scan3A_43 = arith.constant 0 : i32
      %scan3A_44 = arith.constant 0 : i32
      %add3A = arith.constant 159 : i32
      %add3A_45 = arith.addi %add3A, %scan3A_44 : i32
      %rem3A = arith.constant 5 : i32
      %rem3A_46 = arith.remsi %add3A_45, %rem3A : i32
      %dma_wait3A = arith.constant 0 : i32
      %dma_wait3A_47 = arith.constant 0 : i32
      %dma_wait3A_48 = tpu.memref_slice %arg9[%rem3A_46, %dma_wait3A, %dma_wait3A_47] : memref<5x128x64xf32, #tpu.memory_space<vmem>> -> memref<1x128x64xf32, #tpu.memory_space<vmem>>
      %dma_wait3A_49 = tpu.memref_squeeze %dma_wait3A_48 : memref<1x128x64xf32, #tpu.memory_space<vmem>> -> memref<128x64xf32, #tpu.memory_space<vmem>>
      %dma_wait3A_50 = arith.constant 0 : i32
      %dma_wait3A_51 = tpu.memref_slice %arg8[%add3A_45, %dma_wait3A_50] : memref<160x128xi32, #tpu.memory_space<vmem>> -> memref<1x128xi32, #tpu.memory_space<vmem>>
      %dma_wait3A_52 = tpu.memref_squeeze %dma_wait3A_51 : memref<1x128xi32, #tpu.memory_space<vmem>> -> memref<128xi32, #tpu.memory_space<vmem>>
      %dma_wait3A_53 = arith.constant 0 : i32
      %dma_wait3A_54 = arith.constant 0 : i32
      %dma_wait3A_55 = tpu.memref_slice %arg10[%dma_wait3A_53, %dma_wait3A_54] : memref<10240x64xf32, #tpu.memory_space<vmem_shared>> -> memref<10240x64xf32, #tpu.memory_space<vmem_shared>>
      %dma_wait3A_56 = tpu.memref_slice %arg12[%rem3A_46] : memref<5x!tpu.dma_semaphore, #tpu.memory_space<semaphore_mem>> -> memref<1x!tpu.dma_semaphore, #tpu.memory_space<semaphore_mem>>
      %dma_wait3A_57 = tpu.memref_squeeze %dma_wait3A_56 : memref<1x!tpu.dma_semaphore, #tpu.memory_space<semaphore_mem>> -> memref<!tpu.dma_semaphore, #tpu.memory_space<semaphore_mem>>
      tpu.wait_indirect_dma semaphore(%dma_wait3A_57 : memref<!tpu.dma_semaphore, #tpu.memory_space<semaphore_mem>>) src(%dma_wait3A_49 : memref<128x64xf32, #tpu.memory_space<vmem>>) dst(%dma_wait3A_55 : memref<10240x64xf32, #tpu.memory_space<vmem_shared>>)
      %scan3A_58 = arith.constant 0 : i32
      %scan3A_59 = arith.constant 1 : i32
    } else {
    }
    %barrier3A_22 = arith.constant 0 : index
    tpu.barrier barrier_id(%barrier3A_22)
    %mul3A_23 = arith.constant 640 : i32
    %mul3A_24 = arith.muli %arg1, %mul3A_23 : i32
    %mul3A_25 = arith.constant 640 : i32
    %mul3A_26 = arith.muli %arg1, %mul3A_25 : i32
    %mul3A_27 = arith.constant 64 : i32
    %mul3A_28 = arith.muli %arg0, %mul3A_27 : i32
    "tpu.region"() ({
      %run_scoped3A = tpu.sem_alloc : memref<!tpu.dma_semaphore, #tpu.memory_space<semaphore_mem>>
      %dma_start3A = tpu.memref_slice %arg6[%mul3A_26, %mul3A_28] : memref<10240x128xf32, #tpu.memory_space<hbm>> -> memref<640x64xf32, #tpu.memory_space<hbm>>
      %dma_start3A_29 = arith.constant 0 : i32
      %dma_start3A_30 = tpu.memref_slice %arg10[%mul3A_24, %dma_start3A_29] : memref<10240x64xf32, #tpu.memory_space<vmem_shared>> -> memref<640x64xf32, #tpu.memory_space<vmem_shared>>
      tpu.enqueue_dma source(%dma_start3A_30 : memref<640x64xf32, #tpu.memory_space<vmem_shared>>) target(%dma_start3A : memref<640x64xf32, #tpu.memory_space<hbm>>) target_semaphore(%run_scoped3A : memref<!tpu.dma_semaphore, #tpu.memory_space<semaphore_mem>>)
      %dma_wait3A = tpu.memref_slice %arg6[%mul3A_26, %mul3A_28] : memref<10240x128xf32, #tpu.memory_space<hbm>> -> memref<640x64xf32, #tpu.memory_space<hbm>>
      %dma_wait3A_31 = arith.constant 0 : i32
      %dma_wait3A_32 = tpu.memref_slice %arg10[%mul3A_24, %dma_wait3A_31] : memref<10240x64xf32, #tpu.memory_space<vmem_shared>> -> memref<640x64xf32, #tpu.memory_space<vmem_shared>>
      tpu.wait_dma2 semaphore(%run_scoped3A : memref<!tpu.dma_semaphore, #tpu.memory_space<semaphore_mem>>) src(%dma_wait3A_32 : memref<640x64xf32, #tpu.memory_space<vmem_shared>>) dst(%dma_wait3A : memref<640x64xf32, #tpu.memory_space<hbm>>)
      tpu.yield
    }) : () -> ()
    return
  }
}

module attributes {stable_mosaic.version = 14 : i64} {
  func.func @_p_body(%arg0: memref<2x10240x32xf32, #tpu.memory_space<vmem>>, %arg1: memref<10000x128xf32, #tpu.memory_space<vmem>>) attributes {dimension_semantics = [], scalar_prefetch = 0 : i64, scratch_operands = 0 : i64, tpu.core_type = #tpu.core_type<tc>} {
    %get3A = arith.constant 0 : index
    %get3A_0 = arith.constant 0 : index
    %get3A_1 = arith.constant 0 : index
    %get3A_2 = vector.load %arg0[%get3A, %get3A_0, %get3A_1] : memref<2x10240x32xf32, #tpu.memory_space<vmem>>, vector<1x10000x32xf32>
    %get3A_3 = vector.shape_cast %get3A_2 : vector<1x10000x32xf32> to vector<10000x32xf32>
    %get3A_4 = arith.constant 1 : index
    %get3A_5 = arith.constant 0 : index
    %get3A_6 = arith.constant 0 : index
    %get3A_7 = vector.load %arg0[%get3A_4, %get3A_5, %get3A_6] : memref<2x10240x32xf32, #tpu.memory_space<vmem>>, vector<1x10000x32xf32>
    %get3A_8 = vector.shape_cast %get3A_7 : vector<1x10000x32xf32> to vector<10000x32xf32>
    %add3A = arith.addf %get3A_3, %get3A_8 : vector<10000x32xf32>
    %slice3A = vector.extract_strided_slice %add3A {offsets = [0, 16], sizes = [10000, 1], strides = [1, 1]} : vector<10000x32xf32> to vector<10000x1xf32>
    %max3A = arith.constant 1.000000e+00 : f32
    %max3A_9 = vector.broadcast %max3A : f32 to vector<10000x1xf32>
    %max3A_10 = arith.maximumf %slice3A, %max3A_9 : vector<10000x1xf32>
    %div3A = arith.constant 1.000000e+00 : f32
    %div3A_11 = vector.broadcast %div3A : f32 to vector<10000x1xf32>
    %div3A_12 = arith.divf %div3A_11, %max3A_10 : vector<10000x1xf32>
    %slice3A_13 = vector.extract_strided_slice %add3A {offsets = [0, 0], sizes = [10000, 16], strides = [1, 1]} : vector<10000x32xf32> to vector<10000x16xf32>
    %mul3A = vector.broadcast %div3A_12 : vector<10000x1xf32> to vector<10000x16xf32>
    %mul3A_14 = arith.mulf %slice3A_13, %mul3A : vector<10000x16xf32>
    %broadcast_in_dim3A = arith.constant 0.000000e+00 : f32
    %broadcast_in_dim3A_15 = vector.broadcast %broadcast_in_dim3A : f32 to vector<10000x111xf32>
    %concatenate3A = tpu.concatenate %mul3A_14, %div3A_12, %broadcast_in_dim3A_15 in 1 : vector<10000x16xf32>, vector<10000x1xf32>, vector<10000x111xf32> -> vector<10000x128xf32>
    %swap3A = arith.constant 0 : index
    %swap3A_16 = arith.constant 0 : index
    %swap3A_17 = vector.load %arg1[%swap3A, %swap3A_16] : memref<10000x128xf32, #tpu.memory_space<vmem>>, vector<10000x128xf32>
    tpu.vector_store %arg1[%swap3A, %swap3A_16], %concatenate3A {strides = array<i32>} : memref<10000x128xf32, #tpu.memory_space<vmem>>, vector<10000x128xf32>,
    return
  }
}

module attributes {stable_mosaic.version = 14 : i64} {
  func.func @_layer_body(%arg0: memref<10240x128xf32, #tpu.memory_space<vmem>>, %arg1: memref<10000x128xf32, #tpu.memory_space<vmem>>, %arg2: memref<10000x128xf32, #tpu.memory_space<vmem>>, %arg3: memref<16x128xf32, #tpu.memory_space<vmem>>, %arg4: memref<128x128xf32, #tpu.memory_space<vmem>>, %arg5: memref<1x128xf32, #tpu.memory_space<vmem>>, %arg6: memref<1x128xf32, #tpu.memory_space<vmem>>, %arg7: memref<10000x128xf32, #tpu.memory_space<vmem>>, %arg8: memref<10000x64xf32, #tpu.memory_space<vmem>>, %arg9: memref<10000x64xf32, #tpu.memory_space<vmem>>) attributes {dimension_semantics = [], scalar_prefetch = 0 : i64, scratch_operands = 0 : i64, tpu.core_type = #tpu.core_type<tc>} {
    %get3A = arith.constant 0 : index
    %get3A_0 = arith.constant 0 : index
    %get3A_1 = vector.load %arg2[%get3A, %get3A_0] : memref<10000x128xf32, #tpu.memory_space<vmem>>, vector<10000x128xf32>
    %get3A_2 = arith.constant 0 : index
    %get3A_3 = arith.constant 16 : index
    %get3A_4 = vector.load %arg1[%get3A_2, %get3A_3] : memref<10000x128xf32, #tpu.memory_space<vmem>>, vector<10000x1xf32>
    %get3A_5 = arith.constant 0 : index
    %get3A_6 = arith.constant 0 : index
    %get3A_7 = vector.load %arg1[%get3A_5, %get3A_6] : memref<10000x128xf32, #tpu.memory_space<vmem>>, vector<10000x16xf32>
    %get3A_8 = arith.constant 0 : index
    %get3A_9 = arith.constant 0 : index
    %get3A_10 = vector.load %arg3[%get3A_8, %get3A_9] : memref<16x128xf32, #tpu.memory_space<vmem>>, vector<16x128xf32>
    %dot_general3A = arith.constant dense<0.000000e+00> : vector<10000x128xf32>
    %dot_general3A_11 = tpu.matmul %get3A_7, %get3A_10, %dot_general3A {dimension_numbers = #tpu.dot_dimension_numbers<[1], [0], [0], [1], [0, 0, 1, 1], [], []>, precision = #tpu.contract_precision<fp32>, transpose_lhs_hint = false} : vector<10000x16xf32>, vector<16x128xf32>, vector<10000x128xf32> -> vector<10000x128xf32>
    %get3A_12 = arith.constant 0 : index
    %get3A_13 = arith.constant 0 : index
    %get3A_14 = vector.load %arg0[%get3A_12, %get3A_13] : memref<10240x128xf32, #tpu.memory_space<vmem>>, vector<10000x128xf32>
    %mul3A = vector.broadcast %get3A_4 : vector<10000x1xf32> to vector<10000x128xf32>
    %mul3A_15 = arith.mulf %get3A_14, %mul3A : vector<10000x128xf32>
    %add3A = arith.addf %mul3A_15, %dot_general3A_11 : vector<10000x128xf32>
    %get3A_16 = arith.constant 0 : index
    %get3A_17 = arith.constant 0 : index
    %get3A_18 = vector.load %arg4[%get3A_16, %get3A_17] : memref<128x128xf32, #tpu.memory_space<vmem>>, vector<128x128xf32>
    %dot_general3A_19 = arith.constant dense<0.000000e+00> : vector<10000x128xf32>
    %dot_general3A_20 = tpu.matmul %add3A, %get3A_18, %dot_general3A_19 {dimension_numbers = #tpu.dot_dimension_numbers<[1], [0], [0], [1], [0, 0, 1, 1], [], []>, precision = #tpu.contract_precision<fp32>, transpose_lhs_hint = false} : vector<10000x128xf32>, vector<128x128xf32>, vector<10000x128xf32> -> vector<10000x128xf32>
    %reduce_sum3A = arith.constant dense<0.000000e+00> : vector<128xf32>
    %reduce_sum3A_21 = vector.multi_reduction <add>, %dot_general3A_20, %reduce_sum3A [0] : vector<10000x128xf32> to vector<128xf32>
    %broadcast_in_dim3A = vector.shape_cast %reduce_sum3A_21 : vector<128xf32> to vector<1x128xf32>
    %div3A = arith.constant 1.000000e+04 : f32
    %div3A_22 = vector.broadcast %div3A : f32 to vector<1x128xf32>
    %div3A_23 = arith.divf %broadcast_in_dim3A, %div3A_22 : vector<1x128xf32>
    %sub3A = vector.broadcast %div3A_23 : vector<1x128xf32> to vector<10000x128xf32>
    %sub3A_24 = arith.subf %dot_general3A_20, %sub3A : vector<10000x128xf32>
    %mul3A_25 = arith.mulf %sub3A_24, %sub3A_24 : vector<10000x128xf32>
    %reduce_sum3A_26 = arith.constant dense<0.000000e+00> : vector<128xf32>
    %reduce_sum3A_27 = vector.multi_reduction <add>, %mul3A_25, %reduce_sum3A_26 [0] : vector<10000x128xf32> to vector<128xf32>
    %broadcast_in_dim3A_28 = vector.shape_cast %reduce_sum3A_27 : vector<128xf32> to vector<1x128xf32>
    %div3A_29 = arith.constant 1.000000e+04 : f32
    %div3A_30 = vector.broadcast %div3A_29 : f32 to vector<1x128xf32>
    %div3A_31 = arith.divf %broadcast_in_dim3A_28, %div3A_30 : vector<1x128xf32>
    %add3A_32 = arith.constant 9.99999974E-6 : f32
    %add3A_33 = vector.broadcast %add3A_32 : f32 to vector<1x128xf32>
    %add3A_34 = arith.addf %div3A_31, %add3A_33 : vector<1x128xf32>
    %rsqrt3A = math.rsqrt %add3A_34 : vector<1x128xf32>
    %mul3A_35 = vector.broadcast %rsqrt3A : vector<1x128xf32> to vector<10000x128xf32>
    %mul3A_36 = arith.mulf %sub3A_24, %mul3A_35 : vector<10000x128xf32>
    %get3A_37 = arith.constant 0 : index
    %get3A_38 = arith.constant 0 : index
    %get3A_39 = vector.load %arg5[%get3A_37, %get3A_38] : memref<1x128xf32, #tpu.memory_space<vmem>>, vector<1x128xf32>
    %mul3A_40 = vector.broadcast %get3A_39 : vector<1x128xf32> to vector<10000x128xf32>
    %mul3A_41 = arith.mulf %mul3A_36, %mul3A_40 : vector<10000x128xf32>
    %get3A_42 = arith.constant 0 : index
    %get3A_43 = arith.constant 0 : index
    %get3A_44 = vector.load %arg6[%get3A_42, %get3A_43] : memref<1x128xf32, #tpu.memory_space<vmem>>, vector<1x128xf32>
    %add3A_45 = vector.broadcast %get3A_44 : vector<1x128xf32> to vector<10000x128xf32>
    %add3A_46 = arith.addf %mul3A_41, %add3A_45 : vector<10000x128xf32>
    %max3A = arith.constant 0.000000e+00 : f32
    %max3A_47 = vector.broadcast %max3A : f32 to vector<10000x128xf32>
    %max3A_48 = arith.maximumf %add3A_46, %max3A_47 : vector<10000x128xf32>
    %add3A_49 = arith.addf %max3A_48, %get3A_1 : vector<10000x128xf32>
    %swap3A = arith.constant 0 : index
    %swap3A_50 = arith.constant 0 : index
    %swap3A_51 = vector.load %arg7[%swap3A, %swap3A_50] : memref<10000x128xf32, #tpu.memory_space<vmem>>, vector<10000x128xf32>
    tpu.vector_store %arg7[%swap3A, %swap3A_50], %add3A_49 {strides = array<i32>} : memref<10000x128xf32, #tpu.memory_space<vmem>>, vector<10000x128xf32>,
    %slice3A = vector.extract_strided_slice %add3A_49 {offsets = [0, 0], sizes = [10000, 64], strides = [1, 1]} : vector<10000x128xf32> to vector<10000x64xf32>
    %swap3A_52 = arith.constant 0 : index
    %swap3A_53 = arith.constant 0 : index
    %swap3A_54 = vector.load %arg8[%swap3A_52, %swap3A_53] : memref<10000x64xf32, #tpu.memory_space<vmem>>, vector<10000x64xf32>
    tpu.vector_store %arg8[%swap3A_52, %swap3A_53], %slice3A {strides = array<i32>} : memref<10000x64xf32, #tpu.memory_space<vmem>>, vector<10000x64xf32>,
    %slice3A_55 = vector.extract_strided_slice %add3A_49 {offsets = [0, 64], sizes = [10000, 64], strides = [1, 1]} : vector<10000x128xf32> to vector<10000x64xf32>
    %swap3A_56 = arith.constant 0 : index
    %swap3A_57 = arith.constant 0 : index
    %swap3A_58 = vector.load %arg9[%swap3A_56, %swap3A_57] : memref<10000x64xf32, #tpu.memory_space<vmem>>, vector<10000x64xf32>
    tpu.vector_store %arg9[%swap3A_56, %swap3A_57], %slice3A_55 {strides = array<i32>} : memref<10000x64xf32, #tpu.memory_space<vmem>>, vector<10000x64xf32>,
    return
  }
}

module attributes {stable_mosaic.version = 14 : i64} {
  func.func @_final_body(%arg0: memref<10240x128xf32, #tpu.memory_space<vmem>>, %arg1: memref<10000x128xf32, #tpu.memory_space<vmem>>, %arg2: memref<10000x128xf32, #tpu.memory_space<vmem>>, %arg3: memref<16x128xf32, #tpu.memory_space<vmem>>, %arg4: memref<128x128xf32, #tpu.memory_space<vmem>>, %arg5: memref<1x128xf32, #tpu.memory_space<vmem>>, %arg6: memref<1x128xf32, #tpu.memory_space<vmem>>, %arg7: memref<128x64xf32, #tpu.memory_space<vmem>>, %arg8: memref<1x64xf32, #tpu.memory_space<vmem>>, %arg9: memref<64x32xf32, #tpu.memory_space<vmem>>, %arg10: memref<1x32xf32, #tpu.memory_space<vmem>>, %arg11: memref<32x10xf32, #tpu.memory_space<vmem>>, %arg12: memref<1x10xf32, #tpu.memory_space<vmem>>, %arg13: memref<1x10xf32, #tpu.memory_space<vmem>>) attributes {dimension_semantics = [], scalar_prefetch = 0 : i64, scratch_operands = 0 : i64, tpu.core_type = #tpu.core_type<tc>} {
    %get3A = arith.constant 0 : index
    %get3A_0 = arith.constant 0 : index
    %get3A_1 = vector.load %arg2[%get3A, %get3A_0] : memref<10000x128xf32, #tpu.memory_space<vmem>>, vector<10000x128xf32>
    %get3A_2 = arith.constant 0 : index
    %get3A_3 = arith.constant 16 : index
    %get3A_4 = vector.load %arg1[%get3A_2, %get3A_3] : memref<10000x128xf32, #tpu.memory_space<vmem>>, vector<10000x1xf32>
    %get3A_5 = arith.constant 0 : index
    %get3A_6 = arith.constant 0 : index
    %get3A_7 = vector.load %arg1[%get3A_5, %get3A_6] : memref<10000x128xf32, #tpu.memory_space<vmem>>, vector<10000x16xf32>
    %get3A_8 = arith.constant 0 : index
    %get3A_9 = arith.constant 0 : index
    %get3A_10 = vector.load %arg3[%get3A_8, %get3A_9] : memref<16x128xf32, #tpu.memory_space<vmem>>, vector<16x128xf32>
    %dot_general3A = arith.constant dense<0.000000e+00> : vector<10000x128xf32>
    %dot_general3A_11 = tpu.matmul %get3A_7, %get3A_10, %dot_general3A {dimension_numbers = #tpu.dot_dimension_numbers<[1], [0], [0], [1], [0, 0, 1, 1], [], []>, precision = #tpu.contract_precision<fp32>, transpose_lhs_hint = false} : vector<10000x16xf32>, vector<16x128xf32>, vector<10000x128xf32> -> vector<10000x128xf32>
    %get3A_12 = arith.constant 0 : index
    %get3A_13 = arith.constant 0 : index
    %get3A_14 = vector.load %arg0[%get3A_12, %get3A_13] : memref<10240x128xf32, #tpu.memory_space<vmem>>, vector<10000x128xf32>
    %mul3A = vector.broadcast %get3A_4 : vector<10000x1xf32> to vector<10000x128xf32>
    %mul3A_15 = arith.mulf %get3A_14, %mul3A : vector<10000x128xf32>
    %add3A = arith.addf %mul3A_15, %dot_general3A_11 : vector<10000x128xf32>
    %get3A_16 = arith.constant 0 : index
    %get3A_17 = arith.constant 0 : index
    %get3A_18 = vector.load %arg4[%get3A_16, %get3A_17] : memref<128x128xf32, #tpu.memory_space<vmem>>, vector<128x128xf32>
    %dot_general3A_19 = arith.constant dense<0.000000e+00> : vector<10000x128xf32>
    %dot_general3A_20 = tpu.matmul %add3A, %get3A_18, %dot_general3A_19 {dimension_numbers = #tpu.dot_dimension_numbers<[1], [0], [0], [1], [0, 0, 1, 1], [], []>, precision = #tpu.contract_precision<fp32>, transpose_lhs_hint = false} : vector<10000x128xf32>, vector<128x128xf32>, vector<10000x128xf32> -> vector<10000x128xf32>
    %reduce_sum3A = arith.constant dense<0.000000e+00> : vector<128xf32>
    %reduce_sum3A_21 = vector.multi_reduction <add>, %dot_general3A_20, %reduce_sum3A [0] : vector<10000x128xf32> to vector<128xf32>
    %broadcast_in_dim3A = vector.shape_cast %reduce_sum3A_21 : vector<128xf32> to vector<1x128xf32>
    %div3A = arith.constant 1.000000e+04 : f32
    %div3A_22 = vector.broadcast %div3A : f32 to vector<1x128xf32>
    %div3A_23 = arith.divf %broadcast_in_dim3A, %div3A_22 : vector<1x128xf32>
    %sub3A = vector.broadcast %div3A_23 : vector<1x128xf32> to vector<10000x128xf32>
    %sub3A_24 = arith.subf %dot_general3A_20, %sub3A : vector<10000x128xf32>
    %mul3A_25 = arith.mulf %sub3A_24, %sub3A_24 : vector<10000x128xf32>
    %reduce_sum3A_26 = arith.constant dense<0.000000e+00> : vector<128xf32>
    %reduce_sum3A_27 = vector.multi_reduction <add>, %mul3A_25, %reduce_sum3A_26 [0] : vector<10000x128xf32> to vector<128xf32>
    %broadcast_in_dim3A_28 = vector.shape_cast %reduce_sum3A_27 : vector<128xf32> to vector<1x128xf32>
    %div3A_29 = arith.constant 1.000000e+04 : f32
    %div3A_30 = vector.broadcast %div3A_29 : f32 to vector<1x128xf32>
    %div3A_31 = arith.divf %broadcast_in_dim3A_28, %div3A_30 : vector<1x128xf32>
    %add3A_32 = arith.constant 9.99999974E-6 : f32
    %add3A_33 = vector.broadcast %add3A_32 : f32 to vector<1x128xf32>
    %add3A_34 = arith.addf %div3A_31, %add3A_33 : vector<1x128xf32>
    %rsqrt3A = math.rsqrt %add3A_34 : vector<1x128xf32>
    %mul3A_35 = vector.broadcast %rsqrt3A : vector<1x128xf32> to vector<10000x128xf32>
    %mul3A_36 = arith.mulf %sub3A_24, %mul3A_35 : vector<10000x128xf32>
    %get3A_37 = arith.constant 0 : index
    %get3A_38 = arith.constant 0 : index
    %get3A_39 = vector.load %arg5[%get3A_37, %get3A_38] : memref<1x128xf32, #tpu.memory_space<vmem>>, vector<1x128xf32>
    %mul3A_40 = vector.broadcast %get3A_39 : vector<1x128xf32> to vector<10000x128xf32>
    %mul3A_41 = arith.mulf %mul3A_36, %mul3A_40 : vector<10000x128xf32>
    %get3A_42 = arith.constant 0 : index
    %get3A_43 = arith.constant 0 : index
    %get3A_44 = vector.load %arg6[%get3A_42, %get3A_43] : memref<1x128xf32, #tpu.memory_space<vmem>>, vector<1x128xf32>
    %add3A_45 = vector.broadcast %get3A_44 : vector<1x128xf32> to vector<10000x128xf32>
    %add3A_46 = arith.addf %mul3A_41, %add3A_45 : vector<10000x128xf32>
    %max3A = arith.constant 0.000000e+00 : f32
    %max3A_47 = vector.broadcast %max3A : f32 to vector<10000x128xf32>
    %max3A_48 = arith.maximumf %add3A_46, %max3A_47 : vector<10000x128xf32>
    %add3A_49 = arith.addf %max3A_48, %get3A_1 : vector<10000x128xf32>
    %reduce_sum3A_50 = arith.constant dense<0.000000e+00> : vector<128xf32>
    %reduce_sum3A_51 = vector.multi_reduction <add>, %add3A_49, %reduce_sum3A_50 [0] : vector<10000x128xf32> to vector<128xf32>
    %broadcast_in_dim3A_52 = vector.shape_cast %reduce_sum3A_51 : vector<128xf32> to vector<1x128xf32>
    %div3A_53 = arith.constant 1.000000e+04 : f32
    %div3A_54 = vector.broadcast %div3A_53 : f32 to vector<1x128xf32>
    %div3A_55 = arith.divf %broadcast_in_dim3A_52, %div3A_54 : vector<1x128xf32>
    %get3A_56 = arith.constant 0 : index
    %get3A_57 = arith.constant 0 : index
    %get3A_58 = vector.load %arg7[%get3A_56, %get3A_57] : memref<128x64xf32, #tpu.memory_space<vmem>>, vector<128x64xf32>
    %dot_general3A_59 = arith.constant dense<0.000000e+00> : vector<1x64xf32>
    %dot_general3A_60 = tpu.matmul %div3A_55, %get3A_58, %dot_general3A_59 {dimension_numbers = #tpu.dot_dimension_numbers<[1], [0], [0], [1], [0, 0, 1, 1], [], []>, precision = #tpu.contract_precision<fp32>, transpose_lhs_hint = false} : vector<1x128xf32>, vector<128x64xf32>, vector<1x64xf32> -> vector<1x64xf32>
    %get3A_61 = arith.constant 0 : index
    %get3A_62 = arith.constant 0 : index
    %get3A_63 = vector.load %arg8[%get3A_61, %get3A_62] : memref<1x64xf32, #tpu.memory_space<vmem>>, vector<1x64xf32>
    %add3A_64 = arith.addf %dot_general3A_60, %get3A_63 : vector<1x64xf32>
    %max3A_65 = arith.constant 0.000000e+00 : f32
    %max3A_66 = vector.broadcast %max3A_65 : f32 to vector<1x64xf32>
    %max3A_67 = arith.maximumf %add3A_64, %max3A_66 : vector<1x64xf32>
    %get3A_68 = arith.constant 0 : index
    %get3A_69 = arith.constant 0 : index
    %get3A_70 = vector.load %arg9[%get3A_68, %get3A_69] : memref<64x32xf32, #tpu.memory_space<vmem>>, vector<64x32xf32>
    %dot_general3A_71 = arith.constant dense<0.000000e+00> : vector<1x32xf32>
    %dot_general3A_72 = tpu.matmul %max3A_67, %get3A_70, %dot_general3A_71 {dimension_numbers = #tpu.dot_dimension_numbers<[1], [0], [0], [1], [0, 0, 1, 1], [], []>, precision = #tpu.contract_precision<fp32>, transpose_lhs_hint = false} : vector<1x64xf32>, vector<64x32xf32>, vector<1x32xf32> -> vector<1x32xf32>
    %get3A_73 = arith.constant 0 : index
    %get3A_74 = arith.constant 0 : index
    %get3A_75 = vector.load %arg10[%get3A_73, %get3A_74] : memref<1x32xf32, #tpu.memory_space<vmem>>, vector<1x32xf32>
    %add3A_76 = arith.addf %dot_general3A_72, %get3A_75 : vector<1x32xf32>
    %max3A_77 = arith.constant 0.000000e+00 : f32
    %max3A_78 = vector.broadcast %max3A_77 : f32 to vector<1x32xf32>
    %max3A_79 = arith.maximumf %add3A_76, %max3A_78 : vector<1x32xf32>
    %get3A_80 = arith.constant 0 : index
    %get3A_81 = arith.constant 0 : index
    %get3A_82 = vector.load %arg11[%get3A_80, %get3A_81] : memref<32x10xf32, #tpu.memory_space<vmem>>, vector<32x10xf32>
    %dot_general3A_83 = arith.constant dense<0.000000e+00> : vector<1x10xf32>
    %dot_general3A_84 = tpu.matmul %max3A_79, %get3A_82, %dot_general3A_83 {dimension_numbers = #tpu.dot_dimension_numbers<[1], [0], [0], [1], [0, 0, 1, 1], [], []>, precision = #tpu.contract_precision<fp32>, transpose_lhs_hint = false} : vector<1x32xf32>, vector<32x10xf32>, vector<1x10xf32> -> vector<1x10xf32>
    %get3A_85 = arith.constant 0 : index
    %get3A_86 = arith.constant 0 : index
    %get3A_87 = vector.load %arg12[%get3A_85, %get3A_86] : memref<1x10xf32, #tpu.memory_space<vmem>>, vector<1x10xf32>
    %add3A_88 = arith.addf %dot_general3A_84, %get3A_87 : vector<1x10xf32>
    %swap3A = arith.constant 0 : index
    %swap3A_89 = arith.constant 0 : index
    %swap3A_90 = vector.load %arg13[%swap3A, %swap3A_89] : memref<1x10xf32, #tpu.memory_space<vmem>>, vector<1x10xf32>
    tpu.vector_store %arg13[%swap3A, %swap3A_89], %add3A_88 {strides = array<i32>} : memref<1x10xf32, #tpu.memory_space<vmem>>, vector<1x10xf32>,
    return
  }
}

</mosaic_0001>

<sc_bundles>
// kernel: kernel.12.cloned.1.call-start
scs
__scs_entry_jumppad:
0x0: {  	(pc) =	sbr.rel $0x88, $3  }
0x1: {  	(tag) =	ssettag $0x0;
	lr =	simm.s32 $0x1  }
0x2: {  	[smem:$0x3F88] =	sst lr;
	_ =	strace $0xD0000000  }
0x3: {  	_ = 	snop  }
0x4: {  	_ = 	snop  }
0x5: {  	_ = 	snop  }
0x6: {  	_ = 	snop  }
0x7: {  	_ = 	snop  }
__scs_overlays_trampoline_lowered:
0x8: {  	[smem:$0x3F97] =	sst s0  }
0x9: {  	[smem:$0x3F98] =	sst s1  }
0xa: {  	[smem:$0x3F99] =	sst s2  }
0xb: {  	[smem:$0x3F9A] =	sst s3  }
0xc: {  	[smem:$0x3F9B] =	sst s4  }
0xd: {  	[smem:$0x3F9C] =	sst s5  }
0xe: {  	[smem:$0x3F9D] =	sst s6  }
0xf: {  	[smem:$0x3F9E] =	sst s7  }
0x10: {  	[smem:$0x3F9F] =	sst s8  }
0x11: {  	[smem:$0x3FA0] =	sst s9;
	s0 =	simm.s32 @!p0 $0x0  }
0x12: {  	s1 =	sld [smem:$0x3F86];
	s0 =	simm.s32 @p0 $0x1  }
0x13: {  	[smem:$0x3FA1] =	sst s0;
	s0 =	simm.s32 @!p1 $0x0  }
0x14: {  	s2 =	sld [smem:$0x3F85];
	s0 =	simm.s32 @p1 $0x1  }
0x15: {  	[smem:$0x3FA2] =	sst s0;
	s0 =	simm.s32 @!p2 $0x0  }
0x16: {  	s3 =	sld [smem:$0x3FDB];
	s0 =	simm.s32 @p2 $0x1  }
0x17: {  	s4 =	simm.s32 $0x1BF5;
	[smem:$0x3FA4] =	sst s0  }
0x18: {  	s0 =	sld [smem:$0x3F87];
	_ =	swait.ge [sflag:s4], $0x0  }
0x19: {  	s7 =	sld [smem:$0x3F88]  }
0x1a: {  	s8 =	sadd.s32 $0xFFFFE003, lr  }
0x1b: {  	s9 =	sadd.s32 $0xFFFFFEF7, lr;
	s5 =	simm.s32 $0xFFFFFFFF;
	p2 =	slt.u32 s8, $0xFFFFF086  }
0x1c: {  	p1 =	slt.u32 s9, $0xF7A;
	s5 =	simm.s32 @!p2 $0x0  }
0x1d: {  	s5 =	simm.s32 @p1 $0x1;
	p0 =	seq.s32 s7, s2  }
0x1e: {  	s7 =	smul.u32 @!p0 $0xF7A, s2;
	p2 =	seq.s32 @!p0 s5, $0x0  }
0x1f: {  	s9 =	smul.u32 $0xF7A, s1;
	s8 =	simm.s32 @!p0 $0x1BF5;
	p2 =	por !p2, p0  }
0x20: {  	[sflag:s8] =	ssyncset.s32 @!p0 $0xFFFFF086;
	s6 =	sadd.s32 @!p0 s3, s7;
	s7 =	simm.s32 @!p0 $0x108  }
0x21: {  	s3 =	sadd.s32 s3, s9;
	s6 =	sadd.s32 @!p0 $0x88, s6;
	s7 =	simm.s32 @p2 $0x1082  }
0x22: {  	[simem:s7], [sflag:s8] =	dma.local @!p0 [hbm:s6], $0xF7A  }
0x23: {  	s9 =	sor.u32 $0xD0000000, s2;
	s6 =	simm.s32 $0x108;
	_ =	swait.ge @!p0 [sflag:s8], $0x0  }
0x24: {  	s3 =	sadd.s32 $0x88, s3;
	s6 =	simm.s32 @!p1 $0x1082;
	[sflag:s4] =	ssyncset.s32 $0xFFFFF086  }
0x25: {  	[simem:s6], [sflag:s4] =	dma.local [hbm:s3], $0xF7A  }
0x26: {  	[smem:$0x3F88] =	sst s1;
	(tag) =	ssettag s2;
	_ =	strace s9  }
0x27: {  	s1 =	sld [smem:$0x3F98]  }
0x28: {  	s2 =	sld [smem:$0x3F99]  }
0x29: {  	s4 =	sld [smem:$0x3F9B]  }
0x2a: {  	p0 =	seq.s32 s5, $0x0;
	s5 =	sld [smem:$0x3F9C]  }
0x2b: {  	s6 =	sld [smem:$0x3F9D]  }
0x2c: {  	s7 =	sld [smem:$0x3F9E]  }
0x2d: {  	s3 =	simm.s32 $0x108;
	s8 =	sld [smem:$0x3F9F]  }
0x2e: {  	s3 =	simm.s32 @!p0 $0x1082;
	s9 =	sld [smem:$0x3FA0]  }
0x2f: {  	lr =	sadd.s32 s0, s3;
	s0 =	sld [smem:$0x3F97]  }
0x30: {  	s3 =	sld [smem:$0x3F9A]  }
0x31: {  	[smem:$0x3FA3] =	sst s10  }
0x32: {  	s10 =	sld [smem:$0x3FA1];
	_ =	sdelay $0x3  }
0x33: {  	p0 =	seq.s32 s10, $0x1;
	s10 =	sld [smem:$0x3FA3];
	_ =	sdelay $0x3  }
0x34: {  	[smem:$0x3FA3] =	sst s10  }
0x35: {  	s10 =	sld [smem:$0x3FA2];
	_ =	sdelay $0x3  }
0x36: {  	p1 =	seq.s32 s10, $0x1;
	s10 =	sld [smem:$0x3FA3];
	_ =	sdelay $0x3  }
0x37: {  	[smem:$0x3FA3] =	sst s10  }
0x38: {  	s10 =	sld [smem:$0x3FA4]  }
0x39: {  	_ = 	snop;
	(pc) =	sbr.ind lr, $3  }
0x3a: {  	_ = 	snop  }
0x3b: {  	_ = 	snop  }
0x3c: {  	p2 =	seq.s32 s10, $0x1;
	s10 =	sld [smem:$0x3FA3]  }
0x3d: {  	_ =	shalt  }
0x3e: {  	_ =	shalt  }
0x3f: {  	_ =	shalt  }
0x40: {  	_ =	shalt  }
0x41: {  	_ =	shalt  }
0x42: {  	_ =	shalt  }
0x43: {  	_ =	shalt  }
0x44: {  	_ =	shalt  }
0x45: {  	_ =	shalt  }
0x46: {  	_ =	shalt  }
0x47: {  	_ =	shalt  }
0x48: {  	_ =	shalt  }
0x49: {  	_ =	shalt  }
0x4a: {  	_ =	shalt  }
0x4b: {  	_ =	shalt  }
0x4c: {  	_ =	shalt  }
0x4d: {  	_ =	shalt  }
0x4e: {  	_ =	shalt  }
0x4f: {  	_ =	shalt  }
0x50: {  	_ =	shalt  }
0x51: {  	_ =	shalt  }
0x52: {  	_ =	shalt  }
0x53: {  	_ =	shalt  }
0x54: {  	_ =	shalt  }
0x55: {  	_ =	shalt  }
0x56: {  	_ =	shalt  }
0x57: {  	_ =	shalt  }
0x58: {  	_ =	shalt  }
0x59: {  	_ =	shalt  }
0x5a: {  	_ =	shalt  }
0x5b: {  	_ =	shalt  }
0x5c: {  	_ =	shalt  }
0x5d: {  	_ =	shalt  }
0x5e: {  	_ =	shalt  }
0x5f: {  	_ =	shalt  }
0x60: {  	_ =	shalt  }
0x61: {  	_ =	shalt  }
0x62: {  	_ =	shalt  }
0x63: {  	_ =	shalt  }
0x64: {  	_ =	shalt  }
0x65: {  	_ =	shalt  }
0x66: {  	_ =	shalt  }
0x67: {  	_ =	shalt  }
0x68: {  	_ =	shalt  }
0x69: {  	_ =	shalt  }
0x6a: {  	_ =	shalt  }
0x6b: {  	_ =	shalt  }
0x6c: {  	_ =	shalt  }
0x6d: {  	_ =	shalt  }
0x6e: {  	_ =	shalt  }
0x6f: {  	_ =	shalt  }
0x70: {  	_ =	shalt  }
0x71: {  	_ =	shalt  }
0x72: {  	_ =	shalt  }
0x73: {  	_ =	shalt  }
0x74: {  	_ =	shalt  }
0x75: {  	_ =	shalt  }
0x76: {  	_ =	shalt  }
0x77: {  	_ =	shalt  }
0x78: {  	_ =	shalt  }
0x79: {  	_ =	shalt  }
0x7a: {  	_ =	shalt  }
0x7b: {  	_ =	shalt  }
0x7c: {  	_ =	shalt  }
0x7d: {  	_ =	shalt  }
0x7e: {  	_ =	shalt  }
0x7f: {  	_ =	shalt  }
0x80: {  	_ =	shalt  }
0x81: {  	_ =	shalt  }
0x82: {  	_ =	shalt  }
0x83: {  	_ =	shalt  }
0x84: {  	_ =	shalt  }
0x85: {  	_ =	shalt  }
0x86: {  	_ =	shalt  }
0x87: {  	_ =	shalt  }
.Lfunc_end0:
.L_simem_size_0:
called_computation.1_lowered:
.L_overlay_start_0:
0x88: {  	s2 =	sld [smem:$0x3FD9]  }
0x89: {  	s3 =	sld [smem:$0x3FFE];
	_ =	sdelay $0x1  }
0x8a: {  	s1 =	srdreg.scid  }
0x8b: {  	s0 =	sand.u32 $0x1, s1  }
0x8c: {  	s16 =	sshll.u32 s0, $0xA;
	s2 =	sadd.s32 s3, s2  }
0x8d: {  	s2 =	sadd.s32 s2, s16  }
0x8e: {  	[smem:$0x3FAF] =	sst s2  }
0x8f: {  	_ = 	snop  }
0x90: {  	(tm) =	ssettm $0x1  }
0x91: {  	s17 =	sld [smem:$0x3FFB];
	_ =	sdelay $0x3  }
0x92: {  	_ =	strace s17  }
0x93: {  	s2 =	sld [smem:$0x3FFC];
	_ =	sdelay $0x3  }
0x94: {  	_ =	strace s2  }
0x95: {  	s2 =	sld [smem:$0x3FFD];
	_ =	sdelay $0x3  }
0x96: {  	_ =	strace s2  }
0x97: {  	_ =	strace $0x8FFFFFFF  }
0x98: {  	s18 =	sld [smem:$0x3FDB];
	_ =	sdelay $0x1  }
0x99: {  	s19 =	simm.s32 $_scs_section_size  }
0x9a: {  	s4 =	simm.s32 $_size__tile_overlayer_lowered;
	s5 =	simm.s32 $_tile_overlayer_lowered  }
0x9b: {  	s22 =	simm.s32 $0x1BFF;
	s21 =	sshll.u32 s5, $0x1;
	s2 =	sadd.s32 s19, s18  }
0x9c: {  	s6 =	simm.s32 $0x0;
	s20 =	sshll.u32 s4, $0x1;
	s4 =	sadd.s32 s21, s2  }
0x9d: {  	[timem:s6], [sflag:s22] =	dma.local [hbm:s4], s20  }
0x9e: {  	_ =	swait.ge [sflag:s22], s20  }
0x9f: {  	s3 =	ssub.s32 $0x0, s20;
	[sflag:s22] =	ssyncset.done $0x0  }
0xa0: {  	[sflag:s22] =	ssyncadd.s32 s3;
	_ =	sdelay $0x1  }
0xa1: {  	s23 =	simm.s32 $0x1B8B  }
0xa2: {  	_ =	swait.ge [sflag:s23], $0x1  }
0xa3: {  	[sflag:s23] =	ssyncset.done $0x0  }
0xa4: {  	s25 =	simm.s32 $0x1B8E;
	s24 =	sld [smem:$0x3FFE];
	[sflag:s23] =	ssyncadd.s32 $0xFFFFFFFF  }
0xa5: {  	s26 =	simm.s32 $execute0_lowered;
	[smem:$0x3FD2] =	sst s25  }
0xa6: {  	s4 =	sshll.u32 s26, $0x1;
	_ =	strace $0x80000049;
	[dreg:$0x1] =	wrdreg $0xFFFFFFFF  }
0xa7: {  	s28 =	simm.s32 $_size_execute0_lowered;
	s2 =	sadd.s32 s2, s4;
	[dreg:$0x0] =	wrdreg $0x0  }
0xa8: {  	s4 =	sshll.u32 s28, $0x1;
	[dreg:$0x2] =	wrdreg s2  }
0xa9: {  	[dreg:$0x3] =	wrdreg s4  }
0xaa: {  	[dreg:$0x4] =	wrdreg $0xC0  }
0xab: {  	_ =	task [dreg:s6], $0x5FFFF  }
0xac: {  	[dreg:$0x1] =	wrdreg $0xFFFFFFFF  }
0xad: {  	[dreg:$0x0] =	wrdreg $0x60  }
0xae: {  	[dreg:$0x2] =	wrdreg s24  }
0xaf: {  	[dreg:$0x3] =	wrdreg $0x78000  }
0xb0: {  	[dreg:$0x4] =	wrdreg $0x9  }
0xb1: {  	_ =	task.clear_ibuf [dreg:s6], $0x5FFFF;
	_ =	strace $0x90000049  }
0xb2: {  	s29 =	simm.s32 $0x9;
	_ =	strace $0x8000004B  }
0xb3: {  	_ =	swait.ge [sflag:s29], $0x1  }
0xb4: {  	[sflag:s29] =	ssyncadd.s32 $0xFFFFFFFF  }
0xb5: {  	_ =	strace $0x9000004B  }
0xb6: {  	_ =	sfence  }
0xb7: {  	s30 =	sld [smem:$0x0];
	_ =	sdelay $0x2  }
0xb8: {  	s31 =	sshll.u32 s1, $0xD;
	s1 =	sshrl.u32 s1, $0x2  }
0xb9: {  	s3 =	sand.u32 $0x4000, s31;
	s1 =	sadd.s32 s1, s30  }
0xba: {  	s0 =	sor.u32 s3, s0;
	s1 =	sshll.u32 s1, $0x11  }
0xbb: {  	s0 =	sor.u32 s1, s0  }
0xbc: {  	s0 =	sadd.s32 $0x8F2B, s0  }
0xbd: {  	[sflag:s0] =	ssyncadd.remote.s32 $0x1  }
0xbe: {  	_ =	sfence.sel $0xFFFF  }
0xbf: {  	[dreg:$0x0] =	wrdreg $0xFFFFFFFF;
	(pc) =	sbr.abs _section_cstart, $3  }
0xc0: {  	[dreg:$0x1] =	wrdreg $0xFFFFFFFF  }
0xc1: {  	_ =	task.clear_ibuf [dreg:s6], $0x2FFFF;
	_ =	strace $0x9FFFFFFF  }
0xc2: {  	(tm) =	ssettm $0x7FFFFFFF  }
0xc3: {  	_ =	shalt  }
tec
execute0_lowered:
.L_overlay_start_1:
0x0: {  	(tag) =	ssettag $0x1  }
0x1: {  	s0 =	rddreg [dreg:$0x0]  }
0x2: {  	s1 =	rddreg [dreg:$0x1];
	s2 =	srdreg.scid  }
0x3: {  	s4 =	simm.s32 $0x0;
	s9 =	stileid.u32;
	s18 =	simm.s32 $0xB  }
0x4: {  	s19 =	simm.s32 $0x2800;
	s24 =	simm.s32 $0x80;
	s7 =	smul.u32 $0x5000, s9  }
0x5: {  	s28 =	simm.s32 $0x0;
	s2 =	sand.u32 $0x1, s2;
	s8 =	smul.u32 $0x14000, s9  }
0x6: {  	[smem:$0x7FF] =	sst s4;
	s16 =	sadd.s32 $0x5000, s0;
	s12 =	smul.u32 $0x50, s9  }
0x7: {  	s3 =	smul.u32 $0x50000, s2;
	s25 =	sshll.u32 s2, $0x4;
	_ =	strace $0x8000004A  }
0x8: {  	s6 =	ssub.s32 $0x2, s2;
	s2 =	smul.u32 $0x500, s2;
	s4 =	sor.u32 s9, s25  }
0x9: {  	s26 =	sshrl.u32 s6, $0x1;
	s29 =	sshrl.u32 s8, $0x2;
	s5 =	smul.u32 $0x500, s4  }
0xa: {  	s31 =	sadd.s32 s7, s1;
	s3 =	sadd.s32 s7, s3;
	s11 =	smul.u32 $0xA000, s4  }
0xb: {  	s2 =	sadd.s32 s12, s2;
	s25 =	sshrl.u32 s31, $0x3;
	s3 =	sshrl.u32 s3, $0x3  }
0xc: {  	s2 =	sshll.u32 s2, $0x9;
	s5 =	sadd.s32 s5, s0;
	s0 =	sadd.s32 s3, s0  }
0xd: {  	s3 =	ssub.s32 s6, s26;
	s11 =	sadd.s32 s16, s11;
	s2 =	sadd.s32 s2, s16  }
0xe: {  	s26 =	simm.s32 $0xA;
	s30 =	sadd.s32 $0x629600, s5;
	s5 =	sadd.s32 s29, s1  }
0xf: {  	s6 =	sadd.s32 $0x145000, s0;
	s7 =	smax.u32 s3, $0x1;
	s13 =	sadd.s32 $0x200, s11  }
0x10: {  	s14 =	sadd.s32 $0x400, s11;
	s15 =	sadd.s32 $0x600, s11;
	s16 =	sadd.s32 $0x800, s11  }
0x11: {  	s2 =	sadd.s32 $0x800, s2;
	[dreg:$0x3] =	wrdreg s30;
	s8 =	sadd.s32 $0x1000, s5  }
0x12: {  	v0 =	vimm.f32 $0.0e+00;
	s9 =	sadd.s32 $0x2000, s5;
	s10 =	sadd.s32 $0x3000, s5;
	s12 =	sadd.s32 $0x4000, s5  }
.LBB2_1:
0x13: {  	s0 =	simm.s32 $0x0;
	s3 =	rddreg [dreg:$0x3]  }
0x14: {  	[tilespmem:s0], [sflag:$0xB] =	stream.linear.gather [hbm4b:s3+s0], $0x2800, $0x38;
	[tilespmem:$0xC800] =	vst v63  }
0x15: {  	_ =	swait.ge [sflag:s18], $0x2800  }
0x16: {  	[sflag:s18] =	ssyncset.done $0x0  }
0x17: {  	s0 =	simm.s32 $0x80;
	s3 =	simm.s32 $0x0;
	[sflag:s18] =	ssyncadd.s32 $0xFFFFD800  }
.LBB2_2:
0x18: {  	p0 =	sne.s32 s0, $0x3F80;
	[tilespmem:s3+$0x2800] =	vst v0;
	s17 =	smov.u32 s0;
	s0 =	sadd.s32 $0x80, s0  }
.Ltmp0:
0x19: {  	[tilespmem:s3+$0x2810] =	vst v0;
	(pc) =	sbr.rel @p0 .LBB2_2-.Ltmp0, $2  }
0x1a: {  	_ =	sdelay $0x2  }
0x1b: {  	s3 =	sshra.s32 s17, $0x2  }
0x1c: {  	[tilespmem:s3+$0x2800] =	vst v0  }
0x1d: {  	[tilespmem:s3+$0x2810] =	vst v0  }
0x1e: {  	[spmem:s5] =	stream.linear.scatter [tilespmem:s19], [sflag:$0xB], $0x1000, $0x38;
	[tilespmem:$0xC800] =	vst v63  }
0x1f: {  	_ =	swait.ge [sflag:s18], $0x1000  }
0x20: {  	[sflag:s18] =	ssyncset.done $0x0  }
0x21: {  	[sflag:s18] =	ssyncadd.s32 $0xFFFFF000  }
0x22: {  	[spmem:s8] =	stream.linear.scatter [tilespmem:s19], [sflag:$0xB], $0x1000, $0x38;
	[tilespmem:$0xC800] =	vst v63  }
0x23: {  	_ =	swait.ge [sflag:s18], $0x1000  }
0x24: {  	[sflag:s18] =	ssyncset.done $0x0  }
0x25: {  	[sflag:s18] =	ssyncadd.s32 $0xFFFFF000  }
0x26: {  	[spmem:s9] =	stream.linear.scatter [tilespmem:s19], [sflag:$0xB], $0x1000, $0x38;
	[tilespmem:$0xC800] =	vst v63  }
0x27: {  	_ =	swait.ge [sflag:s18], $0x1000  }
0x28: {  	[sflag:s18] =	ssyncset.done $0x0  }
0x29: {  	[sflag:s18] =	ssyncadd.s32 $0xFFFFF000  }
0x2a: {  	[spmem:s10] =	stream.linear.scatter [tilespmem:s19], [sflag:$0xB], $0x1000, $0x38;
	[tilespmem:$0xC800] =	vst v63  }
0x2b: {  	_ =	swait.ge [sflag:s18], $0x1000  }
0x2c: {  	[sflag:s18] =	ssyncset.done $0x0  }
0x2d: {  	[sflag:s18] =	ssyncadd.s32 $0xFFFFF000  }
0x2e: {  	[spmem:s12] =	stream.linear.scatter [tilespmem:s19], [sflag:$0xB], $0x1000, $0x38;
	[tilespmem:$0xC800] =	vst v63  }
0x2f: {  	_ =	swait.ge [sflag:s18], $0x1000  }
0x30: {  	[sflag:s18] =	ssyncset.done $0x0  }
0x31: {  	[sflag:s18] =	ssyncadd.s32 $0xFFFFF000  }
0x32: {  	s17 =	simm.s32 $0x0;
	[bflag:$0x0] =	sbarrier.arrive $0xFFFF  }
0x33: {  	[tilespmem:s19], [sflag:$0x1] =	stream.linear.gather [hbm4b:s11+s17], $0x1000, $0x38;
	[tilespmem:$0xC800] =	vst v63  }
0x34: {  	s0 =	simm.s32 $0x3800;
	s22 =	smul.u32 $0xCD, s17  }
0x35: {  	[tilespmem:s0], [sflag:$0x2] =	stream.linear.gather [hbm4b:s13+s17], $0x1000, $0x38;
	[tilespmem:$0xC800] =	vst v63  }
0x36: {  	p0 =	por $0x1, $0x1;
	s0 =	sshrl.u32 s22, $0xA  }
0x37: {  	s20 =	simm.s32 $0x4800;
	s3 =	simm.s32 @!p0 $0xFFFFFFFF;
	s0 =	sand.u32 $0x3F, s0  }
0x38: {  	[tilespmem:s20], [sflag:$0x3] =	stream.linear.gather [hbm4b:s14+s17], $0x1000, $0x38;
	[tilespmem:$0xC800] =	vst v63  }
0x39: {  	s21 =	simm.s32 $0x5800;
	s3 =	sand.u32 @!p0 $0xFF, s3;
	s0 =	smul.u32 $0x5, s0  }
0x3a: {  	s23 =	simm.s32 $0x6800;
	s29 =	simm.s32 $0x1;
	s20 =	smul.u32 @!p0 $0xCD, s3  }
0x3b: {  	[tilespmem:s21], [sflag:$0x4] =	stream.linear.gather [hbm4b:s15+s17], $0x1000, $0x38;
	[tilespmem:$0xC800] =	vst v63  }
0x3c: {  	s31 =	simm.s32 $0x80;
	s30 =	sadd.s32 $0x200, s2;
	s21 =	ssub.s32 $0x0, s0  }
0x3d: {  	p1 =	por @!p0 $0x0, $0x0;
	s20 =	sshrl.u32 @!p0 s20, $0xA;
	s21 =	sand.u32 $0xFF, s21  }
0x3e: {  	[tilespmem:s23], [sflag:$0x5] =	stream.linear.gather [hbm4b:s16+s17], $0x1000, $0x38;
	[tilespmem:$0xC800] =	vst v63  }
0x3f: {  	p1 =	por p1, p0;
	s20 =	smul.u32 @!p0 $0x5, s20;
	s22 =	sadd.s32 $0x1, s21  }
0x40: {  	s3 =	smul.u32 $0xCD, s29;
	s23 =	sshll.u32 s21, $0xC;
	_ =	swait.ge [sflag:s22], $0x1000  }
0x41: {  	s21 =	sadd.s32 $0x6, s21;
	s20 =	ssub.s32 @!p0 $0xFFFFFFFF, s20;
	[sflag:s22] =	ssyncset.done $0x0  }
0x42: {  	s23 =	sadd.s32 $0x2800, s23;
	s4 =	sand.u32 @!p0 $0xFF, s20;
	[sflag:s22] =	ssyncadd.s32 $0xFFFFF000  }
0x43: {  	[spmem:s1] =	stream.indirect.scatter.add.f32 [tilespmem:s23], [sflag:s21], $0x20, s17, s24, $0xb8;
	[tilespmem:$0xC800] =	vst v63  }
0x44: {  	s0 =	simm.s32 $0x2;
	s20 =	sadd.s32 @!p0 $0x6, s4;
	s17 =	sshll.u32 @!p1 s4, $0xC  }
0x45: {  	s21 =	simm.s32 @!p1 $0x0;
	s23 =	sadd.s32 @!p1 $0x1, s4;
	_ =	swait.ge @!p0 [sflag:s20], $0x1000  }
0x46: {  	s22 =	sadd.s32 @!p1 $0x2800, s17;
	s17 =	smov.u32 s2;
	[sflag:s20] =	ssyncset.done @!p0 $0x0  }
.LBB2_4:
0x47: {  	s4 =	smul.u32 $0xCD, s0  }
0x48: {  	[sflag:s20] =	ssyncadd.s32 @!p0 $0xFFFFF000;
	s20 =	smov.u32 s0;
	s0 =	sadd.s32 $0x1, s0  }
0x49: {  	[tilespmem:s22], [sflag:s23] =	stream.linear.gather @!p1 [hbm4b:s17+s21], $0x1000, $0x38;
	[tilespmem:$0xC800] =	vst v63  }
0x4a: {  	s3 =	sshrl.u32 s3, $0xA;
	p0 =	seq.s32 s29, $0x0;
	p2 =	sne.s32 s0, $0x50  }
0x4b: {  	s3 =	sand.u32 $0x3F, s3;
	s21 =	sadd.s32 @!p0 $0xFFFFFFFF, s29;
	p1 =	sgt.u32 @!p0 s29, $0x4B  }
0x4c: {  	s22 =	smul.u32 $0x5, s3;
	s17 =	sand.u32 @!p0 $0xFF, s21;
	s3 =	smov.u32 s4  }
0x4d: {  	s4 =	smul.u32 @!p0 $0xCD, s17;
	s17 =	smov.u32 s30  }
0x4e: {  	s22 =	ssub.s32 s29, s22;
	s29 =	smov.u32 s20  }
0x4f: {  	s20 =	sand.u32 $0xFF, s22;
	s4 =	sshrl.u32 @!p0 s4, $0xA  }
0x50: {  	s22 =	sadd.s32 $0x1, s20;
	s23 =	sshll.u32 s20, $0xC;
	s4 =	smul.u32 @!p0 $0x5, s4  }
0x51: {  	p1 =	por p1, p0;
	s20 =	sadd.s32 $0x6, s20;
	_ =	swait.ge [sflag:s22], $0x1000  }
0x52: {  	s4 =	ssub.s32 @!p0 s21, s4;
	s21 =	sadd.s32 $0x2800, s23;
	[sflag:s22] =	ssyncset.done $0x0  }
.Ltmp1:
0x53: {  	s4 =	sand.u32 @!p0 $0xFF, s4;
	[sflag:s22] =	ssyncadd.s32 $0xFFFFF000;
	(pc) =	sbr.rel @p2 .LBB2_4-.Ltmp1, $4  }
0x54: {  	[spmem:s1] =	stream.indirect.scatter.add.f32 [tilespmem:s21], [sflag:s20], $0x20, s31, s24, $0xb8;
	[tilespmem:$0xC800] =	vst v63  }
0x55: {  	s22 =	sshll.u32 @!p1 s4, $0xC;
	s20 =	sadd.s32 @!p0 $0x6, s4;
	s31 =	sadd.s32 $0x80, s31  }
0x56: {  	s30 =	sadd.s32 $0x200, s30;
	s21 =	simm.s32 @!p1 $0x0;
	_ =	swait.ge @!p0 [sflag:s20], $0x1000  }
0x57: {  	s23 =	sadd.s32 @!p1 $0x1, s4;
	s22 =	sadd.s32 @!p1 $0x2800, s22;
	[sflag:s20] =	ssyncset.done @!p0 $0x0  }
0x58: {  	[sflag:s20] =	ssyncadd.s32 @!p0 $0xFFFFF000;
	s0 =	sshrl.u32 s3, $0xA;
	p0 =	seq.s32 s29, $0x0  }
0x59: {  	[tilespmem:s22], [sflag:s23] =	stream.linear.gather @!p1 [hbm4b:s17+s21], $0x1000, $0x38;
	[tilespmem:$0xC800] =	vst v63  }
0x5a: {  	s0 =	sand.u32 $0x3F, s0;
	s3 =	sadd.s32 @!p0 $0xFFFFFFFF, s29  }
0x5b: {  	s0 =	smul.u32 $0x5, s0;
	s4 =	sand.u32 @!p0 $0xFF, s3  }
0x5c: {  	s4 =	smul.u32 @!p0 $0xCD, s4  }
0x5d: {  	s0 =	ssub.s32 s29, s0  }
0x5e: {  	s0 =	sand.u32 $0xFF, s0;
	s4 =	sshrl.u32 @!p0 s4, $0xA  }
0x5f: {  	s21 =	sadd.s32 $0x1, s0;
	s4 =	smul.u32 @!p0 $0x5, s4  }
0x60: {  	s22 =	sshll.u32 s0, $0xC;
	_ =	swait.ge [sflag:s21], $0x1000  }
0x61: {  	s0 =	sadd.s32 $0x6, s0;
	[sflag:s21] =	ssyncset.done $0x0;
	s3 =	ssub.s32 @!p0 s3, s4  }
0x62: {  	s23 =	sadd.s32 $0x2800, s22;
	[sflag:s21] =	ssyncadd.s32 $0xFFFFF000;
	s3 =	sand.u32 @!p0 $0xFF, s3  }
0x63: {  	[spmem:s1] =	stream.indirect.scatter.add.f32 [tilespmem:s23], [sflag:s0], $0x20, s31, s24, $0xb8;
	[tilespmem:$0xC800] =	vst v63  }
0x64: {  	p1 =	sgt.u32 @!p0 s29, $0x4B;
	s0 =	sadd.s32 @!p0 $0x6, s3  }
0x65: {  	p1 =	por p1, p0;
	_ =	swait.ge @!p0 [sflag:s0], $0x1000  }
0x66: {  	s17 =	simm.s32 @!p1 $0x0;
	s4 =	sshll.u32 @!p1 s3, $0xC;
	[sflag:s0] =	ssyncset.done @!p0 $0x0  }
0x67: {  	s3 =	sadd.s32 @!p1 $0x1, s3;
	s4 =	sadd.s32 @!p1 $0x2800, s4;
	[sflag:s0] =	ssyncadd.s32 @!p0 $0xFFFFF000  }
0x68: {  	[tilespmem:s4], [sflag:s3] =	stream.linear.gather @!p1 [hbm4b:s30+s17], $0x1000, $0x38;
	[tilespmem:$0xC800] =	vst v63  }
0x69: {  	_ =	swait.ge [sflag:s26], $0x1000  }
0x6a: {  	s28 =	sadd.s32 $0x1, s28;
	s31 =	stileid.u32;
	[sflag:s26] =	ssyncset.done $0x0  }
0x6b: {  	s0 =	sshll.u32 s31, $0x6;
	p0 =	sne.s32 s28, s7;
	[sflag:s26] =	ssyncadd.s32 $0xFFFFF000  }
.Ltmp2:
0x6c: {  	s0 =	sor.u32 $0x1C0B, s0;
	[bflag:$0x0] =	sbarrier.arrive $0xFFFF;
	(pc) =	sbr.rel @p0 .LBB2_1-.Ltmp2, $4  }
0x6d: {  	[hbm:s6], [sflag:s0] =	dma.local [spmem:s25], $0xA00  }
0x6e: {  	_ =	swait.ge [sflag:s18], $0xA00  }
0x6f: {  	[sflag:s18] =	ssyncset.done $0x0  }
0x70: {  	[sflag:s18] =	ssyncadd.s32 $0xFFFFF600  }
0x71: {  	_ =	sfence.sel $0x180000  }
0x72: {  	[bflag:$0x0] =	sbarrier.arrive $0xFFFF  }
0x73: {  	_ =	strace $0x9000004A  }
0x74: {  	s0 =	stileid.u32;
	[bflag:$0x2] =	sbarrier.arrive $0xFFFF  }
0x75: {  	p0 =	sne.s32 s0, $0x0;
	s0 =	rddreg [dreg:$0x2]  }
0x76: {  	s0 =	sadd.s32 @!p0 $0x100000, s0  }
0x77: {  	[sflag:s0] =	ssyncadd.tile.s32 @!p0 $0x1;
	_ =	shalt  }
.Lfunc_end2:
_tile_overlayer_lowered:
.L_overlay_start_2:
0x78: {  	(tag) =	ssettag $0x2  }
0x79: {  	s0 =	rddreg [dreg:$0x0];
	s2 =	stileid.u32  }
0x7a: {  	s1 =	rddreg [dreg:$0x1];
	p0 =	sne.s32 s2, $0x0  }
0x7b: {  	s3 =	rddreg [dreg:$0x2];
	[bflag:$0x3] =	sbarrier.arrive $0xFFFF;
	s2 =	simm.s32 @!p0 $0x1C0B  }
0x7c: {  	[timem:s3], [sflag:s2] =	dma.local @!p0 [hbm:s0], s1  }
0x7d: {  	s0 =	simm.s32 @!p0 $0xB  }
0x7e: {  	_ =	swait.ge @!p0 [sflag:s0], s1  }
0x7f: {  	s1 =	ssub.s32 @!p0 $0x0, s1;
	[sflag:s0] =	ssyncset.done @!p0 $0x0  }
0x80: {  	[sflag:s0] =	ssyncadd.s32 @!p0 s1  }
0x81: {  	[bflag:$0x3] =	sbarrier.arrive $0xFFFF  }
0x82: {  	_ =	shalt  }

// kernel: kernel.15.cloned.1.call-start
scs
__scs_entry_jumppad:
0x0: {  	(pc) =	sbr.rel $0x88, $3  }
0x1: {  	(tag) =	ssettag $0x0;
	lr =	simm.s32 $0x1  }
0x2: {  	[smem:$0x3F88] =	sst lr;
	_ =	strace $0xD0000000  }
0x3: {  	_ = 	snop  }
0x4: {  	_ = 	snop  }
0x5: {  	_ = 	snop  }
0x6: {  	_ = 	snop  }
0x7: {  	_ = 	snop  }
__scs_overlays_trampoline_lowered:
0x8: {  	[smem:$0x3F97] =	sst s0  }
0x9: {  	[smem:$0x3F98] =	sst s1  }
0xa: {  	[smem:$0x3F99] =	sst s2  }
0xb: {  	[smem:$0x3F9A] =	sst s3  }
0xc: {  	[smem:$0x3F9B] =	sst s4  }
0xd: {  	[smem:$0x3F9C] =	sst s5  }
0xe: {  	[smem:$0x3F9D] =	sst s6  }
0xf: {  	[smem:$0x3F9E] =	sst s7  }
0x10: {  	[smem:$0x3F9F] =	sst s8  }
0x11: {  	[smem:$0x3FA0] =	sst s9;
	s0 =	simm.s32 @!p0 $0x0  }
0x12: {  	s1 =	sld [smem:$0x3F86];
	s0 =	simm.s32 @p0 $0x1  }
0x13: {  	[smem:$0x3FA1] =	sst s0;
	s0 =	simm.s32 @!p1 $0x0  }
0x14: {  	s2 =	sld [smem:$0x3F85];
	s0 =	simm.s32 @p1 $0x1  }
0x15: {  	[smem:$0x3FA2] =	sst s0;
	s0 =	simm.s32 @!p2 $0x0  }
0x16: {  	s3 =	sld [smem:$0x3FDB];
	s0 =	simm.s32 @p2 $0x1  }
0x17: {  	s4 =	simm.s32 $0x1BF5;
	[smem:$0x3FA4] =	sst s0  }
0x18: {  	s0 =	sld [smem:$0x3F87];
	_ =	swait.ge [sflag:s4], $0x0  }
0x19: {  	s7 =	sld [smem:$0x3F88]  }
0x1a: {  	s8 =	sadd.s32 $0xFFFFE003, lr  }
0x1b: {  	s9 =	sadd.s32 $0xFFFFFEF7, lr;
	s5 =	simm.s32 $0xFFFFFFFF;
	p2 =	slt.u32 s8, $0xFFFFF086  }
0x1c: {  	p1 =	slt.u32 s9, $0xF7A;
	s5 =	simm.s32 @!p2 $0x0  }
0x1d: {  	s5 =	simm.s32 @p1 $0x1;
	p0 =	seq.s32 s7, s2  }
0x1e: {  	s7 =	smul.u32 @!p0 $0xF7A, s2;
	p2 =	seq.s32 @!p0 s5, $0x0  }
0x1f: {  	s9 =	smul.u32 $0xF7A, s1;
	s8 =	simm.s32 @!p0 $0x1BF5;
	p2 =	por !p2, p0  }
0x20: {  	[sflag:s8] =	ssyncset.s32 @!p0 $0xFFFFF086;
	s6 =	sadd.s32 @!p0 s3, s7;
	s7 =	simm.s32 @!p0 $0x108  }
0x21: {  	s3 =	sadd.s32 s3, s9;
	s6 =	sadd.s32 @!p0 $0x88, s6;
	s7 =	simm.s32 @p2 $0x1082  }
0x22: {  	[simem:s7], [sflag:s8] =	dma.local @!p0 [hbm:s6], $0xF7A  }
0x23: {  	s9 =	sor.u32 $0xD0000000, s2;
	s6 =	simm.s32 $0x108;
	_ =	swait.ge @!p0 [sflag:s8], $0x0  }
0x24: {  	s3 =	sadd.s32 $0x88, s3;
	s6 =	simm.s32 @!p1 $0x1082;
	[sflag:s4] =	ssyncset.s32 $0xFFFFF086  }
0x25: {  	[simem:s6], [sflag:s4] =	dma.local [hbm:s3], $0xF7A  }
0x26: {  	[smem:$0x3F88] =	sst s1;
	(tag) =	ssettag s2;
	_ =	strace s9  }
0x27: {  	s1 =	sld [smem:$0x3F98]  }
0x28: {  	s2 =	sld [smem:$0x3F99]  }
0x29: {  	s4 =	sld [smem:$0x3F9B]  }
0x2a: {  	p0 =	seq.s32 s5, $0x0;
	s5 =	sld [smem:$0x3F9C]  }
0x2b: {  	s6 =	sld [smem:$0x3F9D]  }
0x2c: {  	s7 =	sld [smem:$0x3F9E]  }
0x2d: {  	s3 =	simm.s32 $0x108;
	s8 =	sld [smem:$0x3F9F]  }
0x2e: {  	s3 =	simm.s32 @!p0 $0x1082;
	s9 =	sld [smem:$0x3FA0]  }
0x2f: {  	lr =	sadd.s32 s0, s3;
	s0 =	sld [smem:$0x3F97]  }
0x30: {  	s3 =	sld [smem:$0x3F9A]  }
0x31: {  	[smem:$0x3FA3] =	sst s10  }
0x32: {  	s10 =	sld [smem:$0x3FA1];
	_ =	sdelay $0x3  }
0x33: {  	p0 =	seq.s32 s10, $0x1;
	s10 =	sld [smem:$0x3FA3];
	_ =	sdelay $0x3  }
0x34: {  	[smem:$0x3FA3] =	sst s10  }
0x35: {  	s10 =	sld [smem:$0x3FA2];
	_ =	sdelay $0x3  }
0x36: {  	p1 =	seq.s32 s10, $0x1;
	s10 =	sld [smem:$0x3FA3];
	_ =	sdelay $0x3  }
0x37: {  	[smem:$0x3FA3] =	sst s10  }
0x38: {  	s10 =	sld [smem:$0x3FA4]  }
0x39: {  	_ = 	snop;
	(pc) =	sbr.ind lr, $3  }
0x3a: {  	_ = 	snop  }
0x3b: {  	_ = 	snop  }
0x3c: {  	p2 =	seq.s32 s10, $0x1;
	s10 =	sld [smem:$0x3FA3]  }
0x3d: {  	_ =	shalt  }
0x3e: {  	_ =	shalt  }
0x3f: {  	_ =	shalt  }
0x40: {  	_ =	shalt  }
0x41: {  	_ =	shalt  }
0x42: {  	_ =	shalt  }
0x43: {  	_ =	shalt  }
0x44: {  	_ =	shalt  }
0x45: {  	_ =	shalt  }
0x46: {  	_ =	shalt  }
0x47: {  	_ =	shalt  }
0x48: {  	_ =	shalt  }
0x49: {  	_ =	shalt  }
0x4a: {  	_ =	shalt  }
0x4b: {  	_ =	shalt  }
0x4c: {  	_ =	shalt  }
0x4d: {  	_ =	shalt  }
0x4e: {  	_ =	shalt  }
0x4f: {  	_ =	shalt  }
0x50: {  	_ =	shalt  }
0x51: {  	_ =	shalt  }
0x52: {  	_ =	shalt  }
0x53: {  	_ =	shalt  }
0x54: {  	_ =	shalt  }
0x55: {  	_ =	shalt  }
0x56: {  	_ =	shalt  }
0x57: {  	_ =	shalt  }
0x58: {  	_ =	shalt  }
0x59: {  	_ =	shalt  }
0x5a: {  	_ =	shalt  }
0x5b: {  	_ =	shalt  }
0x5c: {  	_ =	shalt  }
0x5d: {  	_ =	shalt  }
0x5e: {  	_ =	shalt  }
0x5f: {  	_ =	shalt  }
0x60: {  	_ =	shalt  }
0x61: {  	_ =	shalt  }
0x62: {  	_ =	shalt  }
0x63: {  	_ =	shalt  }
0x64: {  	_ =	shalt  }
0x65: {  	_ =	shalt  }
0x66: {  	_ =	shalt  }
0x67: {  	_ =	shalt  }
0x68: {  	_ =	shalt  }
0x69: {  	_ =	shalt  }
0x6a: {  	_ =	shalt  }
0x6b: {  	_ =	shalt  }
0x6c: {  	_ =	shalt  }
0x6d: {  	_ =	shalt  }
0x6e: {  	_ =	shalt  }
0x6f: {  	_ =	shalt  }
0x70: {  	_ =	shalt  }
0x71: {  	_ =	shalt  }
0x72: {  	_ =	shalt  }
0x73: {  	_ =	shalt  }
0x74: {  	_ =	shalt  }
0x75: {  	_ =	shalt  }
0x76: {  	_ =	shalt  }
0x77: {  	_ =	shalt  }
0x78: {  	_ =	shalt  }
0x79: {  	_ =	shalt  }
0x7a: {  	_ =	shalt  }
0x7b: {  	_ =	shalt  }
0x7c: {  	_ =	shalt  }
0x7d: {  	_ =	shalt  }
0x7e: {  	_ =	shalt  }
0x7f: {  	_ =	shalt  }
0x80: {  	_ =	shalt  }
0x81: {  	_ =	shalt  }
0x82: {  	_ =	shalt  }
0x83: {  	_ =	shalt  }
0x84: {  	_ =	shalt  }
0x85: {  	_ =	shalt  }
0x86: {  	_ =	shalt  }
0x87: {  	_ =	shalt  }
.Lfunc_end0:
.L_simem_size_0:
called_computation.2_lowered:
.L_overlay_start_0:
0x88: {  	s2 =	sld [smem:$0x3FD9]  }
0x89: {  	s3 =	sld [smem:$0x3FFE];
	_ =	sdelay $0x1  }
0x8a: {  	s1 =	srdreg.scid  }
0x8b: {  	s0 =	sand.u32 $0x1, s1  }
0x8c: {  	s17 =	sshll.u32 s0, $0xA;
	s2 =	sadd.s32 s3, s2  }
0x8d: {  	s2 =	sadd.s32 s2, s17  }
0x8e: {  	[smem:$0x3FAF] =	sst s2  }
0x8f: {  	_ = 	snop  }
0x90: {  	(tm) =	ssettm $0x1  }
0x91: {  	s18 =	sld [smem:$0x3FFB];
	_ =	sdelay $0x3  }
0x92: {  	_ =	strace s18  }
0x93: {  	s2 =	sld [smem:$0x3FFC];
	_ =	sdelay $0x3  }
0x94: {  	_ =	strace s2  }
0x95: {  	s2 =	sld [smem:$0x3FFD];
	_ =	sdelay $0x3  }
0x96: {  	_ =	strace s2  }
0x97: {  	_ =	strace $0x8FFFFFFF  }
0x98: {  	s19 =	sld [smem:$0x3FDB];
	_ =	sdelay $0x1  }
0x99: {  	s20 =	simm.s32 $_scs_section_size  }
0x9a: {  	s4 =	simm.s32 $_size__tile_overlayer_lowered;
	s5 =	simm.s32 $_tile_overlayer_lowered  }
0x9b: {  	s6 =	simm.s32 $0x1BFF;
	s21 =	sshll.u32 s5, $0x1;
	s3 =	sadd.s32 s20, s19  }
0x9c: {  	s22 =	simm.s32 $0x0;
	s4 =	sshll.u32 s4, $0x1;
	s5 =	sadd.s32 s21, s3  }
0x9d: {  	[timem:s22], [sflag:s6] =	dma.local [hbm:s5], s4  }
0x9e: {  	_ =	swait.ge [sflag:s6], s4  }
0x9f: {  	s4 =	ssub.s32 $0x0, s4;
	[sflag:s6] =	ssyncset.done $0x0  }
0xa0: {  	[sflag:s6] =	ssyncadd.s32 s4;
	_ =	sdelay $0x1  }
0xa1: {  	s23 =	simm.s32 $0x1B8B  }
0xa2: {  	_ =	swait.ge [sflag:s23], $0x1  }
0xa3: {  	[sflag:s23] =	ssyncset.done $0x0  }
0xa4: {  	[sflag:s23] =	ssyncadd.s32 $0xFFFFFFFF  }
0xa5: {  	s4 =	sld [smem:$0x0]  }
0xa6: {  	s5 =	sand.u32 $0xFFFFFFFE, s1  }
0xa7: {  	p0 =	sne.s32 s1, s5  }
0xa8: {  	s5 =	sshll.u32 @p0 s5, $0xE  }
0xa9: {  	s5 =	sadd.s32 @p0 $0x11B8D, s5;
	s6 =	sshll.u32 @p0 s4, $0x11  }
0xaa: {  	s5 =	sor.u32 @p0 s6, s5  }
0xab: {  	[sflag:s5] =	ssyncadd.remote.s32 @p0 $0x1;
	_ =	sdelay $0x1  }
0xac: {  	s5 =	simm.s32 @p0 $0x1B8D  }
0xad: {  	_ =	swait.eq @p0 [sflag:s5], $0x1  }
0xae: {  	[sflag:s5] =	ssyncadd.s32 @p0 $0xFFFFFFFF  }
0xaf: {  	s6 =	sshll.u32 @!p0 s1, $0xE  }
0xb0: {  	s6 =	sor.u32 @!p0 $0x4000, s6;
	s5 =	simm.s32 @!p0 $0x1B8D  }
0xb1: {  	s4 =	sshll.u32 @!p0 s4, $0x11;
	s6 =	sadd.s32 @!p0 $0x11B8D, s6;
	_ =	swait.eq @!p0 [sflag:s5], $0x1  }
0xb2: {  	s4 =	sor.u32 @!p0 s4, s6;
	[sflag:s5] =	ssyncadd.s32 @!p0 $0xFFFFFFFF  }
0xb3: {  	s25 =	simm.s32 $0x1B8E;
	s24 =	sld [smem:$0x3FFE];
	[sflag:s4] =	ssyncadd.remote.s32 @!p0 $0x1  }
0xb4: {  	s26 =	simm.s32 $execute0_lowered;
	[smem:$0x3FD2] =	sst s25  }
0xb5: {  	s5 =	sshll.u32 s26, $0x1;
	_ =	strace $0x8000004C;
	[dreg:$0x1] =	wrdreg $0xFFFFFFFF  }
0xb6: {  	s28 =	simm.s32 $_size_execute0_lowered;
	s3 =	sadd.s32 s3, s5;
	[dreg:$0x0] =	wrdreg $0x0  }
0xb7: {  	s5 =	sshll.u32 s28, $0x1;
	[dreg:$0x2] =	wrdreg s3  }
0xb8: {  	[dreg:$0x3] =	wrdreg s5  }
0xb9: {  	[dreg:$0x4] =	wrdreg $0xC0  }
0xba: {  	_ =	task [dreg:s22], $0x5FFFF  }
0xbb: {  	[dreg:$0x1] =	wrdreg $0xFFFFFFFF  }
0xbc: {  	[dreg:$0x0] =	wrdreg $0x60  }
0xbd: {  	[dreg:$0x2] =	wrdreg s24  }
0xbe: {  	[dreg:$0x3] =	wrdreg $0x140000  }
0xbf: {  	[dreg:$0x4] =	wrdreg $0xA  }
0xc0: {  	_ =	task.clear_ibuf [dreg:s22], $0x5FFFF;
	_ =	strace $0x9000004C  }
0xc1: {  	s29 =	simm.s32 $0xA;
	_ =	strace $0x8000004E  }
0xc2: {  	_ =	swait.ge [sflag:s29], $0x1  }
0xc3: {  	[sflag:s29] =	ssyncadd.s32 $0xFFFFFFFF  }
0xc4: {  	_ =	strace $0x9000004E  }
0xc5: {  	_ =	sfence  }
0xc6: {  	s30 =	sld [smem:$0x0];
	_ =	sdelay $0x2  }
0xc7: {  	s31 =	sshll.u32 s1, $0xD;
	s1 =	sshrl.u32 s1, $0x2  }
0xc8: {  	s4 =	sand.u32 $0x4000, s31;
	s1 =	sadd.s32 s1, s30  }
0xc9: {  	s0 =	sor.u32 s4, s0;
	s1 =	sshll.u32 s1, $0x11  }
0xca: {  	s0 =	sor.u32 s1, s0  }
0xcb: {  	s0 =	sadd.s32 $0x8F2B, s0  }
0xcc: {  	[sflag:s0] =	ssyncadd.remote.s32 $0x1  }
0xcd: {  	_ =	sfence.sel $0xFFFF  }
0xce: {  	[dreg:$0x0] =	wrdreg $0xFFFFFFFF;
	(pc) =	sbr.abs _section_cstart, $3  }
0xcf: {  	[dreg:$0x1] =	wrdreg $0xFFFFFFFF  }
0xd0: {  	_ =	task.clear_ibuf [dreg:s22], $0x2FFFF;
	_ =	strace $0x9FFFFFFF  }
0xd1: {  	(tm) =	ssettm $0x7FFFFFFF  }
tec
execute0_lowered:
.L_overlay_start_1:
0x0: {  	(tag) =	ssettag $0x1  }
0x1: {  	s0 =	rddreg [dreg:$0x0]  }
0x2: {  	s2 =	rddreg [dreg:$0x1];
	s3 =	simm.s32 $0x0  }
0x3: {  	s1 =	stileid.u32;
	s4 =	srdreg.scid;
	s15 =	simm.s32 $0xB  }
0x4: {  	s17 =	simm.s32 $0xA000;
	s18 =	simm.s32 $0x80;
	s25 =	simm.s32 $0xA  }
0x5: {  	s29 =	simm.s32 $0x8;
	s30 =	simm.s32 $0x0;
	s6 =	smul.u32 $0x14000, s1  }
0x6: {  	[smem:$0x7FF] =	sst s3;
	s9 =	sand.u32 $0x1, s4;
	s8 =	smul.u32 $0xA00, s1  }
0x7: {  	s4 =	sadd.s32 $0x16CA00, s0;
	s5 =	sadd.s32 $0x159000, s0;
	s10 =	smul.u32 $0x28000, s1  }
0x8: {  	_ =	strace $0x8000004D;
	s7 =	sshll.u32 s9, $0x6;
	s28 =	ssub.s32 $0x2, s9  }
0x9: {  	p0 =	seq.s32 s9, $0x1;
	s6 =	sor.u32 s7, s6;
	s8 =	sadd.s32 s8, s0  }
.Ltmp0:
0xa: {  	s31 =	sshrl.u32 s28, $0x1;
	s10 =	sshrl.u32 s10, $0x2;
	(pc) =	sbr.rel .LBB2_1-.Ltmp0, $4  }
0xb: {  	s6 =	sshrl.u32 s6, $0x3;
	s11 =	ssub.s32 s28, s31;
	s7 =	sadd.s32 $0x629600, s8  }
0xc: {  	s0 =	sadd.s32 s6, s0;
	s6 =	sadd.s32 $0x180400, s8;
	s8 =	sadd.s32 s10, s2  }
0xd: {  	s10 =	smax.u32 s11, $0x1;
	s9 =	sadd.s32 $0x18A400, s0;
	s11 =	sadd.s32 $0x2000, s8  }
0xe: {  	v0 =	vimm.f32 $0.0e+00;
	s12 =	sadd.s32 $0x4000, s8;
	s13 =	sadd.s32 $0x6000, s8;
	s14 =	sadd.s32 $0x8000, s8  }
.LBB2_6:
0xf: {  	[sflag:s22] =	ssyncadd.s32 @!p1 $0xFFFFE000  }
0x10: {  	[tilespmem:s24], [sflag:s26] =	stream.indirect.gather @!p2 [hbm4b:s4+s23], $0x40, s19, s23, $0xb8;
	[tilespmem:$0x1E000] =	vst v63  }
0x11: {  	p1 =	seq.s32 s31, $0x0;
	s23 =	sshrl.u32 s21, $0xA  }
0x12: {  	s20 =	sadd.s32 @!p1 $0xFFFFFFFF, s31;
	s19 =	sand.u32 $0x3F, s23  }
0x13: {  	s21 =	sand.u32 @!p1 $0xFF, s20;
	s19 =	smul.u32 $0x5, s19  }
0x14: {  	s21 =	smul.u32 @!p1 $0xCD, s21  }
0x15: {  	s19 =	ssub.s32 s31, s19  }
0x16: {  	s21 =	sshrl.u32 @!p1 s21, $0xA;
	s19 =	sand.u32 $0xFF, s19  }
0x17: {  	s21 =	smul.u32 @!p1 $0x5, s21;
	s24 =	sadd.s32 $0x1, s19  }
0x18: {  	s26 =	sshll.u32 s19, $0xD;
	_ =	swait.ge [sflag:s24], $0x2000  }
0x19: {  	s19 =	sadd.s32 $0x6, s19;
	s20 =	ssub.s32 @!p1 s20, s21;
	[sflag:s24] =	ssyncset.done $0x0  }
0x1a: {  	s28 =	sadd.s32 $0xA000, s26;
	s20 =	sand.u32 @!p1 $0xFF, s20;
	[sflag:s24] =	ssyncadd.s32 $0xFFFFE000  }
0x1b: {  	[spmem:s2] =	stream.indirect.scatter.add.f32 [tilespmem:s28], [sflag:s19], $0x40, s16, s18, $0xb8;
	[tilespmem:$0x1E000] =	vst v63  }
0x1c: {  	p2 =	sgt.u32 @!p1 s31, $0x9B;
	s16 =	sadd.s32 @!p1 $0x6, s20  }
0x1d: {  	p2 =	por p2, p1;
	_ =	swait.ge @!p1 [sflag:s16], $0x2000  }
0x1e: {  	s21 =	simm.s32 @!p2 $0x80;
	s19 =	sshll.u32 @!p2 s20, $0xD;
	[sflag:s16] =	ssyncset.done @!p1 $0x0  }
0x1f: {  	s20 =	sadd.s32 @!p2 $0x1, s20;
	s19 =	sadd.s32 @!p2 $0xA000, s19;
	[sflag:s16] =	ssyncadd.s32 @!p1 $0xFFFFE000  }
0x20: {  	[tilespmem:s19], [sflag:s20] =	stream.indirect.gather @!p2 [hbm4b:s4+s21], $0x40, s0, s21, $0xb8;
	[tilespmem:$0x1E000] =	vst v63  }
.LBB2_10:
0x21: {  	_ =	swait.ge [sflag:s25], $0x2000;
	s0 =	sshll.u32 s1, $0x6;
	s16 =	sshrl.u32 s8, $0x3  }
0x22: {  	s19 =	simm.s32 $0x1;
	s30 =	sadd.s32 $0x1, s30;
	[sflag:s25] =	ssyncset.done $0x0  }
0x23: {  	s20 =	simm.s32 $0x10;
	p1 =	sne.s32 s30, s10;
	[sflag:s25] =	ssyncadd.s32 $0xFFFFE000  }
.Ltmp1:
0x24: {  	s0 =	sor.u32 $0x1C0B, s0;
	[bflag:$0x0] =	sbarrier.arrive $0xFFFF;
	(pc) =	sbr.rel @!p1 .LBB2_11-.Ltmp1, $4  }
0x25: {  	[hbm:s9@s20], [sflag:s0] =	dma.strided [spmem:s16@s29], $0x1400, s19, $0x8   }
0x26: {  	_ =	swait.ge [sflag:s15], $0x1400  }
0x27: {  	[sflag:s15] =	ssyncset.done $0x0  }
0x28: {  	[sflag:s15] =	ssyncadd.s32 $0xFFFFEC00  }
.LBB2_1:
0x29: {  	[tilespmem:s3], [sflag:$0xB] =	stream.linear.gather [hbm4b:s6+s3], $0x5000, $0x38;
	[tilespmem:$0x1E000] =	vst v63  }
0x2a: {  	_ =	swait.ge [sflag:s15], $0x5000  }
0x2b: {  	[sflag:s15] =	ssyncset.done $0x0  }
0x2c: {  	s0 =	simm.s32 $0x5000;
	[sflag:s15] =	ssyncadd.s32 $0xFFFFB000  }
0x2d: {  	[tilespmem:s0], [sflag:$0xB] =	stream.linear.gather [hbm4b:s7+s3], $0x5000, $0x38;
	[tilespmem:$0x1E000] =	vst v63  }
0x2e: {  	_ =	swait.ge [sflag:s15], $0x5000  }
0x2f: {  	[sflag:s15] =	ssyncset.done $0x0  }
0x30: {  	s16 =	simm.s32 $0x100;
	s0 =	simm.s32 $0x0;
	[sflag:s15] =	ssyncadd.s32 $0xFFFFB000  }
.LBB2_2:
0x31: {  	p1 =	sne.s32 s16, $0x7F00;
	[tilespmem:s0+$0xA030] =	vst v0;
	s19 =	smov.u32 s16;
	s16 =	sadd.s32 $0x100, s16  }
.Ltmp2:
0x32: {  	[tilespmem:s0+$0xA020] =	vst v0;
	(pc) =	sbr.rel @p1 .LBB2_2-.Ltmp2, $3  }
0x33: {  	[tilespmem:s0+$0xA000] =	vst v0  }
0x34: {  	[tilespmem:s0+$0xA010] =	vst v0;
	_ =	sdelay $0x1  }
0x35: {  	s0 =	sshra.s32 s19, $0x2  }
0x36: {  	[tilespmem:s0+$0xA030] =	vst v0  }
0x37: {  	[tilespmem:s0+$0xA020] =	vst v0  }
0x38: {  	[tilespmem:s0+$0xA000] =	vst v0  }
0x39: {  	[tilespmem:s0+$0xA010] =	vst v0  }
0x3a: {  	[spmem:s8] =	stream.linear.scatter [tilespmem:s17], [sflag:$0xB], $0x2000, $0x38;
	[tilespmem:$0x1E000] =	vst v63  }
0x3b: {  	_ =	swait.ge [sflag:s15], $0x2000  }
0x3c: {  	[sflag:s15] =	ssyncset.done $0x0  }
0x3d: {  	[sflag:s15] =	ssyncadd.s32 $0xFFFFE000  }
0x3e: {  	[spmem:s11] =	stream.linear.scatter [tilespmem:s17], [sflag:$0xB], $0x2000, $0x38;
	[tilespmem:$0x1E000] =	vst v63  }
0x3f: {  	_ =	swait.ge [sflag:s15], $0x2000  }
0x40: {  	[sflag:s15] =	ssyncset.done $0x0  }
0x41: {  	[sflag:s15] =	ssyncadd.s32 $0xFFFFE000  }
0x42: {  	[spmem:s12] =	stream.linear.scatter [tilespmem:s17], [sflag:$0xB], $0x2000, $0x38;
	[tilespmem:$0x1E000] =	vst v63  }
0x43: {  	_ =	swait.ge [sflag:s15], $0x2000  }
0x44: {  	[sflag:s15] =	ssyncset.done $0x0  }
0x45: {  	[sflag:s15] =	ssyncadd.s32 $0xFFFFE000  }
0x46: {  	[spmem:s13] =	stream.linear.scatter [tilespmem:s17], [sflag:$0xB], $0x2000, $0x38;
	[tilespmem:$0x1E000] =	vst v63  }
0x47: {  	_ =	swait.ge [sflag:s15], $0x2000  }
0x48: {  	[sflag:s15] =	ssyncset.done $0x0  }
0x49: {  	[sflag:s15] =	ssyncadd.s32 $0xFFFFE000  }
0x4a: {  	[spmem:s14] =	stream.linear.scatter [tilespmem:s17], [sflag:$0xB], $0x2000, $0x38;
	[tilespmem:$0x1E000] =	vst v63  }
.Ltmp3:
0x4b: {  	_ =	swait.ge [sflag:s15], $0x2000;
	(pc) =	sbr.rel @!p0 .LBB2_4-.Ltmp3, $4  }
0x4c: {  	[sflag:s15] =	ssyncset.done $0x0  }
0x4d: {  	[sflag:s15] =	ssyncadd.s32 $0xFFFFE000  }
0x4e: {  	[bflag:$0x0] =	sbarrier.arrive $0xFFFF  }
0x4f: {  	s16 =	simm.s32 $0x0  }
0x50: {  	[tilespmem:s17], [sflag:$0x1] =	stream.indirect.gather [hbm4b:s5+s18], $0x40, s16, s18, $0xb8;
	[tilespmem:$0x1E000] =	vst v63  }
0x51: {  	s0 =	simm.s32 $0xC000  }
0x52: {  	s22 =	simm.s32 $0x100;
	s19 =	simm.s32 $0xE000;
	s28 =	smul.u32 $0xCD, s16  }
0x53: {  	[tilespmem:s0], [sflag:$0x2] =	stream.indirect.gather [hbm4b:s5+s18], $0x40, s18, s18, $0xb8;
	[tilespmem:$0x1E000] =	vst v63  }
0x54: {  	p1 =	por $0x1, $0x1;
	s31 =	simm.s32 $0x1;
	s16 =	sshrl.u32 s28, $0xA  }
0x55: {  	s20 =	simm.s32 @!p1 $0xFFFFFFFF;
	s21 =	smul.u32 $0xCD, s31;
	s16 =	sand.u32 $0x3F, s16  }
0x56: {  	[tilespmem:s19], [sflag:$0x3] =	stream.indirect.gather [hbm4b:s5+s18], $0x40, s22, s18, $0xb8;
	[tilespmem:$0x1E000] =	vst v63  }
0x57: {  	s23 =	simm.s32 $0x180;
	s20 =	sand.u32 @!p1 $0xFF, s20;
	s16 =	smul.u32 $0x5, s16  }
0x58: {  	s24 =	simm.s32 $0x10000;
	s26 =	simm.s32 $0x12000;
	s22 =	smul.u32 @!p1 $0xCD, s20  }
0x59: {  	[tilespmem:s24], [sflag:$0x4] =	stream.indirect.gather [hbm4b:s5+s18], $0x40, s23, s18, $0xb8;
	[tilespmem:$0x1E000] =	vst v63  }
0x5a: {  	p2 =	por @!p1 $0x0, $0x0;
	s0 =	simm.s32 $0x5000;
	s16 =	ssub.s32 $0x0, s16  }
0x5b: {  	s19 =	simm.s32 $0x200;
	s22 =	sshrl.u32 @!p1 s22, $0xA;
	s16 =	sand.u32 $0xFF, s16  }
0x5c: {  	[tilespmem:s26], [sflag:$0x5] =	stream.indirect.gather [hbm4b:s5+s18], $0x40, s19, s18, $0xb8;
	[tilespmem:$0x1E000] =	vst v63  }
0x5d: {  	p2 =	por p2, p1;
	s22 =	smul.u32 @!p1 $0x5, s22;
	s23 =	sadd.s32 $0x1, s16  }
0x5e: {  	s20 =	simm.s32 $0x2;
	s24 =	sshll.u32 s16, $0xD;
	_ =	swait.ge [sflag:s23], $0x2000  }
0x5f: {  	s16 =	sadd.s32 $0x6, s16;
	s22 =	ssub.s32 @!p1 $0xFFFFFFFF, s22;
	[sflag:s23] =	ssyncset.done $0x0  }
0x60: {  	s24 =	sadd.s32 $0xA000, s24;
	s26 =	sand.u32 @!p1 $0xFF, s22;
	[sflag:s23] =	ssyncadd.s32 $0xFFFFE000  }
0x61: {  	[spmem:s2] =	stream.indirect.scatter.add.f32 [tilespmem:s24], [sflag:s16], $0x40, s0, s18, $0xb8;
	[tilespmem:$0x1E000] =	vst v63  }
0x62: {  	s22 =	sadd.s32 @!p1 $0x6, s26;
	s23 =	simm.s32 @!p2 $0x80;
	s24 =	sshll.u32 @!p2 s26, $0xD  }
0x63: {  	s16 =	simm.s32 $0x5080;
	s0 =	simm.s32 $0x280;
	_ =	swait.ge @!p1 [sflag:s22], $0x2000  }
0x64: {  	s26 =	sadd.s32 @!p2 $0x1, s26;
	s24 =	sadd.s32 @!p2 $0xA000, s24;
	[sflag:s22] =	ssyncset.done @!p1 $0x0  }
.LBB2_8:
0x65: {  	s28 =	smul.u32 $0xCD, s20  }
0x66: {  	[sflag:s22] =	ssyncadd.s32 @!p1 $0xFFFFE000;
	s22 =	smov.u32 s20;
	s20 =	sadd.s32 $0x1, s20  }
0x67: {  	[tilespmem:s24], [sflag:s26] =	stream.indirect.gather @!p2 [hbm4b:s5+s23], $0x40, s19, s23, $0xb8;
	[tilespmem:$0x1E000] =	vst v63  }
0x68: {  	p1 =	seq.s32 s31, $0x0;
	p3 =	sne.s32 s20, $0xA0;
	s19 =	sshrl.u32 s21, $0xA  }
0x69: {  	s23 =	sadd.s32 @!p1 $0xFFFFFFFF, s31;
	p2 =	sgt.u32 @!p1 s31, $0x9B;
	s19 =	sand.u32 $0x3F, s19  }
0x6a: {  	s21 =	smov.u32 s28;
	s24 =	smul.u32 $0x5, s19;
	s19 =	sand.u32 @!p1 $0xFF, s23  }
0x6b: {  	s26 =	smul.u32 @!p1 $0xCD, s19;
	s19 =	smov.u32 s0  }
0x6c: {  	s24 =	ssub.s32 s31, s24;
	s31 =	smov.u32 s22  }
0x6d: {  	s22 =	sand.u32 $0xFF, s24;
	s24 =	sshrl.u32 @!p1 s26, $0xA  }
0x6e: {  	s26 =	sshll.u32 s22, $0xD;
	s28 =	sadd.s32 $0x1, s22;
	s24 =	smul.u32 @!p1 $0x5, s24  }
0x6f: {  	p2 =	por p2, p1;
	s22 =	sadd.s32 $0x6, s22;
	_ =	swait.ge [sflag:s28], $0x2000  }
0x70: {  	s23 =	ssub.s32 @!p1 s23, s24;
	s24 =	sadd.s32 $0xA000, s26;
	[sflag:s28] =	ssyncset.done $0x0  }
.Ltmp4:
0x71: {  	s26 =	sand.u32 @!p1 $0xFF, s23;
	[sflag:s28] =	ssyncadd.s32 $0xFFFFE000;
	(pc) =	sbr.rel @p3 .LBB2_8-.Ltmp4, $4  }
0x72: {  	[spmem:s2] =	stream.indirect.scatter.add.f32 [tilespmem:s24], [sflag:s22], $0x40, s16, s18, $0xb8;
	[tilespmem:$0x1E000] =	vst v63  }
0x73: {  	s22 =	sadd.s32 @!p1 $0x6, s26;
	s24 =	sshll.u32 @!p2 s26, $0xD;
	s16 =	sadd.s32 $0x80, s16  }
0x74: {  	s0 =	sadd.s32 $0x80, s0;
	s23 =	simm.s32 @!p2 $0x80;
	_ =	swait.ge @!p1 [sflag:s22], $0x2000  }
0x75: {  	s26 =	sadd.s32 @!p2 $0x1, s26;
	s24 =	sadd.s32 @!p2 $0xA000, s24;
	[sflag:s22] =	ssyncset.done @!p1 $0x0  }
0x76: {  	[sflag:s22] =	ssyncadd.s32 @!p1 $0xFFFFE000  }
0x77: {  	[tilespmem:s24], [sflag:s26] =	stream.indirect.gather @!p2 [hbm4b:s5+s23], $0x40, s19, s23, $0xb8;
	[tilespmem:$0x1E000] =	vst v63  }
0x78: {  	p1 =	seq.s32 s31, $0x0;
	s23 =	sshrl.u32 s21, $0xA  }
0x79: {  	s20 =	sadd.s32 @!p1 $0xFFFFFFFF, s31;
	s19 =	sand.u32 $0x3F, s23  }
0x7a: {  	s21 =	sand.u32 @!p1 $0xFF, s20;
	s19 =	smul.u32 $0x5, s19  }
0x7b: {  	s21 =	smul.u32 @!p1 $0xCD, s21  }
0x7c: {  	s19 =	ssub.s32 s31, s19  }
0x7d: {  	s21 =	sshrl.u32 @!p1 s21, $0xA;
	s19 =	sand.u32 $0xFF, s19  }
0x7e: {  	s21 =	smul.u32 @!p1 $0x5, s21;
	s24 =	sadd.s32 $0x1, s19  }
0x7f: {  	s26 =	sshll.u32 s19, $0xD;
	_ =	swait.ge [sflag:s24], $0x2000  }
0x80: {  	s19 =	sadd.s32 $0x6, s19;
	s20 =	ssub.s32 @!p1 s20, s21;
	[sflag:s24] =	ssyncset.done $0x0  }
0x81: {  	s28 =	sadd.s32 $0xA000, s26;
	s20 =	sand.u32 @!p1 $0xFF, s20;
	[sflag:s24] =	ssyncadd.s32 $0xFFFFE000  }
0x82: {  	[spmem:s2] =	stream.indirect.scatter.add.f32 [tilespmem:s28], [sflag:s19], $0x40, s16, s18, $0xb8;
	[tilespmem:$0x1E000] =	vst v63  }
.Ltmp5:
0x83: {  	p2 =	sgt.u32 @!p1 s31, $0x9B;
	s16 =	sadd.s32 @!p1 $0x6, s20;
	(pc) =	sbr.rel .LBB2_10-.Ltmp5, $4  }
0x84: {  	p2 =	por p2, p1;
	_ =	swait.ge @!p1 [sflag:s16], $0x2000  }
0x85: {  	s21 =	simm.s32 @!p2 $0x80;
	s19 =	sshll.u32 @!p2 s20, $0xD;
	[sflag:s16] =	ssyncset.done @!p1 $0x0  }
0x86: {  	s20 =	sadd.s32 @!p2 $0x1, s20;
	s19 =	sadd.s32 @!p2 $0xA000, s19;
	[sflag:s16] =	ssyncadd.s32 @!p1 $0xFFFFE000  }
0x87: {  	[tilespmem:s19], [sflag:s20] =	stream.indirect.gather @!p2 [hbm4b:s5+s21], $0x40, s0, s21, $0xb8;
	[tilespmem:$0x1E000] =	vst v63  }
.LBB2_4:
0x88: {  	[tilespmem:s17], [sflag:$0x1] =	stream.indirect.gather [hbm4b:s4+s18], $0x40, s16, s18, $0xb8;
	[tilespmem:$0x1E000] =	vst v63  }
0x89: {  	s0 =	simm.s32 $0xC000  }
0x8a: {  	s22 =	simm.s32 $0x100;
	s19 =	simm.s32 $0xE000;
	s28 =	smul.u32 $0xCD, s16  }
0x8b: {  	[tilespmem:s0], [sflag:$0x2] =	stream.indirect.gather [hbm4b:s4+s18], $0x40, s18, s18, $0xb8;
	[tilespmem:$0x1E000] =	vst v63  }
0x8c: {  	p1 =	por $0x1, $0x1;
	s31 =	simm.s32 $0x1;
	s16 =	sshrl.u32 s28, $0xA  }
0x8d: {  	s20 =	simm.s32 @!p1 $0xFFFFFFFF;
	s21 =	smul.u32 $0xCD, s31;
	s16 =	sand.u32 $0x3F, s16  }
0x8e: {  	[tilespmem:s19], [sflag:$0x3] =	stream.indirect.gather [hbm4b:s4+s18], $0x40, s22, s18, $0xb8;
	[tilespmem:$0x1E000] =	vst v63  }
0x8f: {  	s23 =	simm.s32 $0x180;
	s20 =	sand.u32 @!p1 $0xFF, s20;
	s16 =	smul.u32 $0x5, s16  }
0x90: {  	s24 =	simm.s32 $0x10000;
	s26 =	simm.s32 $0x12000;
	s22 =	smul.u32 @!p1 $0xCD, s20  }
0x91: {  	[tilespmem:s24], [sflag:$0x4] =	stream.indirect.gather [hbm4b:s4+s18], $0x40, s23, s18, $0xb8;
	[tilespmem:$0x1E000] =	vst v63  }
0x92: {  	p2 =	por @!p1 $0x0, $0x0;
	s0 =	simm.s32 $0x5000;
	s16 =	ssub.s32 $0x0, s16  }
0x93: {  	s19 =	simm.s32 $0x200;
	s22 =	sshrl.u32 @!p1 s22, $0xA;
	s16 =	sand.u32 $0xFF, s16  }
0x94: {  	[tilespmem:s26], [sflag:$0x5] =	stream.indirect.gather [hbm4b:s4+s18], $0x40, s19, s18, $0xb8;
	[tilespmem:$0x1E000] =	vst v63  }
0x95: {  	p2 =	por p2, p1;
	s22 =	smul.u32 @!p1 $0x5, s22;
	s23 =	sadd.s32 $0x1, s16  }
0x96: {  	s20 =	simm.s32 $0x2;
	s24 =	sshll.u32 s16, $0xD;
	_ =	swait.ge [sflag:s23], $0x2000  }
0x97: {  	s16 =	sadd.s32 $0x6, s16;
	s22 =	ssub.s32 @!p1 $0xFFFFFFFF, s22;
	[sflag:s23] =	ssyncset.done $0x0  }
0x98: {  	s24 =	sadd.s32 $0xA000, s24;
	s26 =	sand.u32 @!p1 $0xFF, s22;
	[sflag:s23] =	ssyncadd.s32 $0xFFFFE000  }
0x99: {  	[spmem:s2] =	stream.indirect.scatter.add.f32 [tilespmem:s24], [sflag:s16], $0x40, s0, s18, $0xb8;
	[tilespmem:$0x1E000] =	vst v63  }
0x9a: {  	s22 =	sadd.s32 @!p1 $0x6, s26;
	s23 =	simm.s32 @!p2 $0x80;
	s24 =	sshll.u32 @!p2 s26, $0xD  }
0x9b: {  	s16 =	simm.s32 $0x5080;
	s0 =	simm.s32 $0x280;
	_ =	swait.ge @!p1 [sflag:s22], $0x2000  }
0x9c: {  	s26 =	sadd.s32 @!p2 $0x1, s26;
	s24 =	sadd.s32 @!p2 $0xA000, s24;
	[sflag:s22] =	ssyncset.done @!p1 $0x0  }
.LBB2_5:
0x9d: {  	s28 =	smul.u32 $0xCD, s20  }
0x9e: {  	[sflag:s22] =	ssyncadd.s32 @!p1 $0xFFFFE000;
	s22 =	smov.u32 s20;
	s20 =	sadd.s32 $0x1, s20  }
0x9f: {  	[tilespmem:s24], [sflag:s26] =	stream.indirect.gather @!p2 [hbm4b:s4+s23], $0x40, s19, s23, $0xb8;
	[tilespmem:$0x1E000] =	vst v63  }
0xa0: {  	p1 =	seq.s32 s31, $0x0;
	p3 =	seq.s32 s20, $0xA0;
	s19 =	sshrl.u32 s21, $0xA  }
0xa1: {  	s23 =	sadd.s32 @!p1 $0xFFFFFFFF, s31;
	p2 =	sgt.u32 @!p1 s31, $0x9B;
	s19 =	sand.u32 $0x3F, s19  }
0xa2: {  	s21 =	smov.u32 s28;
	s24 =	smul.u32 $0x5, s19;
	s19 =	sand.u32 @!p1 $0xFF, s23  }
0xa3: {  	s26 =	smul.u32 @!p1 $0xCD, s19;
	s19 =	smov.u32 s0  }
0xa4: {  	s24 =	ssub.s32 s31, s24;
	s31 =	smov.u32 s22  }
0xa5: {  	s22 =	sand.u32 $0xFF, s24;
	s24 =	sshrl.u32 @!p1 s26, $0xA  }
0xa6: {  	s26 =	sshll.u32 s22, $0xD;
	s28 =	sadd.s32 $0x1, s22;
	s24 =	smul.u32 @!p1 $0x5, s24  }
0xa7: {  	p2 =	por p2, p1;
	s22 =	sadd.s32 $0x6, s22;
	_ =	swait.ge [sflag:s28], $0x2000  }
0xa8: {  	s23 =	ssub.s32 @!p1 s23, s24;
	s24 =	sadd.s32 $0xA000, s26;
	[sflag:s28] =	ssyncset.done $0x0  }
.Ltmp6:
0xa9: {  	s26 =	sand.u32 @!p1 $0xFF, s23;
	[sflag:s28] =	ssyncadd.s32 $0xFFFFE000;
	(pc) =	sbr.rel @!p3 .LBB2_5-.Ltmp6, $4  }
0xaa: {  	[spmem:s2] =	stream.indirect.scatter.add.f32 [tilespmem:s24], [sflag:s22], $0x40, s16, s18, $0xb8;
	[tilespmem:$0x1E000] =	vst v63  }
0xab: {  	s22 =	sadd.s32 @!p1 $0x6, s26;
	s24 =	sshll.u32 @!p2 s26, $0xD;
	s16 =	sadd.s32 $0x80, s16  }
0xac: {  	s0 =	sadd.s32 $0x80, s0;
	s23 =	simm.s32 @!p2 $0x80;
	_ =	swait.ge @!p1 [sflag:s22], $0x2000  }
0xad: {  	s26 =	sadd.s32 @!p2 $0x1, s26;
	s24 =	sadd.s32 @!p2 $0xA000, s24;
	[sflag:s22] =	ssyncset.done @!p1 $0x0  }
.Ltmp7:
0xae: {  	_ = 	snop;
	(pc) =	sbr.rel .LBB2_6-.Ltmp7, $1  }
0xaf: {  	_ =	sdelay $0x3  }
.LBB2_11:
0xb0: {  	_ =	sfence.sel $0x180000  }
0xb1: {  	[bflag:$0x0] =	sbarrier.arrive $0xFFFF  }
0xb2: {  	_ =	strace $0x9000004D  }
0xb3: {  	[bflag:$0x2] =	sbarrier.arrive $0xFFFF  }
0xb4: {  	p0 =	sne.s32 s1, $0x0;
	s0 =	rddreg [dreg:$0x2]  }
0xb5: {  	s0 =	sadd.s32 @!p0 $0x100000, s0  }
0xb6: {  	[sflag:s0] =	ssyncadd.tile.s32 @!p0 $0x1;
	_ =	shalt  }
.Lfunc_end2:
_tile_overlayer_lowered:
.L_overlay_start_2:
0xb7: {  	(tag) =	ssettag $0x2  }
0xb8: {  	s0 =	rddreg [dreg:$0x0];
	s2 =	stileid.u32  }
0xb9: {  	s1 =	rddreg [dreg:$0x1];
	p0 =	sne.s32 s2, $0x0  }
0xba: {  	s3 =	rddreg [dreg:$0x2];
	[bflag:$0x3] =	sbarrier.arrive $0xFFFF;
	s2 =	simm.s32 @!p0 $0x1C0B  }
0xbb: {  	[timem:s3], [sflag:s2] =	dma.local @!p0 [hbm:s0], s1  }
0xbc: {  	s0 =	simm.s32 @!p0 $0xB  }
0xbd: {  	_ =	swait.ge @!p0 [sflag:s0], s1  }
0xbe: {  	s1 =	ssub.s32 @!p0 $0x0, s1;
	[sflag:s0] =	ssyncset.done @!p0 $0x0  }
0xbf: {  	[sflag:s0] =	ssyncadd.s32 @!p0 s1  }
0xc0: {  	[bflag:$0x3] =	sbarrier.arrive $0xFFFF  }
0xc1: {  	_ =	shalt  }

// kernel: kernel.18.cloned.1.call-start
scs
__scs_entry_jumppad:
0x0: {  	(pc) =	sbr.rel $0x88, $3  }
0x1: {  	(tag) =	ssettag $0x0;
	lr =	simm.s32 $0x1  }
0x2: {  	[smem:$0x3F88] =	sst lr;
	_ =	strace $0xD0000000  }
0x3: {  	_ = 	snop  }
0x4: {  	_ = 	snop  }
0x5: {  	_ = 	snop  }
0x6: {  	_ = 	snop  }
0x7: {  	_ = 	snop  }
__scs_overlays_trampoline_lowered:
0x8: {  	[smem:$0x3F97] =	sst s0  }
0x9: {  	[smem:$0x3F98] =	sst s1  }
0xa: {  	[smem:$0x3F99] =	sst s2  }
0xb: {  	[smem:$0x3F9A] =	sst s3  }
0xc: {  	[smem:$0x3F9B] =	sst s4  }
0xd: {  	[smem:$0x3F9C] =	sst s5  }
0xe: {  	[smem:$0x3F9D] =	sst s6  }
0xf: {  	[smem:$0x3F9E] =	sst s7  }
0x10: {  	[smem:$0x3F9F] =	sst s8  }
0x11: {  	[smem:$0x3FA0] =	sst s9;
	s0 =	simm.s32 @!p0 $0x0  }
0x12: {  	s1 =	sld [smem:$0x3F86];
	s0 =	simm.s32 @p0 $0x1  }
0x13: {  	[smem:$0x3FA1] =	sst s0;
	s0 =	simm.s32 @!p1 $0x0  }
0x14: {  	s2 =	sld [smem:$0x3F85];
	s0 =	simm.s32 @p1 $0x1  }
0x15: {  	[smem:$0x3FA2] =	sst s0;
	s0 =	simm.s32 @!p2 $0x0  }
0x16: {  	s3 =	sld [smem:$0x3FDB];
	s0 =	simm.s32 @p2 $0x1  }
0x17: {  	s4 =	simm.s32 $0x1BF5;
	[smem:$0x3FA4] =	sst s0  }
0x18: {  	s0 =	sld [smem:$0x3F87];
	_ =	swait.ge [sflag:s4], $0x0  }
0x19: {  	s7 =	sld [smem:$0x3F88]  }
0x1a: {  	s8 =	sadd.s32 $0xFFFFE003, lr  }
0x1b: {  	s9 =	sadd.s32 $0xFFFFFEF7, lr;
	s5 =	simm.s32 $0xFFFFFFFF;
	p2 =	slt.u32 s8, $0xFFFFF086  }
0x1c: {  	p1 =	slt.u32 s9, $0xF7A;
	s5 =	simm.s32 @!p2 $0x0  }
0x1d: {  	s5 =	simm.s32 @p1 $0x1;
	p0 =	seq.s32 s7, s2  }
0x1e: {  	s7 =	smul.u32 @!p0 $0xF7A, s2;
	p2 =	seq.s32 @!p0 s5, $0x0  }
0x1f: {  	s9 =	smul.u32 $0xF7A, s1;
	s8 =	simm.s32 @!p0 $0x1BF5;
	p2 =	por !p2, p0  }
0x20: {  	[sflag:s8] =	ssyncset.s32 @!p0 $0xFFFFF086;
	s6 =	sadd.s32 @!p0 s3, s7;
	s7 =	simm.s32 @!p0 $0x108  }
0x21: {  	s3 =	sadd.s32 s3, s9;
	s6 =	sadd.s32 @!p0 $0x88, s6;
	s7 =	simm.s32 @p2 $0x1082  }
0x22: {  	[simem:s7], [sflag:s8] =	dma.local @!p0 [hbm:s6], $0xF7A  }
0x23: {  	s9 =	sor.u32 $0xD0000000, s2;
	s6 =	simm.s32 $0x108;
	_ =	swait.ge @!p0 [sflag:s8], $0x0  }
0x24: {  	s3 =	sadd.s32 $0x88, s3;
	s6 =	simm.s32 @!p1 $0x1082;
	[sflag:s4] =	ssyncset.s32 $0xFFFFF086  }
0x25: {  	[simem:s6], [sflag:s4] =	dma.local [hbm:s3], $0xF7A  }
0x26: {  	[smem:$0x3F88] =	sst s1;
	(tag) =	ssettag s2;
	_ =	strace s9  }
0x27: {  	s1 =	sld [smem:$0x3F98]  }
0x28: {  	s2 =	sld [smem:$0x3F99]  }
0x29: {  	s4 =	sld [smem:$0x3F9B]  }
0x2a: {  	p0 =	seq.s32 s5, $0x0;
	s5 =	sld [smem:$0x3F9C]  }
0x2b: {  	s6 =	sld [smem:$0x3F9D]  }
0x2c: {  	s7 =	sld [smem:$0x3F9E]  }
0x2d: {  	s3 =	simm.s32 $0x108;
	s8 =	sld [smem:$0x3F9F]  }
0x2e: {  	s3 =	simm.s32 @!p0 $0x1082;
	s9 =	sld [smem:$0x3FA0]  }
0x2f: {  	lr =	sadd.s32 s0, s3;
	s0 =	sld [smem:$0x3F97]  }
0x30: {  	s3 =	sld [smem:$0x3F9A]  }
0x31: {  	[smem:$0x3FA3] =	sst s10  }
0x32: {  	s10 =	sld [smem:$0x3FA1];
	_ =	sdelay $0x3  }
0x33: {  	p0 =	seq.s32 s10, $0x1;
	s10 =	sld [smem:$0x3FA3];
	_ =	sdelay $0x3  }
0x34: {  	[smem:$0x3FA3] =	sst s10  }
0x35: {  	s10 =	sld [smem:$0x3FA2];
	_ =	sdelay $0x3  }
0x36: {  	p1 =	seq.s32 s10, $0x1;
	s10 =	sld [smem:$0x3FA3];
	_ =	sdelay $0x3  }
0x37: {  	[smem:$0x3FA3] =	sst s10  }
0x38: {  	s10 =	sld [smem:$0x3FA4]  }
0x39: {  	_ = 	snop;
	(pc) =	sbr.ind lr, $3  }
0x3a: {  	_ = 	snop  }
0x3b: {  	_ = 	snop  }
0x3c: {  	p2 =	seq.s32 s10, $0x1;
	s10 =	sld [smem:$0x3FA3]  }
0x3d: {  	_ =	shalt  }
0x3e: {  	_ =	shalt  }
0x3f: {  	_ =	shalt  }
0x40: {  	_ =	shalt  }
0x41: {  	_ =	shalt  }
0x42: {  	_ =	shalt  }
0x43: {  	_ =	shalt  }
0x44: {  	_ =	shalt  }
0x45: {  	_ =	shalt  }
0x46: {  	_ =	shalt  }
0x47: {  	_ =	shalt  }
0x48: {  	_ =	shalt  }
0x49: {  	_ =	shalt  }
0x4a: {  	_ =	shalt  }
0x4b: {  	_ =	shalt  }
0x4c: {  	_ =	shalt  }
0x4d: {  	_ =	shalt  }
0x4e: {  	_ =	shalt  }
0x4f: {  	_ =	shalt  }
0x50: {  	_ =	shalt  }
0x51: {  	_ =	shalt  }
0x52: {  	_ =	shalt  }
0x53: {  	_ =	shalt  }
0x54: {  	_ =	shalt  }
0x55: {  	_ =	shalt  }
0x56: {  	_ =	shalt  }
0x57: {  	_ =	shalt  }
0x58: {  	_ =	shalt  }
0x59: {  	_ =	shalt  }
0x5a: {  	_ =	shalt  }
0x5b: {  	_ =	shalt  }
0x5c: {  	_ =	shalt  }
0x5d: {  	_ =	shalt  }
0x5e: {  	_ =	shalt  }
0x5f: {  	_ =	shalt  }
0x60: {  	_ =	shalt  }
0x61: {  	_ =	shalt  }
0x62: {  	_ =	shalt  }
0x63: {  	_ =	shalt  }
0x64: {  	_ =	shalt  }
0x65: {  	_ =	shalt  }
0x66: {  	_ =	shalt  }
0x67: {  	_ =	shalt  }
0x68: {  	_ =	shalt  }
0x69: {  	_ =	shalt  }
0x6a: {  	_ =	shalt  }
0x6b: {  	_ =	shalt  }
0x6c: {  	_ =	shalt  }
0x6d: {  	_ =	shalt  }
0x6e: {  	_ =	shalt  }
0x6f: {  	_ =	shalt  }
0x70: {  	_ =	shalt  }
0x71: {  	_ =	shalt  }
0x72: {  	_ =	shalt  }
0x73: {  	_ =	shalt  }
0x74: {  	_ =	shalt  }
0x75: {  	_ =	shalt  }
0x76: {  	_ =	shalt  }
0x77: {  	_ =	shalt  }
0x78: {  	_ =	shalt  }
0x79: {  	_ =	shalt  }
0x7a: {  	_ =	shalt  }
0x7b: {  	_ =	shalt  }
0x7c: {  	_ =	shalt  }
0x7d: {  	_ =	shalt  }
0x7e: {  	_ =	shalt  }
0x7f: {  	_ =	shalt  }
0x80: {  	_ =	shalt  }
0x81: {  	_ =	shalt  }
0x82: {  	_ =	shalt  }
0x83: {  	_ =	shalt  }
0x84: {  	_ =	shalt  }
0x85: {  	_ =	shalt  }
0x86: {  	_ =	shalt  }
0x87: {  	_ =	shalt  }
.Lfunc_end0:
.L_simem_size_0:
called_computation.3_lowered:
.L_overlay_start_0:
0x88: {  	s2 =	sld [smem:$0x3FD9]  }
0x89: {  	s3 =	sld [smem:$0x3FFE];
	_ =	sdelay $0x1  }
0x8a: {  	s1 =	srdreg.scid  }
0x8b: {  	s0 =	sand.u32 $0x1, s1  }
0x8c: {  	s16 =	sshll.u32 s0, $0xA;
	s2 =	sadd.s32 s3, s2  }
0x8d: {  	s2 =	sadd.s32 s2, s16  }
0x8e: {  	[smem:$0x3FAF] =	sst s2  }
0x8f: {  	_ = 	snop  }
0x90: {  	(tm) =	ssettm $0x1  }
0x91: {  	s17 =	sld [smem:$0x3FFB];
	_ =	sdelay $0x3  }
0x92: {  	_ =	strace s17  }
0x93: {  	s2 =	sld [smem:$0x3FFC];
	_ =	sdelay $0x3  }
0x94: {  	_ =	strace s2  }
0x95: {  	s2 =	sld [smem:$0x3FFD];
	_ =	sdelay $0x3  }
0x96: {  	_ =	strace s2  }
0x97: {  	_ =	strace $0x8FFFFFFF  }
0x98: {  	s18 =	sld [smem:$0x3FDB];
	_ =	sdelay $0x1  }
0x99: {  	s19 =	simm.s32 $_scs_section_size  }
0x9a: {  	s4 =	simm.s32 $_size__tile_overlayer_lowered;
	s5 =	simm.s32 $_tile_overlayer_lowered  }
0x9b: {  	s22 =	simm.s32 $0x1BFF;
	s21 =	sshll.u32 s5, $0x1;
	s2 =	sadd.s32 s19, s18  }
0x9c: {  	s6 =	simm.s32 $0x0;
	s20 =	sshll.u32 s4, $0x1;
	s4 =	sadd.s32 s21, s2  }
0x9d: {  	[timem:s6], [sflag:s22] =	dma.local [hbm:s4], s20  }
0x9e: {  	_ =	swait.ge [sflag:s22], s20  }
0x9f: {  	s3 =	ssub.s32 $0x0, s20;
	[sflag:s22] =	ssyncset.done $0x0  }
0xa0: {  	[sflag:s22] =	ssyncadd.s32 s3;
	_ =	sdelay $0x1  }
0xa1: {  	s23 =	simm.s32 $0x1B8B  }
0xa2: {  	_ =	swait.ge [sflag:s23], $0x1  }
0xa3: {  	[sflag:s23] =	ssyncset.done $0x0  }
0xa4: {  	s25 =	simm.s32 $0x1B8E;
	s24 =	sld [smem:$0x3FFE];
	[sflag:s23] =	ssyncadd.s32 $0xFFFFFFFF  }
0xa5: {  	s26 =	simm.s32 $execute0_lowered;
	[smem:$0x3FD2] =	sst s25  }
0xa6: {  	s4 =	sshll.u32 s26, $0x1;
	_ =	strace $0x8000004F;
	[dreg:$0x1] =	wrdreg $0xFFFFFFFF  }
0xa7: {  	s28 =	simm.s32 $_size_execute0_lowered;
	s2 =	sadd.s32 s2, s4;
	[dreg:$0x0] =	wrdreg $0x0  }
0xa8: {  	s4 =	sshll.u32 s28, $0x1;
	[dreg:$0x2] =	wrdreg s2  }
0xa9: {  	[dreg:$0x3] =	wrdreg s4  }
0xaa: {  	[dreg:$0x4] =	wrdreg $0xC0  }
0xab: {  	_ =	task [dreg:s6], $0x5FFFF  }
0xac: {  	[dreg:$0x1] =	wrdreg $0xFFFFFFFF  }
0xad: {  	[dreg:$0x0] =	wrdreg $0x60  }
0xae: {  	[dreg:$0x2] =	wrdreg s24  }
0xaf: {  	[dreg:$0x3] =	wrdreg $0x140000  }
0xb0: {  	[dreg:$0x4] =	wrdreg $0x9  }
0xb1: {  	_ =	task.clear_ibuf [dreg:s6], $0x5FFFF;
	_ =	strace $0x9000004F  }
0xb2: {  	s29 =	simm.s32 $0x9;
	_ =	strace $0x80000051  }
0xb3: {  	_ =	swait.ge [sflag:s29], $0x1  }
0xb4: {  	[sflag:s29] =	ssyncadd.s32 $0xFFFFFFFF  }
0xb5: {  	_ =	strace $0x90000051  }
0xb6: {  	_ =	sfence  }
0xb7: {  	s30 =	sld [smem:$0x0];
	_ =	sdelay $0x2  }
0xb8: {  	s31 =	sshll.u32 s1, $0xD;
	s1 =	sshrl.u32 s1, $0x2  }
0xb9: {  	s3 =	sand.u32 $0x4000, s31;
	s1 =	sadd.s32 s1, s30  }
0xba: {  	s0 =	sor.u32 s3, s0;
	s1 =	sshll.u32 s1, $0x11  }
0xbb: {  	s0 =	sor.u32 s1, s0  }
0xbc: {  	s0 =	sadd.s32 $0x8F2B, s0  }
0xbd: {  	[sflag:s0] =	ssyncadd.remote.s32 $0x1  }
0xbe: {  	_ =	sfence.sel $0xFFFF  }
0xbf: {  	[dreg:$0x0] =	wrdreg $0xFFFFFFFF;
	(pc) =	sbr.abs _section_cstart, $3  }
0xc0: {  	[dreg:$0x1] =	wrdreg $0xFFFFFFFF  }
0xc1: {  	_ =	task.clear_ibuf [dreg:s6], $0x2FFFF;
	_ =	strace $0x9FFFFFFF  }
0xc2: {  	(tm) =	ssettm $0x7FFFFFFF  }
0xc3: {  	_ =	shalt  }
tec
execute0_lowered:
.L_overlay_start_1:
0x0: {  	(tag) =	ssettag $0x1  }
0x1: {  	s0 =	rddreg [dreg:$0x0]  }
0x2: {  	s2 =	rddreg [dreg:$0x1];
	s3 =	simm.s32 $0x0  }
0x3: {  	s1 =	stileid.u32;
	s4 =	srdreg.scid;
	s15 =	simm.s32 $0xB  }
0x4: {  	s17 =	simm.s32 $0xA000;
	s18 =	simm.s32 $0x80;
	s25 =	simm.s32 $0xA  }
0x5: {  	s29 =	simm.s32 $0x8;
	s30 =	simm.s32 $0x0;
	s6 =	smul.u32 $0x14000, s1  }
0x6: {  	[smem:$0x7FF] =	sst s3;
	s9 =	sand.u32 $0x1, s4;
	s8 =	smul.u32 $0xA00, s1  }
0x7: {  	s4 =	sadd.s32 $0x3FC00, s0;
	s5 =	sadd.s32 $0x2C200, s0;
	s10 =	smul.u32 $0x28000, s1  }
0x8: {  	_ =	strace $0x80000050;
	s7 =	sshll.u32 s9, $0x6;
	s28 =	ssub.s32 $0x2, s9  }
0x9: {  	p0 =	seq.s32 s9, $0x1;
	s6 =	sor.u32 s7, s6;
	s8 =	sadd.s32 s8, s0  }
.Ltmp0:
0xa: {  	s31 =	sshrl.u32 s28, $0x1;
	s10 =	sshrl.u32 s10, $0x2;
	(pc) =	sbr.rel .LBB2_1-.Ltmp0, $4  }
0xb: {  	s6 =	sshrl.u32 s6, $0x3;
	s11 =	ssub.s32 s28, s31;
	s7 =	sadd.s32 $0x629600, s8  }
0xc: {  	s0 =	sadd.s32 s6, s0;
	s6 =	sadd.s32 $0x180400, s8;
	s8 =	sadd.s32 s10, s2  }
0xd: {  	s10 =	smax.u32 s11, $0x1;
	s9 =	sadd.s32 $0x53600, s0;
	s11 =	sadd.s32 $0x2000, s8  }
0xe: {  	v0 =	vimm.f32 $0.0e+00;
	s12 =	sadd.s32 $0x4000, s8;
	s13 =	sadd.s32 $0x6000, s8;
	s14 =	sadd.s32 $0x8000, s8  }
.LBB2_6:
0xf: {  	[sflag:s22] =	ssyncadd.s32 @!p1 $0xFFFFE000  }
0x10: {  	[tilespmem:s24], [sflag:s26] =	stream.indirect.gather @!p2 [hbm4b:s4+s23], $0x40, s19, s23, $0xb8;
	[tilespmem:$0x1E000] =	vst v63  }
0x11: {  	p1 =	seq.s32 s31, $0x0;
	s23 =	sshrl.u32 s21, $0xA  }
0x12: {  	s20 =	sadd.s32 @!p1 $0xFFFFFFFF, s31;
	s19 =	sand.u32 $0x3F, s23  }
0x13: {  	s21 =	sand.u32 @!p1 $0xFF, s20;
	s19 =	smul.u32 $0x5, s19  }
0x14: {  	s21 =	smul.u32 @!p1 $0xCD, s21  }
0x15: {  	s19 =	ssub.s32 s31, s19  }
0x16: {  	s21 =	sshrl.u32 @!p1 s21, $0xA;
	s19 =	sand.u32 $0xFF, s19  }
0x17: {  	s21 =	smul.u32 @!p1 $0x5, s21;
	s24 =	sadd.s32 $0x1, s19  }
0x18: {  	s26 =	sshll.u32 s19, $0xD;
	_ =	swait.ge [sflag:s24], $0x2000  }
0x19: {  	s19 =	sadd.s32 $0x6, s19;
	s20 =	ssub.s32 @!p1 s20, s21;
	[sflag:s24] =	ssyncset.done $0x0  }
0x1a: {  	s28 =	sadd.s32 $0xA000, s26;
	s20 =	sand.u32 @!p1 $0xFF, s20;
	[sflag:s24] =	ssyncadd.s32 $0xFFFFE000  }
0x1b: {  	[spmem:s2] =	stream.indirect.scatter.add.f32 [tilespmem:s28], [sflag:s19], $0x40, s16, s18, $0xb8;
	[tilespmem:$0x1E000] =	vst v63  }
0x1c: {  	p2 =	sgt.u32 @!p1 s31, $0x9B;
	s16 =	sadd.s32 @!p1 $0x6, s20  }
0x1d: {  	p2 =	por p2, p1;
	_ =	swait.ge @!p1 [sflag:s16], $0x2000  }
0x1e: {  	s21 =	simm.s32 @!p2 $0x80;
	s19 =	sshll.u32 @!p2 s20, $0xD;
	[sflag:s16] =	ssyncset.done @!p1 $0x0  }
0x1f: {  	s20 =	sadd.s32 @!p2 $0x1, s20;
	s19 =	sadd.s32 @!p2 $0xA000, s19;
	[sflag:s16] =	ssyncadd.s32 @!p1 $0xFFFFE000  }
0x20: {  	[tilespmem:s19], [sflag:s20] =	stream.indirect.gather @!p2 [hbm4b:s4+s21], $0x40, s0, s21, $0xb8;
	[tilespmem:$0x1E000] =	vst v63  }
.LBB2_10:
0x21: {  	_ =	swait.ge [sflag:s25], $0x2000;
	s0 =	sshll.u32 s1, $0x6;
	s16 =	sshrl.u32 s8, $0x3  }
0x22: {  	s19 =	simm.s32 $0x1;
	s30 =	sadd.s32 $0x1, s30;
	[sflag:s25] =	ssyncset.done $0x0  }
0x23: {  	s20 =	simm.s32 $0x10;
	p1 =	sne.s32 s30, s10;
	[sflag:s25] =	ssyncadd.s32 $0xFFFFE000  }
.Ltmp1:
0x24: {  	s0 =	sor.u32 $0x1C0B, s0;
	[bflag:$0x0] =	sbarrier.arrive $0xFFFF;
	(pc) =	sbr.rel @!p1 .LBB2_11-.Ltmp1, $4  }
0x25: {  	[hbm:s9@s20], [sflag:s0] =	dma.strided [spmem:s16@s29], $0x1400, s19, $0x8   }
0x26: {  	_ =	swait.ge [sflag:s15], $0x1400  }
0x27: {  	[sflag:s15] =	ssyncset.done $0x0  }
0x28: {  	[sflag:s15] =	ssyncadd.s32 $0xFFFFEC00  }
.LBB2_1:
0x29: {  	[tilespmem:s3], [sflag:$0xB] =	stream.linear.gather [hbm4b:s6+s3], $0x5000, $0x38;
	[tilespmem:$0x1E000] =	vst v63  }
0x2a: {  	_ =	swait.ge [sflag:s15], $0x5000  }
0x2b: {  	[sflag:s15] =	ssyncset.done $0x0  }
0x2c: {  	s0 =	simm.s32 $0x5000;
	[sflag:s15] =	ssyncadd.s32 $0xFFFFB000  }
0x2d: {  	[tilespmem:s0], [sflag:$0xB] =	stream.linear.gather [hbm4b:s7+s3], $0x5000, $0x38;
	[tilespmem:$0x1E000] =	vst v63  }
0x2e: {  	_ =	swait.ge [sflag:s15], $0x5000  }
0x2f: {  	[sflag:s15] =	ssyncset.done $0x0  }
0x30: {  	s16 =	simm.s32 $0x100;
	s0 =	simm.s32 $0x0;
	[sflag:s15] =	ssyncadd.s32 $0xFFFFB000  }
.LBB2_2:
0x31: {  	p1 =	sne.s32 s16, $0x7F00;
	[tilespmem:s0+$0xA030] =	vst v0;
	s19 =	smov.u32 s16;
	s16 =	sadd.s32 $0x100, s16  }
.Ltmp2:
0x32: {  	[tilespmem:s0+$0xA020] =	vst v0;
	(pc) =	sbr.rel @p1 .LBB2_2-.Ltmp2, $3  }
0x33: {  	[tilespmem:s0+$0xA000] =	vst v0  }
0x34: {  	[tilespmem:s0+$0xA010] =	vst v0;
	_ =	sdelay $0x1  }
0x35: {  	s0 =	sshra.s32 s19, $0x2  }
0x36: {  	[tilespmem:s0+$0xA030] =	vst v0  }
0x37: {  	[tilespmem:s0+$0xA020] =	vst v0  }
0x38: {  	[tilespmem:s0+$0xA000] =	vst v0  }
0x39: {  	[tilespmem:s0+$0xA010] =	vst v0  }
0x3a: {  	[spmem:s8] =	stream.linear.scatter [tilespmem:s17], [sflag:$0xB], $0x2000, $0x38;
	[tilespmem:$0x1E000] =	vst v63  }
0x3b: {  	_ =	swait.ge [sflag:s15], $0x2000  }
0x3c: {  	[sflag:s15] =	ssyncset.done $0x0  }
0x3d: {  	[sflag:s15] =	ssyncadd.s32 $0xFFFFE000  }
0x3e: {  	[spmem:s11] =	stream.linear.scatter [tilespmem:s17], [sflag:$0xB], $0x2000, $0x38;
	[tilespmem:$0x1E000] =	vst v63  }
0x3f: {  	_ =	swait.ge [sflag:s15], $0x2000  }
0x40: {  	[sflag:s15] =	ssyncset.done $0x0  }
0x41: {  	[sflag:s15] =	ssyncadd.s32 $0xFFFFE000  }
0x42: {  	[spmem:s12] =	stream.linear.scatter [tilespmem:s17], [sflag:$0xB], $0x2000, $0x38;
	[tilespmem:$0x1E000] =	vst v63  }
0x43: {  	_ =	swait.ge [sflag:s15], $0x2000  }
0x44: {  	[sflag:s15] =	ssyncset.done $0x0  }
0x45: {  	[sflag:s15] =	ssyncadd.s32 $0xFFFFE000  }
0x46: {  	[spmem:s13] =	stream.linear.scatter [tilespmem:s17], [sflag:$0xB], $0x2000, $0x38;
	[tilespmem:$0x1E000] =	vst v63  }
0x47: {  	_ =	swait.ge [sflag:s15], $0x2000  }
0x48: {  	[sflag:s15] =	ssyncset.done $0x0  }
0x49: {  	[sflag:s15] =	ssyncadd.s32 $0xFFFFE000  }
0x4a: {  	[spmem:s14] =	stream.linear.scatter [tilespmem:s17], [sflag:$0xB], $0x2000, $0x38;
	[tilespmem:$0x1E000] =	vst v63  }
.Ltmp3:
0x4b: {  	_ =	swait.ge [sflag:s15], $0x2000;
	(pc) =	sbr.rel @!p0 .LBB2_4-.Ltmp3, $4  }
0x4c: {  	[sflag:s15] =	ssyncset.done $0x0  }
0x4d: {  	[sflag:s15] =	ssyncadd.s32 $0xFFFFE000  }
0x4e: {  	[bflag:$0x0] =	sbarrier.arrive $0xFFFF  }
0x4f: {  	s16 =	simm.s32 $0x0  }
0x50: {  	[tilespmem:s17], [sflag:$0x1] =	stream.indirect.gather [hbm4b:s5+s18], $0x40, s16, s18, $0xb8;
	[tilespmem:$0x1E000] =	vst v63  }
0x51: {  	s0 =	simm.s32 $0xC000  }
0x52: {  	s22 =	simm.s32 $0x100;
	s19 =	simm.s32 $0xE000;
	s28 =	smul.u32 $0xCD, s16  }
0x53: {  	[tilespmem:s0], [sflag:$0x2] =	stream.indirect.gather [hbm4b:s5+s18], $0x40, s18, s18, $0xb8;
	[tilespmem:$0x1E000] =	vst v63  }
0x54: {  	p1 =	por $0x1, $0x1;
	s31 =	simm.s32 $0x1;
	s16 =	sshrl.u32 s28, $0xA  }
0x55: {  	s20 =	simm.s32 @!p1 $0xFFFFFFFF;
	s21 =	smul.u32 $0xCD, s31;
	s16 =	sand.u32 $0x3F, s16  }
0x56: {  	[tilespmem:s19], [sflag:$0x3] =	stream.indirect.gather [hbm4b:s5+s18], $0x40, s22, s18, $0xb8;
	[tilespmem:$0x1E000] =	vst v63  }
0x57: {  	s23 =	simm.s32 $0x180;
	s20 =	sand.u32 @!p1 $0xFF, s20;
	s16 =	smul.u32 $0x5, s16  }
0x58: {  	s24 =	simm.s32 $0x10000;
	s26 =	simm.s32 $0x12000;
	s22 =	smul.u32 @!p1 $0xCD, s20  }
0x59: {  	[tilespmem:s24], [sflag:$0x4] =	stream.indirect.gather [hbm4b:s5+s18], $0x40, s23, s18, $0xb8;
	[tilespmem:$0x1E000] =	vst v63  }
0x5a: {  	p2 =	por @!p1 $0x0, $0x0;
	s0 =	simm.s32 $0x5000;
	s16 =	ssub.s32 $0x0, s16  }
0x5b: {  	s19 =	simm.s32 $0x200;
	s22 =	sshrl.u32 @!p1 s22, $0xA;
	s16 =	sand.u32 $0xFF, s16  }
0x5c: {  	[tilespmem:s26], [sflag:$0x5] =	stream.indirect.gather [hbm4b:s5+s18], $0x40, s19, s18, $0xb8;
	[tilespmem:$0x1E000] =	vst v63  }
0x5d: {  	p2 =	por p2, p1;
	s22 =	smul.u32 @!p1 $0x5, s22;
	s23 =	sadd.s32 $0x1, s16  }
0x5e: {  	s20 =	simm.s32 $0x2;
	s24 =	sshll.u32 s16, $0xD;
	_ =	swait.ge [sflag:s23], $0x2000  }
0x5f: {  	s16 =	sadd.s32 $0x6, s16;
	s22 =	ssub.s32 @!p1 $0xFFFFFFFF, s22;
	[sflag:s23] =	ssyncset.done $0x0  }
0x60: {  	s24 =	sadd.s32 $0xA000, s24;
	s26 =	sand.u32 @!p1 $0xFF, s22;
	[sflag:s23] =	ssyncadd.s32 $0xFFFFE000  }
0x61: {  	[spmem:s2] =	stream.indirect.scatter.add.f32 [tilespmem:s24], [sflag:s16], $0x40, s0, s18, $0xb8;
	[tilespmem:$0x1E000] =	vst v63  }
0x62: {  	s22 =	sadd.s32 @!p1 $0x6, s26;
	s23 =	simm.s32 @!p2 $0x80;
	s24 =	sshll.u32 @!p2 s26, $0xD  }
0x63: {  	s16 =	simm.s32 $0x5080;
	s0 =	simm.s32 $0x280;
	_ =	swait.ge @!p1 [sflag:s22], $0x2000  }
0x64: {  	s26 =	sadd.s32 @!p2 $0x1, s26;
	s24 =	sadd.s32 @!p2 $0xA000, s24;
	[sflag:s22] =	ssyncset.done @!p1 $0x0  }
.LBB2_8:
0x65: {  	s28 =	smul.u32 $0xCD, s20  }
0x66: {  	[sflag:s22] =	ssyncadd.s32 @!p1 $0xFFFFE000;
	s22 =	smov.u32 s20;
	s20 =	sadd.s32 $0x1, s20  }
0x67: {  	[tilespmem:s24], [sflag:s26] =	stream.indirect.gather @!p2 [hbm4b:s5+s23], $0x40, s19, s23, $0xb8;
	[tilespmem:$0x1E000] =	vst v63  }
0x68: {  	p1 =	seq.s32 s31, $0x0;
	p3 =	sne.s32 s20, $0xA0;
	s19 =	sshrl.u32 s21, $0xA  }
0x69: {  	s23 =	sadd.s32 @!p1 $0xFFFFFFFF, s31;
	p2 =	sgt.u32 @!p1 s31, $0x9B;
	s19 =	sand.u32 $0x3F, s19  }
0x6a: {  	s21 =	smov.u32 s28;
	s24 =	smul.u32 $0x5, s19;
	s19 =	sand.u32 @!p1 $0xFF, s23  }
0x6b: {  	s26 =	smul.u32 @!p1 $0xCD, s19;
	s19 =	smov.u32 s0  }
0x6c: {  	s24 =	ssub.s32 s31, s24;
	s31 =	smov.u32 s22  }
0x6d: {  	s22 =	sand.u32 $0xFF, s24;
	s24 =	sshrl.u32 @!p1 s26, $0xA  }
0x6e: {  	s26 =	sshll.u32 s22, $0xD;
	s28 =	sadd.s32 $0x1, s22;
	s24 =	smul.u32 @!p1 $0x5, s24  }
0x6f: {  	p2 =	por p2, p1;
	s22 =	sadd.s32 $0x6, s22;
	_ =	swait.ge [sflag:s28], $0x2000  }
0x70: {  	s23 =	ssub.s32 @!p1 s23, s24;
	s24 =	sadd.s32 $0xA000, s26;
	[sflag:s28] =	ssyncset.done $0x0  }
.Ltmp4:
0x71: {  	s26 =	sand.u32 @!p1 $0xFF, s23;
	[sflag:s28] =	ssyncadd.s32 $0xFFFFE000;
	(pc) =	sbr.rel @p3 .LBB2_8-.Ltmp4, $4  }
0x72: {  	[spmem:s2] =	stream.indirect.scatter.add.f32 [tilespmem:s24], [sflag:s22], $0x40, s16, s18, $0xb8;
	[tilespmem:$0x1E000] =	vst v63  }
0x73: {  	s22 =	sadd.s32 @!p1 $0x6, s26;
	s24 =	sshll.u32 @!p2 s26, $0xD;
	s16 =	sadd.s32 $0x80, s16  }
0x74: {  	s0 =	sadd.s32 $0x80, s0;
	s23 =	simm.s32 @!p2 $0x80;
	_ =	swait.ge @!p1 [sflag:s22], $0x2000  }
0x75: {  	s26 =	sadd.s32 @!p2 $0x1, s26;
	s24 =	sadd.s32 @!p2 $0xA000, s24;
	[sflag:s22] =	ssyncset.done @!p1 $0x0  }
0x76: {  	[sflag:s22] =	ssyncadd.s32 @!p1 $0xFFFFE000  }
0x77: {  	[tilespmem:s24], [sflag:s26] =	stream.indirect.gather @!p2 [hbm4b:s5+s23], $0x40, s19, s23, $0xb8;
	[tilespmem:$0x1E000] =	vst v63  }
0x78: {  	p1 =	seq.s32 s31, $0x0;
	s23 =	sshrl.u32 s21, $0xA  }
0x79: {  	s20 =	sadd.s32 @!p1 $0xFFFFFFFF, s31;
	s19 =	sand.u32 $0x3F, s23  }
0x7a: {  	s21 =	sand.u32 @!p1 $0xFF, s20;
	s19 =	smul.u32 $0x5, s19  }
0x7b: {  	s21 =	smul.u32 @!p1 $0xCD, s21  }
0x7c: {  	s19 =	ssub.s32 s31, s19  }
0x7d: {  	s21 =	sshrl.u32 @!p1 s21, $0xA;
	s19 =	sand.u32 $0xFF, s19  }
0x7e: {  	s21 =	smul.u32 @!p1 $0x5, s21;
	s24 =	sadd.s32 $0x1, s19  }
0x7f: {  	s26 =	sshll.u32 s19, $0xD;
	_ =	swait.ge [sflag:s24], $0x2000  }
0x80: {  	s19 =	sadd.s32 $0x6, s19;
	s20 =	ssub.s32 @!p1 s20, s21;
	[sflag:s24] =	ssyncset.done $0x0  }
0x81: {  	s28 =	sadd.s32 $0xA000, s26;
	s20 =	sand.u32 @!p1 $0xFF, s20;
	[sflag:s24] =	ssyncadd.s32 $0xFFFFE000  }
0x82: {  	[spmem:s2] =	stream.indirect.scatter.add.f32 [tilespmem:s28], [sflag:s19], $0x40, s16, s18, $0xb8;
	[tilespmem:$0x1E000] =	vst v63  }
.Ltmp5:
0x83: {  	p2 =	sgt.u32 @!p1 s31, $0x9B;
	s16 =	sadd.s32 @!p1 $0x6, s20;
	(pc) =	sbr.rel .LBB2_10-.Ltmp5, $4  }
0x84: {  	p2 =	por p2, p1;
	_ =	swait.ge @!p1 [sflag:s16], $0x2000  }
0x85: {  	s21 =	simm.s32 @!p2 $0x80;
	s19 =	sshll.u32 @!p2 s20, $0xD;
	[sflag:s16] =	ssyncset.done @!p1 $0x0  }
0x86: {  	s20 =	sadd.s32 @!p2 $0x1, s20;
	s19 =	sadd.s32 @!p2 $0xA000, s19;
	[sflag:s16] =	ssyncadd.s32 @!p1 $0xFFFFE000  }
0x87: {  	[tilespmem:s19], [sflag:s20] =	stream.indirect.gather @!p2 [hbm4b:s5+s21], $0x40, s0, s21, $0xb8;
	[tilespmem:$0x1E000] =	vst v63  }
.LBB2_4:
0x88: {  	[tilespmem:s17], [sflag:$0x1] =	stream.indirect.gather [hbm4b:s4+s18], $0x40, s16, s18, $0xb8;
	[tilespmem:$0x1E000] =	vst v63  }
0x89: {  	s0 =	simm.s32 $0xC000  }
0x8a: {  	s22 =	simm.s32 $0x100;
	s19 =	simm.s32 $0xE000;
	s28 =	smul.u32 $0xCD, s16  }
0x8b: {  	[tilespmem:s0], [sflag:$0x2] =	stream.indirect.gather [hbm4b:s4+s18], $0x40, s18, s18, $0xb8;
	[tilespmem:$0x1E000] =	vst v63  }
0x8c: {  	p1 =	por $0x1, $0x1;
	s31 =	simm.s32 $0x1;
	s16 =	sshrl.u32 s28, $0xA  }
0x8d: {  	s20 =	simm.s32 @!p1 $0xFFFFFFFF;
	s21 =	smul.u32 $0xCD, s31;
	s16 =	sand.u32 $0x3F, s16  }
0x8e: {  	[tilespmem:s19], [sflag:$0x3] =	stream.indirect.gather [hbm4b:s4+s18], $0x40, s22, s18, $0xb8;
	[tilespmem:$0x1E000] =	vst v63  }
0x8f: {  	s23 =	simm.s32 $0x180;
	s20 =	sand.u32 @!p1 $0xFF, s20;
	s16 =	smul.u32 $0x5, s16  }
0x90: {  	s24 =	simm.s32 $0x10000;
	s26 =	simm.s32 $0x12000;
	s22 =	smul.u32 @!p1 $0xCD, s20  }
0x91: {  	[tilespmem:s24], [sflag:$0x4] =	stream.indirect.gather [hbm4b:s4+s18], $0x40, s23, s18, $0xb8;
	[tilespmem:$0x1E000] =	vst v63  }
0x92: {  	p2 =	por @!p1 $0x0, $0x0;
	s0 =	simm.s32 $0x5000;
	s16 =	ssub.s32 $0x0, s16  }
0x93: {  	s19 =	simm.s32 $0x200;
	s22 =	sshrl.u32 @!p1 s22, $0xA;
	s16 =	sand.u32 $0xFF, s16  }
0x94: {  	[tilespmem:s26], [sflag:$0x5] =	stream.indirect.gather [hbm4b:s4+s18], $0x40, s19, s18, $0xb8;
	[tilespmem:$0x1E000] =	vst v63  }
0x95: {  	p2 =	por p2, p1;
	s22 =	smul.u32 @!p1 $0x5, s22;
	s23 =	sadd.s32 $0x1, s16  }
0x96: {  	s20 =	simm.s32 $0x2;
	s24 =	sshll.u32 s16, $0xD;
	_ =	swait.ge [sflag:s23], $0x2000  }
0x97: {  	s16 =	sadd.s32 $0x6, s16;
	s22 =	ssub.s32 @!p1 $0xFFFFFFFF, s22;
	[sflag:s23] =	ssyncset.done $0x0  }
0x98: {  	s24 =	sadd.s32 $0xA000, s24;
	s26 =	sand.u32 @!p1 $0xFF, s22;
	[sflag:s23] =	ssyncadd.s32 $0xFFFFE000  }
0x99: {  	[spmem:s2] =	stream.indirect.scatter.add.f32 [tilespmem:s24], [sflag:s16], $0x40, s0, s18, $0xb8;
	[tilespmem:$0x1E000] =	vst v63  }
0x9a: {  	s22 =	sadd.s32 @!p1 $0x6, s26;
	s23 =	simm.s32 @!p2 $0x80;
	s24 =	sshll.u32 @!p2 s26, $0xD  }
0x9b: {  	s16 =	simm.s32 $0x5080;
	s0 =	simm.s32 $0x280;
	_ =	swait.ge @!p1 [sflag:s22], $0x2000  }
0x9c: {  	s26 =	sadd.s32 @!p2 $0x1, s26;
	s24 =	sadd.s32 @!p2 $0xA000, s24;
	[sflag:s22] =	ssyncset.done @!p1 $0x0  }
.LBB2_5:
0x9d: {  	s28 =	smul.u32 $0xCD, s20  }
0x9e: {  	[sflag:s22] =	ssyncadd.s32 @!p1 $0xFFFFE000;
	s22 =	smov.u32 s20;
	s20 =	sadd.s32 $0x1, s20  }
0x9f: {  	[tilespmem:s24], [sflag:s26] =	stream.indirect.gather @!p2 [hbm4b:s4+s23], $0x40, s19, s23, $0xb8;
	[tilespmem:$0x1E000] =	vst v63  }
0xa0: {  	p1 =	seq.s32 s31, $0x0;
	p3 =	seq.s32 s20, $0xA0;
	s19 =	sshrl.u32 s21, $0xA  }
0xa1: {  	s23 =	sadd.s32 @!p1 $0xFFFFFFFF, s31;
	p2 =	sgt.u32 @!p1 s31, $0x9B;
	s19 =	sand.u32 $0x3F, s19  }
0xa2: {  	s21 =	smov.u32 s28;
	s24 =	smul.u32 $0x5, s19;
	s19 =	sand.u32 @!p1 $0xFF, s23  }
0xa3: {  	s26 =	smul.u32 @!p1 $0xCD, s19;
	s19 =	smov.u32 s0  }
0xa4: {  	s24 =	ssub.s32 s31, s24;
	s31 =	smov.u32 s22  }
0xa5: {  	s22 =	sand.u32 $0xFF, s24;
	s24 =	sshrl.u32 @!p1 s26, $0xA  }
0xa6: {  	s26 =	sshll.u32 s22, $0xD;
	s28 =	sadd.s32 $0x1, s22;
	s24 =	smul.u32 @!p1 $0x5, s24  }
0xa7: {  	p2 =	por p2, p1;
	s22 =	sadd.s32 $0x6, s22;
	_ =	swait.ge [sflag:s28], $0x2000  }
0xa8: {  	s23 =	ssub.s32 @!p1 s23, s24;
	s24 =	sadd.s32 $0xA000, s26;
	[sflag:s28] =	ssyncset.done $0x0  }
.Ltmp6:
0xa9: {  	s26 =	sand.u32 @!p1 $0xFF, s23;
	[sflag:s28] =	ssyncadd.s32 $0xFFFFE000;
	(pc) =	sbr.rel @!p3 .LBB2_5-.Ltmp6, $4  }
0xaa: {  	[spmem:s2] =	stream.indirect.scatter.add.f32 [tilespmem:s24], [sflag:s22], $0x40, s16, s18, $0xb8;
	[tilespmem:$0x1E000] =	vst v63  }
0xab: {  	s22 =	sadd.s32 @!p1 $0x6, s26;
	s24 =	sshll.u32 @!p2 s26, $0xD;
	s16 =	sadd.s32 $0x80, s16  }
0xac: {  	s0 =	sadd.s32 $0x80, s0;
	s23 =	simm.s32 @!p2 $0x80;
	_ =	swait.ge @!p1 [sflag:s22], $0x2000  }
0xad: {  	s26 =	sadd.s32 @!p2 $0x1, s26;
	s24 =	sadd.s32 @!p2 $0xA000, s24;
	[sflag:s22] =	ssyncset.done @!p1 $0x0  }
.Ltmp7:
0xae: {  	_ = 	snop;
	(pc) =	sbr.rel .LBB2_6-.Ltmp7, $1  }
0xaf: {  	_ =	sdelay $0x3  }
.LBB2_11:
0xb0: {  	_ =	sfence.sel $0x180000  }
0xb1: {  	[bflag:$0x0] =	sbarrier.arrive $0xFFFF  }
0xb2: {  	_ =	strace $0x90000050  }
0xb3: {  	[bflag:$0x2] =	sbarrier.arrive $0xFFFF  }
0xb4: {  	p0 =	sne.s32 s1, $0x0;
	s0 =	rddreg [dreg:$0x2]  }
0xb5: {  	s0 =	sadd.s32 @!p0 $0x100000, s0  }
0xb6: {  	[sflag:s0] =	ssyncadd.tile.s32 @!p0 $0x1;
	_ =	shalt  }
.Lfunc_end2:
_tile_overlayer_lowered:
.L_overlay_start_2:
0xb7: {  	(tag) =	ssettag $0x2  }
0xb8: {  	s0 =	rddreg [dreg:$0x0];
	s2 =	stileid.u32  }
0xb9: {  	s1 =	rddreg [dreg:$0x1];
	p0 =	sne.s32 s2, $0x0  }
0xba: {  	s3 =	rddreg [dreg:$0x2];
	[bflag:$0x3] =	sbarrier.arrive $0xFFFF;
	s2 =	simm.s32 @!p0 $0x1C0B  }
0xbb: {  	[timem:s3], [sflag:s2] =	dma.local @!p0 [hbm:s0], s1  }
0xbc: {  	s0 =	simm.s32 @!p0 $0xB  }
0xbd: {  	_ =	swait.ge @!p0 [sflag:s0], s1  }
0xbe: {  	s1 =	ssub.s32 @!p0 $0x0, s1;
	[sflag:s0] =	ssyncset.done @!p0 $0x0  }
0xbf: {  	[sflag:s0] =	ssyncadd.s32 @!p0 s1  }
0xc0: {  	[bflag:$0x3] =	sbarrier.arrive $0xFFFF  }
0xc1: {  	_ =	shalt  }

// kernel: kernel.21.cloned.1.call-start
scs
__scs_entry_jumppad:
0x0: {  	(pc) =	sbr.rel $0x88, $3  }
0x1: {  	(tag) =	ssettag $0x0;
	lr =	simm.s32 $0x1  }
0x2: {  	[smem:$0x3F88] =	sst lr;
	_ =	strace $0xD0000000  }
0x3: {  	_ = 	snop  }
0x4: {  	_ = 	snop  }
0x5: {  	_ = 	snop  }
0x6: {  	_ = 	snop  }
0x7: {  	_ = 	snop  }
__scs_overlays_trampoline_lowered:
0x8: {  	[smem:$0x3F97] =	sst s0  }
0x9: {  	[smem:$0x3F98] =	sst s1  }
0xa: {  	[smem:$0x3F99] =	sst s2  }
0xb: {  	[smem:$0x3F9A] =	sst s3  }
0xc: {  	[smem:$0x3F9B] =	sst s4  }
0xd: {  	[smem:$0x3F9C] =	sst s5  }
0xe: {  	[smem:$0x3F9D] =	sst s6  }
0xf: {  	[smem:$0x3F9E] =	sst s7  }
0x10: {  	[smem:$0x3F9F] =	sst s8  }
0x11: {  	[smem:$0x3FA0] =	sst s9;
	s0 =	simm.s32 @!p0 $0x0  }
0x12: {  	s1 =	sld [smem:$0x3F86];
	s0 =	simm.s32 @p0 $0x1  }
0x13: {  	[smem:$0x3FA1] =	sst s0;
	s0 =	simm.s32 @!p1 $0x0  }
0x14: {  	s2 =	sld [smem:$0x3F85];
	s0 =	simm.s32 @p1 $0x1  }
0x15: {  	[smem:$0x3FA2] =	sst s0;
	s0 =	simm.s32 @!p2 $0x0  }
0x16: {  	s3 =	sld [smem:$0x3FDB];
	s0 =	simm.s32 @p2 $0x1  }
0x17: {  	s4 =	simm.s32 $0x1BF5;
	[smem:$0x3FA4] =	sst s0  }
0x18: {  	s0 =	sld [smem:$0x3F87];
	_ =	swait.ge [sflag:s4], $0x0  }
0x19: {  	s7 =	sld [smem:$0x3F88]  }
0x1a: {  	s8 =	sadd.s32 $0xFFFFE003, lr  }
0x1b: {  	s9 =	sadd.s32 $0xFFFFFEF7, lr;
	s5 =	simm.s32 $0xFFFFFFFF;
	p2 =	slt.u32 s8, $0xFFFFF086  }
0x1c: {  	p1 =	slt.u32 s9, $0xF7A;
	s5 =	simm.s32 @!p2 $0x0  }
0x1d: {  	s5 =	simm.s32 @p1 $0x1;
	p0 =	seq.s32 s7, s2  }
0x1e: {  	s7 =	smul.u32 @!p0 $0xF7A, s2;
	p2 =	seq.s32 @!p0 s5, $0x0  }
0x1f: {  	s9 =	smul.u32 $0xF7A, s1;
	s8 =	simm.s32 @!p0 $0x1BF5;
	p2 =	por !p2, p0  }
0x20: {  	[sflag:s8] =	ssyncset.s32 @!p0 $0xFFFFF086;
	s6 =	sadd.s32 @!p0 s3, s7;
	s7 =	simm.s32 @!p0 $0x108  }
0x21: {  	s3 =	sadd.s32 s3, s9;
	s6 =	sadd.s32 @!p0 $0x88, s6;
	s7 =	simm.s32 @p2 $0x1082  }
0x22: {  	[simem:s7], [sflag:s8] =	dma.local @!p0 [hbm:s6], $0xF7A  }
0x23: {  	s9 =	sor.u32 $0xD0000000, s2;
	s6 =	simm.s32 $0x108;
	_ =	swait.ge @!p0 [sflag:s8], $0x0  }
0x24: {  	s3 =	sadd.s32 $0x88, s3;
	s6 =	simm.s32 @!p1 $0x1082;
	[sflag:s4] =	ssyncset.s32 $0xFFFFF086  }
0x25: {  	[simem:s6], [sflag:s4] =	dma.local [hbm:s3], $0xF7A  }
0x26: {  	[smem:$0x3F88] =	sst s1;
	(tag) =	ssettag s2;
	_ =	strace s9  }
0x27: {  	s1 =	sld [smem:$0x3F98]  }
0x28: {  	s2 =	sld [smem:$0x3F99]  }
0x29: {  	s4 =	sld [smem:$0x3F9B]  }
0x2a: {  	p0 =	seq.s32 s5, $0x0;
	s5 =	sld [smem:$0x3F9C]  }
0x2b: {  	s6 =	sld [smem:$0x3F9D]  }
0x2c: {  	s7 =	sld [smem:$0x3F9E]  }
0x2d: {  	s3 =	simm.s32 $0x108;
	s8 =	sld [smem:$0x3F9F]  }
0x2e: {  	s3 =	simm.s32 @!p0 $0x1082;
	s9 =	sld [smem:$0x3FA0]  }
0x2f: {  	lr =	sadd.s32 s0, s3;
	s0 =	sld [smem:$0x3F97]  }
0x30: {  	s3 =	sld [smem:$0x3F9A]  }
0x31: {  	[smem:$0x3FA3] =	sst s10  }
0x32: {  	s10 =	sld [smem:$0x3FA1];
	_ =	sdelay $0x3  }
0x33: {  	p0 =	seq.s32 s10, $0x1;
	s10 =	sld [smem:$0x3FA3];
	_ =	sdelay $0x3  }
0x34: {  	[smem:$0x3FA3] =	sst s10  }
0x35: {  	s10 =	sld [smem:$0x3FA2];
	_ =	sdelay $0x3  }
0x36: {  	p1 =	seq.s32 s10, $0x1;
	s10 =	sld [smem:$0x3FA3];
	_ =	sdelay $0x3  }
0x37: {  	[smem:$0x3FA3] =	sst s10  }
0x38: {  	s10 =	sld [smem:$0x3FA4]  }
0x39: {  	_ = 	snop;
	(pc) =	sbr.ind lr, $3  }
0x3a: {  	_ = 	snop  }
0x3b: {  	_ = 	snop  }
0x3c: {  	p2 =	seq.s32 s10, $0x1;
	s10 =	sld [smem:$0x3FA3]  }
0x3d: {  	_ =	shalt  }
0x3e: {  	_ =	shalt  }
0x3f: {  	_ =	shalt  }
0x40: {  	_ =	shalt  }
0x41: {  	_ =	shalt  }
0x42: {  	_ =	shalt  }
0x43: {  	_ =	shalt  }
0x44: {  	_ =	shalt  }
0x45: {  	_ =	shalt  }
0x46: {  	_ =	shalt  }
0x47: {  	_ =	shalt  }
0x48: {  	_ =	shalt  }
0x49: {  	_ =	shalt  }
0x4a: {  	_ =	shalt  }
0x4b: {  	_ =	shalt  }
0x4c: {  	_ =	shalt  }
0x4d: {  	_ =	shalt  }
0x4e: {  	_ =	shalt  }
0x4f: {  	_ =	shalt  }
0x50: {  	_ =	shalt  }
0x51: {  	_ =	shalt  }
0x52: {  	_ =	shalt  }
0x53: {  	_ =	shalt  }
0x54: {  	_ =	shalt  }
0x55: {  	_ =	shalt  }
0x56: {  	_ =	shalt  }
0x57: {  	_ =	shalt  }
0x58: {  	_ =	shalt  }
0x59: {  	_ =	shalt  }
0x5a: {  	_ =	shalt  }
0x5b: {  	_ =	shalt  }
0x5c: {  	_ =	shalt  }
0x5d: {  	_ =	shalt  }
0x5e: {  	_ =	shalt  }
0x5f: {  	_ =	shalt  }
0x60: {  	_ =	shalt  }
0x61: {  	_ =	shalt  }
0x62: {  	_ =	shalt  }
0x63: {  	_ =	shalt  }
0x64: {  	_ =	shalt  }
0x65: {  	_ =	shalt  }
0x66: {  	_ =	shalt  }
0x67: {  	_ =	shalt  }
0x68: {  	_ =	shalt  }
0x69: {  	_ =	shalt  }
0x6a: {  	_ =	shalt  }
0x6b: {  	_ =	shalt  }
0x6c: {  	_ =	shalt  }
0x6d: {  	_ =	shalt  }
0x6e: {  	_ =	shalt  }
0x6f: {  	_ =	shalt  }
0x70: {  	_ =	shalt  }
0x71: {  	_ =	shalt  }
0x72: {  	_ =	shalt  }
0x73: {  	_ =	shalt  }
0x74: {  	_ =	shalt  }
0x75: {  	_ =	shalt  }
0x76: {  	_ =	shalt  }
0x77: {  	_ =	shalt  }
0x78: {  	_ =	shalt  }
0x79: {  	_ =	shalt  }
0x7a: {  	_ =	shalt  }
0x7b: {  	_ =	shalt  }
0x7c: {  	_ =	shalt  }
0x7d: {  	_ =	shalt  }
0x7e: {  	_ =	shalt  }
0x7f: {  	_ =	shalt  }
0x80: {  	_ =	shalt  }
0x81: {  	_ =	shalt  }
0x82: {  	_ =	shalt  }
0x83: {  	_ =	shalt  }
0x84: {  	_ =	shalt  }
0x85: {  	_ =	shalt  }
0x86: {  	_ =	shalt  }
0x87: {  	_ =	shalt  }
.Lfunc_end0:
.L_simem_size_0:
called_computation.4_lowered:
.L_overlay_start_0:
0x88: {  	s2 =	sld [smem:$0x3FD9]  }
0x89: {  	s3 =	sld [smem:$0x3FFE];
	_ =	sdelay $0x1  }
0x8a: {  	s1 =	srdreg.scid  }
0x8b: {  	s0 =	sand.u32 $0x1, s1  }
0x8c: {  	s16 =	sshll.u32 s0, $0xA;
	s2 =	sadd.s32 s3, s2  }
0x8d: {  	s2 =	sadd.s32 s2, s16  }
0x8e: {  	[smem:$0x3FAF] =	sst s2  }
0x8f: {  	_ = 	snop  }
0x90: {  	(tm) =	ssettm $0x1  }
0x91: {  	s17 =	sld [smem:$0x3FFB];
	_ =	sdelay $0x3  }
0x92: {  	_ =	strace s17  }
0x93: {  	s2 =	sld [smem:$0x3FFC];
	_ =	sdelay $0x3  }
0x94: {  	_ =	strace s2  }
0x95: {  	s2 =	sld [smem:$0x3FFD];
	_ =	sdelay $0x3  }
0x96: {  	_ =	strace s2  }
0x97: {  	_ =	strace $0x8FFFFFFF  }
0x98: {  	s18 =	sld [smem:$0x3FDB];
	_ =	sdelay $0x1  }
0x99: {  	s19 =	simm.s32 $_scs_section_size  }
0x9a: {  	s4 =	simm.s32 $_size__tile_overlayer_lowered;
	s5 =	simm.s32 $_tile_overlayer_lowered  }
0x9b: {  	s22 =	simm.s32 $0x1BFF;
	s21 =	sshll.u32 s5, $0x1;
	s2 =	sadd.s32 s19, s18  }
0x9c: {  	s6 =	simm.s32 $0x0;
	s20 =	sshll.u32 s4, $0x1;
	s4 =	sadd.s32 s21, s2  }
0x9d: {  	[timem:s6], [sflag:s22] =	dma.local [hbm:s4], s20  }
0x9e: {  	_ =	swait.ge [sflag:s22], s20  }
0x9f: {  	s3 =	ssub.s32 $0x0, s20;
	[sflag:s22] =	ssyncset.done $0x0  }
0xa0: {  	[sflag:s22] =	ssyncadd.s32 s3;
	_ =	sdelay $0x1  }
0xa1: {  	s23 =	simm.s32 $0x1B8B  }
0xa2: {  	_ =	swait.ge [sflag:s23], $0x1  }
0xa3: {  	[sflag:s23] =	ssyncset.done $0x0  }
0xa4: {  	s25 =	simm.s32 $0x1B8E;
	s24 =	sld [smem:$0x3FFE];
	[sflag:s23] =	ssyncadd.s32 $0xFFFFFFFF  }
0xa5: {  	s26 =	simm.s32 $execute0_lowered;
	[smem:$0x3FD2] =	sst s25  }
0xa6: {  	s4 =	sshll.u32 s26, $0x1;
	_ =	strace $0x80000052;
	[dreg:$0x1] =	wrdreg $0xFFFFFFFF  }
0xa7: {  	s28 =	simm.s32 $_size_execute0_lowered;
	s2 =	sadd.s32 s2, s4;
	[dreg:$0x0] =	wrdreg $0x0  }
0xa8: {  	s4 =	sshll.u32 s28, $0x1;
	[dreg:$0x2] =	wrdreg s2  }
0xa9: {  	[dreg:$0x3] =	wrdreg s4  }
0xaa: {  	[dreg:$0x4] =	wrdreg $0xC0  }
0xab: {  	_ =	task [dreg:s6], $0x5FFFF  }
0xac: {  	[dreg:$0x1] =	wrdreg $0xFFFFFFFF  }
0xad: {  	[dreg:$0x0] =	wrdreg $0x60  }
0xae: {  	[dreg:$0x2] =	wrdreg s24  }
0xaf: {  	[dreg:$0x3] =	wrdreg $0x140000  }
0xb0: {  	[dreg:$0x4] =	wrdreg $0x9  }
0xb1: {  	_ =	task.clear_ibuf [dreg:s6], $0x5FFFF;
	_ =	strace $0x90000052  }
0xb2: {  	s29 =	simm.s32 $0x9;
	_ =	strace $0x80000054  }
0xb3: {  	_ =	swait.ge [sflag:s29], $0x1  }
0xb4: {  	[sflag:s29] =	ssyncadd.s32 $0xFFFFFFFF  }
0xb5: {  	_ =	strace $0x90000054  }
0xb6: {  	_ =	sfence  }
0xb7: {  	s30 =	sld [smem:$0x0];
	_ =	sdelay $0x2  }
0xb8: {  	s31 =	sshll.u32 s1, $0xD;
	s1 =	sshrl.u32 s1, $0x2  }
0xb9: {  	s3 =	sand.u32 $0x4000, s31;
	s1 =	sadd.s32 s1, s30  }
0xba: {  	s0 =	sor.u32 s3, s0;
	s1 =	sshll.u32 s1, $0x11  }
0xbb: {  	s0 =	sor.u32 s1, s0  }
0xbc: {  	s0 =	sadd.s32 $0x8F2B, s0  }
0xbd: {  	[sflag:s0] =	ssyncadd.remote.s32 $0x1  }
0xbe: {  	_ =	sfence.sel $0xFFFF  }
0xbf: {  	[dreg:$0x0] =	wrdreg $0xFFFFFFFF;
	(pc) =	sbr.abs _section_cstart, $3  }
0xc0: {  	[dreg:$0x1] =	wrdreg $0xFFFFFFFF  }
0xc1: {  	_ =	task.clear_ibuf [dreg:s6], $0x2FFFF;
	_ =	strace $0x9FFFFFFF  }
0xc2: {  	(tm) =	ssettm $0x7FFFFFFF  }
0xc3: {  	_ =	shalt  }
tec
execute0_lowered:
.L_overlay_start_1:
0x0: {  	(tag) =	ssettag $0x1  }
0x1: {  	s0 =	rddreg [dreg:$0x0]  }
0x2: {  	s2 =	rddreg [dreg:$0x1];
	s3 =	simm.s32 $0x0  }
0x3: {  	s1 =	stileid.u32;
	s4 =	srdreg.scid;
	s15 =	simm.s32 $0xB  }
0x4: {  	s17 =	simm.s32 $0xA000;
	s18 =	simm.s32 $0x80;
	s25 =	simm.s32 $0xA  }
0x5: {  	s29 =	simm.s32 $0x8;
	s30 =	simm.s32 $0x0;
	s6 =	smul.u32 $0x14000, s1  }
0x6: {  	[smem:$0x7FF] =	sst s3;
	s9 =	sand.u32 $0x1, s4;
	s8 =	smul.u32 $0xA00, s1  }
0x7: {  	s4 =	sadd.s32 $0x3FC00, s0;
	s5 =	sadd.s32 $0x2C200, s0;
	s10 =	smul.u32 $0x28000, s1  }
0x8: {  	_ =	strace $0x80000053;
	s7 =	sshll.u32 s9, $0x6;
	s28 =	ssub.s32 $0x2, s9  }
0x9: {  	p0 =	seq.s32 s9, $0x1;
	s6 =	sor.u32 s7, s6;
	s8 =	sadd.s32 s8, s0  }
.Ltmp0:
0xa: {  	s31 =	sshrl.u32 s28, $0x1;
	s10 =	sshrl.u32 s10, $0x2;
	(pc) =	sbr.rel .LBB2_1-.Ltmp0, $4  }
0xb: {  	s6 =	sshrl.u32 s6, $0x3;
	s11 =	ssub.s32 s28, s31;
	s7 =	sadd.s32 $0x629600, s8  }
0xc: {  	s0 =	sadd.s32 s6, s0;
	s6 =	sadd.s32 $0x180400, s8;
	s8 =	sadd.s32 s10, s2  }
0xd: {  	s10 =	smax.u32 s11, $0x1;
	s9 =	sadd.s32 $0x53600, s0;
	s11 =	sadd.s32 $0x2000, s8  }
0xe: {  	v0 =	vimm.f32 $0.0e+00;
	s12 =	sadd.s32 $0x4000, s8;
	s13 =	sadd.s32 $0x6000, s8;
	s14 =	sadd.s32 $0x8000, s8  }
.LBB2_6:
0xf: {  	[sflag:s22] =	ssyncadd.s32 @!p1 $0xFFFFE000  }
0x10: {  	[tilespmem:s24], [sflag:s26] =	stream.indirect.gather @!p2 [hbm4b:s4+s23], $0x40, s19, s23, $0xb8;
	[tilespmem:$0x1E000] =	vst v63  }
0x11: {  	p1 =	seq.s32 s31, $0x0;
	s23 =	sshrl.u32 s21, $0xA  }
0x12: {  	s20 =	sadd.s32 @!p1 $0xFFFFFFFF, s31;
	s19 =	sand.u32 $0x3F, s23  }
0x13: {  	s21 =	sand.u32 @!p1 $0xFF, s20;
	s19 =	smul.u32 $0x5, s19  }
0x14: {  	s21 =	smul.u32 @!p1 $0xCD, s21  }
0x15: {  	s19 =	ssub.s32 s31, s19  }
0x16: {  	s21 =	sshrl.u32 @!p1 s21, $0xA;
	s19 =	sand.u32 $0xFF, s19  }
0x17: {  	s21 =	smul.u32 @!p1 $0x5, s21;
	s24 =	sadd.s32 $0x1, s19  }
0x18: {  	s26 =	sshll.u32 s19, $0xD;
	_ =	swait.ge [sflag:s24], $0x2000  }
0x19: {  	s19 =	sadd.s32 $0x6, s19;
	s20 =	ssub.s32 @!p1 s20, s21;
	[sflag:s24] =	ssyncset.done $0x0  }
0x1a: {  	s28 =	sadd.s32 $0xA000, s26;
	s20 =	sand.u32 @!p1 $0xFF, s20;
	[sflag:s24] =	ssyncadd.s32 $0xFFFFE000  }
0x1b: {  	[spmem:s2] =	stream.indirect.scatter.add.f32 [tilespmem:s28], [sflag:s19], $0x40, s16, s18, $0xb8;
	[tilespmem:$0x1E000] =	vst v63  }
0x1c: {  	p2 =	sgt.u32 @!p1 s31, $0x9B;
	s16 =	sadd.s32 @!p1 $0x6, s20  }
0x1d: {  	p2 =	por p2, p1;
	_ =	swait.ge @!p1 [sflag:s16], $0x2000  }
0x1e: {  	s21 =	simm.s32 @!p2 $0x80;
	s19 =	sshll.u32 @!p2 s20, $0xD;
	[sflag:s16] =	ssyncset.done @!p1 $0x0  }
0x1f: {  	s20 =	sadd.s32 @!p2 $0x1, s20;
	s19 =	sadd.s32 @!p2 $0xA000, s19;
	[sflag:s16] =	ssyncadd.s32 @!p1 $0xFFFFE000  }
0x20: {  	[tilespmem:s19], [sflag:s20] =	stream.indirect.gather @!p2 [hbm4b:s4+s21], $0x40, s0, s21, $0xb8;
	[tilespmem:$0x1E000] =	vst v63  }
.LBB2_10:
0x21: {  	_ =	swait.ge [sflag:s25], $0x2000;
	s0 =	sshll.u32 s1, $0x6;
	s16 =	sshrl.u32 s8, $0x3  }
0x22: {  	s19 =	simm.s32 $0x1;
	s30 =	sadd.s32 $0x1, s30;
	[sflag:s25] =	ssyncset.done $0x0  }
0x23: {  	s20 =	simm.s32 $0x10;
	p1 =	sne.s32 s30, s10;
	[sflag:s25] =	ssyncadd.s32 $0xFFFFE000  }
.Ltmp1:
0x24: {  	s0 =	sor.u32 $0x1C0B, s0;
	[bflag:$0x0] =	sbarrier.arrive $0xFFFF;
	(pc) =	sbr.rel @!p1 .LBB2_11-.Ltmp1, $4  }
0x25: {  	[hbm:s9@s20], [sflag:s0] =	dma.strided [spmem:s16@s29], $0x1400, s19, $0x8   }
0x26: {  	_ =	swait.ge [sflag:s15], $0x1400  }
0x27: {  	[sflag:s15] =	ssyncset.done $0x0  }
0x28: {  	[sflag:s15] =	ssyncadd.s32 $0xFFFFEC00  }
.LBB2_1:
0x29: {  	[tilespmem:s3], [sflag:$0xB] =	stream.linear.gather [hbm4b:s6+s3], $0x5000, $0x38;
	[tilespmem:$0x1E000] =	vst v63  }
0x2a: {  	_ =	swait.ge [sflag:s15], $0x5000  }
0x2b: {  	[sflag:s15] =	ssyncset.done $0x0  }
0x2c: {  	s0 =	simm.s32 $0x5000;
	[sflag:s15] =	ssyncadd.s32 $0xFFFFB000  }
0x2d: {  	[tilespmem:s0], [sflag:$0xB] =	stream.linear.gather [hbm4b:s7+s3], $0x5000, $0x38;
	[tilespmem:$0x1E000] =	vst v63  }
0x2e: {  	_ =	swait.ge [sflag:s15], $0x5000  }
0x2f: {  	[sflag:s15] =	ssyncset.done $0x0  }
0x30: {  	s16 =	simm.s32 $0x100;
	s0 =	simm.s32 $0x0;
	[sflag:s15] =	ssyncadd.s32 $0xFFFFB000  }
.LBB2_2:
0x31: {  	p1 =	sne.s32 s16, $0x7F00;
	[tilespmem:s0+$0xA030] =	vst v0;
	s19 =	smov.u32 s16;
	s16 =	sadd.s32 $0x100, s16  }
.Ltmp2:
0x32: {  	[tilespmem:s0+$0xA020] =	vst v0;
	(pc) =	sbr.rel @p1 .LBB2_2-.Ltmp2, $3  }
0x33: {  	[tilespmem:s0+$0xA000] =	vst v0  }
0x34: {  	[tilespmem:s0+$0xA010] =	vst v0;
	_ =	sdelay $0x1  }
0x35: {  	s0 =	sshra.s32 s19, $0x2  }
0x36: {  	[tilespmem:s0+$0xA030] =	vst v0  }
0x37: {  	[tilespmem:s0+$0xA020] =	vst v0  }
0x38: {  	[tilespmem:s0+$0xA000] =	vst v0  }
0x39: {  	[tilespmem:s0+$0xA010] =	vst v0  }
0x3a: {  	[spmem:s8] =	stream.linear.scatter [tilespmem:s17], [sflag:$0xB], $0x2000, $0x38;
	[tilespmem:$0x1E000] =	vst v63  }
0x3b: {  	_ =	swait.ge [sflag:s15], $0x2000  }
0x3c: {  	[sflag:s15] =	ssyncset.done $0x0  }
0x3d: {  	[sflag:s15] =	ssyncadd.s32 $0xFFFFE000  }
0x3e: {  	[spmem:s11] =	stream.linear.scatter [tilespmem:s17], [sflag:$0xB], $0x2000, $0x38;
	[tilespmem:$0x1E000] =	vst v63  }
0x3f: {  	_ =	swait.ge [sflag:s15], $0x2000  }
0x40: {  	[sflag:s15] =	ssyncset.done $0x0  }
0x41: {  	[sflag:s15] =	ssyncadd.s32 $0xFFFFE000  }
0x42: {  	[spmem:s12] =	stream.linear.scatter [tilespmem:s17], [sflag:$0xB], $0x2000, $0x38;
	[tilespmem:$0x1E000] =	vst v63  }
0x43: {  	_ =	swait.ge [sflag:s15], $0x2000  }
0x44: {  	[sflag:s15] =	ssyncset.done $0x0  }
0x45: {  	[sflag:s15] =	ssyncadd.s32 $0xFFFFE000  }
0x46: {  	[spmem:s13] =	stream.linear.scatter [tilespmem:s17], [sflag:$0xB], $0x2000, $0x38;
	[tilespmem:$0x1E000] =	vst v63  }
0x47: {  	_ =	swait.ge [sflag:s15], $0x2000  }
0x48: {  	[sflag:s15] =	ssyncset.done $0x0  }
0x49: {  	[sflag:s15] =	ssyncadd.s32 $0xFFFFE000  }
0x4a: {  	[spmem:s14] =	stream.linear.scatter [tilespmem:s17], [sflag:$0xB], $0x2000, $0x38;
	[tilespmem:$0x1E000] =	vst v63  }
.Ltmp3:
0x4b: {  	_ =	swait.ge [sflag:s15], $0x2000;
	(pc) =	sbr.rel @!p0 .LBB2_4-.Ltmp3, $4  }
0x4c: {  	[sflag:s15] =	ssyncset.done $0x0  }
0x4d: {  	[sflag:s15] =	ssyncadd.s32 $0xFFFFE000  }
0x4e: {  	[bflag:$0x0] =	sbarrier.arrive $0xFFFF  }
0x4f: {  	s16 =	simm.s32 $0x0  }
0x50: {  	[tilespmem:s17], [sflag:$0x1] =	stream.indirect.gather [hbm4b:s5+s18], $0x40, s16, s18, $0xb8;
	[tilespmem:$0x1E000] =	vst v63  }
0x51: {  	s0 =	simm.s32 $0xC000  }
0x52: {  	s22 =	simm.s32 $0x100;
	s19 =	simm.s32 $0xE000;
	s28 =	smul.u32 $0xCD, s16  }
0x53: {  	[tilespmem:s0], [sflag:$0x2] =	stream.indirect.gather [hbm4b:s5+s18], $0x40, s18, s18, $0xb8;
	[tilespmem:$0x1E000] =	vst v63  }
0x54: {  	p1 =	por $0x1, $0x1;
	s31 =	simm.s32 $0x1;
	s16 =	sshrl.u32 s28, $0xA  }
0x55: {  	s20 =	simm.s32 @!p1 $0xFFFFFFFF;
	s21 =	smul.u32 $0xCD, s31;
	s16 =	sand.u32 $0x3F, s16  }
0x56: {  	[tilespmem:s19], [sflag:$0x3] =	stream.indirect.gather [hbm4b:s5+s18], $0x40, s22, s18, $0xb8;
	[tilespmem:$0x1E000] =	vst v63  }
0x57: {  	s23 =	simm.s32 $0x180;
	s20 =	sand.u32 @!p1 $0xFF, s20;
	s16 =	smul.u32 $0x5, s16  }
0x58: {  	s24 =	simm.s32 $0x10000;
	s26 =	simm.s32 $0x12000;
	s22 =	smul.u32 @!p1 $0xCD, s20  }
0x59: {  	[tilespmem:s24], [sflag:$0x4] =	stream.indirect.gather [hbm4b:s5+s18], $0x40, s23, s18, $0xb8;
	[tilespmem:$0x1E000] =	vst v63  }
0x5a: {  	p2 =	por @!p1 $0x0, $0x0;
	s0 =	simm.s32 $0x5000;
	s16 =	ssub.s32 $0x0, s16  }
0x5b: {  	s19 =	simm.s32 $0x200;
	s22 =	sshrl.u32 @!p1 s22, $0xA;
	s16 =	sand.u32 $0xFF, s16  }
0x5c: {  	[tilespmem:s26], [sflag:$0x5] =	stream.indirect.gather [hbm4b:s5+s18], $0x40, s19, s18, $0xb8;
	[tilespmem:$0x1E000] =	vst v63  }
0x5d: {  	p2 =	por p2, p1;
	s22 =	smul.u32 @!p1 $0x5, s22;
	s23 =	sadd.s32 $0x1, s16  }
0x5e: {  	s20 =	simm.s32 $0x2;
	s24 =	sshll.u32 s16, $0xD;
	_ =	swait.ge [sflag:s23], $0x2000  }
0x5f: {  	s16 =	sadd.s32 $0x6, s16;
	s22 =	ssub.s32 @!p1 $0xFFFFFFFF, s22;
	[sflag:s23] =	ssyncset.done $0x0  }
0x60: {  	s24 =	sadd.s32 $0xA000, s24;
	s26 =	sand.u32 @!p1 $0xFF, s22;
	[sflag:s23] =	ssyncadd.s32 $0xFFFFE000  }
0x61: {  	[spmem:s2] =	stream.indirect.scatter.add.f32 [tilespmem:s24], [sflag:s16], $0x40, s0, s18, $0xb8;
	[tilespmem:$0x1E000] =	vst v63  }
0x62: {  	s22 =	sadd.s32 @!p1 $0x6, s26;
	s23 =	simm.s32 @!p2 $0x80;
	s24 =	sshll.u32 @!p2 s26, $0xD  }
0x63: {  	s16 =	simm.s32 $0x5080;
	s0 =	simm.s32 $0x280;
	_ =	swait.ge @!p1 [sflag:s22], $0x2000  }
0x64: {  	s26 =	sadd.s32 @!p2 $0x1, s26;
	s24 =	sadd.s32 @!p2 $0xA000, s24;
	[sflag:s22] =	ssyncset.done @!p1 $0x0  }
.LBB2_8:
0x65: {  	s28 =	smul.u32 $0xCD, s20  }
0x66: {  	[sflag:s22] =	ssyncadd.s32 @!p1 $0xFFFFE000;
	s22 =	smov.u32 s20;
	s20 =	sadd.s32 $0x1, s20  }
0x67: {  	[tilespmem:s24], [sflag:s26] =	stream.indirect.gather @!p2 [hbm4b:s5+s23], $0x40, s19, s23, $0xb8;
	[tilespmem:$0x1E000] =	vst v63  }
0x68: {  	p1 =	seq.s32 s31, $0x0;
	p3 =	sne.s32 s20, $0xA0;
	s19 =	sshrl.u32 s21, $0xA  }
0x69: {  	s23 =	sadd.s32 @!p1 $0xFFFFFFFF, s31;
	p2 =	sgt.u32 @!p1 s31, $0x9B;
	s19 =	sand.u32 $0x3F, s19  }
0x6a: {  	s21 =	smov.u32 s28;
	s24 =	smul.u32 $0x5, s19;
	s19 =	sand.u32 @!p1 $0xFF, s23  }
0x6b: {  	s26 =	smul.u32 @!p1 $0xCD, s19;
	s19 =	smov.u32 s0  }
0x6c: {  	s24 =	ssub.s32 s31, s24;
	s31 =	smov.u32 s22  }
0x6d: {  	s22 =	sand.u32 $0xFF, s24;
	s24 =	sshrl.u32 @!p1 s26, $0xA  }
0x6e: {  	s26 =	sshll.u32 s22, $0xD;
	s28 =	sadd.s32 $0x1, s22;
	s24 =	smul.u32 @!p1 $0x5, s24  }
0x6f: {  	p2 =	por p2, p1;
	s22 =	sadd.s32 $0x6, s22;
	_ =	swait.ge [sflag:s28], $0x2000  }
0x70: {  	s23 =	ssub.s32 @!p1 s23, s24;
	s24 =	sadd.s32 $0xA000, s26;
	[sflag:s28] =	ssyncset.done $0x0  }
.Ltmp4:
0x71: {  	s26 =	sand.u32 @!p1 $0xFF, s23;
	[sflag:s28] =	ssyncadd.s32 $0xFFFFE000;
	(pc) =	sbr.rel @p3 .LBB2_8-.Ltmp4, $4  }
0x72: {  	[spmem:s2] =	stream.indirect.scatter.add.f32 [tilespmem:s24], [sflag:s22], $0x40, s16, s18, $0xb8;
	[tilespmem:$0x1E000] =	vst v63  }
0x73: {  	s22 =	sadd.s32 @!p1 $0x6, s26;
	s24 =	sshll.u32 @!p2 s26, $0xD;
	s16 =	sadd.s32 $0x80, s16  }
0x74: {  	s0 =	sadd.s32 $0x80, s0;
	s23 =	simm.s32 @!p2 $0x80;
	_ =	swait.ge @!p1 [sflag:s22], $0x2000  }
0x75: {  	s26 =	sadd.s32 @!p2 $0x1, s26;
	s24 =	sadd.s32 @!p2 $0xA000, s24;
	[sflag:s22] =	ssyncset.done @!p1 $0x0  }
0x76: {  	[sflag:s22] =	ssyncadd.s32 @!p1 $0xFFFFE000  }
0x77: {  	[tilespmem:s24], [sflag:s26] =	stream.indirect.gather @!p2 [hbm4b:s5+s23], $0x40, s19, s23, $0xb8;
	[tilespmem:$0x1E000] =	vst v63  }
0x78: {  	p1 =	seq.s32 s31, $0x0;
	s23 =	sshrl.u32 s21, $0xA  }
0x79: {  	s20 =	sadd.s32 @!p1 $0xFFFFFFFF, s31;
	s19 =	sand.u32 $0x3F, s23  }
0x7a: {  	s21 =	sand.u32 @!p1 $0xFF, s20;
	s19 =	smul.u32 $0x5, s19  }
0x7b: {  	s21 =	smul.u32 @!p1 $0xCD, s21  }
0x7c: {  	s19 =	ssub.s32 s31, s19  }
0x7d: {  	s21 =	sshrl.u32 @!p1 s21, $0xA;
	s19 =	sand.u32 $0xFF, s19  }
0x7e: {  	s21 =	smul.u32 @!p1 $0x5, s21;
	s24 =	sadd.s32 $0x1, s19  }
0x7f: {  	s26 =	sshll.u32 s19, $0xD;
	_ =	swait.ge [sflag:s24], $0x2000  }
0x80: {  	s19 =	sadd.s32 $0x6, s19;
	s20 =	ssub.s32 @!p1 s20, s21;
	[sflag:s24] =	ssyncset.done $0x0  }
0x81: {  	s28 =	sadd.s32 $0xA000, s26;
	s20 =	sand.u32 @!p1 $0xFF, s20;
	[sflag:s24] =	ssyncadd.s32 $0xFFFFE000  }
0x82: {  	[spmem:s2] =	stream.indirect.scatter.add.f32 [tilespmem:s28], [sflag:s19], $0x40, s16, s18, $0xb8;
	[tilespmem:$0x1E000] =	vst v63  }
.Ltmp5:
0x83: {  	p2 =	sgt.u32 @!p1 s31, $0x9B;
	s16 =	sadd.s32 @!p1 $0x6, s20;
	(pc) =	sbr.rel .LBB2_10-.Ltmp5, $4  }
0x84: {  	p2 =	por p2, p1;
	_ =	swait.ge @!p1 [sflag:s16], $0x2000  }
0x85: {  	s21 =	simm.s32 @!p2 $0x80;
	s19 =	sshll.u32 @!p2 s20, $0xD;
	[sflag:s16] =	ssyncset.done @!p1 $0x0  }
0x86: {  	s20 =	sadd.s32 @!p2 $0x1, s20;
	s19 =	sadd.s32 @!p2 $0xA000, s19;
	[sflag:s16] =	ssyncadd.s32 @!p1 $0xFFFFE000  }
0x87: {  	[tilespmem:s19], [sflag:s20] =	stream.indirect.gather @!p2 [hbm4b:s5+s21], $0x40, s0, s21, $0xb8;
	[tilespmem:$0x1E000] =	vst v63  }
.LBB2_4:
0x88: {  	[tilespmem:s17], [sflag:$0x1] =	stream.indirect.gather [hbm4b:s4+s18], $0x40, s16, s18, $0xb8;
	[tilespmem:$0x1E000] =	vst v63  }
0x89: {  	s0 =	simm.s32 $0xC000  }
0x8a: {  	s22 =	simm.s32 $0x100;
	s19 =	simm.s32 $0xE000;
	s28 =	smul.u32 $0xCD, s16  }
0x8b: {  	[tilespmem:s0], [sflag:$0x2] =	stream.indirect.gather [hbm4b:s4+s18], $0x40, s18, s18, $0xb8;
	[tilespmem:$0x1E000] =	vst v63  }
0x8c: {  	p1 =	por $0x1, $0x1;
	s31 =	simm.s32 $0x1;
	s16 =	sshrl.u32 s28, $0xA  }
0x8d: {  	s20 =	simm.s32 @!p1 $0xFFFFFFFF;
	s21 =	smul.u32 $0xCD, s31;
	s16 =	sand.u32 $0x3F, s16  }
0x8e: {  	[tilespmem:s19], [sflag:$0x3] =	stream.indirect.gather [hbm4b:s4+s18], $0x40, s22, s18, $0xb8;
	[tilespmem:$0x1E000] =	vst v63  }
0x8f: {  	s23 =	simm.s32 $0x180;
	s20 =	sand.u32 @!p1 $0xFF, s20;
	s16 =	smul.u32 $0x5, s16  }
0x90: {  	s24 =	simm.s32 $0x10000;
	s26 =	simm.s32 $0x12000;
	s22 =	smul.u32 @!p1 $0xCD, s20  }
0x91: {  	[tilespmem:s24], [sflag:$0x4] =	stream.indirect.gather [hbm4b:s4+s18], $0x40, s23, s18, $0xb8;
	[tilespmem:$0x1E000] =	vst v63  }
0x92: {  	p2 =	por @!p1 $0x0, $0x0;
	s0 =	simm.s32 $0x5000;
	s16 =	ssub.s32 $0x0, s16  }
0x93: {  	s19 =	simm.s32 $0x200;
	s22 =	sshrl.u32 @!p1 s22, $0xA;
	s16 =	sand.u32 $0xFF, s16  }
0x94: {  	[tilespmem:s26], [sflag:$0x5] =	stream.indirect.gather [hbm4b:s4+s18], $0x40, s19, s18, $0xb8;
	[tilespmem:$0x1E000] =	vst v63  }
0x95: {  	p2 =	por p2, p1;
	s22 =	smul.u32 @!p1 $0x5, s22;
	s23 =	sadd.s32 $0x1, s16  }
0x96: {  	s20 =	simm.s32 $0x2;
	s24 =	sshll.u32 s16, $0xD;
	_ =	swait.ge [sflag:s23], $0x2000  }
0x97: {  	s16 =	sadd.s32 $0x6, s16;
	s22 =	ssub.s32 @!p1 $0xFFFFFFFF, s22;
	[sflag:s23] =	ssyncset.done $0x0  }
0x98: {  	s24 =	sadd.s32 $0xA000, s24;
	s26 =	sand.u32 @!p1 $0xFF, s22;
	[sflag:s23] =	ssyncadd.s32 $0xFFFFE000  }
0x99: {  	[spmem:s2] =	stream.indirect.scatter.add.f32 [tilespmem:s24], [sflag:s16], $0x40, s0, s18, $0xb8;
	[tilespmem:$0x1E000] =	vst v63  }
0x9a: {  	s22 =	sadd.s32 @!p1 $0x6, s26;
	s23 =	simm.s32 @!p2 $0x80;
	s24 =	sshll.u32 @!p2 s26, $0xD  }
0x9b: {  	s16 =	simm.s32 $0x5080;
	s0 =	simm.s32 $0x280;
	_ =	swait.ge @!p1 [sflag:s22], $0x2000  }
0x9c: {  	s26 =	sadd.s32 @!p2 $0x1, s26;
	s24 =	sadd.s32 @!p2 $0xA000, s24;
	[sflag:s22] =	ssyncset.done @!p1 $0x0  }
.LBB2_5:
0x9d: {  	s28 =	smul.u32 $0xCD, s20  }
0x9e: {  	[sflag:s22] =	ssyncadd.s32 @!p1 $0xFFFFE000;
	s22 =	smov.u32 s20;
	s20 =	sadd.s32 $0x1, s20  }
0x9f: {  	[tilespmem:s24], [sflag:s26] =	stream.indirect.gather @!p2 [hbm4b:s4+s23], $0x40, s19, s23, $0xb8;
	[tilespmem:$0x1E000] =	vst v63  }
0xa0: {  	p1 =	seq.s32 s31, $0x0;
	p3 =	seq.s32 s20, $0xA0;
	s19 =	sshrl.u32 s21, $0xA  }
0xa1: {  	s23 =	sadd.s32 @!p1 $0xFFFFFFFF, s31;
	p2 =	sgt.u32 @!p1 s31, $0x9B;
	s19 =	sand.u32 $0x3F, s19  }
0xa2: {  	s21 =	smov.u32 s28;
	s24 =	smul.u32 $0x5, s19;
	s19 =	sand.u32 @!p1 $0xFF, s23  }
0xa3: {  	s26 =	smul.u32 @!p1 $0xCD, s19;
	s19 =	smov.u32 s0  }
0xa4: {  	s24 =	ssub.s32 s31, s24;
	s31 =	smov.u32 s22  }
0xa5: {  	s22 =	sand.u32 $0xFF, s24;
	s24 =	sshrl.u32 @!p1 s26, $0xA  }
0xa6: {  	s26 =	sshll.u32 s22, $0xD;
	s28 =	sadd.s32 $0x1, s22;
	s24 =	smul.u32 @!p1 $0x5, s24  }
0xa7: {  	p2 =	por p2, p1;
	s22 =	sadd.s32 $0x6, s22;
	_ =	swait.ge [sflag:s28], $0x2000  }
0xa8: {  	s23 =	ssub.s32 @!p1 s23, s24;
	s24 =	sadd.s32 $0xA000, s26;
	[sflag:s28] =	ssyncset.done $0x0  }
.Ltmp6:
0xa9: {  	s26 =	sand.u32 @!p1 $0xFF, s23;
	[sflag:s28] =	ssyncadd.s32 $0xFFFFE000;
	(pc) =	sbr.rel @!p3 .LBB2_5-.Ltmp6, $4  }
0xaa: {  	[spmem:s2] =	stream.indirect.scatter.add.f32 [tilespmem:s24], [sflag:s22], $0x40, s16, s18, $0xb8;
	[tilespmem:$0x1E000] =	vst v63  }
0xab: {  	s22 =	sadd.s32 @!p1 $0x6, s26;
	s24 =	sshll.u32 @!p2 s26, $0xD;
	s16 =	sadd.s32 $0x80, s16  }
0xac: {  	s0 =	sadd.s32 $0x80, s0;
	s23 =	simm.s32 @!p2 $0x80;
	_ =	swait.ge @!p1 [sflag:s22], $0x2000  }
0xad: {  	s26 =	sadd.s32 @!p2 $0x1, s26;
	s24 =	sadd.s32 @!p2 $0xA000, s24;
	[sflag:s22] =	ssyncset.done @!p1 $0x0  }
.Ltmp7:
0xae: {  	_ = 	snop;
	(pc) =	sbr.rel .LBB2_6-.Ltmp7, $1  }
0xaf: {  	_ =	sdelay $0x3  }
.LBB2_11:
0xb0: {  	_ =	sfence.sel $0x180000  }
0xb1: {  	[bflag:$0x0] =	sbarrier.arrive $0xFFFF  }
0xb2: {  	_ =	strace $0x90000053  }
0xb3: {  	[bflag:$0x2] =	sbarrier.arrive $0xFFFF  }
0xb4: {  	p0 =	sne.s32 s1, $0x0;
	s0 =	rddreg [dreg:$0x2]  }
0xb5: {  	s0 =	sadd.s32 @!p0 $0x100000, s0  }
0xb6: {  	[sflag:s0] =	ssyncadd.tile.s32 @!p0 $0x1;
	_ =	shalt  }
.Lfunc_end2:
_tile_overlayer_lowered:
.L_overlay_start_2:
0xb7: {  	(tag) =	ssettag $0x2  }
0xb8: {  	s0 =	rddreg [dreg:$0x0];
	s2 =	stileid.u32  }
0xb9: {  	s1 =	rddreg [dreg:$0x1];
	p0 =	sne.s32 s2, $0x0  }
0xba: {  	s3 =	rddreg [dreg:$0x2];
	[bflag:$0x3] =	sbarrier.arrive $0xFFFF;
	s2 =	simm.s32 @!p0 $0x1C0B  }
0xbb: {  	[timem:s3], [sflag:s2] =	dma.local @!p0 [hbm:s0], s1  }
0xbc: {  	s0 =	simm.s32 @!p0 $0xB  }
0xbd: {  	_ =	swait.ge @!p0 [sflag:s0], s1  }
0xbe: {  	s1 =	ssub.s32 @!p0 $0x0, s1;
	[sflag:s0] =	ssyncset.done @!p0 $0x0  }
0xbf: {  	[sflag:s0] =	ssyncadd.s32 @!p0 s1  }
0xc0: {  	[bflag:$0x3] =	sbarrier.arrive $0xFFFF  }
0xc1: {  	_ =	shalt  }

// kernel: kernel.24.cloned.1.call-start
scs
__scs_entry_jumppad:
0x0: {  	(pc) =	sbr.rel $0x88, $3  }
0x1: {  	(tag) =	ssettag $0x0;
	lr =	simm.s32 $0x1  }
0x2: {  	[smem:$0x3F88] =	sst lr;
	_ =	strace $0xD0000000  }
0x3: {  	_ = 	snop  }
0x4: {  	_ = 	snop  }
0x5: {  	_ = 	snop  }
0x6: {  	_ = 	snop  }
0x7: {  	_ = 	snop  }
__scs_overlays_trampoline_lowered:
0x8: {  	[smem:$0x3F97] =	sst s0  }
0x9: {  	[smem:$0x3F98] =	sst s1  }
0xa: {  	[smem:$0x3F99] =	sst s2  }
0xb: {  	[smem:$0x3F9A] =	sst s3  }
0xc: {  	[smem:$0x3F9B] =	sst s4  }
0xd: {  	[smem:$0x3F9C] =	sst s5  }
0xe: {  	[smem:$0x3F9D] =	sst s6  }
0xf: {  	[smem:$0x3F9E] =	sst s7  }
0x10: {  	[smem:$0x3F9F] =	sst s8  }
0x11: {  	[smem:$0x3FA0] =	sst s9;
	s0 =	simm.s32 @!p0 $0x0  }
0x12: {  	s1 =	sld [smem:$0x3F86];
	s0 =	simm.s32 @p0 $0x1  }
0x13: {  	[smem:$0x3FA1] =	sst s0;
	s0 =	simm.s32 @!p1 $0x0  }
0x14: {  	s2 =	sld [smem:$0x3F85];
	s0 =	simm.s32 @p1 $0x1  }
0x15: {  	[smem:$0x3FA2] =	sst s0;
	s0 =	simm.s32 @!p2 $0x0  }
0x16: {  	s3 =	sld [smem:$0x3FDB];
	s0 =	simm.s32 @p2 $0x1  }
0x17: {  	s4 =	simm.s32 $0x1BF5;
	[smem:$0x3FA4] =	sst s0  }
0x18: {  	s0 =	sld [smem:$0x3F87];
	_ =	swait.ge [sflag:s4], $0x0  }
0x19: {  	s7 =	sld [smem:$0x3F88]  }
0x1a: {  	s8 =	sadd.s32 $0xFFFFE003, lr  }
0x1b: {  	s9 =	sadd.s32 $0xFFFFFEF7, lr;
	s5 =	simm.s32 $0xFFFFFFFF;
	p2 =	slt.u32 s8, $0xFFFFF086  }
0x1c: {  	p1 =	slt.u32 s9, $0xF7A;
	s5 =	simm.s32 @!p2 $0x0  }
0x1d: {  	s5 =	simm.s32 @p1 $0x1;
	p0 =	seq.s32 s7, s2  }
0x1e: {  	s7 =	smul.u32 @!p0 $0xF7A, s2;
	p2 =	seq.s32 @!p0 s5, $0x0  }
0x1f: {  	s9 =	smul.u32 $0xF7A, s1;
	s8 =	simm.s32 @!p0 $0x1BF5;
	p2 =	por !p2, p0  }
0x20: {  	[sflag:s8] =	ssyncset.s32 @!p0 $0xFFFFF086;
	s6 =	sadd.s32 @!p0 s3, s7;
	s7 =	simm.s32 @!p0 $0x108  }
0x21: {  	s3 =	sadd.s32 s3, s9;
	s6 =	sadd.s32 @!p0 $0x88, s6;
	s7 =	simm.s32 @p2 $0x1082  }
0x22: {  	[simem:s7], [sflag:s8] =	dma.local @!p0 [hbm:s6], $0xF7A  }
0x23: {  	s9 =	sor.u32 $0xD0000000, s2;
	s6 =	simm.s32 $0x108;
	_ =	swait.ge @!p0 [sflag:s8], $0x0  }
0x24: {  	s3 =	sadd.s32 $0x88, s3;
	s6 =	simm.s32 @!p1 $0x1082;
	[sflag:s4] =	ssyncset.s32 $0xFFFFF086  }
0x25: {  	[simem:s6], [sflag:s4] =	dma.local [hbm:s3], $0xF7A  }
0x26: {  	[smem:$0x3F88] =	sst s1;
	(tag) =	ssettag s2;
	_ =	strace s9  }
0x27: {  	s1 =	sld [smem:$0x3F98]  }
0x28: {  	s2 =	sld [smem:$0x3F99]  }
0x29: {  	s4 =	sld [smem:$0x3F9B]  }
0x2a: {  	p0 =	seq.s32 s5, $0x0;
	s5 =	sld [smem:$0x3F9C]  }
0x2b: {  	s6 =	sld [smem:$0x3F9D]  }
0x2c: {  	s7 =	sld [smem:$0x3F9E]  }
0x2d: {  	s3 =	simm.s32 $0x108;
	s8 =	sld [smem:$0x3F9F]  }
0x2e: {  	s3 =	simm.s32 @!p0 $0x1082;
	s9 =	sld [smem:$0x3FA0]  }
0x2f: {  	lr =	sadd.s32 s0, s3;
	s0 =	sld [smem:$0x3F97]  }
0x30: {  	s3 =	sld [smem:$0x3F9A]  }
0x31: {  	[smem:$0x3FA3] =	sst s10  }
0x32: {  	s10 =	sld [smem:$0x3FA1];
	_ =	sdelay $0x3  }
0x33: {  	p0 =	seq.s32 s10, $0x1;
	s10 =	sld [smem:$0x3FA3];
	_ =	sdelay $0x3  }
0x34: {  	[smem:$0x3FA3] =	sst s10  }
0x35: {  	s10 =	sld [smem:$0x3FA2];
	_ =	sdelay $0x3  }
0x36: {  	p1 =	seq.s32 s10, $0x1;
	s10 =	sld [smem:$0x3FA3];
	_ =	sdelay $0x3  }
0x37: {  	[smem:$0x3FA3] =	sst s10  }
0x38: {  	s10 =	sld [smem:$0x3FA4]  }
0x39: {  	_ = 	snop;
	(pc) =	sbr.ind lr, $3  }
0x3a: {  	_ = 	snop  }
0x3b: {  	_ = 	snop  }
0x3c: {  	p2 =	seq.s32 s10, $0x1;
	s10 =	sld [smem:$0x3FA3]  }
0x3d: {  	_ =	shalt  }
0x3e: {  	_ =	shalt  }
0x3f: {  	_ =	shalt  }
0x40: {  	_ =	shalt  }
0x41: {  	_ =	shalt  }
0x42: {  	_ =	shalt  }
0x43: {  	_ =	shalt  }
0x44: {  	_ =	shalt  }
0x45: {  	_ =	shalt  }
0x46: {  	_ =	shalt  }
0x47: {  	_ =	shalt  }
0x48: {  	_ =	shalt  }
0x49: {  	_ =	shalt  }
0x4a: {  	_ =	shalt  }
0x4b: {  	_ =	shalt  }
0x4c: {  	_ =	shalt  }
0x4d: {  	_ =	shalt  }
0x4e: {  	_ =	shalt  }
0x4f: {  	_ =	shalt  }
0x50: {  	_ =	shalt  }
0x51: {  	_ =	shalt  }
0x52: {  	_ =	shalt  }
0x53: {  	_ =	shalt  }
0x54: {  	_ =	shalt  }
0x55: {  	_ =	shalt  }
0x56: {  	_ =	shalt  }
0x57: {  	_ =	shalt  }
0x58: {  	_ =	shalt  }
0x59: {  	_ =	shalt  }
0x5a: {  	_ =	shalt  }
0x5b: {  	_ =	shalt  }
0x5c: {  	_ =	shalt  }
0x5d: {  	_ =	shalt  }
0x5e: {  	_ =	shalt  }
0x5f: {  	_ =	shalt  }
0x60: {  	_ =	shalt  }
0x61: {  	_ =	shalt  }
0x62: {  	_ =	shalt  }
0x63: {  	_ =	shalt  }
0x64: {  	_ =	shalt  }
0x65: {  	_ =	shalt  }
0x66: {  	_ =	shalt  }
0x67: {  	_ =	shalt  }
0x68: {  	_ =	shalt  }
0x69: {  	_ =	shalt  }
0x6a: {  	_ =	shalt  }
0x6b: {  	_ =	shalt  }
0x6c: {  	_ =	shalt  }
0x6d: {  	_ =	shalt  }
0x6e: {  	_ =	shalt  }
0x6f: {  	_ =	shalt  }
0x70: {  	_ =	shalt  }
0x71: {  	_ =	shalt  }
0x72: {  	_ =	shalt  }
0x73: {  	_ =	shalt  }
0x74: {  	_ =	shalt  }
0x75: {  	_ =	shalt  }
0x76: {  	_ =	shalt  }
0x77: {  	_ =	shalt  }
0x78: {  	_ =	shalt  }
0x79: {  	_ =	shalt  }
0x7a: {  	_ =	shalt  }
0x7b: {  	_ =	shalt  }
0x7c: {  	_ =	shalt  }
0x7d: {  	_ =	shalt  }
0x7e: {  	_ =	shalt  }
0x7f: {  	_ =	shalt  }
0x80: {  	_ =	shalt  }
0x81: {  	_ =	shalt  }
0x82: {  	_ =	shalt  }
0x83: {  	_ =	shalt  }
0x84: {  	_ =	shalt  }
0x85: {  	_ =	shalt  }
0x86: {  	_ =	shalt  }
0x87: {  	_ =	shalt  }
.Lfunc_end0:
.L_simem_size_0:
called_computation.5_lowered:
.L_overlay_start_0:
0x88: {  	s2 =	sld [smem:$0x3FD9]  }
0x89: {  	s3 =	sld [smem:$0x3FFE];
	_ =	sdelay $0x1  }
0x8a: {  	s1 =	srdreg.scid  }
0x8b: {  	s0 =	sand.u32 $0x1, s1  }
0x8c: {  	s16 =	sshll.u32 s0, $0xA;
	s2 =	sadd.s32 s3, s2  }
0x8d: {  	s2 =	sadd.s32 s2, s16  }
0x8e: {  	[smem:$0x3FAF] =	sst s2  }
0x8f: {  	_ = 	snop  }
0x90: {  	(tm) =	ssettm $0x1  }
0x91: {  	s17 =	sld [smem:$0x3FFB];
	_ =	sdelay $0x3  }
0x92: {  	_ =	strace s17  }
0x93: {  	s2 =	sld [smem:$0x3FFC];
	_ =	sdelay $0x3  }
0x94: {  	_ =	strace s2  }
0x95: {  	s2 =	sld [smem:$0x3FFD];
	_ =	sdelay $0x3  }
0x96: {  	_ =	strace s2  }
0x97: {  	_ =	strace $0x8FFFFFFF  }
0x98: {  	s18 =	sld [smem:$0x3FDB];
	_ =	sdelay $0x1  }
0x99: {  	s19 =	simm.s32 $_scs_section_size  }
0x9a: {  	s4 =	simm.s32 $_size__tile_overlayer_lowered;
	s5 =	simm.s32 $_tile_overlayer_lowered  }
0x9b: {  	s22 =	simm.s32 $0x1BFF;
	s21 =	sshll.u32 s5, $0x1;
	s2 =	sadd.s32 s19, s18  }
0x9c: {  	s6 =	simm.s32 $0x0;
	s20 =	sshll.u32 s4, $0x1;
	s4 =	sadd.s32 s21, s2  }
0x9d: {  	[timem:s6], [sflag:s22] =	dma.local [hbm:s4], s20  }
0x9e: {  	_ =	swait.ge [sflag:s22], s20  }
0x9f: {  	s3 =	ssub.s32 $0x0, s20;
	[sflag:s22] =	ssyncset.done $0x0  }
0xa0: {  	[sflag:s22] =	ssyncadd.s32 s3;
	_ =	sdelay $0x1  }
0xa1: {  	s23 =	simm.s32 $0x1B8B  }
0xa2: {  	_ =	swait.ge [sflag:s23], $0x1  }
0xa3: {  	[sflag:s23] =	ssyncset.done $0x0  }
0xa4: {  	s25 =	simm.s32 $0x1B8E;
	s24 =	sld [smem:$0x3FFE];
	[sflag:s23] =	ssyncadd.s32 $0xFFFFFFFF  }
0xa5: {  	s26 =	simm.s32 $execute0_lowered;
	[smem:$0x3FD2] =	sst s25  }
0xa6: {  	s4 =	sshll.u32 s26, $0x1;
	_ =	strace $0x80000055;
	[dreg:$0x1] =	wrdreg $0xFFFFFFFF  }
0xa7: {  	s28 =	simm.s32 $_size_execute0_lowered;
	s2 =	sadd.s32 s2, s4;
	[dreg:$0x0] =	wrdreg $0x0  }
0xa8: {  	s4 =	sshll.u32 s28, $0x1;
	[dreg:$0x2] =	wrdreg s2  }
0xa9: {  	[dreg:$0x3] =	wrdreg s4  }
0xaa: {  	[dreg:$0x4] =	wrdreg $0xC0  }
0xab: {  	_ =	task [dreg:s6], $0x5FFFF  }
0xac: {  	[dreg:$0x1] =	wrdreg $0xFFFFFFFF  }
0xad: {  	[dreg:$0x0] =	wrdreg $0x60  }
0xae: {  	[dreg:$0x2] =	wrdreg s24  }
0xaf: {  	[dreg:$0x3] =	wrdreg $0x140000  }
0xb0: {  	[dreg:$0x4] =	wrdreg $0x9  }
0xb1: {  	_ =	task.clear_ibuf [dreg:s6], $0x5FFFF;
	_ =	strace $0x90000055  }
0xb2: {  	s29 =	simm.s32 $0x9;
	_ =	strace $0x80000057  }
0xb3: {  	_ =	swait.ge [sflag:s29], $0x1  }
0xb4: {  	[sflag:s29] =	ssyncadd.s32 $0xFFFFFFFF  }
0xb5: {  	_ =	strace $0x90000057  }
0xb6: {  	_ =	sfence  }
0xb7: {  	s30 =	sld [smem:$0x0];
	_ =	sdelay $0x2  }
0xb8: {  	s31 =	sshll.u32 s1, $0xD;
	s1 =	sshrl.u32 s1, $0x2  }
0xb9: {  	s3 =	sand.u32 $0x4000, s31;
	s1 =	sadd.s32 s1, s30  }
0xba: {  	s0 =	sor.u32 s3, s0;
	s1 =	sshll.u32 s1, $0x11  }
0xbb: {  	s0 =	sor.u32 s1, s0  }
0xbc: {  	s0 =	sadd.s32 $0x8F2B, s0  }
0xbd: {  	[sflag:s0] =	ssyncadd.remote.s32 $0x1  }
0xbe: {  	_ =	sfence.sel $0xFFFF  }
0xbf: {  	[dreg:$0x0] =	wrdreg $0xFFFFFFFF;
	(pc) =	sbr.abs _section_cstart, $3  }
0xc0: {  	[dreg:$0x1] =	wrdreg $0xFFFFFFFF  }
0xc1: {  	_ =	task.clear_ibuf [dreg:s6], $0x2FFFF;
	_ =	strace $0x9FFFFFFF  }
0xc2: {  	(tm) =	ssettm $0x7FFFFFFF  }
0xc3: {  	_ =	shalt  }
tec
execute0_lowered:
.L_overlay_start_1:
0x0: {  	(tag) =	ssettag $0x1  }
0x1: {  	s0 =	rddreg [dreg:$0x0]  }
0x2: {  	s2 =	rddreg [dreg:$0x1];
	s3 =	simm.s32 $0x0  }
0x3: {  	s1 =	stileid.u32;
	s4 =	srdreg.scid;
	s15 =	simm.s32 $0xB  }
0x4: {  	s17 =	simm.s32 $0xA000;
	s18 =	simm.s32 $0x80;
	s25 =	simm.s32 $0xA  }
0x5: {  	s29 =	simm.s32 $0x8;
	s30 =	simm.s32 $0x0;
	s6 =	smul.u32 $0x14000, s1  }
0x6: {  	[smem:$0x7FF] =	sst s3;
	s9 =	sand.u32 $0x1, s4;
	s8 =	smul.u32 $0xA00, s1  }
0x7: {  	s4 =	sadd.s32 $0x18A00, s0;
	s5 =	sadd.s32 $0x5000, s0;
	s10 =	smul.u32 $0x28000, s1  }
0x8: {  	_ =	strace $0x80000056;
	s7 =	sshll.u32 s9, $0x6;
	s28 =	ssub.s32 $0x2, s9  }
0x9: {  	p0 =	seq.s32 s9, $0x1;
	s6 =	sor.u32 s7, s6;
	s8 =	sadd.s32 s8, s0  }
.Ltmp0:
0xa: {  	s31 =	sshrl.u32 s28, $0x1;
	s10 =	sshrl.u32 s10, $0x2;
	(pc) =	sbr.rel .LBB2_1-.Ltmp0, $4  }
0xb: {  	s6 =	sshrl.u32 s6, $0x3;
	s11 =	ssub.s32 s28, s31;
	s7 =	sadd.s32 $0x629600, s8  }
0xc: {  	s0 =	sadd.s32 s6, s0;
	s6 =	sadd.s32 $0x180400, s8;
	s8 =	sadd.s32 s10, s2  }
0xd: {  	s10 =	smax.u32 s11, $0x1;
	s9 =	sadd.s32 $0x2C400, s0;
	s11 =	sadd.s32 $0x2000, s8  }
0xe: {  	v0 =	vimm.f32 $0.0e+00;
	s12 =	sadd.s32 $0x4000, s8;
	s13 =	sadd.s32 $0x6000, s8;
	s14 =	sadd.s32 $0x8000, s8  }
.LBB2_6:
0xf: {  	[sflag:s22] =	ssyncadd.s32 @!p1 $0xFFFFE000  }
0x10: {  	[tilespmem:s24], [sflag:s26] =	stream.indirect.gather @!p2 [hbm4b:s4+s23], $0x40, s19, s23, $0xb8;
	[tilespmem:$0x1E000] =	vst v63  }
0x11: {  	p1 =	seq.s32 s31, $0x0;
	s23 =	sshrl.u32 s21, $0xA  }
0x12: {  	s20 =	sadd.s32 @!p1 $0xFFFFFFFF, s31;
	s19 =	sand.u32 $0x3F, s23  }
0x13: {  	s21 =	sand.u32 @!p1 $0xFF, s20;
	s19 =	smul.u32 $0x5, s19  }
0x14: {  	s21 =	smul.u32 @!p1 $0xCD, s21  }
0x15: {  	s19 =	ssub.s32 s31, s19  }
0x16: {  	s21 =	sshrl.u32 @!p1 s21, $0xA;
	s19 =	sand.u32 $0xFF, s19  }
0x17: {  	s21 =	smul.u32 @!p1 $0x5, s21;
	s24 =	sadd.s32 $0x1, s19  }
0x18: {  	s26 =	sshll.u32 s19, $0xD;
	_ =	swait.ge [sflag:s24], $0x2000  }
0x19: {  	s19 =	sadd.s32 $0x6, s19;
	s20 =	ssub.s32 @!p1 s20, s21;
	[sflag:s24] =	ssyncset.done $0x0  }
0x1a: {  	s28 =	sadd.s32 $0xA000, s26;
	s20 =	sand.u32 @!p1 $0xFF, s20;
	[sflag:s24] =	ssyncadd.s32 $0xFFFFE000  }
0x1b: {  	[spmem:s2] =	stream.indirect.scatter.add.f32 [tilespmem:s28], [sflag:s19], $0x40, s16, s18, $0xb8;
	[tilespmem:$0x1E000] =	vst v63  }
0x1c: {  	p2 =	sgt.u32 @!p1 s31, $0x9B;
	s16 =	sadd.s32 @!p1 $0x6, s20  }
0x1d: {  	p2 =	por p2, p1;
	_ =	swait.ge @!p1 [sflag:s16], $0x2000  }
0x1e: {  	s21 =	simm.s32 @!p2 $0x80;
	s19 =	sshll.u32 @!p2 s20, $0xD;
	[sflag:s16] =	ssyncset.done @!p1 $0x0  }
0x1f: {  	s20 =	sadd.s32 @!p2 $0x1, s20;
	s19 =	sadd.s32 @!p2 $0xA000, s19;
	[sflag:s16] =	ssyncadd.s32 @!p1 $0xFFFFE000  }
0x20: {  	[tilespmem:s19], [sflag:s20] =	stream.indirect.gather @!p2 [hbm4b:s4+s21], $0x40, s0, s21, $0xb8;
	[tilespmem:$0x1E000] =	vst v63  }
.LBB2_10:
0x21: {  	_ =	swait.ge [sflag:s25], $0x2000;
	s0 =	sshll.u32 s1, $0x6;
	s16 =	sshrl.u32 s8, $0x3  }
0x22: {  	s19 =	simm.s32 $0x1;
	s30 =	sadd.s32 $0x1, s30;
	[sflag:s25] =	ssyncset.done $0x0  }
0x23: {  	s20 =	simm.s32 $0x10;
	p1 =	sne.s32 s30, s10;
	[sflag:s25] =	ssyncadd.s32 $0xFFFFE000  }
.Ltmp1:
0x24: {  	s0 =	sor.u32 $0x1C0B, s0;
	[bflag:$0x0] =	sbarrier.arrive $0xFFFF;
	(pc) =	sbr.rel @!p1 .LBB2_11-.Ltmp1, $4  }
0x25: {  	[hbm:s9@s20], [sflag:s0] =	dma.strided [spmem:s16@s29], $0x1400, s19, $0x8   }
0x26: {  	_ =	swait.ge [sflag:s15], $0x1400  }
0x27: {  	[sflag:s15] =	ssyncset.done $0x0  }
0x28: {  	[sflag:s15] =	ssyncadd.s32 $0xFFFFEC00  }
.LBB2_1:
0x29: {  	[tilespmem:s3], [sflag:$0xB] =	stream.linear.gather [hbm4b:s6+s3], $0x5000, $0x38;
	[tilespmem:$0x1E000] =	vst v63  }
0x2a: {  	_ =	swait.ge [sflag:s15], $0x5000  }
0x2b: {  	[sflag:s15] =	ssyncset.done $0x0  }
0x2c: {  	s0 =	simm.s32 $0x5000;
	[sflag:s15] =	ssyncadd.s32 $0xFFFFB000  }
0x2d: {  	[tilespmem:s0], [sflag:$0xB] =	stream.linear.gather [hbm4b:s7+s3], $0x5000, $0x38;
	[tilespmem:$0x1E000] =	vst v63  }
0x2e: {  	_ =	swait.ge [sflag:s15], $0x5000  }
0x2f: {  	[sflag:s15] =	ssyncset.done $0x0  }
0x30: {  	s16 =	simm.s32 $0x100;
	s0 =	simm.s32 $0x0;
	[sflag:s15] =	ssyncadd.s32 $0xFFFFB000  }
.LBB2_2:
0x31: {  	p1 =	sne.s32 s16, $0x7F00;
	[tilespmem:s0+$0xA030] =	vst v0;
	s19 =	smov.u32 s16;
	s16 =	sadd.s32 $0x100, s16  }
.Ltmp2:
0x32: {  	[tilespmem:s0+$0xA020] =	vst v0;
	(pc) =	sbr.rel @p1 .LBB2_2-.Ltmp2, $3  }
0x33: {  	[tilespmem:s0+$0xA000] =	vst v0  }
0x34: {  	[tilespmem:s0+$0xA010] =	vst v0;
	_ =	sdelay $0x1  }
0x35: {  	s0 =	sshra.s32 s19, $0x2  }
0x36: {  	[tilespmem:s0+$0xA030] =	vst v0  }
0x37: {  	[tilespmem:s0+$0xA020] =	vst v0  }
0x38: {  	[tilespmem:s0+$0xA000] =	vst v0  }
0x39: {  	[tilespmem:s0+$0xA010] =	vst v0  }
0x3a: {  	[spmem:s8] =	stream.linear.scatter [tilespmem:s17], [sflag:$0xB], $0x2000, $0x38;
	[tilespmem:$0x1E000] =	vst v63  }
0x3b: {  	_ =	swait.ge [sflag:s15], $0x2000  }
0x3c: {  	[sflag:s15] =	ssyncset.done $0x0  }
0x3d: {  	[sflag:s15] =	ssyncadd.s32 $0xFFFFE000  }
0x3e: {  	[spmem:s11] =	stream.linear.scatter [tilespmem:s17], [sflag:$0xB], $0x2000, $0x38;
	[tilespmem:$0x1E000] =	vst v63  }
0x3f: {  	_ =	swait.ge [sflag:s15], $0x2000  }
0x40: {  	[sflag:s15] =	ssyncset.done $0x0  }
0x41: {  	[sflag:s15] =	ssyncadd.s32 $0xFFFFE000  }
0x42: {  	[spmem:s12] =	stream.linear.scatter [tilespmem:s17], [sflag:$0xB], $0x2000, $0x38;
	[tilespmem:$0x1E000] =	vst v63  }
0x43: {  	_ =	swait.ge [sflag:s15], $0x2000  }
0x44: {  	[sflag:s15] =	ssyncset.done $0x0  }
0x45: {  	[sflag:s15] =	ssyncadd.s32 $0xFFFFE000  }
0x46: {  	[spmem:s13] =	stream.linear.scatter [tilespmem:s17], [sflag:$0xB], $0x2000, $0x38;
	[tilespmem:$0x1E000] =	vst v63  }
0x47: {  	_ =	swait.ge [sflag:s15], $0x2000  }
0x48: {  	[sflag:s15] =	ssyncset.done $0x0  }
0x49: {  	[sflag:s15] =	ssyncadd.s32 $0xFFFFE000  }
0x4a: {  	[spmem:s14] =	stream.linear.scatter [tilespmem:s17], [sflag:$0xB], $0x2000, $0x38;
	[tilespmem:$0x1E000] =	vst v63  }
.Ltmp3:
0x4b: {  	_ =	swait.ge [sflag:s15], $0x2000;
	(pc) =	sbr.rel @!p0 .LBB2_4-.Ltmp3, $4  }
0x4c: {  	[sflag:s15] =	ssyncset.done $0x0  }
0x4d: {  	[sflag:s15] =	ssyncadd.s32 $0xFFFFE000  }
0x4e: {  	[bflag:$0x0] =	sbarrier.arrive $0xFFFF  }
0x4f: {  	s16 =	simm.s32 $0x0  }
0x50: {  	[tilespmem:s17], [sflag:$0x1] =	stream.indirect.gather [hbm4b:s5+s18], $0x40, s16, s18, $0xb8;
	[tilespmem:$0x1E000] =	vst v63  }
0x51: {  	s0 =	simm.s32 $0xC000  }
0x52: {  	s22 =	simm.s32 $0x100;
	s19 =	simm.s32 $0xE000;
	s28 =	smul.u32 $0xCD, s16  }
0x53: {  	[tilespmem:s0], [sflag:$0x2] =	stream.indirect.gather [hbm4b:s5+s18], $0x40, s18, s18, $0xb8;
	[tilespmem:$0x1E000] =	vst v63  }
0x54: {  	p1 =	por $0x1, $0x1;
	s31 =	simm.s32 $0x1;
	s16 =	sshrl.u32 s28, $0xA  }
0x55: {  	s20 =	simm.s32 @!p1 $0xFFFFFFFF;
	s21 =	smul.u32 $0xCD, s31;
	s16 =	sand.u32 $0x3F, s16  }
0x56: {  	[tilespmem:s19], [sflag:$0x3] =	stream.indirect.gather [hbm4b:s5+s18], $0x40, s22, s18, $0xb8;
	[tilespmem:$0x1E000] =	vst v63  }
0x57: {  	s23 =	simm.s32 $0x180;
	s20 =	sand.u32 @!p1 $0xFF, s20;
	s16 =	smul.u32 $0x5, s16  }
0x58: {  	s24 =	simm.s32 $0x10000;
	s26 =	simm.s32 $0x12000;
	s22 =	smul.u32 @!p1 $0xCD, s20  }
0x59: {  	[tilespmem:s24], [sflag:$0x4] =	stream.indirect.gather [hbm4b:s5+s18], $0x40, s23, s18, $0xb8;
	[tilespmem:$0x1E000] =	vst v63  }
0x5a: {  	p2 =	por @!p1 $0x0, $0x0;
	s0 =	simm.s32 $0x5000;
	s16 =	ssub.s32 $0x0, s16  }
0x5b: {  	s19 =	simm.s32 $0x200;
	s22 =	sshrl.u32 @!p1 s22, $0xA;
	s16 =	sand.u32 $0xFF, s16  }
0x5c: {  	[tilespmem:s26], [sflag:$0x5] =	stream.indirect.gather [hbm4b:s5+s18], $0x40, s19, s18, $0xb8;
	[tilespmem:$0x1E000] =	vst v63  }
0x5d: {  	p2 =	por p2, p1;
	s22 =	smul.u32 @!p1 $0x5, s22;
	s23 =	sadd.s32 $0x1, s16  }
0x5e: {  	s20 =	simm.s32 $0x2;
	s24 =	sshll.u32 s16, $0xD;
	_ =	swait.ge [sflag:s23], $0x2000  }
0x5f: {  	s16 =	sadd.s32 $0x6, s16;
	s22 =	ssub.s32 @!p1 $0xFFFFFFFF, s22;
	[sflag:s23] =	ssyncset.done $0x0  }
0x60: {  	s24 =	sadd.s32 $0xA000, s24;
	s26 =	sand.u32 @!p1 $0xFF, s22;
	[sflag:s23] =	ssyncadd.s32 $0xFFFFE000  }
0x61: {  	[spmem:s2] =	stream.indirect.scatter.add.f32 [tilespmem:s24], [sflag:s16], $0x40, s0, s18, $0xb8;
	[tilespmem:$0x1E000] =	vst v63  }
0x62: {  	s22 =	sadd.s32 @!p1 $0x6, s26;
	s23 =	simm.s32 @!p2 $0x80;
	s24 =	sshll.u32 @!p2 s26, $0xD  }
0x63: {  	s16 =	simm.s32 $0x5080;
	s0 =	simm.s32 $0x280;
	_ =	swait.ge @!p1 [sflag:s22], $0x2000  }
0x64: {  	s26 =	sadd.s32 @!p2 $0x1, s26;
	s24 =	sadd.s32 @!p2 $0xA000, s24;
	[sflag:s22] =	ssyncset.done @!p1 $0x0  }
.LBB2_8:
0x65: {  	s28 =	smul.u32 $0xCD, s20  }
0x66: {  	[sflag:s22] =	ssyncadd.s32 @!p1 $0xFFFFE000;
	s22 =	smov.u32 s20;
	s20 =	sadd.s32 $0x1, s20  }
0x67: {  	[tilespmem:s24], [sflag:s26] =	stream.indirect.gather @!p2 [hbm4b:s5+s23], $0x40, s19, s23, $0xb8;
	[tilespmem:$0x1E000] =	vst v63  }
0x68: {  	p1 =	seq.s32 s31, $0x0;
	p3 =	sne.s32 s20, $0xA0;
	s19 =	sshrl.u32 s21, $0xA  }
0x69: {  	s23 =	sadd.s32 @!p1 $0xFFFFFFFF, s31;
	p2 =	sgt.u32 @!p1 s31, $0x9B;
	s19 =	sand.u32 $0x3F, s19  }
0x6a: {  	s21 =	smov.u32 s28;
	s24 =	smul.u32 $0x5, s19;
	s19 =	sand.u32 @!p1 $0xFF, s23  }
0x6b: {  	s26 =	smul.u32 @!p1 $0xCD, s19;
	s19 =	smov.u32 s0  }
0x6c: {  	s24 =	ssub.s32 s31, s24;
	s31 =	smov.u32 s22  }
0x6d: {  	s22 =	sand.u32 $0xFF, s24;
	s24 =	sshrl.u32 @!p1 s26, $0xA  }
0x6e: {  	s26 =	sshll.u32 s22, $0xD;
	s28 =	sadd.s32 $0x1, s22;
	s24 =	smul.u32 @!p1 $0x5, s24  }
0x6f: {  	p2 =	por p2, p1;
	s22 =	sadd.s32 $0x6, s22;
	_ =	swait.ge [sflag:s28], $0x2000  }
0x70: {  	s23 =	ssub.s32 @!p1 s23, s24;
	s24 =	sadd.s32 $0xA000, s26;
	[sflag:s28] =	ssyncset.done $0x0  }
.Ltmp4:
0x71: {  	s26 =	sand.u32 @!p1 $0xFF, s23;
	[sflag:s28] =	ssyncadd.s32 $0xFFFFE000;
	(pc) =	sbr.rel @p3 .LBB2_8-.Ltmp4, $4  }
0x72: {  	[spmem:s2] =	stream.indirect.scatter.add.f32 [tilespmem:s24], [sflag:s22], $0x40, s16, s18, $0xb8;
	[tilespmem:$0x1E000] =	vst v63  }
0x73: {  	s22 =	sadd.s32 @!p1 $0x6, s26;
	s24 =	sshll.u32 @!p2 s26, $0xD;
	s16 =	sadd.s32 $0x80, s16  }
0x74: {  	s0 =	sadd.s32 $0x80, s0;
	s23 =	simm.s32 @!p2 $0x80;
	_ =	swait.ge @!p1 [sflag:s22], $0x2000  }
0x75: {  	s26 =	sadd.s32 @!p2 $0x1, s26;
	s24 =	sadd.s32 @!p2 $0xA000, s24;
	[sflag:s22] =	ssyncset.done @!p1 $0x0  }
0x76: {  	[sflag:s22] =	ssyncadd.s32 @!p1 $0xFFFFE000  }
0x77: {  	[tilespmem:s24], [sflag:s26] =	stream.indirect.gather @!p2 [hbm4b:s5+s23], $0x40, s19, s23, $0xb8;
	[tilespmem:$0x1E000] =	vst v63  }
0x78: {  	p1 =	seq.s32 s31, $0x0;
	s23 =	sshrl.u32 s21, $0xA  }
0x79: {  	s20 =	sadd.s32 @!p1 $0xFFFFFFFF, s31;
	s19 =	sand.u32 $0x3F, s23  }
0x7a: {  	s21 =	sand.u32 @!p1 $0xFF, s20;
	s19 =	smul.u32 $0x5, s19  }
0x7b: {  	s21 =	smul.u32 @!p1 $0xCD, s21  }
0x7c: {  	s19 =	ssub.s32 s31, s19  }
0x7d: {  	s21 =	sshrl.u32 @!p1 s21, $0xA;
	s19 =	sand.u32 $0xFF, s19  }
0x7e: {  	s21 =	smul.u32 @!p1 $0x5, s21;
	s24 =	sadd.s32 $0x1, s19  }
0x7f: {  	s26 =	sshll.u32 s19, $0xD;
	_ =	swait.ge [sflag:s24], $0x2000  }
0x80: {  	s19 =	sadd.s32 $0x6, s19;
	s20 =	ssub.s32 @!p1 s20, s21;
	[sflag:s24] =	ssyncset.done $0x0  }
0x81: {  	s28 =	sadd.s32 $0xA000, s26;
	s20 =	sand.u32 @!p1 $0xFF, s20;
	[sflag:s24] =	ssyncadd.s32 $0xFFFFE000  }
0x82: {  	[spmem:s2] =	stream.indirect.scatter.add.f32 [tilespmem:s28], [sflag:s19], $0x40, s16, s18, $0xb8;
	[tilespmem:$0x1E000] =	vst v63  }
.Ltmp5:
0x83: {  	p2 =	sgt.u32 @!p1 s31, $0x9B;
	s16 =	sadd.s32 @!p1 $0x6, s20;
	(pc) =	sbr.rel .LBB2_10-.Ltmp5, $4  }
0x84: {  	p2 =	por p2, p1;
	_ =	swait.ge @!p1 [sflag:s16], $0x2000  }
0x85: {  	s21 =	simm.s32 @!p2 $0x80;
	s19 =	sshll.u32 @!p2 s20, $0xD;
	[sflag:s16] =	ssyncset.done @!p1 $0x0  }
0x86: {  	s20 =	sadd.s32 @!p2 $0x1, s20;
	s19 =	sadd.s32 @!p2 $0xA000, s19;
	[sflag:s16] =	ssyncadd.s32 @!p1 $0xFFFFE000  }
0x87: {  	[tilespmem:s19], [sflag:s20] =	stream.indirect.gather @!p2 [hbm4b:s5+s21], $0x40, s0, s21, $0xb8;
	[tilespmem:$0x1E000] =	vst v63  }
.LBB2_4:
0x88: {  	[tilespmem:s17], [sflag:$0x1] =	stream.indirect.gather [hbm4b:s4+s18], $0x40, s16, s18, $0xb8;
	[tilespmem:$0x1E000] =	vst v63  }
0x89: {  	s0 =	simm.s32 $0xC000  }
0x8a: {  	s22 =	simm.s32 $0x100;
	s19 =	simm.s32 $0xE000;
	s28 =	smul.u32 $0xCD, s16  }
0x8b: {  	[tilespmem:s0], [sflag:$0x2] =	stream.indirect.gather [hbm4b:s4+s18], $0x40, s18, s18, $0xb8;
	[tilespmem:$0x1E000] =	vst v63  }
0x8c: {  	p1 =	por $0x1, $0x1;
	s31 =	simm.s32 $0x1;
	s16 =	sshrl.u32 s28, $0xA  }
0x8d: {  	s20 =	simm.s32 @!p1 $0xFFFFFFFF;
	s21 =	smul.u32 $0xCD, s31;
	s16 =	sand.u32 $0x3F, s16  }
0x8e: {  	[tilespmem:s19], [sflag:$0x3] =	stream.indirect.gather [hbm4b:s4+s18], $0x40, s22, s18, $0xb8;
	[tilespmem:$0x1E000] =	vst v63  }
0x8f: {  	s23 =	simm.s32 $0x180;
	s20 =	sand.u32 @!p1 $0xFF, s20;
	s16 =	smul.u32 $0x5, s16  }
0x90: {  	s24 =	simm.s32 $0x10000;
	s26 =	simm.s32 $0x12000;
	s22 =	smul.u32 @!p1 $0xCD, s20  }
0x91: {  	[tilespmem:s24], [sflag:$0x4] =	stream.indirect.gather [hbm4b:s4+s18], $0x40, s23, s18, $0xb8;
	[tilespmem:$0x1E000] =	vst v63  }
0x92: {  	p2 =	por @!p1 $0x0, $0x0;
	s0 =	simm.s32 $0x5000;
	s16 =	ssub.s32 $0x0, s16  }
0x93: {  	s19 =	simm.s32 $0x200;
	s22 =	sshrl.u32 @!p1 s22, $0xA;
	s16 =	sand.u32 $0xFF, s16  }
0x94: {  	[tilespmem:s26], [sflag:$0x5] =	stream.indirect.gather [hbm4b:s4+s18], $0x40, s19, s18, $0xb8;
	[tilespmem:$0x1E000] =	vst v63  }
0x95: {  	p2 =	por p2, p1;
	s22 =	smul.u32 @!p1 $0x5, s22;
	s23 =	sadd.s32 $0x1, s16  }
0x96: {  	s20 =	simm.s32 $0x2;
	s24 =	sshll.u32 s16, $0xD;
	_ =	swait.ge [sflag:s23], $0x2000  }
0x97: {  	s16 =	sadd.s32 $0x6, s16;
	s22 =	ssub.s32 @!p1 $0xFFFFFFFF, s22;
	[sflag:s23] =	ssyncset.done $0x0  }
0x98: {  	s24 =	sadd.s32 $0xA000, s24;
	s26 =	sand.u32 @!p1 $0xFF, s22;
	[sflag:s23] =	ssyncadd.s32 $0xFFFFE000  }
0x99: {  	[spmem:s2] =	stream.indirect.scatter.add.f32 [tilespmem:s24], [sflag:s16], $0x40, s0, s18, $0xb8;
	[tilespmem:$0x1E000] =	vst v63  }
0x9a: {  	s22 =	sadd.s32 @!p1 $0x6, s26;
	s23 =	simm.s32 @!p2 $0x80;
	s24 =	sshll.u32 @!p2 s26, $0xD  }
0x9b: {  	s16 =	simm.s32 $0x5080;
	s0 =	simm.s32 $0x280;
	_ =	swait.ge @!p1 [sflag:s22], $0x2000  }
0x9c: {  	s26 =	sadd.s32 @!p2 $0x1, s26;
	s24 =	sadd.s32 @!p2 $0xA000, s24;
	[sflag:s22] =	ssyncset.done @!p1 $0x0  }
.LBB2_5:
0x9d: {  	s28 =	smul.u32 $0xCD, s20  }
0x9e: {  	[sflag:s22] =	ssyncadd.s32 @!p1 $0xFFFFE000;
	s22 =	smov.u32 s20;
	s20 =	sadd.s32 $0x1, s20  }
0x9f: {  	[tilespmem:s24], [sflag:s26] =	stream.indirect.gather @!p2 [hbm4b:s4+s23], $0x40, s19, s23, $0xb8;
	[tilespmem:$0x1E000] =	vst v63  }
0xa0: {  	p1 =	seq.s32 s31, $0x0;
	p3 =	seq.s32 s20, $0xA0;
	s19 =	sshrl.u32 s21, $0xA  }
0xa1: {  	s23 =	sadd.s32 @!p1 $0xFFFFFFFF, s31;
	p2 =	sgt.u32 @!p1 s31, $0x9B;
	s19 =	sand.u32 $0x3F, s19  }
0xa2: {  	s21 =	smov.u32 s28;
	s24 =	smul.u32 $0x5, s19;
	s19 =	sand.u32 @!p1 $0xFF, s23  }
0xa3: {  	s26 =	smul.u32 @!p1 $0xCD, s19;
	s19 =	smov.u32 s0  }
0xa4: {  	s24 =	ssub.s32 s31, s24;
	s31 =	smov.u32 s22  }
0xa5: {  	s22 =	sand.u32 $0xFF, s24;
	s24 =	sshrl.u32 @!p1 s26, $0xA  }
0xa6: {  	s26 =	sshll.u32 s22, $0xD;
	s28 =	sadd.s32 $0x1, s22;
	s24 =	smul.u32 @!p1 $0x5, s24  }
0xa7: {  	p2 =	por p2, p1;
	s22 =	sadd.s32 $0x6, s22;
	_ =	swait.ge [sflag:s28], $0x2000  }
0xa8: {  	s23 =	ssub.s32 @!p1 s23, s24;
	s24 =	sadd.s32 $0xA000, s26;
	[sflag:s28] =	ssyncset.done $0x0  }
.Ltmp6:
0xa9: {  	s26 =	sand.u32 @!p1 $0xFF, s23;
	[sflag:s28] =	ssyncadd.s32 $0xFFFFE000;
	(pc) =	sbr.rel @!p3 .LBB2_5-.Ltmp6, $4  }
0xaa: {  	[spmem:s2] =	stream.indirect.scatter.add.f32 [tilespmem:s24], [sflag:s22], $0x40, s16, s18, $0xb8;
	[tilespmem:$0x1E000] =	vst v63  }
0xab: {  	s22 =	sadd.s32 @!p1 $0x6, s26;
	s24 =	sshll.u32 @!p2 s26, $0xD;
	s16 =	sadd.s32 $0x80, s16  }
0xac: {  	s0 =	sadd.s32 $0x80, s0;
	s23 =	simm.s32 @!p2 $0x80;
	_ =	swait.ge @!p1 [sflag:s22], $0x2000  }
0xad: {  	s26 =	sadd.s32 @!p2 $0x1, s26;
	s24 =	sadd.s32 @!p2 $0xA000, s24;
	[sflag:s22] =	ssyncset.done @!p1 $0x0  }
.Ltmp7:
0xae: {  	_ = 	snop;
	(pc) =	sbr.rel .LBB2_6-.Ltmp7, $1  }
0xaf: {  	_ =	sdelay $0x3  }
.LBB2_11:
0xb0: {  	_ =	sfence.sel $0x180000  }
0xb1: {  	[bflag:$0x0] =	sbarrier.arrive $0xFFFF  }
0xb2: {  	_ =	strace $0x90000056  }
0xb3: {  	[bflag:$0x2] =	sbarrier.arrive $0xFFFF  }
0xb4: {  	p0 =	sne.s32 s1, $0x0;
	s0 =	rddreg [dreg:$0x2]  }
0xb5: {  	s0 =	sadd.s32 @!p0 $0x100000, s0  }
0xb6: {  	[sflag:s0] =	ssyncadd.tile.s32 @!p0 $0x1;
	_ =	shalt  }
.Lfunc_end2:
_tile_overlayer_lowered:
.L_overlay_start_2:
0xb7: {  	(tag) =	ssettag $0x2  }
0xb8: {  	s0 =	rddreg [dreg:$0x0];
	s2 =	stileid.u32  }
0xb9: {  	s1 =	rddreg [dreg:$0x1];
	p0 =	sne.s32 s2, $0x0  }
0xba: {  	s3 =	rddreg [dreg:$0x2];
	[bflag:$0x3] =	sbarrier.arrive $0xFFFF;
	s2 =	simm.s32 @!p0 $0x1C0B  }
0xbb: {  	[timem:s3], [sflag:s2] =	dma.local @!p0 [hbm:s0], s1  }
0xbc: {  	s0 =	simm.s32 @!p0 $0xB  }
0xbd: {  	_ =	swait.ge @!p0 [sflag:s0], s1  }
0xbe: {  	s1 =	ssub.s32 @!p0 $0x0, s1;
	[sflag:s0] =	ssyncset.done @!p0 $0x0  }
0xbf: {  	[sflag:s0] =	ssyncadd.s32 @!p0 s1  }
0xc0: {  	[bflag:$0x3] =	sbarrier.arrive $0xFFFF  }
0xc1: {  	_ =	shalt  }

// kernel: sparse-core-data-format-call.cloned.1.call-start
scs
called_computation_lowered:
.L_overlay_start_0:
0x0: {  	s1 =	sld [smem:$0x3FD9]  }
0x1: {  	s2 =	sld [smem:$0x3FFE];
	_ =	sdelay $0x1  }
0x2: {  	s3 =	srdreg.scid  }
0x3: {  	s0 =	sand.u32 $0x1, s3  }
0x4: {  	s17 =	sshll.u32 s0, $0xA;
	s1 =	sadd.s32 s2, s1  }
0x5: {  	s1 =	sadd.s32 s1, s17  }
0x6: {  	[smem:$0x3FAF] =	sst s1  }
0x7: {  	_ = 	snop  }
0x8: {  	(tm) =	ssettm $0x1  }
0x9: {  	s18 =	sld [smem:$0x3FFB];
	_ =	sdelay $0x3  }
0xa: {  	_ =	strace s18  }
0xb: {  	s1 =	sld [smem:$0x3FFC];
	_ =	sdelay $0x3  }
0xc: {  	_ =	strace s1  }
0xd: {  	s1 =	sld [smem:$0x3FFD];
	_ =	sdelay $0x3  }
0xe: {  	_ =	strace s1  }
0xf: {  	_ =	strace $0x8FFFFFFF  }
0x10: {  	s19 =	sld [smem:$0x3FDB];
	_ =	sdelay $0x1  }
0x11: {  	s20 =	simm.s32 $_scs_section_size  }
0x12: {  	s4 =	simm.s32 $_size__tile_overlayer_lowered;
	s5 =	simm.s32 $_tile_overlayer_lowered  }
0x13: {  	s23 =	simm.s32 $0x1BFF;
	s22 =	sshll.u32 s5, $0x1;
	s1 =	sadd.s32 s20, s19  }
0x14: {  	s6 =	simm.s32 $0x0;
	s21 =	sshll.u32 s4, $0x1;
	s4 =	sadd.s32 s22, s1  }
0x15: {  	[timem:s6], [sflag:s23] =	dma.local [hbm:s4], s21  }
0x16: {  	_ =	swait.ge [sflag:s23], s21  }
0x17: {  	s2 =	ssub.s32 $0x0, s21;
	[sflag:s23] =	ssyncset.done $0x0  }
0x18: {  	[sflag:s23] =	ssyncadd.s32 s2;
	_ =	sdelay $0x1  }
0x19: {  	s24 =	simm.s32 $0x1B8B  }
0x1a: {  	_ =	swait.ge [sflag:s24], $0x1  }
0x1b: {  	[sflag:s24] =	ssyncset.done $0x0  }
0x1c: {  	s26 =	simm.s32 $0x1B8E;
	s25 =	sld [smem:$0x3FFE];
	[sflag:s24] =	ssyncadd.s32 $0xFFFFFFFF  }
0x1d: {  	s27 =	simm.s32 $execute0_lowered;
	[smem:$0x3FD2] =	sst s26  }
0x1e: {  	s4 =	sshll.u32 s27, $0x1;
	_ =	strace $0x80000046;
	[dreg:$0x1] =	wrdreg $0xFFFFFFFF  }
0x1f: {  	s28 =	simm.s32 $_size_execute0_lowered;
	s1 =	sadd.s32 s1, s4;
	[dreg:$0x0] =	wrdreg $0x0  }
0x20: {  	s4 =	sshll.u32 s28, $0x1;
	[dreg:$0x2] =	wrdreg s1  }
0x21: {  	[dreg:$0x3] =	wrdreg s4  }
0x22: {  	[dreg:$0x4] =	wrdreg $0xC0  }
0x23: {  	_ =	task [dreg:s6], $0x5FFFF  }
0x24: {  	[dreg:$0x1] =	wrdreg $0xFFFFFFFF  }
0x25: {  	[dreg:$0x0] =	wrdreg $0x60  }
0x26: {  	[dreg:$0x2] =	wrdreg s25  }
0x27: {  	[dreg:$0x3] =	wrdreg $0x9  }
0x28: {  	_ =	task.clear_ibuf [dreg:s6], $0x4FFFF;
	_ =	strace $0x90000046  }
0x29: {  	s29 =	simm.s32 $0x9;
	_ =	strace $0x80000048  }
0x2a: {  	_ =	swait.ge [sflag:s29], $0x1  }
0x2b: {  	[sflag:s29] =	ssyncadd.s32 $0xFFFFFFFF  }
0x2c: {  	_ =	strace $0x90000048  }
0x2d: {  	_ =	sfence  }
0x2e: {  	s30 =	sld [smem:$0x0];
	_ =	sdelay $0x2  }
0x2f: {  	s31 =	sshll.u32 s3, $0xD;
	s3 =	sshrl.u32 s3, $0x2  }
0x30: {  	s2 =	sand.u32 $0x4000, s31;
	s1 =	sadd.s32 s3, s30  }
0x31: {  	s0 =	sor.u32 s2, s0;
	s1 =	sshll.u32 s1, $0x11  }
0x32: {  	s0 =	sor.u32 s1, s0  }
0x33: {  	s0 =	sadd.s32 $0x8F2B, s0  }
0x34: {  	[sflag:s0] =	ssyncadd.remote.s32 $0x1  }
0x35: {  	_ =	sfence.sel $0xFFFF  }
0x36: {  	[dreg:$0x0] =	wrdreg $0xFFFFFFFF;
	(pc) =	sbr.abs _section_cstart, $3  }
0x37: {  	[dreg:$0x1] =	wrdreg $0xFFFFFFFF  }
0x38: {  	_ =	task.clear_ibuf [dreg:s6], $0x2FFFF;
	_ =	strace $0x9FFFFFFF  }
0x39: {  	(tm) =	ssettm $0x7FFFFFFF  }
tec
execute0_lowered:
.L_overlay_start_1:
0x0: {  	(tag) =	ssettag $0x1  }
0x1: {  	s0 =	srdreg.scid  }
0x2: {  	s6 =	rddreg [dreg:$0x0];
	s7 =	simm.s32 $0x1;
	s1 =	sshll.u32 s0, $0x4  }
0x3: {  	s8 =	simm.s32 $0x2;
	s0 =	stileid.u32;
	s1 =	sand.u32 $0x10, s1  }
0x4: {  	s13 =	simm.s32 $0x0;
	s12 =	simm.s32 $0x0;
	s1 =	sor.u32 s0, s1  }
0x5: {  	s10 =	simm.s32 $0x0;
	s11 =	simm.s32 $0x0;
	s2 =	sshll.u32 s1, $0x9  }
0x6: {  	s3 =	sadd.s32 $0x5000, s6;
	s6 =	sadd.s32 $0x13D800, s6;
	s5 =	ssub.s32 $0x4E200, s2  }
.Ltmp0:
0x7: {  	s1 =	rddreg [dreg:$0x1];
	s4 =	sand.u32 $0x3E00, s5;
	(pc) =	sbr.rel .LBB1_1-.Ltmp0, $4  }
0x8: {  	_ =	strace $0x80000047;
	s9 =	smov.u32 s2;
	p0 =	sne.s32 s4, $0x0  }
0x9: {  	s5 =	sshrl.u32 s5, $0xE;
	s4 =	simm.s32 $0x1;
	s7 =	simm.s32 @!p0 $0x0  }
0xa: {  	[sflag:s4] =	ssyncpa.u1 $0x0;
	p0 =	por $0x0, $0x0;
	s5 =	sadd.s32 s7, s5  }
0xb: {  	[sflag:s8] =	ssyncpa.u1 $0x0;
	s8 =	simm.s32 $0x80;
	s7 =	sadd.s32 $0x1, s5  }
.LBB1_4:
0xc: {  	_ = 	snop  }
0xd: {  	[tilespmem:s18+$0x2D60 ss:$0x21] =	vst.msk $0xffff, v7  }
0xe: {  	[tilespmem:s18+$0x2F70 ss:$0x21] =	vst.msk $0xffff, v6  }
0xf: {  	[tilespmem:s18+$0x3390 ss:$0x21] =	vst.msk $0xffff, v3  }
0x10: {  	s21 =	sor.u32 s24, s23;
	v31 =	vld.idx.msk [tilespmem:v0+s16+$0xC70 ss:$0x1], $0xffff;
	[tilespmem:s18+$0x35A0 ss:$0x21] =	vst.msk $0xffff, v1  }
0x11: {  	[tilespmem:s18+$0x37B0 ss:$0x21] =	vst.msk $0xffff, v2;
	v43 =	vld.idx.msk [tilespmem:v0+s21+$0x410 ss:$0x1], $0xffff  }
0x12: {  	[tilespmem:s18+$0x39C0 ss:$0x21] =	vst.msk $0xffff, v4;
	v44 =	vld.idx.msk [tilespmem:v0+s21+$0x420 ss:$0x1], $0xffff  }
0x13: {  	[tilespmem:s18+$0x3BD0 ss:$0x21] =	vst.msk $0xffff, v5;
	s22 =	sand.u32 $0x3200, s21;
	v45 =	vld.idx.msk [tilespmem:v0+s21+$0x430 ss:$0x1], $0xffff  }
0x14: {  	s20 =	sand.u32 $0x180, s20;
	s25 =	sshra.s32 s19, $0x2;
	[tilespmem:s18+$0x3DE0 ss:$0x21] =	vst.msk $0xffff, v8;
	v46 =	vld.idx.msk [tilespmem:v0+s21+$0x440 ss:$0x1], $0xffff;
	s15 =	sadd.s32 s22, s15  }
0x15: {  	v47 =	vld.idx.msk [tilespmem:v0+s21+$0x450 ss:$0x1], $0xffff;
	s24 =	sadd.s32 s20, s15;
	s15 =	sadd.s32 s25, s17;
	[tilespmem:s18+$0x3FF0 ss:$0x21] =	vst.msk $0xffff, v31  }
0x16: {  	v48 =	vld.idx.msk [tilespmem:v0+s21+$0x460 ss:$0x1], $0xffff;
	[tilespmem:s15+$0x1290 ss:$0x21] =	vst.msk $0xffff, v43  }
0x17: {  	v49 =	vld.idx.msk [tilespmem:v0+s21+$0x470 ss:$0x1], $0xffff;
	[tilespmem:s15+$0x14A0 ss:$0x21] =	vst.msk $0xffff, v44  }
0x18: {  	v50 =	vld.idx.msk [tilespmem:v0+s21+$0x810 ss:$0x1], $0xffff;
	[tilespmem:s15+$0x16B0 ss:$0x21] =	vst.msk $0xffff, v45  }
0x19: {  	v51 =	vld.idx.msk [tilespmem:v0+s21+$0x820 ss:$0x1], $0xffff;
	[tilespmem:s15+$0x18C0 ss:$0x21] =	vst.msk $0xffff, v46  }
0x1a: {  	v52 =	vld.idx.msk [tilespmem:v0+s21+$0x830 ss:$0x1], $0xffff;
	[tilespmem:s15+$0x1AD0 ss:$0x21] =	vst.msk $0xffff, v47  }
0x1b: {  	v53 =	vld.idx.msk [tilespmem:v0+s21+$0x840 ss:$0x1], $0xffff;
	[tilespmem:s15+$0x1CE0 ss:$0x21] =	vst.msk $0xffff, v48  }
0x1c: {  	v54 =	vld.idx.msk [tilespmem:v0+s21+$0x850 ss:$0x1], $0xffff;
	[tilespmem:s15+$0x1EF0 ss:$0x21] =	vst.msk $0xffff, v49  }
0x1d: {  	v55 =	vld.idx.msk [tilespmem:v0+s21+$0x860 ss:$0x1], $0xffff;
	[tilespmem:s15+$0x2310 ss:$0x21] =	vst.msk $0xffff, v50  }
0x1e: {  	v56 =	vld.idx.msk [tilespmem:v0+s21+$0x870 ss:$0x1], $0xffff;
	[tilespmem:s15+$0x2520 ss:$0x21] =	vst.msk $0xffff, v51  }
0x1f: {  	v57 =	vld.idx.msk [tilespmem:v0+s21+$0xC10 ss:$0x1], $0xffff;
	[tilespmem:s15+$0x2730 ss:$0x21] =	vst.msk $0xffff, v52  }
0x20: {  	v58 =	vld.idx.msk [tilespmem:v0+s21+$0xC20 ss:$0x1], $0xffff;
	[tilespmem:s15+$0x2940 ss:$0x21] =	vst.msk $0xffff, v53  }
0x21: {  	v59 =	vld.idx.msk [tilespmem:v0+s21+$0xC30 ss:$0x1], $0xffff;
	[tilespmem:s15+$0x2B50 ss:$0x21] =	vst.msk $0xffff, v54  }
0x22: {  	v60 =	vld.idx.msk [tilespmem:v0+s21+$0xC40 ss:$0x1], $0xffff;
	[tilespmem:s15+$0x2D60 ss:$0x21] =	vst.msk $0xffff, v55  }
0x23: {  	v61 =	vld.idx.msk [tilespmem:v0+s21+$0xC50 ss:$0x1], $0xffff;
	[tilespmem:s15+$0x2F70 ss:$0x21] =	vst.msk $0xffff, v56  }
0x24: {  	v62 =	vld.idx.msk [tilespmem:v0+s21+$0xC60 ss:$0x1], $0xffff;
	[tilespmem:s15+$0x3390 ss:$0x21] =	vst.msk $0xffff, v57  }
0x25: {  	v63 =	vld.idx.msk [tilespmem:v0+s21+$0xC70 ss:$0x1], $0xffff;
	[tilespmem:s15+$0x35A0 ss:$0x21] =	vst.msk $0xffff, v58  }
0x26: {  	v32 =	vld [tilespmem:s24+$0xC00];
	[tilespmem:s15+$0x37B0 ss:$0x21] =	vst.msk $0xffff, v59  }
0x27: {  	v33 =	vld [tilespmem:s24+$0x0];
	[tilespmem:s15+$0x39C0 ss:$0x21] =	vst.msk $0xffff, v60  }
0x28: {  	v34 =	vld [tilespmem:s24+$0x10];
	[tilespmem:s15+$0x3BD0 ss:$0x21] =	vst.msk $0xffff, v61  }
0x29: {  	s13 =	sshll.u32 s13, $0x7;
	s26 =	sshll.u32 s12, $0x3;
	v35 =	vld [tilespmem:s24+$0x20];
	[tilespmem:s15+$0x3DE0 ss:$0x21] =	vst.msk $0xffff, v62  }
0x2a: {  	s27 =	sand.u32 $0xFFFFFC00, s13;
	s16 =	sand.u32 $0xFFFFFC00, s26;
	v36 =	vld [tilespmem:s24+$0x30];
	[tilespmem:s15+$0x3FF0 ss:$0x21] =	vst.msk $0xffff, v63  }
0x2b: {  	s13 =	sand.u32 $0x380, s13;
	s16 =	sadd.s32 s16, s27;
	v37 =	vld [tilespmem:s24+$0x40];
	[tilespmem:s15+$0x3180 ss:$0x21] =	vst.msk $0xffff, v32  }
0x2c: {  	s13 =	sor.u32 s13, s16;
	v38 =	vld [tilespmem:s24+$0x50];
	[tilespmem:s15+$0x0 ss:$0x21] =	vst.msk $0xffff, v33  }
0x2d: {  	v39 =	vld [tilespmem:s24+$0x60];
	s13 =	sshrl.u32 s13, $0x7;
	[tilespmem:s15+$0x210 ss:$0x21] =	vst.msk $0xffff, v34  }
0x2e: {  	v40 =	vld [tilespmem:s24+$0x70];
	s28 =	smulhi.u32 $0x1A36E2F, s13;
	[tilespmem:s15+$0x420 ss:$0x21] =	vst.msk $0xffff, v35  }
0x2f: {  	v41 =	vld [tilespmem:s24+$0x400];
	[tilespmem:s15+$0x630 ss:$0x21] =	vst.msk $0xffff, v36  }
0x30: {  	v42 =	vld [tilespmem:s24+$0x800];
	s16 =	sshrl.u32 s28, $0xB;
	[tilespmem:s15+$0x840 ss:$0x21] =	vst.msk $0xffff, v37  }
0x31: {  	s16 =	smul.u32 $0x4E200, s16;
	[tilespmem:s15+$0xA50 ss:$0x21] =	vst.msk $0xffff, v38  }
0x32: {  	s29 =	sshrl.u32 s12, $0x3;
	[tilespmem:s15+$0xC60 ss:$0x21] =	vst.msk $0xffff, v39  }
0x33: {  	s31 =	sand.u32 $0x7, s12;
	s30 =	sand.u32 $0xF, s29;
	[tilespmem:s15+$0xE70 ss:$0x21] =	vst.msk $0xffff, v40;
	s13 =	ssub.s32 s13, s16  }
0x34: {  	s12 =	sshll.u32 s31, $0x12;
	[tilespmem:s15+$0x1080 ss:$0x21] =	vst.msk $0xffff, v41;
	s16 =	sadd.s32 s6, s30;
	s13 =	sshll.u32 s13, $0x4  }
0x35: {  	s12 =	sor.u32 $0x20, s12;
	[tilespmem:s15+$0x2100 ss:$0x21] =	vst.msk $0xffff, v42;
	s13 =	sadd.s32 s13, s16  }
0x36: {  	[hbm4b:s13+s12] =	stream.strided.scatter [tilespmem:s14], [sflag:$0x2], $0x4000, s8, s12, $0x10;
	[tilespmem:$0x10400] =	vst v63  }
.LBB1_5:
0x37: {  	s14 =	sadd.s32 $0x4000, s9  }
0x38: {  	s12 =	sadd.s32 $0x20, s10;
	s16 =	smov.u32 s10;
	p2 =	sgt.s32 s14, $0x4E1FF  }
0x39: {  	s16 =	smov.u32 @p2 s12  }
0x3a: {  	s14 =	smov.u32 @p2 s2;
	p2 =	sgt.s32 s16, $0x1F  }
0x3b: {  	s16 =	simm.s32 @p2 $0x0;
	p2 =	sne.s32 s11, s7  }
.Ltmp1:
0x3c: {  	p1 =	slt.u32 s11, $0x2;
	(pc) =	sbr.rel @!p2 .LBB1_6-.Ltmp1, $4  }
0x3d: {  	s15 =	simm.s32 @!p1 $0x2  }
0x3e: {  	s13 =	smov.u32 s9;
	p0 =	por !p0, !p0;
	_ =	swait.ge @!p1 [sflag:s15], $0x4000  }
0x3f: {  	s12 =	smov.u32 s10;
	[sflag:s15] =	ssyncset.done @!p1 $0x0;
	s9 =	smov.u32 s14  }
0x40: {  	s11 =	sadd.s32 $0x1, s11;
	[sflag:s15] =	ssyncadd.s32 @!p1 $0xFFFFC000;
	s10 =	smov.u32 s16  }
.LBB1_1:
0x41: {  	p1 =	sge.u32 s11, s5  }
0x42: {  	s14 =	sshrl.u32 @!p1 s10, $0x3  }
0x43: {  	s15 =	sshll.u32 @!p1 s9, $0x3;
	s14 =	smul.u32 @!p1 $0x271000, s14  }
0x44: {  	s16 =	sshll.u32 @!p1 s10, $0x7;
	s15 =	sand.u32 @!p1 $0xFFFFFC00, s15  }
0x45: {  	s14 =	sadd.s32 @!p1 s14, s15;
	s15 =	sand.u32 @!p1 $0x380, s16  }
0x46: {  	s16 =	sand.u32 @!p1 $0x7F, s9;
	s14 =	sor.u32 @!p1 s15, s14  }
0x47: {  	s15 =	sor.u32 @!p1 s16, s14  }
0x48: {  	s16 =	smulhi.u32 @!p1 $0xD1B71759, s15;
	_ =	sdelay $0x1  }
0x49: {  	s14 =	smulhi.u32 @!p1 $0xD1B71759, s14;
	s16 =	sshrl.u32 @!p1 s16, $0x12  }
0x4a: {  	s16 =	smul.u32 @!p1 $0x4E200, s16  }
0x4b: {  	s31 =	sadd.s32 $0xFFFFFFFF, s11;
	s17 =	sxor.u32 @!p1 $0xFFFFFFFF, s11;
	s14 =	sshrl.u32 @!p1 s14, $0x12  }
0x4c: {  	s17 =	sshll.u32 @!p1 s17, $0xE;
	s14 =	sand.u32 @!p1 $0x1F, s14;
	s15 =	ssub.s32 @!p1 s15, s16  }
0x4d: {  	s14 =	smul.u32 @!p1 $0x9C40, s14;
	s16 =	sshrl.u32 @!p1 s15, $0x3;
	s15 =	sand.u32 @!p1 $0x7, s15  }
0x4e: {  	s17 =	sand.u32 @!p1 $0x4000, s17;
	s16 =	sadd.s32 @!p1 s3, s16;
	s15 =	sshll.u32 @!p1 s15, $0x12  }
0x4f: {  	s14 =	sadd.s32 @!p1 s14, s16;
	s15 =	sor.u32 @!p1 $0x1000, s15;
	s16 =	simm.s32 @!p1 $0x271000  }
0x50: {  	[tilespmem:s17], [sflag:$0x1] =	stream.strided.gather @!p1 [hbm4b:s14+s15], $0x4000, s16, s15, $0x38;
	[tilespmem:$0x10400] =	vst v63  }
0x51: {  	p1 =	sge.u32 s31, s5  }
.Ltmp2:
0x52: {  	_ = 	snop;
	(pc) =	sbr.rel @p1 .LBB1_5-.Ltmp2, $1  }
0x53: {  	_ =	sdelay $0x3  }
0x54: {  	s17 =	simm.s32 $0x0  }
0x55: {  	s16 =	sand.u32 $0x3000, s17;
	s18 =	sand.u32 $0x380, s17  }
0x56: {  	s14 =	sand.u32 $0x1, s11;
	s16 =	sor.u32 s18, s16  }
0x57: {  	_ =	swait.ge [sflag:s4], $0x4000;
	s15 =	sshll.u32 s14, $0xE;
	s18 =	sand.u32 $0x3200, s16  }
0x58: {  	[sflag:s4] =	ssyncset.done $0x0;
	s17 =	sand.u32 $0x180, s17;
	s18 =	sadd.s32 s18, s15  }
0x59: {  	[sflag:s4] =	ssyncadd.s32 $0xFFFFC000;
	s20 =	sadd.s32 s17, s18  }
0x5a: {  	v4 =	vld [tilespmem:s20+$0xC00]  }
0x5b: {  	s19 =	simm.s32 $0x1;
	v0 =	vmov s15;
	v5 =	vld [tilespmem:s20+$0x0]  }
0x5c: {  	s19 =	simm.s32 @!p0 $0x0;
	v6 =	vld [tilespmem:s20+$0x10]  }
0x5d: {  	s31 =	smul.u32 $0x10800, s19;
	v7 =	vld [tilespmem:s20+$0x20]  }
0x5e: {  	v8 =	vld [tilespmem:s20+$0x30]  }
0x5f: {  	s17 =	sshrl.u32 s31, $0x2;
	v9 =	vld [tilespmem:s20+$0x40]  }
0x60: {  	s17 =	sor.u32 $0x8000, s17;
	v1 =	vld.idx.msk [tilespmem:v0+s16+$0x410 ss:$0x1], $0xffff  }
0x61: {  	v2 =	vld.idx.msk [tilespmem:v0+s16+$0x420 ss:$0x1], $0xffff;
	s18 =	sadd.s32 $0x0, s17  }
0x62: {  	v3 =	vld.idx.msk [tilespmem:v0+s16+$0x430 ss:$0x1], $0xffff;
	[tilespmem:s18+$0x3180 ss:$0x21] =	vst.msk $0xffff, v4  }
0x63: {  	v10 =	vld.idx.msk [tilespmem:v0+s16+$0x820 ss:$0x1], $0xffff;
	[tilespmem:s18+$0x0 ss:$0x21] =	vst.msk $0xffff, v5  }
0x64: {  	v11 =	vld.idx.msk [tilespmem:v0+s16+$0x830 ss:$0x1], $0xffff;
	[tilespmem:s18+$0x210 ss:$0x21] =	vst.msk $0xffff, v6  }
0x65: {  	v12 =	vld.idx.msk [tilespmem:v0+s16+$0x840 ss:$0x1], $0xffff;
	[tilespmem:s18+$0x420 ss:$0x21] =	vst.msk $0xffff, v7  }
0x66: {  	v13 =	vld.idx.msk [tilespmem:v0+s16+$0x850 ss:$0x1], $0xffff;
	[tilespmem:s18+$0x630 ss:$0x21] =	vst.msk $0xffff, v8  }
0x67: {  	v4 =	vld [tilespmem:s20+$0x50];
	[tilespmem:s18+$0x840 ss:$0x21] =	vst.msk $0xffff, v9  }
0x68: {  	v5 =	vld [tilespmem:s20+$0x60];
	[tilespmem:s18+$0x1290 ss:$0x21] =	vst.msk $0xffff, v1  }
0x69: {  	v6 =	vld [tilespmem:s20+$0x70];
	[tilespmem:s18+$0x14A0 ss:$0x21] =	vst.msk $0xffff, v2  }
0x6a: {  	v7 =	vld [tilespmem:s20+$0x400];
	[tilespmem:s18+$0x16B0 ss:$0x21] =	vst.msk $0xffff, v3  }
0x6b: {  	v8 =	vld [tilespmem:s20+$0x800];
	[tilespmem:s18+$0x2520 ss:$0x21] =	vst.msk $0xffff, v10  }
0x6c: {  	v9 =	vld.idx.msk [tilespmem:v0+s16+$0x470 ss:$0x1], $0xffff;
	[tilespmem:s18+$0x2730 ss:$0x21] =	vst.msk $0xffff, v11  }
0x6d: {  	v3 =	vld.idx.msk [tilespmem:v0+s16+$0xC10 ss:$0x1], $0xffff;
	[tilespmem:s18+$0x2940 ss:$0x21] =	vst.msk $0xffff, v12  }
0x6e: {  	v1 =	vld.idx.msk [tilespmem:v0+s16+$0xC20 ss:$0x1], $0xffff;
	[tilespmem:s18+$0x2B50 ss:$0x21] =	vst.msk $0xffff, v13  }
0x6f: {  	v2 =	vld.idx.msk [tilespmem:v0+s16+$0xC30 ss:$0x1], $0xffff;
	[tilespmem:s18+$0xA50 ss:$0x21] =	vst.msk $0xffff, v4  }
0x70: {  	[tilespmem:s18+$0xE70 ss:$0x21] =	vst.msk $0xffff, v6;
	v6 =	vld.idx.msk [tilespmem:v0+s16+$0x460 ss:$0x1], $0xffff  }
0x71: {  	v4 =	vld.idx.msk [tilespmem:v0+s16+$0x440 ss:$0x1], $0xffff;
	[tilespmem:s18+$0xC60 ss:$0x21] =	vst.msk $0xffff, v5  }
0x72: {  	v5 =	vld.idx.msk [tilespmem:v0+s16+$0x450 ss:$0x1], $0xffff;
	[tilespmem:s18+$0x1080 ss:$0x21] =	vst.msk $0xffff, v7  }
0x73: {  	[tilespmem:s18+$0x2100 ss:$0x21] =	vst.msk $0xffff, v8;
	v8 =	vld.idx.msk [tilespmem:v0+s16+$0x810 ss:$0x1], $0xffff  }
0x74: {  	v7 =	vld.idx.msk [tilespmem:v0+s16+$0x860 ss:$0x1], $0xffff;
	[tilespmem:s18+$0x1EF0 ss:$0x21] =	vst.msk $0xffff, v9  }
0x75: {  	s14 =	smul.u32 $0x10800, s14;
	[tilespmem:s18+$0x1CE0 ss:$0x21] =	vst.msk $0xffff, v6;
	v6 =	vld.idx.msk [tilespmem:v0+s16+$0x870 ss:$0x1], $0xffff  }
0x76: {  	s21 =	simm.s32 $0x200;
	s22 =	simm.s32 $0x8;
	[tilespmem:s18+$0x18C0 ss:$0x21] =	vst.msk $0xffff, v4;
	v4 =	vld.idx.msk [tilespmem:v0+s16+$0xC40 ss:$0x1], $0xffff  }
0x77: {  	s23 =	sand.u32 $0x3000, s21;
	s14 =	sshrl.u32 s14, $0x2;
	s20 =	simm.s32 $0x80;
	[tilespmem:s18+$0x1AD0 ss:$0x21] =	vst.msk $0xffff, v5;
	v5 =	vld.idx.msk [tilespmem:v0+s16+$0xC50 ss:$0x1], $0xffff  }
0x78: {  	s19 =	simm.s32 $0x4;
	s14 =	sor.u32 $0x8000, s14;
	s24 =	sand.u32 $0x380, s20;
	[tilespmem:s18+$0x2310 ss:$0x21] =	vst.msk $0xffff, v8;
	v8 =	vld.idx.msk [tilespmem:v0+s16+$0xC60 ss:$0x1], $0xffff  }
.LBB1_3:
0x79: {  	p1 =	sne.s32 s22, $0x7C;
	[tilespmem:s18+$0x2D60 ss:$0x21] =	vst.msk $0xffff, v7;
	v7 =	vld.idx.msk [tilespmem:v0+s16+$0xC70 ss:$0x1], $0xffff;
	s16 =	sor.u32 s24, s23  }
0x7a: {  	s23 =	sand.u32 $0x3200, s16;
	v9 =	vld.idx.msk [tilespmem:v0+s16+$0x410 ss:$0x1], $0xffff;
	[tilespmem:s18+$0x2F70 ss:$0x21] =	vst.msk $0xffff, v6  }
0x7b: {  	s24 =	sand.u32 $0x180, s20;
	s23 =	sadd.s32 s23, s15;
	v6 =	vld.idx.msk [tilespmem:v0+s16+$0x420 ss:$0x1], $0xffff;
	[tilespmem:s18+$0x3390 ss:$0x21] =	vst.msk $0xffff, v3  }
0x7c: {  	s23 =	sadd.s32 s24, s23;
	v3 =	vld.idx.msk [tilespmem:v0+s16+$0x430 ss:$0x1], $0xffff;
	[tilespmem:s18+$0x35A0 ss:$0x21] =	vst.msk $0xffff, v1  }
0x7d: {  	v1 =	vld [tilespmem:s23+$0xC00];
	[tilespmem:s18+$0x37B0 ss:$0x21] =	vst.msk $0xffff, v2  }
0x7e: {  	v2 =	vld [tilespmem:s23+$0x0];
	[tilespmem:s18+$0x39C0 ss:$0x21] =	vst.msk $0xffff, v4  }
0x7f: {  	v4 =	vld [tilespmem:s23+$0x10];
	[tilespmem:s18+$0x3BD0 ss:$0x21] =	vst.msk $0xffff, v5  }
0x80: {  	s24 =	sshra.s32 s19, $0x2;
	s19 =	smov.u32 s22;
	v5 =	vld [tilespmem:s23+$0x20];
	[tilespmem:s18+$0x3DE0 ss:$0x21] =	vst.msk $0xffff, v8  }
0x81: {  	v8 =	vld [tilespmem:s23+$0x30];
	[tilespmem:s18+$0x3FF0 ss:$0x21] =	vst.msk $0xffff, v7;
	s18 =	sadd.s32 s24, s17  }
0x82: {  	v7 =	vld [tilespmem:s23+$0x40];
	[tilespmem:s18+$0x3180 ss:$0x21] =	vst.msk $0xffff, v1  }
0x83: {  	[tilespmem:s18+$0x0 ss:$0x21] =	vst.msk $0xffff, v2;
	v1 =	vld [tilespmem:s23+$0x50]  }
0x84: {  	[tilespmem:s18+$0x210 ss:$0x21] =	vst.msk $0xffff, v4;
	v2 =	vld [tilespmem:s23+$0x60]  }
0x85: {  	[tilespmem:s18+$0x420 ss:$0x21] =	vst.msk $0xffff, v5;
	v4 =	vld [tilespmem:s23+$0x70]  }
0x86: {  	[tilespmem:s18+$0x630 ss:$0x21] =	vst.msk $0xffff, v8;
	v5 =	vld [tilespmem:s23+$0x400]  }
0x87: {  	[tilespmem:s18+$0x840 ss:$0x21] =	vst.msk $0xffff, v7;
	v7 =	vld [tilespmem:s23+$0x800]  }
0x88: {  	[tilespmem:s18+$0xA50 ss:$0x21] =	vst.msk $0xffff, v1;
	v1 =	vld.idx.msk [tilespmem:v0+s16+$0x440 ss:$0x1], $0xffff  }
0x89: {  	[tilespmem:s18+$0xC60 ss:$0x21] =	vst.msk $0xffff, v2;
	v2 =	vld.idx.msk [tilespmem:v0+s16+$0x450 ss:$0x1], $0xffff  }
0x8a: {  	[tilespmem:s18+$0xE70 ss:$0x21] =	vst.msk $0xffff, v4;
	v4 =	vld.idx.msk [tilespmem:v0+s16+$0x460 ss:$0x1], $0xffff  }
0x8b: {  	[tilespmem:s18+$0x1080 ss:$0x21] =	vst.msk $0xffff, v5;
	v5 =	vld.idx.msk [tilespmem:v0+s16+$0x470 ss:$0x1], $0xffff  }
0x8c: {  	[tilespmem:s18+$0x2100 ss:$0x21] =	vst.msk $0xffff, v7;
	v8 =	vld.idx.msk [tilespmem:v0+s16+$0x810 ss:$0x1], $0xffff  }
0x8d: {  	[tilespmem:s18+$0x1290 ss:$0x21] =	vst.msk $0xffff, v9;
	v9 =	vld.idx.msk [tilespmem:v0+s16+$0x820 ss:$0x1], $0xffff  }
0x8e: {  	[tilespmem:s18+$0x14A0 ss:$0x21] =	vst.msk $0xffff, v6;
	v10 =	vld.idx.msk [tilespmem:v0+s16+$0x830 ss:$0x1], $0xffff  }
0x8f: {  	[tilespmem:s18+$0x16B0 ss:$0x21] =	vst.msk $0xffff, v3;
	v11 =	vld.idx.msk [tilespmem:v0+s16+$0x840 ss:$0x1], $0xffff  }
0x90: {  	[tilespmem:s18+$0x18C0 ss:$0x21] =	vst.msk $0xffff, v1;
	v12 =	vld.idx.msk [tilespmem:v0+s16+$0x850 ss:$0x1], $0xffff  }
0x91: {  	[tilespmem:s18+$0x1AD0 ss:$0x21] =	vst.msk $0xffff, v2;
	v7 =	vld.idx.msk [tilespmem:v0+s16+$0x860 ss:$0x1], $0xffff  }
0x92: {  	[tilespmem:s18+$0x1CE0 ss:$0x21] =	vst.msk $0xffff, v4;
	v6 =	vld.idx.msk [tilespmem:v0+s16+$0x870 ss:$0x1], $0xffff  }
0x93: {  	[tilespmem:s18+$0x1EF0 ss:$0x21] =	vst.msk $0xffff, v5;
	v3 =	vld.idx.msk [tilespmem:v0+s16+$0xC10 ss:$0x1], $0xffff  }
.Ltmp3:
0x94: {  	[tilespmem:s18+$0x2310 ss:$0x21] =	vst.msk $0xffff, v8;
	v1 =	vld.idx.msk [tilespmem:v0+s16+$0xC20 ss:$0x1], $0xffff;
	(pc) =	sbr.rel @p1 .LBB1_3-.Ltmp3, $4  }
0x95: {  	[tilespmem:s18+$0x2520 ss:$0x21] =	vst.msk $0xffff, v9;
	v2 =	vld.idx.msk [tilespmem:v0+s16+$0xC30 ss:$0x1], $0xffff  }
0x96: {  	[tilespmem:s18+$0x2730 ss:$0x21] =	vst.msk $0xffff, v10;
	v4 =	vld.idx.msk [tilespmem:v0+s16+$0xC40 ss:$0x1], $0xffff  }
0x97: {  	s20 =	sadd.s32 $0x80, s20;
	s21 =	sadd.s32 $0x200, s21;
	[tilespmem:s18+$0x2940 ss:$0x21] =	vst.msk $0xffff, v11;
	v5 =	vld.idx.msk [tilespmem:v0+s16+$0xC50 ss:$0x1], $0xffff  }
0x98: {  	s22 =	sadd.s32 $0x4, s22;
	s24 =	sand.u32 $0x380, s20;
	s23 =	sand.u32 $0x3000, s21;
	[tilespmem:s18+$0x2B50 ss:$0x21] =	vst.msk $0xffff, v12;
	v8 =	vld.idx.msk [tilespmem:v0+s16+$0xC60 ss:$0x1], $0xffff  }
.Ltmp4:
0x99: {  	_ = 	snop;
	(pc) =	sbr.rel .LBB1_4-.Ltmp4, $1  }
0x9a: {  	_ =	sdelay $0x3  }
.LBB1_6:
0x9b: {  	_ =	sfence.sel $0x180000  }
0x9c: {  	s2 =	simm.s32 $0x1;
	[bflag:$0x0] =	sbarrier.arrive $0xFFFF  }
0x9d: {  	s31 =	simm.s32 $0x2;
	[sflag:s2] =	ssyncpa.u1 $0x1  }
0x9e: {  	[sflag:s31] =	ssyncpa.u1 $0x1  }
0x9f: {  	p0 =	sne.s32 s0, $0x0;
	_ =	strace $0x90000047  }
0xa0: {  	s0 =	sadd.s32 @!p0 $0x100000, s1;
	[bflag:$0x2] =	sbarrier.arrive $0xFFFF  }
0xa1: {  	[sflag:s0] =	ssyncadd.tile.s32 @!p0 $0x1;
	_ =	shalt  }
.Lfunc_end1:
_tile_overlayer_lowered:
.L_overlay_start_2:
0xa2: {  	(tag) =	ssettag $0x2  }
0xa3: {  	s0 =	rddreg [dreg:$0x0];
	s2 =	stileid.u32  }
0xa4: {  	s1 =	rddreg [dreg:$0x1];
	p0 =	sne.s32 s2, $0x0  }
0xa5: {  	s3 =	rddreg [dreg:$0x2];
	[bflag:$0x3] =	sbarrier.arrive $0xFFFF;
	s2 =	simm.s32 @!p0 $0x1C01  }
0xa6: {  	[timem:s3], [sflag:s2] =	dma.local @!p0 [hbm:s0], s1  }
0xa7: {  	s0 =	simm.s32 @!p0 $0x1  }
0xa8: {  	_ =	swait.ge @!p0 [sflag:s0], s1  }
0xa9: {  	s1 =	ssub.s32 @!p0 $0x0, s1;
	[sflag:s0] =	ssyncset.done @!p0 $0x0  }
0xaa: {  	[sflag:s0] =	ssyncadd.s32 @!p0 s1  }
0xab: {  	[bflag:$0x3] =	sbarrier.arrive $0xFFFF  }
0xac: {  	_ =	shalt  }

</sc_bundles>
